<compile_context>
chip_gen: v7x
topology: tpu7x:2x2x1
jax: 0.10.2.dev20260603
libtpu: 0.0.44.dev20260713+nightly
codegen_flags: <defaults>
</compile_context>

<pallas_src>
import functools

import jax
import jax.numpy as jnp
from jax import lax
from jax.experimental import pallas as pl
from jax.experimental.pallas import tpu as pltpu
from jax.experimental.pallas import tpu_sc as plsc

B, N, F = 16, 2048, 2048
L = 16
NV = N // L
PV = 7
K = 100
N_TILE = 1024

SC_B = 5
SC_ROWS = SC_B * N
TC_ROWS = (B - SC_B) * N
NW = 32
RPT = SC_ROWS // NW
G = 16
NG = RPT // G

_NEG = -3e38
_POS = 3e38



def _gemv_body(xa_ref, xb_ref, wa_ref, wb_ref, b_ref, s_ref):
    dn = (((1,), (1,)), ((), ()))
    res = lax.dot_general(wa_ref[...], xa_ref[...], dn,
                          preferred_element_type=jnp.float32)
    res = res + lax.dot_general(wb_ref[...], xb_ref[...], dn,
                                preferred_element_type=jnp.float32)
    s_ref[...] = res + b_ref[0]


def _gemv(xf, W1, b1):
    half = F // 2
    return pl.pallas_call(
        _gemv_body,
        grid=(TC_ROWS // N_TILE,),
        in_specs=[
            pl.BlockSpec((N_TILE, half), lambda n: (n, 0)),
            pl.BlockSpec((N_TILE, half), lambda n: (n, 1)),
            pl.BlockSpec((1, half), lambda n: (0, 0)),
            pl.BlockSpec((1, half), lambda n: (0, 1)),
            pl.BlockSpec(memory_space=pltpu.SMEM),
        ],
        out_specs=pl.BlockSpec((1, N_TILE), lambda n: (0, n)),
        out_shape=jax.ShapeDtypeStruct((1, TC_ROWS), jnp.float32),
    )(xf, xf, W1, W1, b1)



@functools.partial(
    pl.kernel,
    out_type=jax.ShapeDtypeStruct((SC_ROWS,), jnp.float32),
    mesh=plsc.VectorSubcoreMesh(core_axis_name="c", subcore_axis_name="s"),
    compiler_params=pltpu.CompilerParams(needs_layout_passes=False),
    scratch_types=[
        pltpu.VMEM((G, F), jnp.float32),
        pltpu.VMEM((G, F), jnp.float32),
        pltpu.VMEM((F,), jnp.float32),
        pltpu.VMEM((L,), jnp.float32),
        pltpu.VMEM((RPT,), jnp.float32),
        pltpu.SemaphoreType.DMA,
        pltpu.SemaphoreType.DMA,
    ],
)
def _sc_gemv(x_hbm, w_hbm, b1_hbm, out_hbm,
             grp0_v, grp1_v, w_v, b1_v, res_v, sem0, sem1):
    cid = lax.axis_index("c")
    sid = lax.axis_index("s")
    wid = sid * 2 + cid
    base = TC_ROWS + wid * RPT
    pltpu.sync_copy(w_hbm, w_v)
    pltpu.sync_copy(b1_hbm, b1_v)
    grps = (grp0_v, grp1_v)
    sems = (sem0, sem1)
    lane = lax.broadcasted_iota(jnp.int32, (L,), 0)

    def start(g, b):
        pltpu.make_async_copy(
            x_hbm.at[pl.ds(base + g * G, G)], grps[b], sems[b]).start()

    def wait(b):
        pltpu.make_async_copy(
            x_hbm.at[pl.ds(base, G)], grps[b], sems[b]).wait()

    def compute_group(grp_v, gg):
        rvec = jnp.zeros((L,), jnp.float32)
        for j0 in range(0, G, 4):
            zero = jnp.zeros((L,), jnp.float32)
            init = (zero,) * 16

            def fchunk(c, accs, j0=j0):
                new = list(accs)
                for a in range(4):
                    off = (c * 4 + a) * L
                    wv = w_v[pl.ds(off, L)]
                    for r in range(4):
                        idx = r * 4 + a
                        new[idx] = new[idx] + grp_v[j0 + r, pl.ds(off, L)] * wv
                return tuple(new)

            accs = lax.fori_loop(0, F // L // 4, fchunk, init)
            for r in range(4):
                a0, a1, a2, a3 = accs[r * 4:(r + 1) * 4]
                t = (a0 + a1) + (a2 + a3)
                sj = jnp.sum(t)
                rvec = jnp.where(lane == (j0 + r), jnp.full((L,), sj, jnp.float32), rvec)
        res_v[pl.ds(gg * L, L)] = rvec + b1_v[...]

    start(0, 0)
    start(1, 1)

    def pair(i, _):
        g = i * 2
        for b in range(2):
            wait(b)
            compute_group(grps[b], g + b)

            @pl.when(g + b + 2 < NG)
            def _(g=g, b=b):
                start(g + b + 2, b)
        return 0

    lax.fori_loop(0, NG // 2, pair, 0)
    pltpu.sync_copy(res_v, out_hbm.at[pl.ds(wid * RPT, RPT)])



def _merge_desc(a, b):
    rb = lax.rev(b, (0,))
    hi = jnp.maximum(a, rb)
    lo = jnp.minimum(a, rb)
    hi, _ = plsc.sort_key_val(hi, hi, descending=True)
    lo, _ = plsc.sort_key_val(lo, lo, descending=True)
    return hi, lo


def _merge_asc(a, b):
    rb = lax.rev(b, (0,))
    lo = jnp.minimum(a, rb)
    hi = jnp.maximum(a, rb)
    lo, _ = plsc.sort_key_val(lo, lo)
    hi, _ = plsc.sort_key_val(hi, hi)
    return lo, hi


@functools.partial(
    pl.kernel,
    out_type=(
        jax.ShapeDtypeStruct((B,), jnp.float32),
        jax.ShapeDtypeStruct((B,), jnp.float32),
    ),
    mesh=plsc.VectorSubcoreMesh(core_axis_name="c", subcore_axis_name="s"),
    compiler_params=pltpu.CompilerParams(needs_layout_passes=False),
    scratch_types=[
        pltpu.VMEM((N,), jnp.float32),
        pltpu.VMEM((2 * PV * L,), jnp.float32),
        pltpu.VMEM((L,), jnp.float32),
        pltpu.VMEM((L,), jnp.float32),
        pltpu.VMEM((B, L), jnp.float32),
        pltpu.VMEM_SHARED((B, L), jnp.float32),
    ],
)
def _sc_topk(s_tc_hbm, s_sc_hbm, w2_hbm, bias_hbm, prob_hbm, hat_hbm,
             row_v, w2_v, bias_v, st_v, all_v, shared):
    cid = lax.axis_index("c")
    sid = lax.axis_index("s")

    @pl.when(cid == 0)
    def _():
        @pl.when(sid < B - SC_B)
        def _():
            pltpu.sync_copy(s_tc_hbm.at[0, pl.ds(sid * N, N)], row_v)

        @pl.when(sid >= B - SC_B)
        def _():
            pltpu.sync_copy(
                s_sc_hbm.at[pl.ds((sid - (B - SC_B)) * N, N)], row_v)

        pltpu.sync_copy(w2_hbm, w2_v)

        init = ((jnp.full((L,), _NEG, jnp.float32),) * PV
                + (jnp.full((L,), _POS, jnp.float32),) * PV)

        def body(i, pools):
            v = row_v[pl.ds(i * L, L)]
            vd, _ = plsc.sort_key_val(v, v, descending=True)
            new = []
            carry = vd
            for k in range(PV):
                hi, carry = _merge_desc(pools[k], carry)
                new.append(hi)
            va, _ = plsc.sort_key_val(v, v)
            carry = va
            for k in range(PV):
                lo, carry = _merge_asc(pools[PV + k], carry)
                new.append(lo)
            return tuple(new)

        pools = lax.fori_loop(0, NV, body, init)

        acc = jnp.zeros((L,), jnp.float32)
        for k in range(2 * PV):
            acc = acc + pools[k] * w2_v[pl.ds(k * L, L)]
        total = jnp.sum(acc)

        st_v[...] = jnp.full((L,), total, jnp.float32)
        pltpu.sync_copy(st_v, shared.at[sid])
        plsc.subcore_barrier()

        @pl.when(sid == 0)
        def _():
            pltpu.sync_copy(bias_hbm, bias_v)
            pltpu.sync_copy(shared, all_v)
            ii = lax.broadcasted_iota(jnp.int32, (L,), 0)
            diag = plsc.load_gather(all_v, [ii, ii])
            logit = diag + bias_v[...]
            prob = 1.0 / (1.0 + jnp.exp(-logit))
            st_v[...] = prob
            pltpu.sync_copy(st_v, prob_hbm)
            st_v[...] = jnp.where(prob >= 0.5, 1.0, 0.0).astype(jnp.float32)
            pltpu.sync_copy(st_v, hat_hbm)



def kernel(x, W1, b1, W2, b2):
    xf = x.reshape(B * N, F)
    b1v = jnp.broadcast_to(b1.astype(jnp.float32), (L,))
    s_tc = _gemv(xf, W1, b1)
    s_sc = _sc_gemv(xf, W1.reshape(F), b1v)
    zeros12 = jnp.zeros((PV * L - K,), jnp.float32)
    w2pad = jnp.concatenate([W2[0, :K], zeros12, W2[0, K:], zeros12])
    biasv = jnp.broadcast_to(b2.astype(jnp.float32), (L,))
    prob, hat = _sc_topk(s_tc, s_sc, w2pad, biasv)
    return (prob.reshape(B, 1), hat.reshape(B, 1))

# --- scband reference (transcript-rebuilt; emitter-appended) ---
"""Pipeline reference for scband-chowder-57586921505218 (READ-ONLY COPY).

The authoritative reference and input builder live on the scoring server;
editing this copy changes nothing except your own understanding.
"""

import jax, jax.numpy as jnp
import numpy as np


def setup_inputs(seed: int = 0) -> dict:
    key = jax.random.key(seed)
    k1, k2, k3, k4, k5 = jax.random.split(key, 5)
    B, N, F = 16, 2048, 2048
    x = jax.random.normal(k1, (B, N, F), dtype=jnp.float32)
    W1 = jax.random.normal(k2, (1, F), dtype=jnp.float32) * (1.0 / np.sqrt(F))
    b1 = jax.random.normal(k3, (1,), dtype=jnp.float32) * 0.01
    W2 = jax.random.normal(k4, (1, 200), dtype=jnp.float32) * (1.0 / np.sqrt(200))
    b2 = jax.random.normal(k5, (1,), dtype=jnp.float32) * 0.01
    return {"x": x, "W1": W1, "b1": b1, "W2": W2, "b2": b2}


def reference(x, W1, b1, W2, b2):
    # fc1: Linear(2048, 1) applied per tile -> [B, N, 1]
    h = jnp.einsum('bnf,of->bno', x, W1) + b1
    s = h[..., 0]  # [B, N] (squeeze of last singleton dim)
    # top-100 largest (descending), matching torch.topk(x, 100, 1)[0].squeeze()
    y1 = jax.lax.top_k(s, 100)[0]
    # top-100 smallest ascending, matching torch.topk(x, 100, 1, False)[0].squeeze()
    y2 = -jax.lax.top_k(-s, 100)[0]
    y = jnp.concatenate([y1, y2], axis=1)  # [B, 200]
    logits = y @ W2.T + b2  # [B, 1]
    Y_prob = jax.nn.sigmoid(logits)
    Y_hat = (Y_prob >= 0.5).astype(jnp.float32)
    return (Y_prob, Y_hat)

if __name__ == "__main__":
    import jax
    _d = setup_inputs()
    print(jax.jit(kernel)(*tuple(_d.values())))

</pallas_src>

<mosaic_0001>
#map = affine_map<(d0, d1) -> (0, 0)>
#map1 = affine_map<(d0, d1) -> (0)>
module attributes {stable_mosaic.version = 14 : i64} {
  func.func @_sc_gemv(%arg0: i32, %arg1: i32, %arg2: memref<32768x2048xf32, #tpu.memory_space<hbm>>, %arg3: memref<2048xf32, #tpu.memory_space<hbm>>, %arg4: memref<16xf32, #tpu.memory_space<hbm>>, %arg5: memref<10240xf32, #tpu.memory_space<hbm>>, %arg6: memref<16x2048xf32, #tpu.memory_space<vmem>>, %arg7: memref<16x2048xf32, #tpu.memory_space<vmem>>, %arg8: memref<2048xf32, #tpu.memory_space<vmem>>, %arg9: memref<16xf32, #tpu.memory_space<vmem>>, %arg10: memref<320xf32, #tpu.memory_space<vmem>>, %arg11: memref<!tpu.dma_semaphore, #tpu.memory_space<semaphore_mem>>, %arg12: memref<!tpu.dma_semaphore, #tpu.memory_space<semaphore_mem>>) attributes {dimension_semantics = [#tpu.dimension_semantics<core_parallel>, #tpu.dimension_semantics<subcore_parallel>], iteration_bounds = array<i64: 2, 16>, scalar_prefetch = 0 : i64, scratch_operands = 7 : i64, tpu.core_type = #tpu.core_type<sc_vector_subcore>, window_params = [{transform_indices = #map}, {transform_indices = #map1}, {transform_indices = #map1}, {transform_indices = #map1}]} {
    %mul3A = arith.constant 2 : i32
    %mul3A_0 = arith.muli %arg1, %mul3A : i32
    %add3A = arith.addi %mul3A_0, %arg0 : i32
    %mul3A_1 = arith.constant 320 : i32
    %mul3A_2 = arith.muli %add3A, %mul3A_1 : i32
    %add3A_3 = arith.constant 22528 : i32
    %add3A_4 = arith.addi %add3A_3, %mul3A_2 : i32
    "tpu.region"() ({
      %run_scoped3A = tpu.sem_alloc : memref<!tpu.dma_semaphore, #tpu.memory_space<semaphore_mem>>
      tpu.enqueue_dma source(%arg3 : memref<2048xf32, #tpu.memory_space<hbm>>) target(%arg8 : memref<2048xf32, #tpu.memory_space<vmem>>) target_semaphore(%run_scoped3A : memref<!tpu.dma_semaphore, #tpu.memory_space<semaphore_mem>>)
      tpu.wait_dma2 semaphore(%run_scoped3A : memref<!tpu.dma_semaphore, #tpu.memory_space<semaphore_mem>>) src(%arg3 : memref<2048xf32, #tpu.memory_space<hbm>>) dst(%arg8 : memref<2048xf32, #tpu.memory_space<vmem>>)
      tpu.yield
    }) : () -> ()
    "tpu.region"() ({
      %run_scoped3A = tpu.sem_alloc : memref<!tpu.dma_semaphore, #tpu.memory_space<semaphore_mem>>
      tpu.enqueue_dma source(%arg4 : memref<16xf32, #tpu.memory_space<hbm>>) target(%arg9 : memref<16xf32, #tpu.memory_space<vmem>>) target_semaphore(%run_scoped3A : memref<!tpu.dma_semaphore, #tpu.memory_space<semaphore_mem>>)
      tpu.wait_dma2 semaphore(%run_scoped3A : memref<!tpu.dma_semaphore, #tpu.memory_space<semaphore_mem>>) src(%arg4 : memref<16xf32, #tpu.memory_space<hbm>>) dst(%arg9 : memref<16xf32, #tpu.memory_space<vmem>>)
      tpu.yield
    }) : () -> ()
    %iota3A = tpu.iota {dimensions = array<i32: 0>} : vector<16xi32>
    %add3A_5 = arith.constant 0 : i32
    %add3A_6 = arith.addi %add3A_4, %add3A_5 : i32
    %dma_start3A = arith.constant 0 : i32
    %dma_start3A_7 = tpu.memref_slice %arg2[%add3A_6, %dma_start3A] : memref<32768x2048xf32, #tpu.memory_space<hbm>> -> memref<16x2048xf32, #tpu.memory_space<hbm>>
    %dma_start3A_8 = arith.constant 0 : i32
    %dma_start3A_9 = tpu.memref_slice %arg2[%add3A_6, %dma_start3A_8] : memref<32768x2048xf32, #tpu.memory_space<hbm>> -> memref<16x2048xf32, #tpu.memory_space<hbm>>
    tpu.enqueue_dma source(%dma_start3A_9 : memref<16x2048xf32, #tpu.memory_space<hbm>>) target(%arg6 : memref<16x2048xf32, #tpu.memory_space<vmem>>) target_semaphore(%arg11 : memref<!tpu.dma_semaphore, #tpu.memory_space<semaphore_mem>>)
    %add3A_10 = arith.constant 16 : i32
    %add3A_11 = arith.addi %add3A_4, %add3A_10 : i32
    %dma_start3A_12 = arith.constant 0 : i32
    %dma_start3A_13 = tpu.memref_slice %arg2[%add3A_11, %dma_start3A_12] : memref<32768x2048xf32, #tpu.memory_space<hbm>> -> memref<16x2048xf32, #tpu.memory_space<hbm>>
    %dma_start3A_14 = arith.constant 0 : i32
    %dma_start3A_15 = tpu.memref_slice %arg2[%add3A_11, %dma_start3A_14] : memref<32768x2048xf32, #tpu.memory_space<hbm>> -> memref<16x2048xf32, #tpu.memory_space<hbm>>
    tpu.enqueue_dma source(%dma_start3A_15 : memref<16x2048xf32, #tpu.memory_space<hbm>>) target(%arg7 : memref<16x2048xf32, #tpu.memory_space<vmem>>) target_semaphore(%arg12 : memref<!tpu.dma_semaphore, #tpu.memory_space<semaphore_mem>>)
    %scan3A = arith.constant 0 : i32
    %scan3A_16 = arith.constant 0 : i32
    %scan3A_17 = arith.constant 10 : i32
    %scan3A_18 = arith.addi %scan3A_16, %scan3A_17 : i32
    %scan3A_19 = arith.constant 1 : i32
    %scan3A_20 = scf.for %scan3A_24 = %scan3A_16 to %scan3A_18 step %scan3A_19 iter_args(%scan3A_25 = %scan3A) -> (i32)  : i32 {
      %mul3A_26 = arith.constant 2 : i32
      %mul3A_27 = arith.muli %scan3A_24, %mul3A_26 : i32
      %dma_wait3A = arith.constant 0 : i32
      %dma_wait3A_28 = tpu.memref_slice %arg2[%add3A_4, %dma_wait3A] : memref<32768x2048xf32, #tpu.memory_space<hbm>> -> memref<16x2048xf32, #tpu.memory_space<hbm>>
      %dma_wait3A_29 = arith.constant 0 : i32
      %dma_wait3A_30 = tpu.memref_slice %arg2[%add3A_4, %dma_wait3A_29] : memref<32768x2048xf32, #tpu.memory_space<hbm>> -> memref<16x2048xf32, #tpu.memory_space<hbm>>
      tpu.wait_dma2 semaphore(%arg11 : memref<!tpu.dma_semaphore, #tpu.memory_space<semaphore_mem>>) src(%dma_wait3A_30 : memref<16x2048xf32, #tpu.memory_space<hbm>>) dst(%arg6 : memref<16x2048xf32, #tpu.memory_space<vmem>>)
      %add3A_31 = arith.constant 0 : i32
      %add3A_32 = arith.addi %mul3A_27, %add3A_31 : i32
      %broadcast_in_dim3A = arith.constant 0.000000e+00 : f32
      %broadcast_in_dim3A_33 = vector.broadcast %broadcast_in_dim3A : f32 to vector<16xf32>
      %broadcast_in_dim3A_34 = arith.constant 0.000000e+00 : f32
      %broadcast_in_dim3A_35 = vector.broadcast %broadcast_in_dim3A_34 : f32 to vector<16xf32>
      %scan3A_36 = arith.constant 0 : i32
      %scan3A_37 = arith.constant 32 : i32
      %scan3A_38 = arith.addi %scan3A_36, %scan3A_37 : i32
      %scan3A_39 = arith.constant 1 : i32
      %scan3A_40:16 = scf.for %scan3A_515 = %scan3A_36 to %scan3A_38 step %scan3A_39 iter_args(%scan3A_516 = %broadcast_in_dim3A_35, %scan3A_517 = %broadcast_in_dim3A_35, %scan3A_518 = %broadcast_in_dim3A_35, %scan3A_519 = %broadcast_in_dim3A_35, %scan3A_520 = %broadcast_in_dim3A_35, %scan3A_521 = %broadcast_in_dim3A_35, %scan3A_522 = %broadcast_in_dim3A_35, %scan3A_523 = %broadcast_in_dim3A_35, %scan3A_524 = %broadcast_in_dim3A_35, %scan3A_525 = %broadcast_in_dim3A_35, %scan3A_526 = %broadcast_in_dim3A_35, %scan3A_527 = %broadcast_in_dim3A_35, %scan3A_528 = %broadcast_in_dim3A_35, %scan3A_529 = %broadcast_in_dim3A_35, %scan3A_530 = %broadcast_in_dim3A_35, %scan3A_531 = %broadcast_in_dim3A_35) -> (vector<16xf32>, vector<16xf32>, vector<16xf32>, vector<16xf32>, vector<16xf32>, vector<16xf32>, vector<16xf32>, vector<16xf32>, vector<16xf32>, vector<16xf32>, vector<16xf32>, vector<16xf32>, vector<16xf32>, vector<16xf32>, vector<16xf32>, vector<16xf32>)  : i32 {
        %mul3A_532 = arith.constant 4 : i32
        %mul3A_533 = arith.muli %scan3A_515, %mul3A_532 : i32
        %add3A_534 = arith.constant 0 : i32
        %add3A_535 = arith.addi %mul3A_533, %add3A_534 : i32
        %mul3A_536 = arith.constant 16 : i32
        %mul3A_537 = arith.muli %add3A_535, %mul3A_536 : i32
        %get3A_538 = arith.index_cast %mul3A_537 : i32 to index
        %get3A_539 = tpu.vector_load %arg8[%get3A_538] {strides = array<i32>} : memref<2048xf32, #tpu.memory_space<vmem>>, vector<16xf32>,
        %get3A_540 = arith.constant 0 : i32
        %get3A_541 = arith.index_cast %get3A_540 : i32 to index
        %get3A_542 = arith.index_cast %mul3A_537 : i32 to index
        %get3A_543 = tpu.vector_load %arg6[%get3A_541, %get3A_542] {strides = array<i32>} : memref<16x2048xf32, #tpu.memory_space<vmem>>, vector<16xf32>,
        %mul3A_544 = arith.mulf %get3A_543, %get3A_539 : vector<16xf32>
        %add3A_545 = arith.addf %scan3A_516, %mul3A_544 : vector<16xf32>
        %get3A_546 = arith.constant 1 : i32
        %get3A_547 = arith.index_cast %get3A_546 : i32 to index
        %get3A_548 = arith.index_cast %mul3A_537 : i32 to index
        %get3A_549 = tpu.vector_load %arg6[%get3A_547, %get3A_548] {strides = array<i32>} : memref<16x2048xf32, #tpu.memory_space<vmem>>, vector<16xf32>,
        %mul3A_550 = arith.mulf %get3A_549, %get3A_539 : vector<16xf32>
        %add3A_551 = arith.addf %scan3A_520, %mul3A_550 : vector<16xf32>
        %get3A_552 = arith.constant 2 : i32
        %get3A_553 = arith.index_cast %get3A_552 : i32 to index
        %get3A_554 = arith.index_cast %mul3A_537 : i32 to index
        %get3A_555 = tpu.vector_load %arg6[%get3A_553, %get3A_554] {strides = array<i32>} : memref<16x2048xf32, #tpu.memory_space<vmem>>, vector<16xf32>,
        %mul3A_556 = arith.mulf %get3A_555, %get3A_539 : vector<16xf32>
        %add3A_557 = arith.addf %scan3A_524, %mul3A_556 : vector<16xf32>
        %get3A_558 = arith.constant 3 : i32
        %get3A_559 = arith.index_cast %get3A_558 : i32 to index
        %get3A_560 = arith.index_cast %mul3A_537 : i32 to index
        %get3A_561 = tpu.vector_load %arg6[%get3A_559, %get3A_560] {strides = array<i32>} : memref<16x2048xf32, #tpu.memory_space<vmem>>, vector<16xf32>,
        %mul3A_562 = arith.mulf %get3A_561, %get3A_539 : vector<16xf32>
        %add3A_563 = arith.addf %scan3A_528, %mul3A_562 : vector<16xf32>
        %mul3A_564 = arith.constant 4 : i32
        %mul3A_565 = arith.muli %scan3A_515, %mul3A_564 : i32
        %add3A_566 = arith.constant 1 : i32
        %add3A_567 = arith.addi %mul3A_565, %add3A_566 : i32
        %mul3A_568 = arith.constant 16 : i32
        %mul3A_569 = arith.muli %add3A_567, %mul3A_568 : i32
        %get3A_570 = arith.index_cast %mul3A_569 : i32 to index
        %get3A_571 = tpu.vector_load %arg8[%get3A_570] {strides = array<i32>} : memref<2048xf32, #tpu.memory_space<vmem>>, vector<16xf32>,
        %get3A_572 = arith.constant 0 : i32
        %get3A_573 = arith.index_cast %get3A_572 : i32 to index
        %get3A_574 = arith.index_cast %mul3A_569 : i32 to index
        %get3A_575 = tpu.vector_load %arg6[%get3A_573, %get3A_574] {strides = array<i32>} : memref<16x2048xf32, #tpu.memory_space<vmem>>, vector<16xf32>,
        %mul3A_576 = arith.mulf %get3A_575, %get3A_571 : vector<16xf32>
        %add3A_577 = arith.addf %scan3A_517, %mul3A_576 : vector<16xf32>
        %get3A_578 = arith.constant 1 : i32
        %get3A_579 = arith.index_cast %get3A_578 : i32 to index
        %get3A_580 = arith.index_cast %mul3A_569 : i32 to index
        %get3A_581 = tpu.vector_load %arg6[%get3A_579, %get3A_580] {strides = array<i32>} : memref<16x2048xf32, #tpu.memory_space<vmem>>, vector<16xf32>,
        %mul3A_582 = arith.mulf %get3A_581, %get3A_571 : vector<16xf32>
        %add3A_583 = arith.addf %scan3A_521, %mul3A_582 : vector<16xf32>
        %get3A_584 = arith.constant 2 : i32
        %get3A_585 = arith.index_cast %get3A_584 : i32 to index
        %get3A_586 = arith.index_cast %mul3A_569 : i32 to index
        %get3A_587 = tpu.vector_load %arg6[%get3A_585, %get3A_586] {strides = array<i32>} : memref<16x2048xf32, #tpu.memory_space<vmem>>, vector<16xf32>,
        %mul3A_588 = arith.mulf %get3A_587, %get3A_571 : vector<16xf32>
        %add3A_589 = arith.addf %scan3A_525, %mul3A_588 : vector<16xf32>
        %get3A_590 = arith.constant 3 : i32
        %get3A_591 = arith.index_cast %get3A_590 : i32 to index
        %get3A_592 = arith.index_cast %mul3A_569 : i32 to index
        %get3A_593 = tpu.vector_load %arg6[%get3A_591, %get3A_592] {strides = array<i32>} : memref<16x2048xf32, #tpu.memory_space<vmem>>, vector<16xf32>,
        %mul3A_594 = arith.mulf %get3A_593, %get3A_571 : vector<16xf32>
        %add3A_595 = arith.addf %scan3A_529, %mul3A_594 : vector<16xf32>
        %mul3A_596 = arith.constant 4 : i32
        %mul3A_597 = arith.muli %scan3A_515, %mul3A_596 : i32
        %add3A_598 = arith.constant 2 : i32
        %add3A_599 = arith.addi %mul3A_597, %add3A_598 : i32
        %mul3A_600 = arith.constant 16 : i32
        %mul3A_601 = arith.muli %add3A_599, %mul3A_600 : i32
        %get3A_602 = arith.index_cast %mul3A_601 : i32 to index
        %get3A_603 = tpu.vector_load %arg8[%get3A_602] {strides = array<i32>} : memref<2048xf32, #tpu.memory_space<vmem>>, vector<16xf32>,
        %get3A_604 = arith.constant 0 : i32
        %get3A_605 = arith.index_cast %get3A_604 : i32 to index
        %get3A_606 = arith.index_cast %mul3A_601 : i32 to index
        %get3A_607 = tpu.vector_load %arg6[%get3A_605, %get3A_606] {strides = array<i32>} : memref<16x2048xf32, #tpu.memory_space<vmem>>, vector<16xf32>,
        %mul3A_608 = arith.mulf %get3A_607, %get3A_603 : vector<16xf32>
        %add3A_609 = arith.addf %scan3A_518, %mul3A_608 : vector<16xf32>
        %get3A_610 = arith.constant 1 : i32
        %get3A_611 = arith.index_cast %get3A_610 : i32 to index
        %get3A_612 = arith.index_cast %mul3A_601 : i32 to index
        %get3A_613 = tpu.vector_load %arg6[%get3A_611, %get3A_612] {strides = array<i32>} : memref<16x2048xf32, #tpu.memory_space<vmem>>, vector<16xf32>,
        %mul3A_614 = arith.mulf %get3A_613, %get3A_603 : vector<16xf32>
        %add3A_615 = arith.addf %scan3A_522, %mul3A_614 : vector<16xf32>
        %get3A_616 = arith.constant 2 : i32
        %get3A_617 = arith.index_cast %get3A_616 : i32 to index
        %get3A_618 = arith.index_cast %mul3A_601 : i32 to index
        %get3A_619 = tpu.vector_load %arg6[%get3A_617, %get3A_618] {strides = array<i32>} : memref<16x2048xf32, #tpu.memory_space<vmem>>, vector<16xf32>,
        %mul3A_620 = arith.mulf %get3A_619, %get3A_603 : vector<16xf32>
        %add3A_621 = arith.addf %scan3A_526, %mul3A_620 : vector<16xf32>
        %get3A_622 = arith.constant 3 : i32
        %get3A_623 = arith.index_cast %get3A_622 : i32 to index
        %get3A_624 = arith.index_cast %mul3A_601 : i32 to index
        %get3A_625 = tpu.vector_load %arg6[%get3A_623, %get3A_624] {strides = array<i32>} : memref<16x2048xf32, #tpu.memory_space<vmem>>, vector<16xf32>,
        %mul3A_626 = arith.mulf %get3A_625, %get3A_603 : vector<16xf32>
        %add3A_627 = arith.addf %scan3A_530, %mul3A_626 : vector<16xf32>
        %mul3A_628 = arith.constant 4 : i32
        %mul3A_629 = arith.muli %scan3A_515, %mul3A_628 : i32
        %add3A_630 = arith.constant 3 : i32
        %add3A_631 = arith.addi %mul3A_629, %add3A_630 : i32
        %mul3A_632 = arith.constant 16 : i32
        %mul3A_633 = arith.muli %add3A_631, %mul3A_632 : i32
        %get3A_634 = arith.index_cast %mul3A_633 : i32 to index
        %get3A_635 = tpu.vector_load %arg8[%get3A_634] {strides = array<i32>} : memref<2048xf32, #tpu.memory_space<vmem>>, vector<16xf32>,
        %get3A_636 = arith.constant 0 : i32
        %get3A_637 = arith.index_cast %get3A_636 : i32 to index
        %get3A_638 = arith.index_cast %mul3A_633 : i32 to index
        %get3A_639 = tpu.vector_load %arg6[%get3A_637, %get3A_638] {strides = array<i32>} : memref<16x2048xf32, #tpu.memory_space<vmem>>, vector<16xf32>,
        %mul3A_640 = arith.mulf %get3A_639, %get3A_635 : vector<16xf32>
        %add3A_641 = arith.addf %scan3A_519, %mul3A_640 : vector<16xf32>
        %get3A_642 = arith.constant 1 : i32
        %get3A_643 = arith.index_cast %get3A_642 : i32 to index
        %get3A_644 = arith.index_cast %mul3A_633 : i32 to index
        %get3A_645 = tpu.vector_load %arg6[%get3A_643, %get3A_644] {strides = array<i32>} : memref<16x2048xf32, #tpu.memory_space<vmem>>, vector<16xf32>,
        %mul3A_646 = arith.mulf %get3A_645, %get3A_635 : vector<16xf32>
        %add3A_647 = arith.addf %scan3A_523, %mul3A_646 : vector<16xf32>
        %get3A_648 = arith.constant 2 : i32
        %get3A_649 = arith.index_cast %get3A_648 : i32 to index
        %get3A_650 = arith.index_cast %mul3A_633 : i32 to index
        %get3A_651 = tpu.vector_load %arg6[%get3A_649, %get3A_650] {strides = array<i32>} : memref<16x2048xf32, #tpu.memory_space<vmem>>, vector<16xf32>,
        %mul3A_652 = arith.mulf %get3A_651, %get3A_635 : vector<16xf32>
        %add3A_653 = arith.addf %scan3A_527, %mul3A_652 : vector<16xf32>
        %get3A_654 = arith.constant 3 : i32
        %get3A_655 = arith.index_cast %get3A_654 : i32 to index
        %get3A_656 = arith.index_cast %mul3A_633 : i32 to index
        %get3A_657 = tpu.vector_load %arg6[%get3A_655, %get3A_656] {strides = array<i32>} : memref<16x2048xf32, #tpu.memory_space<vmem>>, vector<16xf32>,
        %mul3A_658 = arith.mulf %get3A_657, %get3A_635 : vector<16xf32>
        %add3A_659 = arith.addf %scan3A_531, %mul3A_658 : vector<16xf32>
        scf.yield %add3A_545, %add3A_577, %add3A_609, %add3A_641, %add3A_551, %add3A_583, %add3A_615, %add3A_647, %add3A_557, %add3A_589, %add3A_621, %add3A_653, %add3A_563, %add3A_595, %add3A_627, %add3A_659 : vector<16xf32>, vector<16xf32>, vector<16xf32>, vector<16xf32>, vector<16xf32>, vector<16xf32>, vector<16xf32>, vector<16xf32>, vector<16xf32>, vector<16xf32>, vector<16xf32>, vector<16xf32>, vector<16xf32>, vector<16xf32>, vector<16xf32>, vector<16xf32>
      }
      %scan3A_41 = arith.constant 32 : i32
      %add3A_42 = arith.addf %scan3A_40#0, %scan3A_40#1 : vector<16xf32>
      %add3A_43 = arith.addf %scan3A_40#2, %scan3A_40#3 : vector<16xf32>
      %add3A_44 = arith.addf %add3A_42, %add3A_43 : vector<16xf32>
      %reduce_sum3A = arith.constant true
      %reduce_sum3A_45 = vector.broadcast %reduce_sum3A : i1 to vector<16xi1>
      %reduce_sum3A_46 = tpu.scan <sum>, %add3A_44 masked %reduce_sum3A_45 : vector<16xf32>, vector<16xi1> -> vector<16xf32>
      %reduce_sum3A_47 = vector.extract %reduce_sum3A_46[15] : f32 from vector<16xf32>
      %eq3A = arith.constant 0 : i32
      %eq3A_48 = vector.broadcast %eq3A : i32 to vector<16xi32>
      %eq3A_49 = arith.cmpi eq, %iota3A, %eq3A_48 : vector<16xi32>
      %broadcast_in_dim3A_50 = vector.broadcast %reduce_sum3A_47 : f32 to vector<16xf32>
      %select_n3A = arith.select %eq3A_49, %broadcast_in_dim3A_50, %broadcast_in_dim3A_33 : vector<16xi1>, vector<16xf32>
      %add3A_51 = arith.addf %scan3A_40#4, %scan3A_40#5 : vector<16xf32>
      %add3A_52 = arith.addf %scan3A_40#6, %scan3A_40#7 : vector<16xf32>
      %add3A_53 = arith.addf %add3A_51, %add3A_52 : vector<16xf32>
      %reduce_sum3A_54 = arith.constant true
      %reduce_sum3A_55 = vector.broadcast %reduce_sum3A_54 : i1 to vector<16xi1>
      %reduce_sum3A_56 = tpu.scan <sum>, %add3A_53 masked %reduce_sum3A_55 : vector<16xf32>, vector<16xi1> -> vector<16xf32>
      %reduce_sum3A_57 = vector.extract %reduce_sum3A_56[15] : f32 from vector<16xf32>
      %eq3A_58 = arith.constant 1 : i32
      %eq3A_59 = vector.broadcast %eq3A_58 : i32 to vector<16xi32>
      %eq3A_60 = arith.cmpi eq, %iota3A, %eq3A_59 : vector<16xi32>
      %broadcast_in_dim3A_61 = vector.broadcast %reduce_sum3A_57 : f32 to vector<16xf32>
      %select_n3A_62 = arith.select %eq3A_60, %broadcast_in_dim3A_61, %select_n3A : vector<16xi1>, vector<16xf32>
      %add3A_63 = arith.addf %scan3A_40#8, %scan3A_40#9 : vector<16xf32>
      %add3A_64 = arith.addf %scan3A_40#10, %scan3A_40#11 : vector<16xf32>
      %add3A_65 = arith.addf %add3A_63, %add3A_64 : vector<16xf32>
      %reduce_sum3A_66 = arith.constant true
      %reduce_sum3A_67 = vector.broadcast %reduce_sum3A_66 : i1 to vector<16xi1>
      %reduce_sum3A_68 = tpu.scan <sum>, %add3A_65 masked %reduce_sum3A_67 : vector<16xf32>, vector<16xi1> -> vector<16xf32>
      %reduce_sum3A_69 = vector.extract %reduce_sum3A_68[15] : f32 from vector<16xf32>
      %eq3A_70 = arith.constant 2 : i32
      %eq3A_71 = vector.broadcast %eq3A_70 : i32 to vector<16xi32>
      %eq3A_72 = arith.cmpi eq, %iota3A, %eq3A_71 : vector<16xi32>
      %broadcast_in_dim3A_73 = vector.broadcast %reduce_sum3A_69 : f32 to vector<16xf32>
      %select_n3A_74 = arith.select %eq3A_72, %broadcast_in_dim3A_73, %select_n3A_62 : vector<16xi1>, vector<16xf32>
      %add3A_75 = arith.addf %scan3A_40#12, %scan3A_40#13 : vector<16xf32>
      %add3A_76 = arith.addf %scan3A_40#14, %scan3A_40#15 : vector<16xf32>
      %add3A_77 = arith.addf %add3A_75, %add3A_76 : vector<16xf32>
      %reduce_sum3A_78 = arith.constant true
      %reduce_sum3A_79 = vector.broadcast %reduce_sum3A_78 : i1 to vector<16xi1>
      %reduce_sum3A_80 = tpu.scan <sum>, %add3A_77 masked %reduce_sum3A_79 : vector<16xf32>, vector<16xi1> -> vector<16xf32>
      %reduce_sum3A_81 = vector.extract %reduce_sum3A_80[15] : f32 from vector<16xf32>
      %eq3A_82 = arith.constant 3 : i32
      %eq3A_83 = vector.broadcast %eq3A_82 : i32 to vector<16xi32>
      %eq3A_84 = arith.cmpi eq, %iota3A, %eq3A_83 : vector<16xi32>
      %broadcast_in_dim3A_85 = vector.broadcast %reduce_sum3A_81 : f32 to vector<16xf32>
      %select_n3A_86 = arith.select %eq3A_84, %broadcast_in_dim3A_85, %select_n3A_74 : vector<16xi1>, vector<16xf32>
      %broadcast_in_dim3A_87 = arith.constant 0.000000e+00 : f32
      %broadcast_in_dim3A_88 = vector.broadcast %broadcast_in_dim3A_87 : f32 to vector<16xf32>
      %scan3A_89 = arith.constant 0 : i32
      %scan3A_90 = arith.constant 32 : i32
      %scan3A_91 = arith.addi %scan3A_89, %scan3A_90 : i32
      %scan3A_92 = arith.constant 1 : i32
      %scan3A_93:16 = scf.for %scan3A_515 = %scan3A_89 to %scan3A_91 step %scan3A_92 iter_args(%scan3A_516 = %broadcast_in_dim3A_88, %scan3A_517 = %broadcast_in_dim3A_88, %scan3A_518 = %broadcast_in_dim3A_88, %scan3A_519 = %broadcast_in_dim3A_88, %scan3A_520 = %broadcast_in_dim3A_88, %scan3A_521 = %broadcast_in_dim3A_88, %scan3A_522 = %broadcast_in_dim3A_88, %scan3A_523 = %broadcast_in_dim3A_88, %scan3A_524 = %broadcast_in_dim3A_88, %scan3A_525 = %broadcast_in_dim3A_88, %scan3A_526 = %broadcast_in_dim3A_88, %scan3A_527 = %broadcast_in_dim3A_88, %scan3A_528 = %broadcast_in_dim3A_88, %scan3A_529 = %broadcast_in_dim3A_88, %scan3A_530 = %broadcast_in_dim3A_88, %scan3A_531 = %broadcast_in_dim3A_88) -> (vector<16xf32>, vector<16xf32>, vector<16xf32>, vector<16xf32>, vector<16xf32>, vector<16xf32>, vector<16xf32>, vector<16xf32>, vector<16xf32>, vector<16xf32>, vector<16xf32>, vector<16xf32>, vector<16xf32>, vector<16xf32>, vector<16xf32>, vector<16xf32>)  : i32 {
        %mul3A_532 = arith.constant 4 : i32
        %mul3A_533 = arith.muli %scan3A_515, %mul3A_532 : i32
        %add3A_534 = arith.constant 0 : i32
        %add3A_535 = arith.addi %mul3A_533, %add3A_534 : i32
        %mul3A_536 = arith.constant 16 : i32
        %mul3A_537 = arith.muli %add3A_535, %mul3A_536 : i32
        %get3A_538 = arith.index_cast %mul3A_537 : i32 to index
        %get3A_539 = tpu.vector_load %arg8[%get3A_538] {strides = array<i32>} : memref<2048xf32, #tpu.memory_space<vmem>>, vector<16xf32>,
        %get3A_540 = arith.constant 4 : i32
        %get3A_541 = arith.index_cast %get3A_540 : i32 to index
        %get3A_542 = arith.index_cast %mul3A_537 : i32 to index
        %get3A_543 = tpu.vector_load %arg6[%get3A_541, %get3A_542] {strides = array<i32>} : memref<16x2048xf32, #tpu.memory_space<vmem>>, vector<16xf32>,
        %mul3A_544 = arith.mulf %get3A_543, %get3A_539 : vector<16xf32>
        %add3A_545 = arith.addf %scan3A_516, %mul3A_544 : vector<16xf32>
        %get3A_546 = arith.constant 5 : i32
        %get3A_547 = arith.index_cast %get3A_546 : i32 to index
        %get3A_548 = arith.index_cast %mul3A_537 : i32 to index
        %get3A_549 = tpu.vector_load %arg6[%get3A_547, %get3A_548] {strides = array<i32>} : memref<16x2048xf32, #tpu.memory_space<vmem>>, vector<16xf32>,
        %mul3A_550 = arith.mulf %get3A_549, %get3A_539 : vector<16xf32>
        %add3A_551 = arith.addf %scan3A_520, %mul3A_550 : vector<16xf32>
        %get3A_552 = arith.constant 6 : i32
        %get3A_553 = arith.index_cast %get3A_552 : i32 to index
        %get3A_554 = arith.index_cast %mul3A_537 : i32 to index
        %get3A_555 = tpu.vector_load %arg6[%get3A_553, %get3A_554] {strides = array<i32>} : memref<16x2048xf32, #tpu.memory_space<vmem>>, vector<16xf32>,
        %mul3A_556 = arith.mulf %get3A_555, %get3A_539 : vector<16xf32>
        %add3A_557 = arith.addf %scan3A_524, %mul3A_556 : vector<16xf32>
        %get3A_558 = arith.constant 7 : i32
        %get3A_559 = arith.index_cast %get3A_558 : i32 to index
        %get3A_560 = arith.index_cast %mul3A_537 : i32 to index
        %get3A_561 = tpu.vector_load %arg6[%get3A_559, %get3A_560] {strides = array<i32>} : memref<16x2048xf32, #tpu.memory_space<vmem>>, vector<16xf32>,
        %mul3A_562 = arith.mulf %get3A_561, %get3A_539 : vector<16xf32>
        %add3A_563 = arith.addf %scan3A_528, %mul3A_562 : vector<16xf32>
        %mul3A_564 = arith.constant 4 : i32
        %mul3A_565 = arith.muli %scan3A_515, %mul3A_564 : i32
        %add3A_566 = arith.constant 1 : i32
        %add3A_567 = arith.addi %mul3A_565, %add3A_566 : i32
        %mul3A_568 = arith.constant 16 : i32
        %mul3A_569 = arith.muli %add3A_567, %mul3A_568 : i32
        %get3A_570 = arith.index_cast %mul3A_569 : i32 to index
        %get3A_571 = tpu.vector_load %arg8[%get3A_570] {strides = array<i32>} : memref<2048xf32, #tpu.memory_space<vmem>>, vector<16xf32>,
        %get3A_572 = arith.constant 4 : i32
        %get3A_573 = arith.index_cast %get3A_572 : i32 to index
        %get3A_574 = arith.index_cast %mul3A_569 : i32 to index
        %get3A_575 = tpu.vector_load %arg6[%get3A_573, %get3A_574] {strides = array<i32>} : memref<16x2048xf32, #tpu.memory_space<vmem>>, vector<16xf32>,
        %mul3A_576 = arith.mulf %get3A_575, %get3A_571 : vector<16xf32>
        %add3A_577 = arith.addf %scan3A_517, %mul3A_576 : vector<16xf32>
        %get3A_578 = arith.constant 5 : i32
        %get3A_579 = arith.index_cast %get3A_578 : i32 to index
        %get3A_580 = arith.index_cast %mul3A_569 : i32 to index
        %get3A_581 = tpu.vector_load %arg6[%get3A_579, %get3A_580] {strides = array<i32>} : memref<16x2048xf32, #tpu.memory_space<vmem>>, vector<16xf32>,
        %mul3A_582 = arith.mulf %get3A_581, %get3A_571 : vector<16xf32>
        %add3A_583 = arith.addf %scan3A_521, %mul3A_582 : vector<16xf32>
        %get3A_584 = arith.constant 6 : i32
        %get3A_585 = arith.index_cast %get3A_584 : i32 to index
        %get3A_586 = arith.index_cast %mul3A_569 : i32 to index
        %get3A_587 = tpu.vector_load %arg6[%get3A_585, %get3A_586] {strides = array<i32>} : memref<16x2048xf32, #tpu.memory_space<vmem>>, vector<16xf32>,
        %mul3A_588 = arith.mulf %get3A_587, %get3A_571 : vector<16xf32>
        %add3A_589 = arith.addf %scan3A_525, %mul3A_588 : vector<16xf32>
        %get3A_590 = arith.constant 7 : i32
        %get3A_591 = arith.index_cast %get3A_590 : i32 to index
        %get3A_592 = arith.index_cast %mul3A_569 : i32 to index
        %get3A_593 = tpu.vector_load %arg6[%get3A_591, %get3A_592] {strides = array<i32>} : memref<16x2048xf32, #tpu.memory_space<vmem>>, vector<16xf32>,
        %mul3A_594 = arith.mulf %get3A_593, %get3A_571 : vector<16xf32>
        %add3A_595 = arith.addf %scan3A_529, %mul3A_594 : vector<16xf32>
        %mul3A_596 = arith.constant 4 : i32
        %mul3A_597 = arith.muli %scan3A_515, %mul3A_596 : i32
        %add3A_598 = arith.constant 2 : i32
        %add3A_599 = arith.addi %mul3A_597, %add3A_598 : i32
        %mul3A_600 = arith.constant 16 : i32
        %mul3A_601 = arith.muli %add3A_599, %mul3A_600 : i32
        %get3A_602 = arith.index_cast %mul3A_601 : i32 to index
        %get3A_603 = tpu.vector_load %arg8[%get3A_602] {strides = array<i32>} : memref<2048xf32, #tpu.memory_space<vmem>>, vector<16xf32>,
        %get3A_604 = arith.constant 4 : i32
        %get3A_605 = arith.index_cast %get3A_604 : i32 to index
        %get3A_606 = arith.index_cast %mul3A_601 : i32 to index
        %get3A_607 = tpu.vector_load %arg6[%get3A_605, %get3A_606] {strides = array<i32>} : memref<16x2048xf32, #tpu.memory_space<vmem>>, vector<16xf32>,
        %mul3A_608 = arith.mulf %get3A_607, %get3A_603 : vector<16xf32>
        %add3A_609 = arith.addf %scan3A_518, %mul3A_608 : vector<16xf32>
        %get3A_610 = arith.constant 5 : i32
        %get3A_611 = arith.index_cast %get3A_610 : i32 to index
        %get3A_612 = arith.index_cast %mul3A_601 : i32 to index
        %get3A_613 = tpu.vector_load %arg6[%get3A_611, %get3A_612] {strides = array<i32>} : memref<16x2048xf32, #tpu.memory_space<vmem>>, vector<16xf32>,
        %mul3A_614 = arith.mulf %get3A_613, %get3A_603 : vector<16xf32>
        %add3A_615 = arith.addf %scan3A_522, %mul3A_614 : vector<16xf32>
        %get3A_616 = arith.constant 6 : i32
        %get3A_617 = arith.index_cast %get3A_616 : i32 to index
        %get3A_618 = arith.index_cast %mul3A_601 : i32 to index
        %get3A_619 = tpu.vector_load %arg6[%get3A_617, %get3A_618] {strides = array<i32>} : memref<16x2048xf32, #tpu.memory_space<vmem>>, vector<16xf32>,
        %mul3A_620 = arith.mulf %get3A_619, %get3A_603 : vector<16xf32>
        %add3A_621 = arith.addf %scan3A_526, %mul3A_620 : vector<16xf32>
        %get3A_622 = arith.constant 7 : i32
        %get3A_623 = arith.index_cast %get3A_622 : i32 to index
        %get3A_624 = arith.index_cast %mul3A_601 : i32 to index
        %get3A_625 = tpu.vector_load %arg6[%get3A_623, %get3A_624] {strides = array<i32>} : memref<16x2048xf32, #tpu.memory_space<vmem>>, vector<16xf32>,
        %mul3A_626 = arith.mulf %get3A_625, %get3A_603 : vector<16xf32>
        %add3A_627 = arith.addf %scan3A_530, %mul3A_626 : vector<16xf32>
        %mul3A_628 = arith.constant 4 : i32
        %mul3A_629 = arith.muli %scan3A_515, %mul3A_628 : i32
        %add3A_630 = arith.constant 3 : i32
        %add3A_631 = arith.addi %mul3A_629, %add3A_630 : i32
        %mul3A_632 = arith.constant 16 : i32
        %mul3A_633 = arith.muli %add3A_631, %mul3A_632 : i32
        %get3A_634 = arith.index_cast %mul3A_633 : i32 to index
        %get3A_635 = tpu.vector_load %arg8[%get3A_634] {strides = array<i32>} : memref<2048xf32, #tpu.memory_space<vmem>>, vector<16xf32>,
        %get3A_636 = arith.constant 4 : i32
        %get3A_637 = arith.index_cast %get3A_636 : i32 to index
        %get3A_638 = arith.index_cast %mul3A_633 : i32 to index
        %get3A_639 = tpu.vector_load %arg6[%get3A_637, %get3A_638] {strides = array<i32>} : memref<16x2048xf32, #tpu.memory_space<vmem>>, vector<16xf32>,
        %mul3A_640 = arith.mulf %get3A_639, %get3A_635 : vector<16xf32>
        %add3A_641 = arith.addf %scan3A_519, %mul3A_640 : vector<16xf32>
        %get3A_642 = arith.constant 5 : i32
        %get3A_643 = arith.index_cast %get3A_642 : i32 to index
        %get3A_644 = arith.index_cast %mul3A_633 : i32 to index
        %get3A_645 = tpu.vector_load %arg6[%get3A_643, %get3A_644] {strides = array<i32>} : memref<16x2048xf32, #tpu.memory_space<vmem>>, vector<16xf32>,
        %mul3A_646 = arith.mulf %get3A_645, %get3A_635 : vector<16xf32>
        %add3A_647 = arith.addf %scan3A_523, %mul3A_646 : vector<16xf32>
        %get3A_648 = arith.constant 6 : i32
        %get3A_649 = arith.index_cast %get3A_648 : i32 to index
        %get3A_650 = arith.index_cast %mul3A_633 : i32 to index
        %get3A_651 = tpu.vector_load %arg6[%get3A_649, %get3A_650] {strides = array<i32>} : memref<16x2048xf32, #tpu.memory_space<vmem>>, vector<16xf32>,
        %mul3A_652 = arith.mulf %get3A_651, %get3A_635 : vector<16xf32>
        %add3A_653 = arith.addf %scan3A_527, %mul3A_652 : vector<16xf32>
        %get3A_654 = arith.constant 7 : i32
        %get3A_655 = arith.index_cast %get3A_654 : i32 to index
        %get3A_656 = arith.index_cast %mul3A_633 : i32 to index
        %get3A_657 = tpu.vector_load %arg6[%get3A_655, %get3A_656] {strides = array<i32>} : memref<16x2048xf32, #tpu.memory_space<vmem>>, vector<16xf32>,
        %mul3A_658 = arith.mulf %get3A_657, %get3A_635 : vector<16xf32>
        %add3A_659 = arith.addf %scan3A_531, %mul3A_658 : vector<16xf32>
        scf.yield %add3A_545, %add3A_577, %add3A_609, %add3A_641, %add3A_551, %add3A_583, %add3A_615, %add3A_647, %add3A_557, %add3A_589, %add3A_621, %add3A_653, %add3A_563, %add3A_595, %add3A_627, %add3A_659 : vector<16xf32>, vector<16xf32>, vector<16xf32>, vector<16xf32>, vector<16xf32>, vector<16xf32>, vector<16xf32>, vector<16xf32>, vector<16xf32>, vector<16xf32>, vector<16xf32>, vector<16xf32>, vector<16xf32>, vector<16xf32>, vector<16xf32>, vector<16xf32>
      }
      %scan3A_94 = arith.constant 32 : i32
      %add3A_95 = arith.addf %scan3A_93#0, %scan3A_93#1 : vector<16xf32>
      %add3A_96 = arith.addf %scan3A_93#2, %scan3A_93#3 : vector<16xf32>
      %add3A_97 = arith.addf %add3A_95, %add3A_96 : vector<16xf32>
      %reduce_sum3A_98 = arith.constant true
      %reduce_sum3A_99 = vector.broadcast %reduce_sum3A_98 : i1 to vector<16xi1>
      %reduce_sum3A_100 = tpu.scan <sum>, %add3A_97 masked %reduce_sum3A_99 : vector<16xf32>, vector<16xi1> -> vector<16xf32>
      %reduce_sum3A_101 = vector.extract %reduce_sum3A_100[15] : f32 from vector<16xf32>
      %eq3A_102 = arith.constant 4 : i32
      %eq3A_103 = vector.broadcast %eq3A_102 : i32 to vector<16xi32>
      %eq3A_104 = arith.cmpi eq, %iota3A, %eq3A_103 : vector<16xi32>
      %broadcast_in_dim3A_105 = vector.broadcast %reduce_sum3A_101 : f32 to vector<16xf32>
      %select_n3A_106 = arith.select %eq3A_104, %broadcast_in_dim3A_105, %select_n3A_86 : vector<16xi1>, vector<16xf32>
      %add3A_107 = arith.addf %scan3A_93#4, %scan3A_93#5 : vector<16xf32>
      %add3A_108 = arith.addf %scan3A_93#6, %scan3A_93#7 : vector<16xf32>
      %add3A_109 = arith.addf %add3A_107, %add3A_108 : vector<16xf32>
      %reduce_sum3A_110 = arith.constant true
      %reduce_sum3A_111 = vector.broadcast %reduce_sum3A_110 : i1 to vector<16xi1>
      %reduce_sum3A_112 = tpu.scan <sum>, %add3A_109 masked %reduce_sum3A_111 : vector<16xf32>, vector<16xi1> -> vector<16xf32>
      %reduce_sum3A_113 = vector.extract %reduce_sum3A_112[15] : f32 from vector<16xf32>
      %eq3A_114 = arith.constant 5 : i32
      %eq3A_115 = vector.broadcast %eq3A_114 : i32 to vector<16xi32>
      %eq3A_116 = arith.cmpi eq, %iota3A, %eq3A_115 : vector<16xi32>
      %broadcast_in_dim3A_117 = vector.broadcast %reduce_sum3A_113 : f32 to vector<16xf32>
      %select_n3A_118 = arith.select %eq3A_116, %broadcast_in_dim3A_117, %select_n3A_106 : vector<16xi1>, vector<16xf32>
      %add3A_119 = arith.addf %scan3A_93#8, %scan3A_93#9 : vector<16xf32>
      %add3A_120 = arith.addf %scan3A_93#10, %scan3A_93#11 : vector<16xf32>
      %add3A_121 = arith.addf %add3A_119, %add3A_120 : vector<16xf32>
      %reduce_sum3A_122 = arith.constant true
      %reduce_sum3A_123 = vector.broadcast %reduce_sum3A_122 : i1 to vector<16xi1>
      %reduce_sum3A_124 = tpu.scan <sum>, %add3A_121 masked %reduce_sum3A_123 : vector<16xf32>, vector<16xi1> -> vector<16xf32>
      %reduce_sum3A_125 = vector.extract %reduce_sum3A_124[15] : f32 from vector<16xf32>
      %eq3A_126 = arith.constant 6 : i32
      %eq3A_127 = vector.broadcast %eq3A_126 : i32 to vector<16xi32>
      %eq3A_128 = arith.cmpi eq, %iota3A, %eq3A_127 : vector<16xi32>
      %broadcast_in_dim3A_129 = vector.broadcast %reduce_sum3A_125 : f32 to vector<16xf32>
      %select_n3A_130 = arith.select %eq3A_128, %broadcast_in_dim3A_129, %select_n3A_118 : vector<16xi1>, vector<16xf32>
      %add3A_131 = arith.addf %scan3A_93#12, %scan3A_93#13 : vector<16xf32>
      %add3A_132 = arith.addf %scan3A_93#14, %scan3A_93#15 : vector<16xf32>
      %add3A_133 = arith.addf %add3A_131, %add3A_132 : vector<16xf32>
      %reduce_sum3A_134 = arith.constant true
      %reduce_sum3A_135 = vector.broadcast %reduce_sum3A_134 : i1 to vector<16xi1>
      %reduce_sum3A_136 = tpu.scan <sum>, %add3A_133 masked %reduce_sum3A_135 : vector<16xf32>, vector<16xi1> -> vector<16xf32>
      %reduce_sum3A_137 = vector.extract %reduce_sum3A_136[15] : f32 from vector<16xf32>
      %eq3A_138 = arith.constant 7 : i32
      %eq3A_139 = vector.broadcast %eq3A_138 : i32 to vector<16xi32>
      %eq3A_140 = arith.cmpi eq, %iota3A, %eq3A_139 : vector<16xi32>
      %broadcast_in_dim3A_141 = vector.broadcast %reduce_sum3A_137 : f32 to vector<16xf32>
      %select_n3A_142 = arith.select %eq3A_140, %broadcast_in_dim3A_141, %select_n3A_130 : vector<16xi1>, vector<16xf32>
      %broadcast_in_dim3A_143 = arith.constant 0.000000e+00 : f32
      %broadcast_in_dim3A_144 = vector.broadcast %broadcast_in_dim3A_143 : f32 to vector<16xf32>
      %scan3A_145 = arith.constant 0 : i32
      %scan3A_146 = arith.constant 32 : i32
      %scan3A_147 = arith.addi %scan3A_145, %scan3A_146 : i32
      %scan3A_148 = arith.constant 1 : i32
      %scan3A_149:16 = scf.for %scan3A_515 = %scan3A_145 to %scan3A_147 step %scan3A_148 iter_args(%scan3A_516 = %broadcast_in_dim3A_144, %scan3A_517 = %broadcast_in_dim3A_144, %scan3A_518 = %broadcast_in_dim3A_144, %scan3A_519 = %broadcast_in_dim3A_144, %scan3A_520 = %broadcast_in_dim3A_144, %scan3A_521 = %broadcast_in_dim3A_144, %scan3A_522 = %broadcast_in_dim3A_144, %scan3A_523 = %broadcast_in_dim3A_144, %scan3A_524 = %broadcast_in_dim3A_144, %scan3A_525 = %broadcast_in_dim3A_144, %scan3A_526 = %broadcast_in_dim3A_144, %scan3A_527 = %broadcast_in_dim3A_144, %scan3A_528 = %broadcast_in_dim3A_144, %scan3A_529 = %broadcast_in_dim3A_144, %scan3A_530 = %broadcast_in_dim3A_144, %scan3A_531 = %broadcast_in_dim3A_144) -> (vector<16xf32>, vector<16xf32>, vector<16xf32>, vector<16xf32>, vector<16xf32>, vector<16xf32>, vector<16xf32>, vector<16xf32>, vector<16xf32>, vector<16xf32>, vector<16xf32>, vector<16xf32>, vector<16xf32>, vector<16xf32>, vector<16xf32>, vector<16xf32>)  : i32 {
        %mul3A_532 = arith.constant 4 : i32
        %mul3A_533 = arith.muli %scan3A_515, %mul3A_532 : i32
        %add3A_534 = arith.constant 0 : i32
        %add3A_535 = arith.addi %mul3A_533, %add3A_534 : i32
        %mul3A_536 = arith.constant 16 : i32
        %mul3A_537 = arith.muli %add3A_535, %mul3A_536 : i32
        %get3A_538 = arith.index_cast %mul3A_537 : i32 to index
        %get3A_539 = tpu.vector_load %arg8[%get3A_538] {strides = array<i32>} : memref<2048xf32, #tpu.memory_space<vmem>>, vector<16xf32>,
        %get3A_540 = arith.constant 8 : i32
        %get3A_541 = arith.index_cast %get3A_540 : i32 to index
        %get3A_542 = arith.index_cast %mul3A_537 : i32 to index
        %get3A_543 = tpu.vector_load %arg6[%get3A_541, %get3A_542] {strides = array<i32>} : memref<16x2048xf32, #tpu.memory_space<vmem>>, vector<16xf32>,
        %mul3A_544 = arith.mulf %get3A_543, %get3A_539 : vector<16xf32>
        %add3A_545 = arith.addf %scan3A_516, %mul3A_544 : vector<16xf32>
        %get3A_546 = arith.constant 9 : i32
        %get3A_547 = arith.index_cast %get3A_546 : i32 to index
        %get3A_548 = arith.index_cast %mul3A_537 : i32 to index
        %get3A_549 = tpu.vector_load %arg6[%get3A_547, %get3A_548] {strides = array<i32>} : memref<16x2048xf32, #tpu.memory_space<vmem>>, vector<16xf32>,
        %mul3A_550 = arith.mulf %get3A_549, %get3A_539 : vector<16xf32>
        %add3A_551 = arith.addf %scan3A_520, %mul3A_550 : vector<16xf32>
        %get3A_552 = arith.constant 10 : i32
        %get3A_553 = arith.index_cast %get3A_552 : i32 to index
        %get3A_554 = arith.index_cast %mul3A_537 : i32 to index
        %get3A_555 = tpu.vector_load %arg6[%get3A_553, %get3A_554] {strides = array<i32>} : memref<16x2048xf32, #tpu.memory_space<vmem>>, vector<16xf32>,
        %mul3A_556 = arith.mulf %get3A_555, %get3A_539 : vector<16xf32>
        %add3A_557 = arith.addf %scan3A_524, %mul3A_556 : vector<16xf32>
        %get3A_558 = arith.constant 11 : i32
        %get3A_559 = arith.index_cast %get3A_558 : i32 to index
        %get3A_560 = arith.index_cast %mul3A_537 : i32 to index
        %get3A_561 = tpu.vector_load %arg6[%get3A_559, %get3A_560] {strides = array<i32>} : memref<16x2048xf32, #tpu.memory_space<vmem>>, vector<16xf32>,
        %mul3A_562 = arith.mulf %get3A_561, %get3A_539 : vector<16xf32>
        %add3A_563 = arith.addf %scan3A_528, %mul3A_562 : vector<16xf32>
        %mul3A_564 = arith.constant 4 : i32
        %mul3A_565 = arith.muli %scan3A_515, %mul3A_564 : i32
        %add3A_566 = arith.constant 1 : i32
        %add3A_567 = arith.addi %mul3A_565, %add3A_566 : i32
        %mul3A_568 = arith.constant 16 : i32
        %mul3A_569 = arith.muli %add3A_567, %mul3A_568 : i32
        %get3A_570 = arith.index_cast %mul3A_569 : i32 to index
        %get3A_571 = tpu.vector_load %arg8[%get3A_570] {strides = array<i32>} : memref<2048xf32, #tpu.memory_space<vmem>>, vector<16xf32>,
        %get3A_572 = arith.constant 8 : i32
        %get3A_573 = arith.index_cast %get3A_572 : i32 to index
        %get3A_574 = arith.index_cast %mul3A_569 : i32 to index
        %get3A_575 = tpu.vector_load %arg6[%get3A_573, %get3A_574] {strides = array<i32>} : memref<16x2048xf32, #tpu.memory_space<vmem>>, vector<16xf32>,
        %mul3A_576 = arith.mulf %get3A_575, %get3A_571 : vector<16xf32>
        %add3A_577 = arith.addf %scan3A_517, %mul3A_576 : vector<16xf32>
        %get3A_578 = arith.constant 9 : i32
        %get3A_579 = arith.index_cast %get3A_578 : i32 to index
        %get3A_580 = arith.index_cast %mul3A_569 : i32 to index
        %get3A_581 = tpu.vector_load %arg6[%get3A_579, %get3A_580] {strides = array<i32>} : memref<16x2048xf32, #tpu.memory_space<vmem>>, vector<16xf32>,
        %mul3A_582 = arith.mulf %get3A_581, %get3A_571 : vector<16xf32>
        %add3A_583 = arith.addf %scan3A_521, %mul3A_582 : vector<16xf32>
        %get3A_584 = arith.constant 10 : i32
        %get3A_585 = arith.index_cast %get3A_584 : i32 to index
        %get3A_586 = arith.index_cast %mul3A_569 : i32 to index
        %get3A_587 = tpu.vector_load %arg6[%get3A_585, %get3A_586] {strides = array<i32>} : memref<16x2048xf32, #tpu.memory_space<vmem>>, vector<16xf32>,
        %mul3A_588 = arith.mulf %get3A_587, %get3A_571 : vector<16xf32>
        %add3A_589 = arith.addf %scan3A_525, %mul3A_588 : vector<16xf32>
        %get3A_590 = arith.constant 11 : i32
        %get3A_591 = arith.index_cast %get3A_590 : i32 to index
        %get3A_592 = arith.index_cast %mul3A_569 : i32 to index
        %get3A_593 = tpu.vector_load %arg6[%get3A_591, %get3A_592] {strides = array<i32>} : memref<16x2048xf32, #tpu.memory_space<vmem>>, vector<16xf32>,
        %mul3A_594 = arith.mulf %get3A_593, %get3A_571 : vector<16xf32>
        %add3A_595 = arith.addf %scan3A_529, %mul3A_594 : vector<16xf32>
        %mul3A_596 = arith.constant 4 : i32
        %mul3A_597 = arith.muli %scan3A_515, %mul3A_596 : i32
        %add3A_598 = arith.constant 2 : i32
        %add3A_599 = arith.addi %mul3A_597, %add3A_598 : i32
        %mul3A_600 = arith.constant 16 : i32
        %mul3A_601 = arith.muli %add3A_599, %mul3A_600 : i32
        %get3A_602 = arith.index_cast %mul3A_601 : i32 to index
        %get3A_603 = tpu.vector_load %arg8[%get3A_602] {strides = array<i32>} : memref<2048xf32, #tpu.memory_space<vmem>>, vector<16xf32>,
        %get3A_604 = arith.constant 8 : i32
        %get3A_605 = arith.index_cast %get3A_604 : i32 to index
        %get3A_606 = arith.index_cast %mul3A_601 : i32 to index
        %get3A_607 = tpu.vector_load %arg6[%get3A_605, %get3A_606] {strides = array<i32>} : memref<16x2048xf32, #tpu.memory_space<vmem>>, vector<16xf32>,
        %mul3A_608 = arith.mulf %get3A_607, %get3A_603 : vector<16xf32>
        %add3A_609 = arith.addf %scan3A_518, %mul3A_608 : vector<16xf32>
        %get3A_610 = arith.constant 9 : i32
        %get3A_611 = arith.index_cast %get3A_610 : i32 to index
        %get3A_612 = arith.index_cast %mul3A_601 : i32 to index
        %get3A_613 = tpu.vector_load %arg6[%get3A_611, %get3A_612] {strides = array<i32>} : memref<16x2048xf32, #tpu.memory_space<vmem>>, vector<16xf32>,
        %mul3A_614 = arith.mulf %get3A_613, %get3A_603 : vector<16xf32>
        %add3A_615 = arith.addf %scan3A_522, %mul3A_614 : vector<16xf32>
        %get3A_616 = arith.constant 10 : i32
        %get3A_617 = arith.index_cast %get3A_616 : i32 to index
        %get3A_618 = arith.index_cast %mul3A_601 : i32 to index
        %get3A_619 = tpu.vector_load %arg6[%get3A_617, %get3A_618] {strides = array<i32>} : memref<16x2048xf32, #tpu.memory_space<vmem>>, vector<16xf32>,
        %mul3A_620 = arith.mulf %get3A_619, %get3A_603 : vector<16xf32>
        %add3A_621 = arith.addf %scan3A_526, %mul3A_620 : vector<16xf32>
        %get3A_622 = arith.constant 11 : i32
        %get3A_623 = arith.index_cast %get3A_622 : i32 to index
        %get3A_624 = arith.index_cast %mul3A_601 : i32 to index
        %get3A_625 = tpu.vector_load %arg6[%get3A_623, %get3A_624] {strides = array<i32>} : memref<16x2048xf32, #tpu.memory_space<vmem>>, vector<16xf32>,
        %mul3A_626 = arith.mulf %get3A_625, %get3A_603 : vector<16xf32>
        %add3A_627 = arith.addf %scan3A_530, %mul3A_626 : vector<16xf32>
        %mul3A_628 = arith.constant 4 : i32
        %mul3A_629 = arith.muli %scan3A_515, %mul3A_628 : i32
        %add3A_630 = arith.constant 3 : i32
        %add3A_631 = arith.addi %mul3A_629, %add3A_630 : i32
        %mul3A_632 = arith.constant 16 : i32
        %mul3A_633 = arith.muli %add3A_631, %mul3A_632 : i32
        %get3A_634 = arith.index_cast %mul3A_633 : i32 to index
        %get3A_635 = tpu.vector_load %arg8[%get3A_634] {strides = array<i32>} : memref<2048xf32, #tpu.memory_space<vmem>>, vector<16xf32>,
        %get3A_636 = arith.constant 8 : i32
        %get3A_637 = arith.index_cast %get3A_636 : i32 to index
        %get3A_638 = arith.index_cast %mul3A_633 : i32 to index
        %get3A_639 = tpu.vector_load %arg6[%get3A_637, %get3A_638] {strides = array<i32>} : memref<16x2048xf32, #tpu.memory_space<vmem>>, vector<16xf32>,
        %mul3A_640 = arith.mulf %get3A_639, %get3A_635 : vector<16xf32>
        %add3A_641 = arith.addf %scan3A_519, %mul3A_640 : vector<16xf32>
        %get3A_642 = arith.constant 9 : i32
        %get3A_643 = arith.index_cast %get3A_642 : i32 to index
        %get3A_644 = arith.index_cast %mul3A_633 : i32 to index
        %get3A_645 = tpu.vector_load %arg6[%get3A_643, %get3A_644] {strides = array<i32>} : memref<16x2048xf32, #tpu.memory_space<vmem>>, vector<16xf32>,
        %mul3A_646 = arith.mulf %get3A_645, %get3A_635 : vector<16xf32>
        %add3A_647 = arith.addf %scan3A_523, %mul3A_646 : vector<16xf32>
        %get3A_648 = arith.constant 10 : i32
        %get3A_649 = arith.index_cast %get3A_648 : i32 to index
        %get3A_650 = arith.index_cast %mul3A_633 : i32 to index
        %get3A_651 = tpu.vector_load %arg6[%get3A_649, %get3A_650] {strides = array<i32>} : memref<16x2048xf32, #tpu.memory_space<vmem>>, vector<16xf32>,
        %mul3A_652 = arith.mulf %get3A_651, %get3A_635 : vector<16xf32>
        %add3A_653 = arith.addf %scan3A_527, %mul3A_652 : vector<16xf32>
        %get3A_654 = arith.constant 11 : i32
        %get3A_655 = arith.index_cast %get3A_654 : i32 to index
        %get3A_656 = arith.index_cast %mul3A_633 : i32 to index
        %get3A_657 = tpu.vector_load %arg6[%get3A_655, %get3A_656] {strides = array<i32>} : memref<16x2048xf32, #tpu.memory_space<vmem>>, vector<16xf32>,
        %mul3A_658 = arith.mulf %get3A_657, %get3A_635 : vector<16xf32>
        %add3A_659 = arith.addf %scan3A_531, %mul3A_658 : vector<16xf32>
        scf.yield %add3A_545, %add3A_577, %add3A_609, %add3A_641, %add3A_551, %add3A_583, %add3A_615, %add3A_647, %add3A_557, %add3A_589, %add3A_621, %add3A_653, %add3A_563, %add3A_595, %add3A_627, %add3A_659 : vector<16xf32>, vector<16xf32>, vector<16xf32>, vector<16xf32>, vector<16xf32>, vector<16xf32>, vector<16xf32>, vector<16xf32>, vector<16xf32>, vector<16xf32>, vector<16xf32>, vector<16xf32>, vector<16xf32>, vector<16xf32>, vector<16xf32>, vector<16xf32>
      }
      %scan3A_150 = arith.constant 32 : i32
      %add3A_151 = arith.addf %scan3A_149#0, %scan3A_149#1 : vector<16xf32>
      %add3A_152 = arith.addf %scan3A_149#2, %scan3A_149#3 : vector<16xf32>
      %add3A_153 = arith.addf %add3A_151, %add3A_152 : vector<16xf32>
      %reduce_sum3A_154 = arith.constant true
      %reduce_sum3A_155 = vector.broadcast %reduce_sum3A_154 : i1 to vector<16xi1>
      %reduce_sum3A_156 = tpu.scan <sum>, %add3A_153 masked %reduce_sum3A_155 : vector<16xf32>, vector<16xi1> -> vector<16xf32>
      %reduce_sum3A_157 = vector.extract %reduce_sum3A_156[15] : f32 from vector<16xf32>
      %eq3A_158 = arith.constant 8 : i32
      %eq3A_159 = vector.broadcast %eq3A_158 : i32 to vector<16xi32>
      %eq3A_160 = arith.cmpi eq, %iota3A, %eq3A_159 : vector<16xi32>
      %broadcast_in_dim3A_161 = vector.broadcast %reduce_sum3A_157 : f32 to vector<16xf32>
      %select_n3A_162 = arith.select %eq3A_160, %broadcast_in_dim3A_161, %select_n3A_142 : vector<16xi1>, vector<16xf32>
      %add3A_163 = arith.addf %scan3A_149#4, %scan3A_149#5 : vector<16xf32>
      %add3A_164 = arith.addf %scan3A_149#6, %scan3A_149#7 : vector<16xf32>
      %add3A_165 = arith.addf %add3A_163, %add3A_164 : vector<16xf32>
      %reduce_sum3A_166 = arith.constant true
      %reduce_sum3A_167 = vector.broadcast %reduce_sum3A_166 : i1 to vector<16xi1>
      %reduce_sum3A_168 = tpu.scan <sum>, %add3A_165 masked %reduce_sum3A_167 : vector<16xf32>, vector<16xi1> -> vector<16xf32>
      %reduce_sum3A_169 = vector.extract %reduce_sum3A_168[15] : f32 from vector<16xf32>
      %eq3A_170 = arith.constant 9 : i32
      %eq3A_171 = vector.broadcast %eq3A_170 : i32 to vector<16xi32>
      %eq3A_172 = arith.cmpi eq, %iota3A, %eq3A_171 : vector<16xi32>
      %broadcast_in_dim3A_173 = vector.broadcast %reduce_sum3A_169 : f32 to vector<16xf32>
      %select_n3A_174 = arith.select %eq3A_172, %broadcast_in_dim3A_173, %select_n3A_162 : vector<16xi1>, vector<16xf32>
      %add3A_175 = arith.addf %scan3A_149#8, %scan3A_149#9 : vector<16xf32>
      %add3A_176 = arith.addf %scan3A_149#10, %scan3A_149#11 : vector<16xf32>
      %add3A_177 = arith.addf %add3A_175, %add3A_176 : vector<16xf32>
      %reduce_sum3A_178 = arith.constant true
      %reduce_sum3A_179 = vector.broadcast %reduce_sum3A_178 : i1 to vector<16xi1>
      %reduce_sum3A_180 = tpu.scan <sum>, %add3A_177 masked %reduce_sum3A_179 : vector<16xf32>, vector<16xi1> -> vector<16xf32>
      %reduce_sum3A_181 = vector.extract %reduce_sum3A_180[15] : f32 from vector<16xf32>
      %eq3A_182 = arith.constant 10 : i32
      %eq3A_183 = vector.broadcast %eq3A_182 : i32 to vector<16xi32>
      %eq3A_184 = arith.cmpi eq, %iota3A, %eq3A_183 : vector<16xi32>
      %broadcast_in_dim3A_185 = vector.broadcast %reduce_sum3A_181 : f32 to vector<16xf32>
      %select_n3A_186 = arith.select %eq3A_184, %broadcast_in_dim3A_185, %select_n3A_174 : vector<16xi1>, vector<16xf32>
      %add3A_187 = arith.addf %scan3A_149#12, %scan3A_149#13 : vector<16xf32>
      %add3A_188 = arith.addf %scan3A_149#14, %scan3A_149#15 : vector<16xf32>
      %add3A_189 = arith.addf %add3A_187, %add3A_188 : vector<16xf32>
      %reduce_sum3A_190 = arith.constant true
      %reduce_sum3A_191 = vector.broadcast %reduce_sum3A_190 : i1 to vector<16xi1>
      %reduce_sum3A_192 = tpu.scan <sum>, %add3A_189 masked %reduce_sum3A_191 : vector<16xf32>, vector<16xi1> -> vector<16xf32>
      %reduce_sum3A_193 = vector.extract %reduce_sum3A_192[15] : f32 from vector<16xf32>
      %eq3A_194 = arith.constant 11 : i32
      %eq3A_195 = vector.broadcast %eq3A_194 : i32 to vector<16xi32>
      %eq3A_196 = arith.cmpi eq, %iota3A, %eq3A_195 : vector<16xi32>
      %broadcast_in_dim3A_197 = vector.broadcast %reduce_sum3A_193 : f32 to vector<16xf32>
      %select_n3A_198 = arith.select %eq3A_196, %broadcast_in_dim3A_197, %select_n3A_186 : vector<16xi1>, vector<16xf32>
      %broadcast_in_dim3A_199 = arith.constant 0.000000e+00 : f32
      %broadcast_in_dim3A_200 = vector.broadcast %broadcast_in_dim3A_199 : f32 to vector<16xf32>
      %scan3A_201 = arith.constant 0 : i32
      %scan3A_202 = arith.constant 32 : i32
      %scan3A_203 = arith.addi %scan3A_201, %scan3A_202 : i32
      %scan3A_204 = arith.constant 1 : i32
      %scan3A_205:16 = scf.for %scan3A_515 = %scan3A_201 to %scan3A_203 step %scan3A_204 iter_args(%scan3A_516 = %broadcast_in_dim3A_200, %scan3A_517 = %broadcast_in_dim3A_200, %scan3A_518 = %broadcast_in_dim3A_200, %scan3A_519 = %broadcast_in_dim3A_200, %scan3A_520 = %broadcast_in_dim3A_200, %scan3A_521 = %broadcast_in_dim3A_200, %scan3A_522 = %broadcast_in_dim3A_200, %scan3A_523 = %broadcast_in_dim3A_200, %scan3A_524 = %broadcast_in_dim3A_200, %scan3A_525 = %broadcast_in_dim3A_200, %scan3A_526 = %broadcast_in_dim3A_200, %scan3A_527 = %broadcast_in_dim3A_200, %scan3A_528 = %broadcast_in_dim3A_200, %scan3A_529 = %broadcast_in_dim3A_200, %scan3A_530 = %broadcast_in_dim3A_200, %scan3A_531 = %broadcast_in_dim3A_200) -> (vector<16xf32>, vector<16xf32>, vector<16xf32>, vector<16xf32>, vector<16xf32>, vector<16xf32>, vector<16xf32>, vector<16xf32>, vector<16xf32>, vector<16xf32>, vector<16xf32>, vector<16xf32>, vector<16xf32>, vector<16xf32>, vector<16xf32>, vector<16xf32>)  : i32 {
        %mul3A_532 = arith.constant 4 : i32
        %mul3A_533 = arith.muli %scan3A_515, %mul3A_532 : i32
        %add3A_534 = arith.constant 0 : i32
        %add3A_535 = arith.addi %mul3A_533, %add3A_534 : i32
        %mul3A_536 = arith.constant 16 : i32
        %mul3A_537 = arith.muli %add3A_535, %mul3A_536 : i32
        %get3A_538 = arith.index_cast %mul3A_537 : i32 to index
        %get3A_539 = tpu.vector_load %arg8[%get3A_538] {strides = array<i32>} : memref<2048xf32, #tpu.memory_space<vmem>>, vector<16xf32>,
        %get3A_540 = arith.constant 12 : i32
        %get3A_541 = arith.index_cast %get3A_540 : i32 to index
        %get3A_542 = arith.index_cast %mul3A_537 : i32 to index
        %get3A_543 = tpu.vector_load %arg6[%get3A_541, %get3A_542] {strides = array<i32>} : memref<16x2048xf32, #tpu.memory_space<vmem>>, vector<16xf32>,
        %mul3A_544 = arith.mulf %get3A_543, %get3A_539 : vector<16xf32>
        %add3A_545 = arith.addf %scan3A_516, %mul3A_544 : vector<16xf32>
        %get3A_546 = arith.constant 13 : i32
        %get3A_547 = arith.index_cast %get3A_546 : i32 to index
        %get3A_548 = arith.index_cast %mul3A_537 : i32 to index
        %get3A_549 = tpu.vector_load %arg6[%get3A_547, %get3A_548] {strides = array<i32>} : memref<16x2048xf32, #tpu.memory_space<vmem>>, vector<16xf32>,
        %mul3A_550 = arith.mulf %get3A_549, %get3A_539 : vector<16xf32>
        %add3A_551 = arith.addf %scan3A_520, %mul3A_550 : vector<16xf32>
        %get3A_552 = arith.constant 14 : i32
        %get3A_553 = arith.index_cast %get3A_552 : i32 to index
        %get3A_554 = arith.index_cast %mul3A_537 : i32 to index
        %get3A_555 = tpu.vector_load %arg6[%get3A_553, %get3A_554] {strides = array<i32>} : memref<16x2048xf32, #tpu.memory_space<vmem>>, vector<16xf32>,
        %mul3A_556 = arith.mulf %get3A_555, %get3A_539 : vector<16xf32>
        %add3A_557 = arith.addf %scan3A_524, %mul3A_556 : vector<16xf32>
        %get3A_558 = arith.constant 15 : i32
        %get3A_559 = arith.index_cast %get3A_558 : i32 to index
        %get3A_560 = arith.index_cast %mul3A_537 : i32 to index
        %get3A_561 = tpu.vector_load %arg6[%get3A_559, %get3A_560] {strides = array<i32>} : memref<16x2048xf32, #tpu.memory_space<vmem>>, vector<16xf32>,
        %mul3A_562 = arith.mulf %get3A_561, %get3A_539 : vector<16xf32>
        %add3A_563 = arith.addf %scan3A_528, %mul3A_562 : vector<16xf32>
        %mul3A_564 = arith.constant 4 : i32
        %mul3A_565 = arith.muli %scan3A_515, %mul3A_564 : i32
        %add3A_566 = arith.constant 1 : i32
        %add3A_567 = arith.addi %mul3A_565, %add3A_566 : i32
        %mul3A_568 = arith.constant 16 : i32
        %mul3A_569 = arith.muli %add3A_567, %mul3A_568 : i32
        %get3A_570 = arith.index_cast %mul3A_569 : i32 to index
        %get3A_571 = tpu.vector_load %arg8[%get3A_570] {strides = array<i32>} : memref<2048xf32, #tpu.memory_space<vmem>>, vector<16xf32>,
        %get3A_572 = arith.constant 12 : i32
        %get3A_573 = arith.index_cast %get3A_572 : i32 to index
        %get3A_574 = arith.index_cast %mul3A_569 : i32 to index
        %get3A_575 = tpu.vector_load %arg6[%get3A_573, %get3A_574] {strides = array<i32>} : memref<16x2048xf32, #tpu.memory_space<vmem>>, vector<16xf32>,
        %mul3A_576 = arith.mulf %get3A_575, %get3A_571 : vector<16xf32>
        %add3A_577 = arith.addf %scan3A_517, %mul3A_576 : vector<16xf32>
        %get3A_578 = arith.constant 13 : i32
        %get3A_579 = arith.index_cast %get3A_578 : i32 to index
        %get3A_580 = arith.index_cast %mul3A_569 : i32 to index
        %get3A_581 = tpu.vector_load %arg6[%get3A_579, %get3A_580] {strides = array<i32>} : memref<16x2048xf32, #tpu.memory_space<vmem>>, vector<16xf32>,
        %mul3A_582 = arith.mulf %get3A_581, %get3A_571 : vector<16xf32>
        %add3A_583 = arith.addf %scan3A_521, %mul3A_582 : vector<16xf32>
        %get3A_584 = arith.constant 14 : i32
        %get3A_585 = arith.index_cast %get3A_584 : i32 to index
        %get3A_586 = arith.index_cast %mul3A_569 : i32 to index
        %get3A_587 = tpu.vector_load %arg6[%get3A_585, %get3A_586] {strides = array<i32>} : memref<16x2048xf32, #tpu.memory_space<vmem>>, vector<16xf32>,
        %mul3A_588 = arith.mulf %get3A_587, %get3A_571 : vector<16xf32>
        %add3A_589 = arith.addf %scan3A_525, %mul3A_588 : vector<16xf32>
        %get3A_590 = arith.constant 15 : i32
        %get3A_591 = arith.index_cast %get3A_590 : i32 to index
        %get3A_592 = arith.index_cast %mul3A_569 : i32 to index
        %get3A_593 = tpu.vector_load %arg6[%get3A_591, %get3A_592] {strides = array<i32>} : memref<16x2048xf32, #tpu.memory_space<vmem>>, vector<16xf32>,
        %mul3A_594 = arith.mulf %get3A_593, %get3A_571 : vector<16xf32>
        %add3A_595 = arith.addf %scan3A_529, %mul3A_594 : vector<16xf32>
        %mul3A_596 = arith.constant 4 : i32
        %mul3A_597 = arith.muli %scan3A_515, %mul3A_596 : i32
        %add3A_598 = arith.constant 2 : i32
        %add3A_599 = arith.addi %mul3A_597, %add3A_598 : i32
        %mul3A_600 = arith.constant 16 : i32
        %mul3A_601 = arith.muli %add3A_599, %mul3A_600 : i32
        %get3A_602 = arith.index_cast %mul3A_601 : i32 to index
        %get3A_603 = tpu.vector_load %arg8[%get3A_602] {strides = array<i32>} : memref<2048xf32, #tpu.memory_space<vmem>>, vector<16xf32>,
        %get3A_604 = arith.constant 12 : i32
        %get3A_605 = arith.index_cast %get3A_604 : i32 to index
        %get3A_606 = arith.index_cast %mul3A_601 : i32 to index
        %get3A_607 = tpu.vector_load %arg6[%get3A_605, %get3A_606] {strides = array<i32>} : memref<16x2048xf32, #tpu.memory_space<vmem>>, vector<16xf32>,
        %mul3A_608 = arith.mulf %get3A_607, %get3A_603 : vector<16xf32>
        %add3A_609 = arith.addf %scan3A_518, %mul3A_608 : vector<16xf32>
        %get3A_610 = arith.constant 13 : i32
        %get3A_611 = arith.index_cast %get3A_610 : i32 to index
        %get3A_612 = arith.index_cast %mul3A_601 : i32 to index
        %get3A_613 = tpu.vector_load %arg6[%get3A_611, %get3A_612] {strides = array<i32>} : memref<16x2048xf32, #tpu.memory_space<vmem>>, vector<16xf32>,
        %mul3A_614 = arith.mulf %get3A_613, %get3A_603 : vector<16xf32>
        %add3A_615 = arith.addf %scan3A_522, %mul3A_614 : vector<16xf32>
        %get3A_616 = arith.constant 14 : i32
        %get3A_617 = arith.index_cast %get3A_616 : i32 to index
        %get3A_618 = arith.index_cast %mul3A_601 : i32 to index
        %get3A_619 = tpu.vector_load %arg6[%get3A_617, %get3A_618] {strides = array<i32>} : memref<16x2048xf32, #tpu.memory_space<vmem>>, vector<16xf32>,
        %mul3A_620 = arith.mulf %get3A_619, %get3A_603 : vector<16xf32>
        %add3A_621 = arith.addf %scan3A_526, %mul3A_620 : vector<16xf32>
        %get3A_622 = arith.constant 15 : i32
        %get3A_623 = arith.index_cast %get3A_622 : i32 to index
        %get3A_624 = arith.index_cast %mul3A_601 : i32 to index
        %get3A_625 = tpu.vector_load %arg6[%get3A_623, %get3A_624] {strides = array<i32>} : memref<16x2048xf32, #tpu.memory_space<vmem>>, vector<16xf32>,
        %mul3A_626 = arith.mulf %get3A_625, %get3A_603 : vector<16xf32>
        %add3A_627 = arith.addf %scan3A_530, %mul3A_626 : vector<16xf32>
        %mul3A_628 = arith.constant 4 : i32
        %mul3A_629 = arith.muli %scan3A_515, %mul3A_628 : i32
        %add3A_630 = arith.constant 3 : i32
        %add3A_631 = arith.addi %mul3A_629, %add3A_630 : i32
        %mul3A_632 = arith.constant 16 : i32
        %mul3A_633 = arith.muli %add3A_631, %mul3A_632 : i32
        %get3A_634 = arith.index_cast %mul3A_633 : i32 to index
        %get3A_635 = tpu.vector_load %arg8[%get3A_634] {strides = array<i32>} : memref<2048xf32, #tpu.memory_space<vmem>>, vector<16xf32>,
        %get3A_636 = arith.constant 12 : i32
        %get3A_637 = arith.index_cast %get3A_636 : i32 to index
        %get3A_638 = arith.index_cast %mul3A_633 : i32 to index
        %get3A_639 = tpu.vector_load %arg6[%get3A_637, %get3A_638] {strides = array<i32>} : memref<16x2048xf32, #tpu.memory_space<vmem>>, vector<16xf32>,
        %mul3A_640 = arith.mulf %get3A_639, %get3A_635 : vector<16xf32>
        %add3A_641 = arith.addf %scan3A_519, %mul3A_640 : vector<16xf32>
        %get3A_642 = arith.constant 13 : i32
        %get3A_643 = arith.index_cast %get3A_642 : i32 to index
        %get3A_644 = arith.index_cast %mul3A_633 : i32 to index
        %get3A_645 = tpu.vector_load %arg6[%get3A_643, %get3A_644] {strides = array<i32>} : memref<16x2048xf32, #tpu.memory_space<vmem>>, vector<16xf32>,
        %mul3A_646 = arith.mulf %get3A_645, %get3A_635 : vector<16xf32>
        %add3A_647 = arith.addf %scan3A_523, %mul3A_646 : vector<16xf32>
        %get3A_648 = arith.constant 14 : i32
        %get3A_649 = arith.index_cast %get3A_648 : i32 to index
        %get3A_650 = arith.index_cast %mul3A_633 : i32 to index
        %get3A_651 = tpu.vector_load %arg6[%get3A_649, %get3A_650] {strides = array<i32>} : memref<16x2048xf32, #tpu.memory_space<vmem>>, vector<16xf32>,
        %mul3A_652 = arith.mulf %get3A_651, %get3A_635 : vector<16xf32>
        %add3A_653 = arith.addf %scan3A_527, %mul3A_652 : vector<16xf32>
        %get3A_654 = arith.constant 15 : i32
        %get3A_655 = arith.index_cast %get3A_654 : i32 to index
        %get3A_656 = arith.index_cast %mul3A_633 : i32 to index
        %get3A_657 = tpu.vector_load %arg6[%get3A_655, %get3A_656] {strides = array<i32>} : memref<16x2048xf32, #tpu.memory_space<vmem>>, vector<16xf32>,
        %mul3A_658 = arith.mulf %get3A_657, %get3A_635 : vector<16xf32>
        %add3A_659 = arith.addf %scan3A_531, %mul3A_658 : vector<16xf32>
        scf.yield %add3A_545, %add3A_577, %add3A_609, %add3A_641, %add3A_551, %add3A_583, %add3A_615, %add3A_647, %add3A_557, %add3A_589, %add3A_621, %add3A_653, %add3A_563, %add3A_595, %add3A_627, %add3A_659 : vector<16xf32>, vector<16xf32>, vector<16xf32>, vector<16xf32>, vector<16xf32>, vector<16xf32>, vector<16xf32>, vector<16xf32>, vector<16xf32>, vector<16xf32>, vector<16xf32>, vector<16xf32>, vector<16xf32>, vector<16xf32>, vector<16xf32>, vector<16xf32>
      }
      %scan3A_206 = arith.constant 32 : i32
      %add3A_207 = arith.addf %scan3A_205#0, %scan3A_205#1 : vector<16xf32>
      %add3A_208 = arith.addf %scan3A_205#2, %scan3A_205#3 : vector<16xf32>
      %add3A_209 = arith.addf %add3A_207, %add3A_208 : vector<16xf32>
      %reduce_sum3A_210 = arith.constant true
      %reduce_sum3A_211 = vector.broadcast %reduce_sum3A_210 : i1 to vector<16xi1>
      %reduce_sum3A_212 = tpu.scan <sum>, %add3A_209 masked %reduce_sum3A_211 : vector<16xf32>, vector<16xi1> -> vector<16xf32>
      %reduce_sum3A_213 = vector.extract %reduce_sum3A_212[15] : f32 from vector<16xf32>
      %eq3A_214 = arith.constant 12 : i32
      %eq3A_215 = vector.broadcast %eq3A_214 : i32 to vector<16xi32>
      %eq3A_216 = arith.cmpi eq, %iota3A, %eq3A_215 : vector<16xi32>
      %broadcast_in_dim3A_217 = vector.broadcast %reduce_sum3A_213 : f32 to vector<16xf32>
      %select_n3A_218 = arith.select %eq3A_216, %broadcast_in_dim3A_217, %select_n3A_198 : vector<16xi1>, vector<16xf32>
      %add3A_219 = arith.addf %scan3A_205#4, %scan3A_205#5 : vector<16xf32>
      %add3A_220 = arith.addf %scan3A_205#6, %scan3A_205#7 : vector<16xf32>
      %add3A_221 = arith.addf %add3A_219, %add3A_220 : vector<16xf32>
      %reduce_sum3A_222 = arith.constant true
      %reduce_sum3A_223 = vector.broadcast %reduce_sum3A_222 : i1 to vector<16xi1>
      %reduce_sum3A_224 = tpu.scan <sum>, %add3A_221 masked %reduce_sum3A_223 : vector<16xf32>, vector<16xi1> -> vector<16xf32>
      %reduce_sum3A_225 = vector.extract %reduce_sum3A_224[15] : f32 from vector<16xf32>
      %eq3A_226 = arith.constant 13 : i32
      %eq3A_227 = vector.broadcast %eq3A_226 : i32 to vector<16xi32>
      %eq3A_228 = arith.cmpi eq, %iota3A, %eq3A_227 : vector<16xi32>
      %broadcast_in_dim3A_229 = vector.broadcast %reduce_sum3A_225 : f32 to vector<16xf32>
      %select_n3A_230 = arith.select %eq3A_228, %broadcast_in_dim3A_229, %select_n3A_218 : vector<16xi1>, vector<16xf32>
      %add3A_231 = arith.addf %scan3A_205#8, %scan3A_205#9 : vector<16xf32>
      %add3A_232 = arith.addf %scan3A_205#10, %scan3A_205#11 : vector<16xf32>
      %add3A_233 = arith.addf %add3A_231, %add3A_232 : vector<16xf32>
      %reduce_sum3A_234 = arith.constant true
      %reduce_sum3A_235 = vector.broadcast %reduce_sum3A_234 : i1 to vector<16xi1>
      %reduce_sum3A_236 = tpu.scan <sum>, %add3A_233 masked %reduce_sum3A_235 : vector<16xf32>, vector<16xi1> -> vector<16xf32>
      %reduce_sum3A_237 = vector.extract %reduce_sum3A_236[15] : f32 from vector<16xf32>
      %eq3A_238 = arith.constant 14 : i32
      %eq3A_239 = vector.broadcast %eq3A_238 : i32 to vector<16xi32>
      %eq3A_240 = arith.cmpi eq, %iota3A, %eq3A_239 : vector<16xi32>
      %broadcast_in_dim3A_241 = vector.broadcast %reduce_sum3A_237 : f32 to vector<16xf32>
      %select_n3A_242 = arith.select %eq3A_240, %broadcast_in_dim3A_241, %select_n3A_230 : vector<16xi1>, vector<16xf32>
      %add3A_243 = arith.addf %scan3A_205#12, %scan3A_205#13 : vector<16xf32>
      %add3A_244 = arith.addf %scan3A_205#14, %scan3A_205#15 : vector<16xf32>
      %add3A_245 = arith.addf %add3A_243, %add3A_244 : vector<16xf32>
      %reduce_sum3A_246 = arith.constant true
      %reduce_sum3A_247 = vector.broadcast %reduce_sum3A_246 : i1 to vector<16xi1>
      %reduce_sum3A_248 = tpu.scan <sum>, %add3A_245 masked %reduce_sum3A_247 : vector<16xf32>, vector<16xi1> -> vector<16xf32>
      %reduce_sum3A_249 = vector.extract %reduce_sum3A_248[15] : f32 from vector<16xf32>
      %eq3A_250 = arith.constant 15 : i32
      %eq3A_251 = vector.broadcast %eq3A_250 : i32 to vector<16xi32>
      %eq3A_252 = arith.cmpi eq, %iota3A, %eq3A_251 : vector<16xi32>
      %broadcast_in_dim3A_253 = vector.broadcast %reduce_sum3A_249 : f32 to vector<16xf32>
      %select_n3A_254 = arith.select %eq3A_252, %broadcast_in_dim3A_253, %select_n3A_242 : vector<16xi1>, vector<16xf32>
      %get3A = arith.constant 0 : index
      %get3A_255 = tpu.vector_load %arg9[%get3A] {strides = array<i32>} : memref<16xf32, #tpu.memory_space<vmem>>, vector<16xf32>,
      %add3A_256 = arith.addf %select_n3A_254, %get3A_255 : vector<16xf32>
      %mul3A_257 = arith.constant 16 : i32
      %mul3A_258 = arith.muli %add3A_32, %mul3A_257 : i32
      %swap3A = arith.index_cast %mul3A_258 : i32 to index
      %swap3A_259 = tpu.vector_load %arg10[%swap3A] {strides = array<i32>} : memref<320xf32, #tpu.memory_space<vmem>>, vector<16xf32>,
      tpu.vector_store %arg10[%swap3A], %add3A_256 {strides = array<i32>} : memref<320xf32, #tpu.memory_space<vmem>>, vector<16xf32>,
      %add3A_260 = arith.constant 0 : i32
      %add3A_261 = arith.addi %mul3A_27, %add3A_260 : i32
      %add3A_262 = arith.constant 2 : i32
      %add3A_263 = arith.addi %add3A_261, %add3A_262 : i32
      %lt3A = arith.constant 20 : i32
      %lt3A_264 = arith.cmpi slt, %add3A_263, %lt3A : i32
      %convert_element_type3A = arith.extui %lt3A_264 : i1 to i32
      %cond3A = arith.constant 0 : i32
      %cond3A_265 = arith.cmpi ne, %convert_element_type3A, %cond3A : i32
      scf.if %cond3A_265 {
        %add3A_515 = arith.constant 0 : i32
        %add3A_516 = arith.addi %mul3A_27, %add3A_515 : i32
        %add3A_517 = arith.constant 2 : i32
        %add3A_518 = arith.addi %add3A_516, %add3A_517 : i32
        %mul3A_519 = arith.constant 16 : i32
        %mul3A_520 = arith.muli %add3A_518, %mul3A_519 : i32
        %add3A_521 = arith.addi %add3A_4, %mul3A_520 : i32
        %dma_start3A_522 = arith.constant 0 : i32
        %dma_start3A_523 = tpu.memref_slice %arg2[%add3A_521, %dma_start3A_522] : memref<32768x2048xf32, #tpu.memory_space<hbm>> -> memref<16x2048xf32, #tpu.memory_space<hbm>>
        %dma_start3A_524 = arith.constant 0 : i32
        %dma_start3A_525 = tpu.memref_slice %arg2[%add3A_521, %dma_start3A_524] : memref<32768x2048xf32, #tpu.memory_space<hbm>> -> memref<16x2048xf32, #tpu.memory_space<hbm>>
        tpu.enqueue_dma source(%dma_start3A_525 : memref<16x2048xf32, #tpu.memory_space<hbm>>) target(%arg6 : memref<16x2048xf32, #tpu.memory_space<vmem>>) target_semaphore(%arg11 : memref<!tpu.dma_semaphore, #tpu.memory_space<semaphore_mem>>)
      } else {
      }
      %dma_wait3A_266 = arith.constant 0 : i32
      %dma_wait3A_267 = tpu.memref_slice %arg2[%add3A_4, %dma_wait3A_266] : memref<32768x2048xf32, #tpu.memory_space<hbm>> -> memref<16x2048xf32, #tpu.memory_space<hbm>>
      %dma_wait3A_268 = arith.constant 0 : i32
      %dma_wait3A_269 = tpu.memref_slice %arg2[%add3A_4, %dma_wait3A_268] : memref<32768x2048xf32, #tpu.memory_space<hbm>> -> memref<16x2048xf32, #tpu.memory_space<hbm>>
      tpu.wait_dma2 semaphore(%arg12 : memref<!tpu.dma_semaphore, #tpu.memory_space<semaphore_mem>>) src(%dma_wait3A_269 : memref<16x2048xf32, #tpu.memory_space<hbm>>) dst(%arg7 : memref<16x2048xf32, #tpu.memory_space<vmem>>)
      %add3A_270 = arith.constant 1 : i32
      %add3A_271 = arith.addi %mul3A_27, %add3A_270 : i32
      %broadcast_in_dim3A_272 = arith.constant 0.000000e+00 : f32
      %broadcast_in_dim3A_273 = vector.broadcast %broadcast_in_dim3A_272 : f32 to vector<16xf32>
      %broadcast_in_dim3A_274 = arith.constant 0.000000e+00 : f32
      %broadcast_in_dim3A_275 = vector.broadcast %broadcast_in_dim3A_274 : f32 to vector<16xf32>
      %scan3A_276 = arith.constant 0 : i32
      %scan3A_277 = arith.constant 32 : i32
      %scan3A_278 = arith.addi %scan3A_276, %scan3A_277 : i32
      %scan3A_279 = arith.constant 1 : i32
      %scan3A_280:16 = scf.for %scan3A_515 = %scan3A_276 to %scan3A_278 step %scan3A_279 iter_args(%scan3A_516 = %broadcast_in_dim3A_275, %scan3A_517 = %broadcast_in_dim3A_275, %scan3A_518 = %broadcast_in_dim3A_275, %scan3A_519 = %broadcast_in_dim3A_275, %scan3A_520 = %broadcast_in_dim3A_275, %scan3A_521 = %broadcast_in_dim3A_275, %scan3A_522 = %broadcast_in_dim3A_275, %scan3A_523 = %broadcast_in_dim3A_275, %scan3A_524 = %broadcast_in_dim3A_275, %scan3A_525 = %broadcast_in_dim3A_275, %scan3A_526 = %broadcast_in_dim3A_275, %scan3A_527 = %broadcast_in_dim3A_275, %scan3A_528 = %broadcast_in_dim3A_275, %scan3A_529 = %broadcast_in_dim3A_275, %scan3A_530 = %broadcast_in_dim3A_275, %scan3A_531 = %broadcast_in_dim3A_275) -> (vector<16xf32>, vector<16xf32>, vector<16xf32>, vector<16xf32>, vector<16xf32>, vector<16xf32>, vector<16xf32>, vector<16xf32>, vector<16xf32>, vector<16xf32>, vector<16xf32>, vector<16xf32>, vector<16xf32>, vector<16xf32>, vector<16xf32>, vector<16xf32>)  : i32 {
        %mul3A_532 = arith.constant 4 : i32
        %mul3A_533 = arith.muli %scan3A_515, %mul3A_532 : i32
        %add3A_534 = arith.constant 0 : i32
        %add3A_535 = arith.addi %mul3A_533, %add3A_534 : i32
        %mul3A_536 = arith.constant 16 : i32
        %mul3A_537 = arith.muli %add3A_535, %mul3A_536 : i32
        %get3A_538 = arith.index_cast %mul3A_537 : i32 to index
        %get3A_539 = tpu.vector_load %arg8[%get3A_538] {strides = array<i32>} : memref<2048xf32, #tpu.memory_space<vmem>>, vector<16xf32>,
        %get3A_540 = arith.constant 0 : i32
        %get3A_541 = arith.index_cast %get3A_540 : i32 to index
        %get3A_542 = arith.index_cast %mul3A_537 : i32 to index
        %get3A_543 = tpu.vector_load %arg7[%get3A_541, %get3A_542] {strides = array<i32>} : memref<16x2048xf32, #tpu.memory_space<vmem>>, vector<16xf32>,
        %mul3A_544 = arith.mulf %get3A_543, %get3A_539 : vector<16xf32>
        %add3A_545 = arith.addf %scan3A_516, %mul3A_544 : vector<16xf32>
        %get3A_546 = arith.constant 1 : i32
        %get3A_547 = arith.index_cast %get3A_546 : i32 to index
        %get3A_548 = arith.index_cast %mul3A_537 : i32 to index
        %get3A_549 = tpu.vector_load %arg7[%get3A_547, %get3A_548] {strides = array<i32>} : memref<16x2048xf32, #tpu.memory_space<vmem>>, vector<16xf32>,
        %mul3A_550 = arith.mulf %get3A_549, %get3A_539 : vector<16xf32>
        %add3A_551 = arith.addf %scan3A_520, %mul3A_550 : vector<16xf32>
        %get3A_552 = arith.constant 2 : i32
        %get3A_553 = arith.index_cast %get3A_552 : i32 to index
        %get3A_554 = arith.index_cast %mul3A_537 : i32 to index
        %get3A_555 = tpu.vector_load %arg7[%get3A_553, %get3A_554] {strides = array<i32>} : memref<16x2048xf32, #tpu.memory_space<vmem>>, vector<16xf32>,
        %mul3A_556 = arith.mulf %get3A_555, %get3A_539 : vector<16xf32>
        %add3A_557 = arith.addf %scan3A_524, %mul3A_556 : vector<16xf32>
        %get3A_558 = arith.constant 3 : i32
        %get3A_559 = arith.index_cast %get3A_558 : i32 to index
        %get3A_560 = arith.index_cast %mul3A_537 : i32 to index
        %get3A_561 = tpu.vector_load %arg7[%get3A_559, %get3A_560] {strides = array<i32>} : memref<16x2048xf32, #tpu.memory_space<vmem>>, vector<16xf32>,
        %mul3A_562 = arith.mulf %get3A_561, %get3A_539 : vector<16xf32>
        %add3A_563 = arith.addf %scan3A_528, %mul3A_562 : vector<16xf32>
        %mul3A_564 = arith.constant 4 : i32
        %mul3A_565 = arith.muli %scan3A_515, %mul3A_564 : i32
        %add3A_566 = arith.constant 1 : i32
        %add3A_567 = arith.addi %mul3A_565, %add3A_566 : i32
        %mul3A_568 = arith.constant 16 : i32
        %mul3A_569 = arith.muli %add3A_567, %mul3A_568 : i32
        %get3A_570 = arith.index_cast %mul3A_569 : i32 to index
        %get3A_571 = tpu.vector_load %arg8[%get3A_570] {strides = array<i32>} : memref<2048xf32, #tpu.memory_space<vmem>>, vector<16xf32>,
        %get3A_572 = arith.constant 0 : i32
        %get3A_573 = arith.index_cast %get3A_572 : i32 to index
        %get3A_574 = arith.index_cast %mul3A_569 : i32 to index
        %get3A_575 = tpu.vector_load %arg7[%get3A_573, %get3A_574] {strides = array<i32>} : memref<16x2048xf32, #tpu.memory_space<vmem>>, vector<16xf32>,
        %mul3A_576 = arith.mulf %get3A_575, %get3A_571 : vector<16xf32>
        %add3A_577 = arith.addf %scan3A_517, %mul3A_576 : vector<16xf32>
        %get3A_578 = arith.constant 1 : i32
        %get3A_579 = arith.index_cast %get3A_578 : i32 to index
        %get3A_580 = arith.index_cast %mul3A_569 : i32 to index
        %get3A_581 = tpu.vector_load %arg7[%get3A_579, %get3A_580] {strides = array<i32>} : memref<16x2048xf32, #tpu.memory_space<vmem>>, vector<16xf32>,
        %mul3A_582 = arith.mulf %get3A_581, %get3A_571 : vector<16xf32>
        %add3A_583 = arith.addf %scan3A_521, %mul3A_582 : vector<16xf32>
        %get3A_584 = arith.constant 2 : i32
        %get3A_585 = arith.index_cast %get3A_584 : i32 to index
        %get3A_586 = arith.index_cast %mul3A_569 : i32 to index
        %get3A_587 = tpu.vector_load %arg7[%get3A_585, %get3A_586] {strides = array<i32>} : memref<16x2048xf32, #tpu.memory_space<vmem>>, vector<16xf32>,
        %mul3A_588 = arith.mulf %get3A_587, %get3A_571 : vector<16xf32>
        %add3A_589 = arith.addf %scan3A_525, %mul3A_588 : vector<16xf32>
        %get3A_590 = arith.constant 3 : i32
        %get3A_591 = arith.index_cast %get3A_590 : i32 to index
        %get3A_592 = arith.index_cast %mul3A_569 : i32 to index
        %get3A_593 = tpu.vector_load %arg7[%get3A_591, %get3A_592] {strides = array<i32>} : memref<16x2048xf32, #tpu.memory_space<vmem>>, vector<16xf32>,
        %mul3A_594 = arith.mulf %get3A_593, %get3A_571 : vector<16xf32>
        %add3A_595 = arith.addf %scan3A_529, %mul3A_594 : vector<16xf32>
        %mul3A_596 = arith.constant 4 : i32
        %mul3A_597 = arith.muli %scan3A_515, %mul3A_596 : i32
        %add3A_598 = arith.constant 2 : i32
        %add3A_599 = arith.addi %mul3A_597, %add3A_598 : i32
        %mul3A_600 = arith.constant 16 : i32
        %mul3A_601 = arith.muli %add3A_599, %mul3A_600 : i32
        %get3A_602 = arith.index_cast %mul3A_601 : i32 to index
        %get3A_603 = tpu.vector_load %arg8[%get3A_602] {strides = array<i32>} : memref<2048xf32, #tpu.memory_space<vmem>>, vector<16xf32>,
        %get3A_604 = arith.constant 0 : i32
        %get3A_605 = arith.index_cast %get3A_604 : i32 to index
        %get3A_606 = arith.index_cast %mul3A_601 : i32 to index
        %get3A_607 = tpu.vector_load %arg7[%get3A_605, %get3A_606] {strides = array<i32>} : memref<16x2048xf32, #tpu.memory_space<vmem>>, vector<16xf32>,
        %mul3A_608 = arith.mulf %get3A_607, %get3A_603 : vector<16xf32>
        %add3A_609 = arith.addf %scan3A_518, %mul3A_608 : vector<16xf32>
        %get3A_610 = arith.constant 1 : i32
        %get3A_611 = arith.index_cast %get3A_610 : i32 to index
        %get3A_612 = arith.index_cast %mul3A_601 : i32 to index
        %get3A_613 = tpu.vector_load %arg7[%get3A_611, %get3A_612] {strides = array<i32>} : memref<16x2048xf32, #tpu.memory_space<vmem>>, vector<16xf32>,
        %mul3A_614 = arith.mulf %get3A_613, %get3A_603 : vector<16xf32>
        %add3A_615 = arith.addf %scan3A_522, %mul3A_614 : vector<16xf32>
        %get3A_616 = arith.constant 2 : i32
        %get3A_617 = arith.index_cast %get3A_616 : i32 to index
        %get3A_618 = arith.index_cast %mul3A_601 : i32 to index
        %get3A_619 = tpu.vector_load %arg7[%get3A_617, %get3A_618] {strides = array<i32>} : memref<16x2048xf32, #tpu.memory_space<vmem>>, vector<16xf32>,
        %mul3A_620 = arith.mulf %get3A_619, %get3A_603 : vector<16xf32>
        %add3A_621 = arith.addf %scan3A_526, %mul3A_620 : vector<16xf32>
        %get3A_622 = arith.constant 3 : i32
        %get3A_623 = arith.index_cast %get3A_622 : i32 to index
        %get3A_624 = arith.index_cast %mul3A_601 : i32 to index
        %get3A_625 = tpu.vector_load %arg7[%get3A_623, %get3A_624] {strides = array<i32>} : memref<16x2048xf32, #tpu.memory_space<vmem>>, vector<16xf32>,
        %mul3A_626 = arith.mulf %get3A_625, %get3A_603 : vector<16xf32>
        %add3A_627 = arith.addf %scan3A_530, %mul3A_626 : vector<16xf32>
        %mul3A_628 = arith.constant 4 : i32
        %mul3A_629 = arith.muli %scan3A_515, %mul3A_628 : i32
        %add3A_630 = arith.constant 3 : i32
        %add3A_631 = arith.addi %mul3A_629, %add3A_630 : i32
        %mul3A_632 = arith.constant 16 : i32
        %mul3A_633 = arith.muli %add3A_631, %mul3A_632 : i32
        %get3A_634 = arith.index_cast %mul3A_633 : i32 to index
        %get3A_635 = tpu.vector_load %arg8[%get3A_634] {strides = array<i32>} : memref<2048xf32, #tpu.memory_space<vmem>>, vector<16xf32>,
        %get3A_636 = arith.constant 0 : i32
        %get3A_637 = arith.index_cast %get3A_636 : i32 to index
        %get3A_638 = arith.index_cast %mul3A_633 : i32 to index
        %get3A_639 = tpu.vector_load %arg7[%get3A_637, %get3A_638] {strides = array<i32>} : memref<16x2048xf32, #tpu.memory_space<vmem>>, vector<16xf32>,
        %mul3A_640 = arith.mulf %get3A_639, %get3A_635 : vector<16xf32>
        %add3A_641 = arith.addf %scan3A_519, %mul3A_640 : vector<16xf32>
        %get3A_642 = arith.constant 1 : i32
        %get3A_643 = arith.index_cast %get3A_642 : i32 to index
        %get3A_644 = arith.index_cast %mul3A_633 : i32 to index
        %get3A_645 = tpu.vector_load %arg7[%get3A_643, %get3A_644] {strides = array<i32>} : memref<16x2048xf32, #tpu.memory_space<vmem>>, vector<16xf32>,
        %mul3A_646 = arith.mulf %get3A_645, %get3A_635 : vector<16xf32>
        %add3A_647 = arith.addf %scan3A_523, %mul3A_646 : vector<16xf32>
        %get3A_648 = arith.constant 2 : i32
        %get3A_649 = arith.index_cast %get3A_648 : i32 to index
        %get3A_650 = arith.index_cast %mul3A_633 : i32 to index
        %get3A_651 = tpu.vector_load %arg7[%get3A_649, %get3A_650] {strides = array<i32>} : memref<16x2048xf32, #tpu.memory_space<vmem>>, vector<16xf32>,
        %mul3A_652 = arith.mulf %get3A_651, %get3A_635 : vector<16xf32>
        %add3A_653 = arith.addf %scan3A_527, %mul3A_652 : vector<16xf32>
        %get3A_654 = arith.constant 3 : i32
        %get3A_655 = arith.index_cast %get3A_654 : i32 to index
        %get3A_656 = arith.index_cast %mul3A_633 : i32 to index
        %get3A_657 = tpu.vector_load %arg7[%get3A_655, %get3A_656] {strides = array<i32>} : memref<16x2048xf32, #tpu.memory_space<vmem>>, vector<16xf32>,
        %mul3A_658 = arith.mulf %get3A_657, %get3A_635 : vector<16xf32>
        %add3A_659 = arith.addf %scan3A_531, %mul3A_658 : vector<16xf32>
        scf.yield %add3A_545, %add3A_577, %add3A_609, %add3A_641, %add3A_551, %add3A_583, %add3A_615, %add3A_647, %add3A_557, %add3A_589, %add3A_621, %add3A_653, %add3A_563, %add3A_595, %add3A_627, %add3A_659 : vector<16xf32>, vector<16xf32>, vector<16xf32>, vector<16xf32>, vector<16xf32>, vector<16xf32>, vector<16xf32>, vector<16xf32>, vector<16xf32>, vector<16xf32>, vector<16xf32>, vector<16xf32>, vector<16xf32>, vector<16xf32>, vector<16xf32>, vector<16xf32>
      }
      %scan3A_281 = arith.constant 32 : i32
      %add3A_282 = arith.addf %scan3A_280#0, %scan3A_280#1 : vector<16xf32>
      %add3A_283 = arith.addf %scan3A_280#2, %scan3A_280#3 : vector<16xf32>
      %add3A_284 = arith.addf %add3A_282, %add3A_283 : vector<16xf32>
      %reduce_sum3A_285 = arith.constant true
      %reduce_sum3A_286 = vector.broadcast %reduce_sum3A_285 : i1 to vector<16xi1>
      %reduce_sum3A_287 = tpu.scan <sum>, %add3A_284 masked %reduce_sum3A_286 : vector<16xf32>, vector<16xi1> -> vector<16xf32>
      %reduce_sum3A_288 = vector.extract %reduce_sum3A_287[15] : f32 from vector<16xf32>
      %eq3A_289 = arith.constant 0 : i32
      %eq3A_290 = vector.broadcast %eq3A_289 : i32 to vector<16xi32>
      %eq3A_291 = arith.cmpi eq, %iota3A, %eq3A_290 : vector<16xi32>
      %broadcast_in_dim3A_292 = vector.broadcast %reduce_sum3A_288 : f32 to vector<16xf32>
      %select_n3A_293 = arith.select %eq3A_291, %broadcast_in_dim3A_292, %broadcast_in_dim3A_273 : vector<16xi1>, vector<16xf32>
      %add3A_294 = arith.addf %scan3A_280#4, %scan3A_280#5 : vector<16xf32>
      %add3A_295 = arith.addf %scan3A_280#6, %scan3A_280#7 : vector<16xf32>
      %add3A_296 = arith.addf %add3A_294, %add3A_295 : vector<16xf32>
      %reduce_sum3A_297 = arith.constant true
      %reduce_sum3A_298 = vector.broadcast %reduce_sum3A_297 : i1 to vector<16xi1>
      %reduce_sum3A_299 = tpu.scan <sum>, %add3A_296 masked %reduce_sum3A_298 : vector<16xf32>, vector<16xi1> -> vector<16xf32>
      %reduce_sum3A_300 = vector.extract %reduce_sum3A_299[15] : f32 from vector<16xf32>
      %eq3A_301 = arith.constant 1 : i32
      %eq3A_302 = vector.broadcast %eq3A_301 : i32 to vector<16xi32>
      %eq3A_303 = arith.cmpi eq, %iota3A, %eq3A_302 : vector<16xi32>
      %broadcast_in_dim3A_304 = vector.broadcast %reduce_sum3A_300 : f32 to vector<16xf32>
      %select_n3A_305 = arith.select %eq3A_303, %broadcast_in_dim3A_304, %select_n3A_293 : vector<16xi1>, vector<16xf32>
      %add3A_306 = arith.addf %scan3A_280#8, %scan3A_280#9 : vector<16xf32>
      %add3A_307 = arith.addf %scan3A_280#10, %scan3A_280#11 : vector<16xf32>
      %add3A_308 = arith.addf %add3A_306, %add3A_307 : vector<16xf32>
      %reduce_sum3A_309 = arith.constant true
      %reduce_sum3A_310 = vector.broadcast %reduce_sum3A_309 : i1 to vector<16xi1>
      %reduce_sum3A_311 = tpu.scan <sum>, %add3A_308 masked %reduce_sum3A_310 : vector<16xf32>, vector<16xi1> -> vector<16xf32>
      %reduce_sum3A_312 = vector.extract %reduce_sum3A_311[15] : f32 from vector<16xf32>
      %eq3A_313 = arith.constant 2 : i32
      %eq3A_314 = vector.broadcast %eq3A_313 : i32 to vector<16xi32>
      %eq3A_315 = arith.cmpi eq, %iota3A, %eq3A_314 : vector<16xi32>
      %broadcast_in_dim3A_316 = vector.broadcast %reduce_sum3A_312 : f32 to vector<16xf32>
      %select_n3A_317 = arith.select %eq3A_315, %broadcast_in_dim3A_316, %select_n3A_305 : vector<16xi1>, vector<16xf32>
      %add3A_318 = arith.addf %scan3A_280#12, %scan3A_280#13 : vector<16xf32>
      %add3A_319 = arith.addf %scan3A_280#14, %scan3A_280#15 : vector<16xf32>
      %add3A_320 = arith.addf %add3A_318, %add3A_319 : vector<16xf32>
      %reduce_sum3A_321 = arith.constant true
      %reduce_sum3A_322 = vector.broadcast %reduce_sum3A_321 : i1 to vector<16xi1>
      %reduce_sum3A_323 = tpu.scan <sum>, %add3A_320 masked %reduce_sum3A_322 : vector<16xf32>, vector<16xi1> -> vector<16xf32>
      %reduce_sum3A_324 = vector.extract %reduce_sum3A_323[15] : f32 from vector<16xf32>
      %eq3A_325 = arith.constant 3 : i32
      %eq3A_326 = vector.broadcast %eq3A_325 : i32 to vector<16xi32>
      %eq3A_327 = arith.cmpi eq, %iota3A, %eq3A_326 : vector<16xi32>
      %broadcast_in_dim3A_328 = vector.broadcast %reduce_sum3A_324 : f32 to vector<16xf32>
      %select_n3A_329 = arith.select %eq3A_327, %broadcast_in_dim3A_328, %select_n3A_317 : vector<16xi1>, vector<16xf32>
      %broadcast_in_dim3A_330 = arith.constant 0.000000e+00 : f32
      %broadcast_in_dim3A_331 = vector.broadcast %broadcast_in_dim3A_330 : f32 to vector<16xf32>
      %scan3A_332 = arith.constant 0 : i32
      %scan3A_333 = arith.constant 32 : i32
      %scan3A_334 = arith.addi %scan3A_332, %scan3A_333 : i32
      %scan3A_335 = arith.constant 1 : i32
      %scan3A_336:16 = scf.for %scan3A_515 = %scan3A_332 to %scan3A_334 step %scan3A_335 iter_args(%scan3A_516 = %broadcast_in_dim3A_331, %scan3A_517 = %broadcast_in_dim3A_331, %scan3A_518 = %broadcast_in_dim3A_331, %scan3A_519 = %broadcast_in_dim3A_331, %scan3A_520 = %broadcast_in_dim3A_331, %scan3A_521 = %broadcast_in_dim3A_331, %scan3A_522 = %broadcast_in_dim3A_331, %scan3A_523 = %broadcast_in_dim3A_331, %scan3A_524 = %broadcast_in_dim3A_331, %scan3A_525 = %broadcast_in_dim3A_331, %scan3A_526 = %broadcast_in_dim3A_331, %scan3A_527 = %broadcast_in_dim3A_331, %scan3A_528 = %broadcast_in_dim3A_331, %scan3A_529 = %broadcast_in_dim3A_331, %scan3A_530 = %broadcast_in_dim3A_331, %scan3A_531 = %broadcast_in_dim3A_331) -> (vector<16xf32>, vector<16xf32>, vector<16xf32>, vector<16xf32>, vector<16xf32>, vector<16xf32>, vector<16xf32>, vector<16xf32>, vector<16xf32>, vector<16xf32>, vector<16xf32>, vector<16xf32>, vector<16xf32>, vector<16xf32>, vector<16xf32>, vector<16xf32>)  : i32 {
        %mul3A_532 = arith.constant 4 : i32
        %mul3A_533 = arith.muli %scan3A_515, %mul3A_532 : i32
        %add3A_534 = arith.constant 0 : i32
        %add3A_535 = arith.addi %mul3A_533, %add3A_534 : i32
        %mul3A_536 = arith.constant 16 : i32
        %mul3A_537 = arith.muli %add3A_535, %mul3A_536 : i32
        %get3A_538 = arith.index_cast %mul3A_537 : i32 to index
        %get3A_539 = tpu.vector_load %arg8[%get3A_538] {strides = array<i32>} : memref<2048xf32, #tpu.memory_space<vmem>>, vector<16xf32>,
        %get3A_540 = arith.constant 4 : i32
        %get3A_541 = arith.index_cast %get3A_540 : i32 to index
        %get3A_542 = arith.index_cast %mul3A_537 : i32 to index
        %get3A_543 = tpu.vector_load %arg7[%get3A_541, %get3A_542] {strides = array<i32>} : memref<16x2048xf32, #tpu.memory_space<vmem>>, vector<16xf32>,
        %mul3A_544 = arith.mulf %get3A_543, %get3A_539 : vector<16xf32>
        %add3A_545 = arith.addf %scan3A_516, %mul3A_544 : vector<16xf32>
        %get3A_546 = arith.constant 5 : i32
        %get3A_547 = arith.index_cast %get3A_546 : i32 to index
        %get3A_548 = arith.index_cast %mul3A_537 : i32 to index
        %get3A_549 = tpu.vector_load %arg7[%get3A_547, %get3A_548] {strides = array<i32>} : memref<16x2048xf32, #tpu.memory_space<vmem>>, vector<16xf32>,
        %mul3A_550 = arith.mulf %get3A_549, %get3A_539 : vector<16xf32>
        %add3A_551 = arith.addf %scan3A_520, %mul3A_550 : vector<16xf32>
        %get3A_552 = arith.constant 6 : i32
        %get3A_553 = arith.index_cast %get3A_552 : i32 to index
        %get3A_554 = arith.index_cast %mul3A_537 : i32 to index
        %get3A_555 = tpu.vector_load %arg7[%get3A_553, %get3A_554] {strides = array<i32>} : memref<16x2048xf32, #tpu.memory_space<vmem>>, vector<16xf32>,
        %mul3A_556 = arith.mulf %get3A_555, %get3A_539 : vector<16xf32>
        %add3A_557 = arith.addf %scan3A_524, %mul3A_556 : vector<16xf32>
        %get3A_558 = arith.constant 7 : i32
        %get3A_559 = arith.index_cast %get3A_558 : i32 to index
        %get3A_560 = arith.index_cast %mul3A_537 : i32 to index
        %get3A_561 = tpu.vector_load %arg7[%get3A_559, %get3A_560] {strides = array<i32>} : memref<16x2048xf32, #tpu.memory_space<vmem>>, vector<16xf32>,
        %mul3A_562 = arith.mulf %get3A_561, %get3A_539 : vector<16xf32>
        %add3A_563 = arith.addf %scan3A_528, %mul3A_562 : vector<16xf32>
        %mul3A_564 = arith.constant 4 : i32
        %mul3A_565 = arith.muli %scan3A_515, %mul3A_564 : i32
        %add3A_566 = arith.constant 1 : i32
        %add3A_567 = arith.addi %mul3A_565, %add3A_566 : i32
        %mul3A_568 = arith.constant 16 : i32
        %mul3A_569 = arith.muli %add3A_567, %mul3A_568 : i32
        %get3A_570 = arith.index_cast %mul3A_569 : i32 to index
        %get3A_571 = tpu.vector_load %arg8[%get3A_570] {strides = array<i32>} : memref<2048xf32, #tpu.memory_space<vmem>>, vector<16xf32>,
        %get3A_572 = arith.constant 4 : i32
        %get3A_573 = arith.index_cast %get3A_572 : i32 to index
        %get3A_574 = arith.index_cast %mul3A_569 : i32 to index
        %get3A_575 = tpu.vector_load %arg7[%get3A_573, %get3A_574] {strides = array<i32>} : memref<16x2048xf32, #tpu.memory_space<vmem>>, vector<16xf32>,
        %mul3A_576 = arith.mulf %get3A_575, %get3A_571 : vector<16xf32>
        %add3A_577 = arith.addf %scan3A_517, %mul3A_576 : vector<16xf32>
        %get3A_578 = arith.constant 5 : i32
        %get3A_579 = arith.index_cast %get3A_578 : i32 to index
        %get3A_580 = arith.index_cast %mul3A_569 : i32 to index
        %get3A_581 = tpu.vector_load %arg7[%get3A_579, %get3A_580] {strides = array<i32>} : memref<16x2048xf32, #tpu.memory_space<vmem>>, vector<16xf32>,
        %mul3A_582 = arith.mulf %get3A_581, %get3A_571 : vector<16xf32>
        %add3A_583 = arith.addf %scan3A_521, %mul3A_582 : vector<16xf32>
        %get3A_584 = arith.constant 6 : i32
        %get3A_585 = arith.index_cast %get3A_584 : i32 to index
        %get3A_586 = arith.index_cast %mul3A_569 : i32 to index
        %get3A_587 = tpu.vector_load %arg7[%get3A_585, %get3A_586] {strides = array<i32>} : memref<16x2048xf32, #tpu.memory_space<vmem>>, vector<16xf32>,
        %mul3A_588 = arith.mulf %get3A_587, %get3A_571 : vector<16xf32>
        %add3A_589 = arith.addf %scan3A_525, %mul3A_588 : vector<16xf32>
        %get3A_590 = arith.constant 7 : i32
        %get3A_591 = arith.index_cast %get3A_590 : i32 to index
        %get3A_592 = arith.index_cast %mul3A_569 : i32 to index
        %get3A_593 = tpu.vector_load %arg7[%get3A_591, %get3A_592] {strides = array<i32>} : memref<16x2048xf32, #tpu.memory_space<vmem>>, vector<16xf32>,
        %mul3A_594 = arith.mulf %get3A_593, %get3A_571 : vector<16xf32>
        %add3A_595 = arith.addf %scan3A_529, %mul3A_594 : vector<16xf32>
        %mul3A_596 = arith.constant 4 : i32
        %mul3A_597 = arith.muli %scan3A_515, %mul3A_596 : i32
        %add3A_598 = arith.constant 2 : i32
        %add3A_599 = arith.addi %mul3A_597, %add3A_598 : i32
        %mul3A_600 = arith.constant 16 : i32
        %mul3A_601 = arith.muli %add3A_599, %mul3A_600 : i32
        %get3A_602 = arith.index_cast %mul3A_601 : i32 to index
        %get3A_603 = tpu.vector_load %arg8[%get3A_602] {strides = array<i32>} : memref<2048xf32, #tpu.memory_space<vmem>>, vector<16xf32>,
        %get3A_604 = arith.constant 4 : i32
        %get3A_605 = arith.index_cast %get3A_604 : i32 to index
        %get3A_606 = arith.index_cast %mul3A_601 : i32 to index
        %get3A_607 = tpu.vector_load %arg7[%get3A_605, %get3A_606] {strides = array<i32>} : memref<16x2048xf32, #tpu.memory_space<vmem>>, vector<16xf32>,
        %mul3A_608 = arith.mulf %get3A_607, %get3A_603 : vector<16xf32>
        %add3A_609 = arith.addf %scan3A_518, %mul3A_608 : vector<16xf32>
        %get3A_610 = arith.constant 5 : i32
        %get3A_611 = arith.index_cast %get3A_610 : i32 to index
        %get3A_612 = arith.index_cast %mul3A_601 : i32 to index
        %get3A_613 = tpu.vector_load %arg7[%get3A_611, %get3A_612] {strides = array<i32>} : memref<16x2048xf32, #tpu.memory_space<vmem>>, vector<16xf32>,
        %mul3A_614 = arith.mulf %get3A_613, %get3A_603 : vector<16xf32>
        %add3A_615 = arith.addf %scan3A_522, %mul3A_614 : vector<16xf32>
        %get3A_616 = arith.constant 6 : i32
        %get3A_617 = arith.index_cast %get3A_616 : i32 to index
        %get3A_618 = arith.index_cast %mul3A_601 : i32 to index
        %get3A_619 = tpu.vector_load %arg7[%get3A_617, %get3A_618] {strides = array<i32>} : memref<16x2048xf32, #tpu.memory_space<vmem>>, vector<16xf32>,
        %mul3A_620 = arith.mulf %get3A_619, %get3A_603 : vector<16xf32>
        %add3A_621 = arith.addf %scan3A_526, %mul3A_620 : vector<16xf32>
        %get3A_622 = arith.constant 7 : i32
        %get3A_623 = arith.index_cast %get3A_622 : i32 to index
        %get3A_624 = arith.index_cast %mul3A_601 : i32 to index
        %get3A_625 = tpu.vector_load %arg7[%get3A_623, %get3A_624] {strides = array<i32>} : memref<16x2048xf32, #tpu.memory_space<vmem>>, vector<16xf32>,
        %mul3A_626 = arith.mulf %get3A_625, %get3A_603 : vector<16xf32>
        %add3A_627 = arith.addf %scan3A_530, %mul3A_626 : vector<16xf32>
        %mul3A_628 = arith.constant 4 : i32
        %mul3A_629 = arith.muli %scan3A_515, %mul3A_628 : i32
        %add3A_630 = arith.constant 3 : i32
        %add3A_631 = arith.addi %mul3A_629, %add3A_630 : i32
        %mul3A_632 = arith.constant 16 : i32
        %mul3A_633 = arith.muli %add3A_631, %mul3A_632 : i32
        %get3A_634 = arith.index_cast %mul3A_633 : i32 to index
        %get3A_635 = tpu.vector_load %arg8[%get3A_634] {strides = array<i32>} : memref<2048xf32, #tpu.memory_space<vmem>>, vector<16xf32>,
        %get3A_636 = arith.constant 4 : i32
        %get3A_637 = arith.index_cast %get3A_636 : i32 to index
        %get3A_638 = arith.index_cast %mul3A_633 : i32 to index
        %get3A_639 = tpu.vector_load %arg7[%get3A_637, %get3A_638] {strides = array<i32>} : memref<16x2048xf32, #tpu.memory_space<vmem>>, vector<16xf32>,
        %mul3A_640 = arith.mulf %get3A_639, %get3A_635 : vector<16xf32>
        %add3A_641 = arith.addf %scan3A_519, %mul3A_640 : vector<16xf32>
        %get3A_642 = arith.constant 5 : i32
        %get3A_643 = arith.index_cast %get3A_642 : i32 to index
        %get3A_644 = arith.index_cast %mul3A_633 : i32 to index
        %get3A_645 = tpu.vector_load %arg7[%get3A_643, %get3A_644] {strides = array<i32>} : memref<16x2048xf32, #tpu.memory_space<vmem>>, vector<16xf32>,
        %mul3A_646 = arith.mulf %get3A_645, %get3A_635 : vector<16xf32>
        %add3A_647 = arith.addf %scan3A_523, %mul3A_646 : vector<16xf32>
        %get3A_648 = arith.constant 6 : i32
        %get3A_649 = arith.index_cast %get3A_648 : i32 to index
        %get3A_650 = arith.index_cast %mul3A_633 : i32 to index
        %get3A_651 = tpu.vector_load %arg7[%get3A_649, %get3A_650] {strides = array<i32>} : memref<16x2048xf32, #tpu.memory_space<vmem>>, vector<16xf32>,
        %mul3A_652 = arith.mulf %get3A_651, %get3A_635 : vector<16xf32>
        %add3A_653 = arith.addf %scan3A_527, %mul3A_652 : vector<16xf32>
        %get3A_654 = arith.constant 7 : i32
        %get3A_655 = arith.index_cast %get3A_654 : i32 to index
        %get3A_656 = arith.index_cast %mul3A_633 : i32 to index
        %get3A_657 = tpu.vector_load %arg7[%get3A_655, %get3A_656] {strides = array<i32>} : memref<16x2048xf32, #tpu.memory_space<vmem>>, vector<16xf32>,
        %mul3A_658 = arith.mulf %get3A_657, %get3A_635 : vector<16xf32>
        %add3A_659 = arith.addf %scan3A_531, %mul3A_658 : vector<16xf32>
        scf.yield %add3A_545, %add3A_577, %add3A_609, %add3A_641, %add3A_551, %add3A_583, %add3A_615, %add3A_647, %add3A_557, %add3A_589, %add3A_621, %add3A_653, %add3A_563, %add3A_595, %add3A_627, %add3A_659 : vector<16xf32>, vector<16xf32>, vector<16xf32>, vector<16xf32>, vector<16xf32>, vector<16xf32>, vector<16xf32>, vector<16xf32>, vector<16xf32>, vector<16xf32>, vector<16xf32>, vector<16xf32>, vector<16xf32>, vector<16xf32>, vector<16xf32>, vector<16xf32>
      }
      %scan3A_337 = arith.constant 32 : i32
      %add3A_338 = arith.addf %scan3A_336#0, %scan3A_336#1 : vector<16xf32>
      %add3A_339 = arith.addf %scan3A_336#2, %scan3A_336#3 : vector<16xf32>
      %add3A_340 = arith.addf %add3A_338, %add3A_339 : vector<16xf32>
      %reduce_sum3A_341 = arith.constant true
      %reduce_sum3A_342 = vector.broadcast %reduce_sum3A_341 : i1 to vector<16xi1>
      %reduce_sum3A_343 = tpu.scan <sum>, %add3A_340 masked %reduce_sum3A_342 : vector<16xf32>, vector<16xi1> -> vector<16xf32>
      %reduce_sum3A_344 = vector.extract %reduce_sum3A_343[15] : f32 from vector<16xf32>
      %eq3A_345 = arith.constant 4 : i32
      %eq3A_346 = vector.broadcast %eq3A_345 : i32 to vector<16xi32>
      %eq3A_347 = arith.cmpi eq, %iota3A, %eq3A_346 : vector<16xi32>
      %broadcast_in_dim3A_348 = vector.broadcast %reduce_sum3A_344 : f32 to vector<16xf32>
      %select_n3A_349 = arith.select %eq3A_347, %broadcast_in_dim3A_348, %select_n3A_329 : vector<16xi1>, vector<16xf32>
      %add3A_350 = arith.addf %scan3A_336#4, %scan3A_336#5 : vector<16xf32>
      %add3A_351 = arith.addf %scan3A_336#6, %scan3A_336#7 : vector<16xf32>
      %add3A_352 = arith.addf %add3A_350, %add3A_351 : vector<16xf32>
      %reduce_sum3A_353 = arith.constant true
      %reduce_sum3A_354 = vector.broadcast %reduce_sum3A_353 : i1 to vector<16xi1>
      %reduce_sum3A_355 = tpu.scan <sum>, %add3A_352 masked %reduce_sum3A_354 : vector<16xf32>, vector<16xi1> -> vector<16xf32>
      %reduce_sum3A_356 = vector.extract %reduce_sum3A_355[15] : f32 from vector<16xf32>
      %eq3A_357 = arith.constant 5 : i32
      %eq3A_358 = vector.broadcast %eq3A_357 : i32 to vector<16xi32>
      %eq3A_359 = arith.cmpi eq, %iota3A, %eq3A_358 : vector<16xi32>
      %broadcast_in_dim3A_360 = vector.broadcast %reduce_sum3A_356 : f32 to vector<16xf32>
      %select_n3A_361 = arith.select %eq3A_359, %broadcast_in_dim3A_360, %select_n3A_349 : vector<16xi1>, vector<16xf32>
      %add3A_362 = arith.addf %scan3A_336#8, %scan3A_336#9 : vector<16xf32>
      %add3A_363 = arith.addf %scan3A_336#10, %scan3A_336#11 : vector<16xf32>
      %add3A_364 = arith.addf %add3A_362, %add3A_363 : vector<16xf32>
      %reduce_sum3A_365 = arith.constant true
      %reduce_sum3A_366 = vector.broadcast %reduce_sum3A_365 : i1 to vector<16xi1>
      %reduce_sum3A_367 = tpu.scan <sum>, %add3A_364 masked %reduce_sum3A_366 : vector<16xf32>, vector<16xi1> -> vector<16xf32>
      %reduce_sum3A_368 = vector.extract %reduce_sum3A_367[15] : f32 from vector<16xf32>
      %eq3A_369 = arith.constant 6 : i32
      %eq3A_370 = vector.broadcast %eq3A_369 : i32 to vector<16xi32>
      %eq3A_371 = arith.cmpi eq, %iota3A, %eq3A_370 : vector<16xi32>
      %broadcast_in_dim3A_372 = vector.broadcast %reduce_sum3A_368 : f32 to vector<16xf32>
      %select_n3A_373 = arith.select %eq3A_371, %broadcast_in_dim3A_372, %select_n3A_361 : vector<16xi1>, vector<16xf32>
      %add3A_374 = arith.addf %scan3A_336#12, %scan3A_336#13 : vector<16xf32>
      %add3A_375 = arith.addf %scan3A_336#14, %scan3A_336#15 : vector<16xf32>
      %add3A_376 = arith.addf %add3A_374, %add3A_375 : vector<16xf32>
      %reduce_sum3A_377 = arith.constant true
      %reduce_sum3A_378 = vector.broadcast %reduce_sum3A_377 : i1 to vector<16xi1>
      %reduce_sum3A_379 = tpu.scan <sum>, %add3A_376 masked %reduce_sum3A_378 : vector<16xf32>, vector<16xi1> -> vector<16xf32>
      %reduce_sum3A_380 = vector.extract %reduce_sum3A_379[15] : f32 from vector<16xf32>
      %eq3A_381 = arith.constant 7 : i32
      %eq3A_382 = vector.broadcast %eq3A_381 : i32 to vector<16xi32>
      %eq3A_383 = arith.cmpi eq, %iota3A, %eq3A_382 : vector<16xi32>
      %broadcast_in_dim3A_384 = vector.broadcast %reduce_sum3A_380 : f32 to vector<16xf32>
      %select_n3A_385 = arith.select %eq3A_383, %broadcast_in_dim3A_384, %select_n3A_373 : vector<16xi1>, vector<16xf32>
      %broadcast_in_dim3A_386 = arith.constant 0.000000e+00 : f32
      %broadcast_in_dim3A_387 = vector.broadcast %broadcast_in_dim3A_386 : f32 to vector<16xf32>
      %scan3A_388 = arith.constant 0 : i32
      %scan3A_389 = arith.constant 32 : i32
      %scan3A_390 = arith.addi %scan3A_388, %scan3A_389 : i32
      %scan3A_391 = arith.constant 1 : i32
      %scan3A_392:16 = scf.for %scan3A_515 = %scan3A_388 to %scan3A_390 step %scan3A_391 iter_args(%scan3A_516 = %broadcast_in_dim3A_387, %scan3A_517 = %broadcast_in_dim3A_387, %scan3A_518 = %broadcast_in_dim3A_387, %scan3A_519 = %broadcast_in_dim3A_387, %scan3A_520 = %broadcast_in_dim3A_387, %scan3A_521 = %broadcast_in_dim3A_387, %scan3A_522 = %broadcast_in_dim3A_387, %scan3A_523 = %broadcast_in_dim3A_387, %scan3A_524 = %broadcast_in_dim3A_387, %scan3A_525 = %broadcast_in_dim3A_387, %scan3A_526 = %broadcast_in_dim3A_387, %scan3A_527 = %broadcast_in_dim3A_387, %scan3A_528 = %broadcast_in_dim3A_387, %scan3A_529 = %broadcast_in_dim3A_387, %scan3A_530 = %broadcast_in_dim3A_387, %scan3A_531 = %broadcast_in_dim3A_387) -> (vector<16xf32>, vector<16xf32>, vector<16xf32>, vector<16xf32>, vector<16xf32>, vector<16xf32>, vector<16xf32>, vector<16xf32>, vector<16xf32>, vector<16xf32>, vector<16xf32>, vector<16xf32>, vector<16xf32>, vector<16xf32>, vector<16xf32>, vector<16xf32>)  : i32 {
        %mul3A_532 = arith.constant 4 : i32
        %mul3A_533 = arith.muli %scan3A_515, %mul3A_532 : i32
        %add3A_534 = arith.constant 0 : i32
        %add3A_535 = arith.addi %mul3A_533, %add3A_534 : i32
        %mul3A_536 = arith.constant 16 : i32
        %mul3A_537 = arith.muli %add3A_535, %mul3A_536 : i32
        %get3A_538 = arith.index_cast %mul3A_537 : i32 to index
        %get3A_539 = tpu.vector_load %arg8[%get3A_538] {strides = array<i32>} : memref<2048xf32, #tpu.memory_space<vmem>>, vector<16xf32>,
        %get3A_540 = arith.constant 8 : i32
        %get3A_541 = arith.index_cast %get3A_540 : i32 to index
        %get3A_542 = arith.index_cast %mul3A_537 : i32 to index
        %get3A_543 = tpu.vector_load %arg7[%get3A_541, %get3A_542] {strides = array<i32>} : memref<16x2048xf32, #tpu.memory_space<vmem>>, vector<16xf32>,
        %mul3A_544 = arith.mulf %get3A_543, %get3A_539 : vector<16xf32>
        %add3A_545 = arith.addf %scan3A_516, %mul3A_544 : vector<16xf32>
        %get3A_546 = arith.constant 9 : i32
        %get3A_547 = arith.index_cast %get3A_546 : i32 to index
        %get3A_548 = arith.index_cast %mul3A_537 : i32 to index
        %get3A_549 = tpu.vector_load %arg7[%get3A_547, %get3A_548] {strides = array<i32>} : memref<16x2048xf32, #tpu.memory_space<vmem>>, vector<16xf32>,
        %mul3A_550 = arith.mulf %get3A_549, %get3A_539 : vector<16xf32>
        %add3A_551 = arith.addf %scan3A_520, %mul3A_550 : vector<16xf32>
        %get3A_552 = arith.constant 10 : i32
        %get3A_553 = arith.index_cast %get3A_552 : i32 to index
        %get3A_554 = arith.index_cast %mul3A_537 : i32 to index
        %get3A_555 = tpu.vector_load %arg7[%get3A_553, %get3A_554] {strides = array<i32>} : memref<16x2048xf32, #tpu.memory_space<vmem>>, vector<16xf32>,
        %mul3A_556 = arith.mulf %get3A_555, %get3A_539 : vector<16xf32>
        %add3A_557 = arith.addf %scan3A_524, %mul3A_556 : vector<16xf32>
        %get3A_558 = arith.constant 11 : i32
        %get3A_559 = arith.index_cast %get3A_558 : i32 to index
        %get3A_560 = arith.index_cast %mul3A_537 : i32 to index
        %get3A_561 = tpu.vector_load %arg7[%get3A_559, %get3A_560] {strides = array<i32>} : memref<16x2048xf32, #tpu.memory_space<vmem>>, vector<16xf32>,
        %mul3A_562 = arith.mulf %get3A_561, %get3A_539 : vector<16xf32>
        %add3A_563 = arith.addf %scan3A_528, %mul3A_562 : vector<16xf32>
        %mul3A_564 = arith.constant 4 : i32
        %mul3A_565 = arith.muli %scan3A_515, %mul3A_564 : i32
        %add3A_566 = arith.constant 1 : i32
        %add3A_567 = arith.addi %mul3A_565, %add3A_566 : i32
        %mul3A_568 = arith.constant 16 : i32
        %mul3A_569 = arith.muli %add3A_567, %mul3A_568 : i32
        %get3A_570 = arith.index_cast %mul3A_569 : i32 to index
        %get3A_571 = tpu.vector_load %arg8[%get3A_570] {strides = array<i32>} : memref<2048xf32, #tpu.memory_space<vmem>>, vector<16xf32>,
        %get3A_572 = arith.constant 8 : i32
        %get3A_573 = arith.index_cast %get3A_572 : i32 to index
        %get3A_574 = arith.index_cast %mul3A_569 : i32 to index
        %get3A_575 = tpu.vector_load %arg7[%get3A_573, %get3A_574] {strides = array<i32>} : memref<16x2048xf32, #tpu.memory_space<vmem>>, vector<16xf32>,
        %mul3A_576 = arith.mulf %get3A_575, %get3A_571 : vector<16xf32>
        %add3A_577 = arith.addf %scan3A_517, %mul3A_576 : vector<16xf32>
        %get3A_578 = arith.constant 9 : i32
        %get3A_579 = arith.index_cast %get3A_578 : i32 to index
        %get3A_580 = arith.index_cast %mul3A_569 : i32 to index
        %get3A_581 = tpu.vector_load %arg7[%get3A_579, %get3A_580] {strides = array<i32>} : memref<16x2048xf32, #tpu.memory_space<vmem>>, vector<16xf32>,
        %mul3A_582 = arith.mulf %get3A_581, %get3A_571 : vector<16xf32>
        %add3A_583 = arith.addf %scan3A_521, %mul3A_582 : vector<16xf32>
        %get3A_584 = arith.constant 10 : i32
        %get3A_585 = arith.index_cast %get3A_584 : i32 to index
        %get3A_586 = arith.index_cast %mul3A_569 : i32 to index
        %get3A_587 = tpu.vector_load %arg7[%get3A_585, %get3A_586] {strides = array<i32>} : memref<16x2048xf32, #tpu.memory_space<vmem>>, vector<16xf32>,
        %mul3A_588 = arith.mulf %get3A_587, %get3A_571 : vector<16xf32>
        %add3A_589 = arith.addf %scan3A_525, %mul3A_588 : vector<16xf32>
        %get3A_590 = arith.constant 11 : i32
        %get3A_591 = arith.index_cast %get3A_590 : i32 to index
        %get3A_592 = arith.index_cast %mul3A_569 : i32 to index
        %get3A_593 = tpu.vector_load %arg7[%get3A_591, %get3A_592] {strides = array<i32>} : memref<16x2048xf32, #tpu.memory_space<vmem>>, vector<16xf32>,
        %mul3A_594 = arith.mulf %get3A_593, %get3A_571 : vector<16xf32>
        %add3A_595 = arith.addf %scan3A_529, %mul3A_594 : vector<16xf32>
        %mul3A_596 = arith.constant 4 : i32
        %mul3A_597 = arith.muli %scan3A_515, %mul3A_596 : i32
        %add3A_598 = arith.constant 2 : i32
        %add3A_599 = arith.addi %mul3A_597, %add3A_598 : i32
        %mul3A_600 = arith.constant 16 : i32
        %mul3A_601 = arith.muli %add3A_599, %mul3A_600 : i32
        %get3A_602 = arith.index_cast %mul3A_601 : i32 to index
        %get3A_603 = tpu.vector_load %arg8[%get3A_602] {strides = array<i32>} : memref<2048xf32, #tpu.memory_space<vmem>>, vector<16xf32>,
        %get3A_604 = arith.constant 8 : i32
        %get3A_605 = arith.index_cast %get3A_604 : i32 to index
        %get3A_606 = arith.index_cast %mul3A_601 : i32 to index
        %get3A_607 = tpu.vector_load %arg7[%get3A_605, %get3A_606] {strides = array<i32>} : memref<16x2048xf32, #tpu.memory_space<vmem>>, vector<16xf32>,
        %mul3A_608 = arith.mulf %get3A_607, %get3A_603 : vector<16xf32>
        %add3A_609 = arith.addf %scan3A_518, %mul3A_608 : vector<16xf32>
        %get3A_610 = arith.constant 9 : i32
        %get3A_611 = arith.index_cast %get3A_610 : i32 to index
        %get3A_612 = arith.index_cast %mul3A_601 : i32 to index
        %get3A_613 = tpu.vector_load %arg7[%get3A_611, %get3A_612] {strides = array<i32>} : memref<16x2048xf32, #tpu.memory_space<vmem>>, vector<16xf32>,
        %mul3A_614 = arith.mulf %get3A_613, %get3A_603 : vector<16xf32>
        %add3A_615 = arith.addf %scan3A_522, %mul3A_614 : vector<16xf32>
        %get3A_616 = arith.constant 10 : i32
        %get3A_617 = arith.index_cast %get3A_616 : i32 to index
        %get3A_618 = arith.index_cast %mul3A_601 : i32 to index
        %get3A_619 = tpu.vector_load %arg7[%get3A_617, %get3A_618] {strides = array<i32>} : memref<16x2048xf32, #tpu.memory_space<vmem>>, vector<16xf32>,
        %mul3A_620 = arith.mulf %get3A_619, %get3A_603 : vector<16xf32>
        %add3A_621 = arith.addf %scan3A_526, %mul3A_620 : vector<16xf32>
        %get3A_622 = arith.constant 11 : i32
        %get3A_623 = arith.index_cast %get3A_622 : i32 to index
        %get3A_624 = arith.index_cast %mul3A_601 : i32 to index
        %get3A_625 = tpu.vector_load %arg7[%get3A_623, %get3A_624] {strides = array<i32>} : memref<16x2048xf32, #tpu.memory_space<vmem>>, vector<16xf32>,
        %mul3A_626 = arith.mulf %get3A_625, %get3A_603 : vector<16xf32>
        %add3A_627 = arith.addf %scan3A_530, %mul3A_626 : vector<16xf32>
        %mul3A_628 = arith.constant 4 : i32
        %mul3A_629 = arith.muli %scan3A_515, %mul3A_628 : i32
        %add3A_630 = arith.constant 3 : i32
        %add3A_631 = arith.addi %mul3A_629, %add3A_630 : i32
        %mul3A_632 = arith.constant 16 : i32
        %mul3A_633 = arith.muli %add3A_631, %mul3A_632 : i32
        %get3A_634 = arith.index_cast %mul3A_633 : i32 to index
        %get3A_635 = tpu.vector_load %arg8[%get3A_634] {strides = array<i32>} : memref<2048xf32, #tpu.memory_space<vmem>>, vector<16xf32>,
        %get3A_636 = arith.constant 8 : i32
        %get3A_637 = arith.index_cast %get3A_636 : i32 to index
        %get3A_638 = arith.index_cast %mul3A_633 : i32 to index
        %get3A_639 = tpu.vector_load %arg7[%get3A_637, %get3A_638] {strides = array<i32>} : memref<16x2048xf32, #tpu.memory_space<vmem>>, vector<16xf32>,
        %mul3A_640 = arith.mulf %get3A_639, %get3A_635 : vector<16xf32>
        %add3A_641 = arith.addf %scan3A_519, %mul3A_640 : vector<16xf32>
        %get3A_642 = arith.constant 9 : i32
        %get3A_643 = arith.index_cast %get3A_642 : i32 to index
        %get3A_644 = arith.index_cast %mul3A_633 : i32 to index
        %get3A_645 = tpu.vector_load %arg7[%get3A_643, %get3A_644] {strides = array<i32>} : memref<16x2048xf32, #tpu.memory_space<vmem>>, vector<16xf32>,
        %mul3A_646 = arith.mulf %get3A_645, %get3A_635 : vector<16xf32>
        %add3A_647 = arith.addf %scan3A_523, %mul3A_646 : vector<16xf32>
        %get3A_648 = arith.constant 10 : i32
        %get3A_649 = arith.index_cast %get3A_648 : i32 to index
        %get3A_650 = arith.index_cast %mul3A_633 : i32 to index
        %get3A_651 = tpu.vector_load %arg7[%get3A_649, %get3A_650] {strides = array<i32>} : memref<16x2048xf32, #tpu.memory_space<vmem>>, vector<16xf32>,
        %mul3A_652 = arith.mulf %get3A_651, %get3A_635 : vector<16xf32>
        %add3A_653 = arith.addf %scan3A_527, %mul3A_652 : vector<16xf32>
        %get3A_654 = arith.constant 11 : i32
        %get3A_655 = arith.index_cast %get3A_654 : i32 to index
        %get3A_656 = arith.index_cast %mul3A_633 : i32 to index
        %get3A_657 = tpu.vector_load %arg7[%get3A_655, %get3A_656] {strides = array<i32>} : memref<16x2048xf32, #tpu.memory_space<vmem>>, vector<16xf32>,
        %mul3A_658 = arith.mulf %get3A_657, %get3A_635 : vector<16xf32>
        %add3A_659 = arith.addf %scan3A_531, %mul3A_658 : vector<16xf32>
        scf.yield %add3A_545, %add3A_577, %add3A_609, %add3A_641, %add3A_551, %add3A_583, %add3A_615, %add3A_647, %add3A_557, %add3A_589, %add3A_621, %add3A_653, %add3A_563, %add3A_595, %add3A_627, %add3A_659 : vector<16xf32>, vector<16xf32>, vector<16xf32>, vector<16xf32>, vector<16xf32>, vector<16xf32>, vector<16xf32>, vector<16xf32>, vector<16xf32>, vector<16xf32>, vector<16xf32>, vector<16xf32>, vector<16xf32>, vector<16xf32>, vector<16xf32>, vector<16xf32>
      }
      %scan3A_393 = arith.constant 32 : i32
      %add3A_394 = arith.addf %scan3A_392#0, %scan3A_392#1 : vector<16xf32>
      %add3A_395 = arith.addf %scan3A_392#2, %scan3A_392#3 : vector<16xf32>
      %add3A_396 = arith.addf %add3A_394, %add3A_395 : vector<16xf32>
      %reduce_sum3A_397 = arith.constant true
      %reduce_sum3A_398 = vector.broadcast %reduce_sum3A_397 : i1 to vector<16xi1>
      %reduce_sum3A_399 = tpu.scan <sum>, %add3A_396 masked %reduce_sum3A_398 : vector<16xf32>, vector<16xi1> -> vector<16xf32>
      %reduce_sum3A_400 = vector.extract %reduce_sum3A_399[15] : f32 from vector<16xf32>
      %eq3A_401 = arith.constant 8 : i32
      %eq3A_402 = vector.broadcast %eq3A_401 : i32 to vector<16xi32>
      %eq3A_403 = arith.cmpi eq, %iota3A, %eq3A_402 : vector<16xi32>
      %broadcast_in_dim3A_404 = vector.broadcast %reduce_sum3A_400 : f32 to vector<16xf32>
      %select_n3A_405 = arith.select %eq3A_403, %broadcast_in_dim3A_404, %select_n3A_385 : vector<16xi1>, vector<16xf32>
      %add3A_406 = arith.addf %scan3A_392#4, %scan3A_392#5 : vector<16xf32>
      %add3A_407 = arith.addf %scan3A_392#6, %scan3A_392#7 : vector<16xf32>
      %add3A_408 = arith.addf %add3A_406, %add3A_407 : vector<16xf32>
      %reduce_sum3A_409 = arith.constant true
      %reduce_sum3A_410 = vector.broadcast %reduce_sum3A_409 : i1 to vector<16xi1>
      %reduce_sum3A_411 = tpu.scan <sum>, %add3A_408 masked %reduce_sum3A_410 : vector<16xf32>, vector<16xi1> -> vector<16xf32>
      %reduce_sum3A_412 = vector.extract %reduce_sum3A_411[15] : f32 from vector<16xf32>
      %eq3A_413 = arith.constant 9 : i32
      %eq3A_414 = vector.broadcast %eq3A_413 : i32 to vector<16xi32>
      %eq3A_415 = arith.cmpi eq, %iota3A, %eq3A_414 : vector<16xi32>
      %broadcast_in_dim3A_416 = vector.broadcast %reduce_sum3A_412 : f32 to vector<16xf32>
      %select_n3A_417 = arith.select %eq3A_415, %broadcast_in_dim3A_416, %select_n3A_405 : vector<16xi1>, vector<16xf32>
      %add3A_418 = arith.addf %scan3A_392#8, %scan3A_392#9 : vector<16xf32>
      %add3A_419 = arith.addf %scan3A_392#10, %scan3A_392#11 : vector<16xf32>
      %add3A_420 = arith.addf %add3A_418, %add3A_419 : vector<16xf32>
      %reduce_sum3A_421 = arith.constant true
      %reduce_sum3A_422 = vector.broadcast %reduce_sum3A_421 : i1 to vector<16xi1>
      %reduce_sum3A_423 = tpu.scan <sum>, %add3A_420 masked %reduce_sum3A_422 : vector<16xf32>, vector<16xi1> -> vector<16xf32>
      %reduce_sum3A_424 = vector.extract %reduce_sum3A_423[15] : f32 from vector<16xf32>
      %eq3A_425 = arith.constant 10 : i32
      %eq3A_426 = vector.broadcast %eq3A_425 : i32 to vector<16xi32>
      %eq3A_427 = arith.cmpi eq, %iota3A, %eq3A_426 : vector<16xi32>
      %broadcast_in_dim3A_428 = vector.broadcast %reduce_sum3A_424 : f32 to vector<16xf32>
      %select_n3A_429 = arith.select %eq3A_427, %broadcast_in_dim3A_428, %select_n3A_417 : vector<16xi1>, vector<16xf32>
      %add3A_430 = arith.addf %scan3A_392#12, %scan3A_392#13 : vector<16xf32>
      %add3A_431 = arith.addf %scan3A_392#14, %scan3A_392#15 : vector<16xf32>
      %add3A_432 = arith.addf %add3A_430, %add3A_431 : vector<16xf32>
      %reduce_sum3A_433 = arith.constant true
      %reduce_sum3A_434 = vector.broadcast %reduce_sum3A_433 : i1 to vector<16xi1>
      %reduce_sum3A_435 = tpu.scan <sum>, %add3A_432 masked %reduce_sum3A_434 : vector<16xf32>, vector<16xi1> -> vector<16xf32>
      %reduce_sum3A_436 = vector.extract %reduce_sum3A_435[15] : f32 from vector<16xf32>
      %eq3A_437 = arith.constant 11 : i32
      %eq3A_438 = vector.broadcast %eq3A_437 : i32 to vector<16xi32>
      %eq3A_439 = arith.cmpi eq, %iota3A, %eq3A_438 : vector<16xi32>
      %broadcast_in_dim3A_440 = vector.broadcast %reduce_sum3A_436 : f32 to vector<16xf32>
      %select_n3A_441 = arith.select %eq3A_439, %broadcast_in_dim3A_440, %select_n3A_429 : vector<16xi1>, vector<16xf32>
      %broadcast_in_dim3A_442 = arith.constant 0.000000e+00 : f32
      %broadcast_in_dim3A_443 = vector.broadcast %broadcast_in_dim3A_442 : f32 to vector<16xf32>
      %scan3A_444 = arith.constant 0 : i32
      %scan3A_445 = arith.constant 32 : i32
      %scan3A_446 = arith.addi %scan3A_444, %scan3A_445 : i32
      %scan3A_447 = arith.constant 1 : i32
      %scan3A_448:16 = scf.for %scan3A_515 = %scan3A_444 to %scan3A_446 step %scan3A_447 iter_args(%scan3A_516 = %broadcast_in_dim3A_443, %scan3A_517 = %broadcast_in_dim3A_443, %scan3A_518 = %broadcast_in_dim3A_443, %scan3A_519 = %broadcast_in_dim3A_443, %scan3A_520 = %broadcast_in_dim3A_443, %scan3A_521 = %broadcast_in_dim3A_443, %scan3A_522 = %broadcast_in_dim3A_443, %scan3A_523 = %broadcast_in_dim3A_443, %scan3A_524 = %broadcast_in_dim3A_443, %scan3A_525 = %broadcast_in_dim3A_443, %scan3A_526 = %broadcast_in_dim3A_443, %scan3A_527 = %broadcast_in_dim3A_443, %scan3A_528 = %broadcast_in_dim3A_443, %scan3A_529 = %broadcast_in_dim3A_443, %scan3A_530 = %broadcast_in_dim3A_443, %scan3A_531 = %broadcast_in_dim3A_443) -> (vector<16xf32>, vector<16xf32>, vector<16xf32>, vector<16xf32>, vector<16xf32>, vector<16xf32>, vector<16xf32>, vector<16xf32>, vector<16xf32>, vector<16xf32>, vector<16xf32>, vector<16xf32>, vector<16xf32>, vector<16xf32>, vector<16xf32>, vector<16xf32>)  : i32 {
        %mul3A_532 = arith.constant 4 : i32
        %mul3A_533 = arith.muli %scan3A_515, %mul3A_532 : i32
        %add3A_534 = arith.constant 0 : i32
        %add3A_535 = arith.addi %mul3A_533, %add3A_534 : i32
        %mul3A_536 = arith.constant 16 : i32
        %mul3A_537 = arith.muli %add3A_535, %mul3A_536 : i32
        %get3A_538 = arith.index_cast %mul3A_537 : i32 to index
        %get3A_539 = tpu.vector_load %arg8[%get3A_538] {strides = array<i32>} : memref<2048xf32, #tpu.memory_space<vmem>>, vector<16xf32>,
        %get3A_540 = arith.constant 12 : i32
        %get3A_541 = arith.index_cast %get3A_540 : i32 to index
        %get3A_542 = arith.index_cast %mul3A_537 : i32 to index
        %get3A_543 = tpu.vector_load %arg7[%get3A_541, %get3A_542] {strides = array<i32>} : memref<16x2048xf32, #tpu.memory_space<vmem>>, vector<16xf32>,
        %mul3A_544 = arith.mulf %get3A_543, %get3A_539 : vector<16xf32>
        %add3A_545 = arith.addf %scan3A_516, %mul3A_544 : vector<16xf32>
        %get3A_546 = arith.constant 13 : i32
        %get3A_547 = arith.index_cast %get3A_546 : i32 to index
        %get3A_548 = arith.index_cast %mul3A_537 : i32 to index
        %get3A_549 = tpu.vector_load %arg7[%get3A_547, %get3A_548] {strides = array<i32>} : memref<16x2048xf32, #tpu.memory_space<vmem>>, vector<16xf32>,
        %mul3A_550 = arith.mulf %get3A_549, %get3A_539 : vector<16xf32>
        %add3A_551 = arith.addf %scan3A_520, %mul3A_550 : vector<16xf32>
        %get3A_552 = arith.constant 14 : i32
        %get3A_553 = arith.index_cast %get3A_552 : i32 to index
        %get3A_554 = arith.index_cast %mul3A_537 : i32 to index
        %get3A_555 = tpu.vector_load %arg7[%get3A_553, %get3A_554] {strides = array<i32>} : memref<16x2048xf32, #tpu.memory_space<vmem>>, vector<16xf32>,
        %mul3A_556 = arith.mulf %get3A_555, %get3A_539 : vector<16xf32>
        %add3A_557 = arith.addf %scan3A_524, %mul3A_556 : vector<16xf32>
        %get3A_558 = arith.constant 15 : i32
        %get3A_559 = arith.index_cast %get3A_558 : i32 to index
        %get3A_560 = arith.index_cast %mul3A_537 : i32 to index
        %get3A_561 = tpu.vector_load %arg7[%get3A_559, %get3A_560] {strides = array<i32>} : memref<16x2048xf32, #tpu.memory_space<vmem>>, vector<16xf32>,
        %mul3A_562 = arith.mulf %get3A_561, %get3A_539 : vector<16xf32>
        %add3A_563 = arith.addf %scan3A_528, %mul3A_562 : vector<16xf32>
        %mul3A_564 = arith.constant 4 : i32
        %mul3A_565 = arith.muli %scan3A_515, %mul3A_564 : i32
        %add3A_566 = arith.constant 1 : i32
        %add3A_567 = arith.addi %mul3A_565, %add3A_566 : i32
        %mul3A_568 = arith.constant 16 : i32
        %mul3A_569 = arith.muli %add3A_567, %mul3A_568 : i32
        %get3A_570 = arith.index_cast %mul3A_569 : i32 to index
        %get3A_571 = tpu.vector_load %arg8[%get3A_570] {strides = array<i32>} : memref<2048xf32, #tpu.memory_space<vmem>>, vector<16xf32>,
        %get3A_572 = arith.constant 12 : i32
        %get3A_573 = arith.index_cast %get3A_572 : i32 to index
        %get3A_574 = arith.index_cast %mul3A_569 : i32 to index
        %get3A_575 = tpu.vector_load %arg7[%get3A_573, %get3A_574] {strides = array<i32>} : memref<16x2048xf32, #tpu.memory_space<vmem>>, vector<16xf32>,
        %mul3A_576 = arith.mulf %get3A_575, %get3A_571 : vector<16xf32>
        %add3A_577 = arith.addf %scan3A_517, %mul3A_576 : vector<16xf32>
        %get3A_578 = arith.constant 13 : i32
        %get3A_579 = arith.index_cast %get3A_578 : i32 to index
        %get3A_580 = arith.index_cast %mul3A_569 : i32 to index
        %get3A_581 = tpu.vector_load %arg7[%get3A_579, %get3A_580] {strides = array<i32>} : memref<16x2048xf32, #tpu.memory_space<vmem>>, vector<16xf32>,
        %mul3A_582 = arith.mulf %get3A_581, %get3A_571 : vector<16xf32>
        %add3A_583 = arith.addf %scan3A_521, %mul3A_582 : vector<16xf32>
        %get3A_584 = arith.constant 14 : i32
        %get3A_585 = arith.index_cast %get3A_584 : i32 to index
        %get3A_586 = arith.index_cast %mul3A_569 : i32 to index
        %get3A_587 = tpu.vector_load %arg7[%get3A_585, %get3A_586] {strides = array<i32>} : memref<16x2048xf32, #tpu.memory_space<vmem>>, vector<16xf32>,
        %mul3A_588 = arith.mulf %get3A_587, %get3A_571 : vector<16xf32>
        %add3A_589 = arith.addf %scan3A_525, %mul3A_588 : vector<16xf32>
        %get3A_590 = arith.constant 15 : i32
        %get3A_591 = arith.index_cast %get3A_590 : i32 to index
        %get3A_592 = arith.index_cast %mul3A_569 : i32 to index
        %get3A_593 = tpu.vector_load %arg7[%get3A_591, %get3A_592] {strides = array<i32>} : memref<16x2048xf32, #tpu.memory_space<vmem>>, vector<16xf32>,
        %mul3A_594 = arith.mulf %get3A_593, %get3A_571 : vector<16xf32>
        %add3A_595 = arith.addf %scan3A_529, %mul3A_594 : vector<16xf32>
        %mul3A_596 = arith.constant 4 : i32
        %mul3A_597 = arith.muli %scan3A_515, %mul3A_596 : i32
        %add3A_598 = arith.constant 2 : i32
        %add3A_599 = arith.addi %mul3A_597, %add3A_598 : i32
        %mul3A_600 = arith.constant 16 : i32
        %mul3A_601 = arith.muli %add3A_599, %mul3A_600 : i32
        %get3A_602 = arith.index_cast %mul3A_601 : i32 to index
        %get3A_603 = tpu.vector_load %arg8[%get3A_602] {strides = array<i32>} : memref<2048xf32, #tpu.memory_space<vmem>>, vector<16xf32>,
        %get3A_604 = arith.constant 12 : i32
        %get3A_605 = arith.index_cast %get3A_604 : i32 to index
        %get3A_606 = arith.index_cast %mul3A_601 : i32 to index
        %get3A_607 = tpu.vector_load %arg7[%get3A_605, %get3A_606] {strides = array<i32>} : memref<16x2048xf32, #tpu.memory_space<vmem>>, vector<16xf32>,
        %mul3A_608 = arith.mulf %get3A_607, %get3A_603 : vector<16xf32>
        %add3A_609 = arith.addf %scan3A_518, %mul3A_608 : vector<16xf32>
        %get3A_610 = arith.constant 13 : i32
        %get3A_611 = arith.index_cast %get3A_610 : i32 to index
        %get3A_612 = arith.index_cast %mul3A_601 : i32 to index
        %get3A_613 = tpu.vector_load %arg7[%get3A_611, %get3A_612] {strides = array<i32>} : memref<16x2048xf32, #tpu.memory_space<vmem>>, vector<16xf32>,
        %mul3A_614 = arith.mulf %get3A_613, %get3A_603 : vector<16xf32>
        %add3A_615 = arith.addf %scan3A_522, %mul3A_614 : vector<16xf32>
        %get3A_616 = arith.constant 14 : i32
        %get3A_617 = arith.index_cast %get3A_616 : i32 to index
        %get3A_618 = arith.index_cast %mul3A_601 : i32 to index
        %get3A_619 = tpu.vector_load %arg7[%get3A_617, %get3A_618] {strides = array<i32>} : memref<16x2048xf32, #tpu.memory_space<vmem>>, vector<16xf32>,
        %mul3A_620 = arith.mulf %get3A_619, %get3A_603 : vector<16xf32>
        %add3A_621 = arith.addf %scan3A_526, %mul3A_620 : vector<16xf32>
        %get3A_622 = arith.constant 15 : i32
        %get3A_623 = arith.index_cast %get3A_622 : i32 to index
        %get3A_624 = arith.index_cast %mul3A_601 : i32 to index
        %get3A_625 = tpu.vector_load %arg7[%get3A_623, %get3A_624] {strides = array<i32>} : memref<16x2048xf32, #tpu.memory_space<vmem>>, vector<16xf32>,
        %mul3A_626 = arith.mulf %get3A_625, %get3A_603 : vector<16xf32>
        %add3A_627 = arith.addf %scan3A_530, %mul3A_626 : vector<16xf32>
        %mul3A_628 = arith.constant 4 : i32
        %mul3A_629 = arith.muli %scan3A_515, %mul3A_628 : i32
        %add3A_630 = arith.constant 3 : i32
        %add3A_631 = arith.addi %mul3A_629, %add3A_630 : i32
        %mul3A_632 = arith.constant 16 : i32
        %mul3A_633 = arith.muli %add3A_631, %mul3A_632 : i32
        %get3A_634 = arith.index_cast %mul3A_633 : i32 to index
        %get3A_635 = tpu.vector_load %arg8[%get3A_634] {strides = array<i32>} : memref<2048xf32, #tpu.memory_space<vmem>>, vector<16xf32>,
        %get3A_636 = arith.constant 12 : i32
        %get3A_637 = arith.index_cast %get3A_636 : i32 to index
        %get3A_638 = arith.index_cast %mul3A_633 : i32 to index
        %get3A_639 = tpu.vector_load %arg7[%get3A_637, %get3A_638] {strides = array<i32>} : memref<16x2048xf32, #tpu.memory_space<vmem>>, vector<16xf32>,
        %mul3A_640 = arith.mulf %get3A_639, %get3A_635 : vector<16xf32>
        %add3A_641 = arith.addf %scan3A_519, %mul3A_640 : vector<16xf32>
        %get3A_642 = arith.constant 13 : i32
        %get3A_643 = arith.index_cast %get3A_642 : i32 to index
        %get3A_644 = arith.index_cast %mul3A_633 : i32 to index
        %get3A_645 = tpu.vector_load %arg7[%get3A_643, %get3A_644] {strides = array<i32>} : memref<16x2048xf32, #tpu.memory_space<vmem>>, vector<16xf32>,
        %mul3A_646 = arith.mulf %get3A_645, %get3A_635 : vector<16xf32>
        %add3A_647 = arith.addf %scan3A_523, %mul3A_646 : vector<16xf32>
        %get3A_648 = arith.constant 14 : i32
        %get3A_649 = arith.index_cast %get3A_648 : i32 to index
        %get3A_650 = arith.index_cast %mul3A_633 : i32 to index
        %get3A_651 = tpu.vector_load %arg7[%get3A_649, %get3A_650] {strides = array<i32>} : memref<16x2048xf32, #tpu.memory_space<vmem>>, vector<16xf32>,
        %mul3A_652 = arith.mulf %get3A_651, %get3A_635 : vector<16xf32>
        %add3A_653 = arith.addf %scan3A_527, %mul3A_652 : vector<16xf32>
        %get3A_654 = arith.constant 15 : i32
        %get3A_655 = arith.index_cast %get3A_654 : i32 to index
        %get3A_656 = arith.index_cast %mul3A_633 : i32 to index
        %get3A_657 = tpu.vector_load %arg7[%get3A_655, %get3A_656] {strides = array<i32>} : memref<16x2048xf32, #tpu.memory_space<vmem>>, vector<16xf32>,
        %mul3A_658 = arith.mulf %get3A_657, %get3A_635 : vector<16xf32>
        %add3A_659 = arith.addf %scan3A_531, %mul3A_658 : vector<16xf32>
        scf.yield %add3A_545, %add3A_577, %add3A_609, %add3A_641, %add3A_551, %add3A_583, %add3A_615, %add3A_647, %add3A_557, %add3A_589, %add3A_621, %add3A_653, %add3A_563, %add3A_595, %add3A_627, %add3A_659 : vector<16xf32>, vector<16xf32>, vector<16xf32>, vector<16xf32>, vector<16xf32>, vector<16xf32>, vector<16xf32>, vector<16xf32>, vector<16xf32>, vector<16xf32>, vector<16xf32>, vector<16xf32>, vector<16xf32>, vector<16xf32>, vector<16xf32>, vector<16xf32>
      }
      %scan3A_449 = arith.constant 32 : i32
      %add3A_450 = arith.addf %scan3A_448#0, %scan3A_448#1 : vector<16xf32>
      %add3A_451 = arith.addf %scan3A_448#2, %scan3A_448#3 : vector<16xf32>
      %add3A_452 = arith.addf %add3A_450, %add3A_451 : vector<16xf32>
      %reduce_sum3A_453 = arith.constant true
      %reduce_sum3A_454 = vector.broadcast %reduce_sum3A_453 : i1 to vector<16xi1>
      %reduce_sum3A_455 = tpu.scan <sum>, %add3A_452 masked %reduce_sum3A_454 : vector<16xf32>, vector<16xi1> -> vector<16xf32>
      %reduce_sum3A_456 = vector.extract %reduce_sum3A_455[15] : f32 from vector<16xf32>
      %eq3A_457 = arith.constant 12 : i32
      %eq3A_458 = vector.broadcast %eq3A_457 : i32 to vector<16xi32>
      %eq3A_459 = arith.cmpi eq, %iota3A, %eq3A_458 : vector<16xi32>
      %broadcast_in_dim3A_460 = vector.broadcast %reduce_sum3A_456 : f32 to vector<16xf32>
      %select_n3A_461 = arith.select %eq3A_459, %broadcast_in_dim3A_460, %select_n3A_441 : vector<16xi1>, vector<16xf32>
      %add3A_462 = arith.addf %scan3A_448#4, %scan3A_448#5 : vector<16xf32>
      %add3A_463 = arith.addf %scan3A_448#6, %scan3A_448#7 : vector<16xf32>
      %add3A_464 = arith.addf %add3A_462, %add3A_463 : vector<16xf32>
      %reduce_sum3A_465 = arith.constant true
      %reduce_sum3A_466 = vector.broadcast %reduce_sum3A_465 : i1 to vector<16xi1>
      %reduce_sum3A_467 = tpu.scan <sum>, %add3A_464 masked %reduce_sum3A_466 : vector<16xf32>, vector<16xi1> -> vector<16xf32>
      %reduce_sum3A_468 = vector.extract %reduce_sum3A_467[15] : f32 from vector<16xf32>
      %eq3A_469 = arith.constant 13 : i32
      %eq3A_470 = vector.broadcast %eq3A_469 : i32 to vector<16xi32>
      %eq3A_471 = arith.cmpi eq, %iota3A, %eq3A_470 : vector<16xi32>
      %broadcast_in_dim3A_472 = vector.broadcast %reduce_sum3A_468 : f32 to vector<16xf32>
      %select_n3A_473 = arith.select %eq3A_471, %broadcast_in_dim3A_472, %select_n3A_461 : vector<16xi1>, vector<16xf32>
      %add3A_474 = arith.addf %scan3A_448#8, %scan3A_448#9 : vector<16xf32>
      %add3A_475 = arith.addf %scan3A_448#10, %scan3A_448#11 : vector<16xf32>
      %add3A_476 = arith.addf %add3A_474, %add3A_475 : vector<16xf32>
      %reduce_sum3A_477 = arith.constant true
      %reduce_sum3A_478 = vector.broadcast %reduce_sum3A_477 : i1 to vector<16xi1>
      %reduce_sum3A_479 = tpu.scan <sum>, %add3A_476 masked %reduce_sum3A_478 : vector<16xf32>, vector<16xi1> -> vector<16xf32>
      %reduce_sum3A_480 = vector.extract %reduce_sum3A_479[15] : f32 from vector<16xf32>
      %eq3A_481 = arith.constant 14 : i32
      %eq3A_482 = vector.broadcast %eq3A_481 : i32 to vector<16xi32>
      %eq3A_483 = arith.cmpi eq, %iota3A, %eq3A_482 : vector<16xi32>
      %broadcast_in_dim3A_484 = vector.broadcast %reduce_sum3A_480 : f32 to vector<16xf32>
      %select_n3A_485 = arith.select %eq3A_483, %broadcast_in_dim3A_484, %select_n3A_473 : vector<16xi1>, vector<16xf32>
      %add3A_486 = arith.addf %scan3A_448#12, %scan3A_448#13 : vector<16xf32>
      %add3A_487 = arith.addf %scan3A_448#14, %scan3A_448#15 : vector<16xf32>
      %add3A_488 = arith.addf %add3A_486, %add3A_487 : vector<16xf32>
      %reduce_sum3A_489 = arith.constant true
      %reduce_sum3A_490 = vector.broadcast %reduce_sum3A_489 : i1 to vector<16xi1>
      %reduce_sum3A_491 = tpu.scan <sum>, %add3A_488 masked %reduce_sum3A_490 : vector<16xf32>, vector<16xi1> -> vector<16xf32>
      %reduce_sum3A_492 = vector.extract %reduce_sum3A_491[15] : f32 from vector<16xf32>
      %eq3A_493 = arith.constant 15 : i32
      %eq3A_494 = vector.broadcast %eq3A_493 : i32 to vector<16xi32>
      %eq3A_495 = arith.cmpi eq, %iota3A, %eq3A_494 : vector<16xi32>
      %broadcast_in_dim3A_496 = vector.broadcast %reduce_sum3A_492 : f32 to vector<16xf32>
      %select_n3A_497 = arith.select %eq3A_495, %broadcast_in_dim3A_496, %select_n3A_485 : vector<16xi1>, vector<16xf32>
      %get3A_498 = arith.constant 0 : index
      %get3A_499 = tpu.vector_load %arg9[%get3A_498] {strides = array<i32>} : memref<16xf32, #tpu.memory_space<vmem>>, vector<16xf32>,
      %add3A_500 = arith.addf %select_n3A_497, %get3A_499 : vector<16xf32>
      %mul3A_501 = arith.constant 16 : i32
      %mul3A_502 = arith.muli %add3A_271, %mul3A_501 : i32
      %swap3A_503 = arith.index_cast %mul3A_502 : i32 to index
      %swap3A_504 = tpu.vector_load %arg10[%swap3A_503] {strides = array<i32>} : memref<320xf32, #tpu.memory_space<vmem>>, vector<16xf32>,
      tpu.vector_store %arg10[%swap3A_503], %add3A_500 {strides = array<i32>} : memref<320xf32, #tpu.memory_space<vmem>>, vector<16xf32>,
      %add3A_505 = arith.constant 1 : i32
      %add3A_506 = arith.addi %mul3A_27, %add3A_505 : i32
      %add3A_507 = arith.constant 2 : i32
      %add3A_508 = arith.addi %add3A_506, %add3A_507 : i32
      %lt3A_509 = arith.constant 20 : i32
      %lt3A_510 = arith.cmpi slt, %add3A_508, %lt3A_509 : i32
      %convert_element_type3A_511 = arith.extui %lt3A_510 : i1 to i32
      %cond3A_512 = arith.constant 0 : i32
      %cond3A_513 = arith.cmpi ne, %convert_element_type3A_511, %cond3A_512 : i32
      scf.if %cond3A_513 {
        %add3A_515 = arith.constant 1 : i32
        %add3A_516 = arith.addi %mul3A_27, %add3A_515 : i32
        %add3A_517 = arith.constant 2 : i32
        %add3A_518 = arith.addi %add3A_516, %add3A_517 : i32
        %mul3A_519 = arith.constant 16 : i32
        %mul3A_520 = arith.muli %add3A_518, %mul3A_519 : i32
        %add3A_521 = arith.addi %add3A_4, %mul3A_520 : i32
        %dma_start3A_522 = arith.constant 0 : i32
        %dma_start3A_523 = tpu.memref_slice %arg2[%add3A_521, %dma_start3A_522] : memref<32768x2048xf32, #tpu.memory_space<hbm>> -> memref<16x2048xf32, #tpu.memory_space<hbm>>
        %dma_start3A_524 = arith.constant 0 : i32
        %dma_start3A_525 = tpu.memref_slice %arg2[%add3A_521, %dma_start3A_524] : memref<32768x2048xf32, #tpu.memory_space<hbm>> -> memref<16x2048xf32, #tpu.memory_space<hbm>>
        tpu.enqueue_dma source(%dma_start3A_525 : memref<16x2048xf32, #tpu.memory_space<hbm>>) target(%arg7 : memref<16x2048xf32, #tpu.memory_space<vmem>>) target_semaphore(%arg12 : memref<!tpu.dma_semaphore, #tpu.memory_space<semaphore_mem>>)
      } else {
      }
      %scan3A_514 = arith.constant 0 : i32
      scf.yield %scan3A_514 : i32
    }
    %scan3A_21 = arith.constant 10 : i32
    %mul3A_22 = arith.constant 320 : i32
    %mul3A_23 = arith.muli %add3A, %mul3A_22 : i32
    "tpu.region"() ({
      %run_scoped3A = tpu.sem_alloc : memref<!tpu.dma_semaphore, #tpu.memory_space<semaphore_mem>>
      %dma_start3A_24 = tpu.memref_slice %arg5[%mul3A_23] : memref<10240xf32, #tpu.memory_space<hbm>> -> memref<320xf32, #tpu.memory_space<hbm>>
      %dma_start3A_25 = tpu.memref_slice %arg5[%mul3A_23] : memref<10240xf32, #tpu.memory_space<hbm>> -> memref<320xf32, #tpu.memory_space<hbm>>
      tpu.enqueue_dma source(%arg10 : memref<320xf32, #tpu.memory_space<vmem>>) target(%dma_start3A_25 : memref<320xf32, #tpu.memory_space<hbm>>) target_semaphore(%run_scoped3A : memref<!tpu.dma_semaphore, #tpu.memory_space<semaphore_mem>>)
      %dma_wait3A = tpu.memref_slice %arg5[%mul3A_23] : memref<10240xf32, #tpu.memory_space<hbm>> -> memref<320xf32, #tpu.memory_space<hbm>>
      %dma_wait3A_26 = tpu.memref_slice %arg5[%mul3A_23] : memref<10240xf32, #tpu.memory_space<hbm>> -> memref<320xf32, #tpu.memory_space<hbm>>
      tpu.wait_dma2 semaphore(%run_scoped3A : memref<!tpu.dma_semaphore, #tpu.memory_space<semaphore_mem>>) src(%arg10 : memref<320xf32, #tpu.memory_space<vmem>>) dst(%dma_wait3A_26 : memref<320xf32, #tpu.memory_space<hbm>>)
      tpu.yield
    }) : () -> ()
    return
  }
}

#map = affine_map<(d0, d1) -> (0, 0)>
#map1 = affine_map<(d0, d1) -> (0)>
module attributes {stable_mosaic.version = 14 : i64} {
  func.func @_sc_topk(%arg0: i32, %arg1: i32, %arg2: memref<1x22528xf32, #tpu.memory_space<hbm>>, %arg3: memref<10240xf32, #tpu.memory_space<hbm>>, %arg4: memref<224xf32, #tpu.memory_space<hbm>>, %arg5: memref<16xf32, #tpu.memory_space<hbm>>, %arg6: memref<16xf32, #tpu.memory_space<hbm>>, %arg7: memref<16xf32, #tpu.memory_space<hbm>>, %arg8: memref<2048xf32, #tpu.memory_space<vmem>>, %arg9: memref<224xf32, #tpu.memory_space<vmem>>, %arg10: memref<16xf32, #tpu.memory_space<vmem>>, %arg11: memref<16xf32, #tpu.memory_space<vmem>>, %arg12: memref<16x16xf32, #tpu.memory_space<vmem>>, %arg13: memref<16x16xf32, #tpu.memory_space<vmem_shared>>) attributes {dimension_semantics = [#tpu.dimension_semantics<core_parallel>, #tpu.dimension_semantics<subcore_parallel>], iteration_bounds = array<i64: 2, 16>, scalar_prefetch = 0 : i64, scratch_operands = 6 : i64, tpu.core_type = #tpu.core_type<sc_vector_subcore>, window_params = [{transform_indices = #map}, {transform_indices = #map1}, {transform_indices = #map1}, {transform_indices = #map1}, {transform_indices = #map1}, {transform_indices = #map1}]} {
    %eq3A = arith.constant 0 : i32
    %eq3A_0 = arith.cmpi eq, %arg0, %eq3A : i32
    %convert_element_type3A = arith.extui %eq3A_0 : i1 to i32
    %cond3A = arith.constant 0 : i32
    %cond3A_1 = arith.cmpi ne, %convert_element_type3A, %cond3A : i32
    scf.if %cond3A_1 {
      %lt3A = arith.constant 11 : i32
      %lt3A_2 = arith.cmpi slt, %arg1, %lt3A : i32
      %convert_element_type3A_3 = arith.extui %lt3A_2 : i1 to i32
      %cond3A_4 = arith.constant 0 : i32
      %cond3A_5 = arith.cmpi ne, %convert_element_type3A_3, %cond3A_4 : i32
      scf.if %cond3A_5 {
        %mul3A_83 = arith.constant 2048 : i32
        %mul3A_84 = arith.muli %arg1, %mul3A_83 : i32
        %run_scoped3A = arith.constant 0 : i32
        "tpu.region"() ({
          %run_scoped3A_85 = tpu.sem_alloc : memref<!tpu.dma_semaphore, #tpu.memory_space<semaphore_mem>>
          %dma_start3A = tpu.memref_slice %arg2[%run_scoped3A, %mul3A_84] : memref<1x22528xf32, #tpu.memory_space<hbm>> -> memref<1x2048xf32, #tpu.memory_space<hbm>>
          %dma_start3A_86 = tpu.memref_squeeze %dma_start3A : memref<1x2048xf32, #tpu.memory_space<hbm>> -> memref<2048xf32, #tpu.memory_space<hbm>>
          %dma_start3A_87 = tpu.memref_slice %arg2[%run_scoped3A, %mul3A_84] : memref<1x22528xf32, #tpu.memory_space<hbm>> -> memref<1x2048xf32, #tpu.memory_space<hbm>>
          %dma_start3A_88 = tpu.memref_squeeze %dma_start3A_87 : memref<1x2048xf32, #tpu.memory_space<hbm>> -> memref<2048xf32, #tpu.memory_space<hbm>>
          tpu.enqueue_dma source(%dma_start3A_88 : memref<2048xf32, #tpu.memory_space<hbm>>) target(%arg8 : memref<2048xf32, #tpu.memory_space<vmem>>) target_semaphore(%run_scoped3A_85 : memref<!tpu.dma_semaphore, #tpu.memory_space<semaphore_mem>>)
          %dma_wait3A = tpu.memref_slice %arg2[%run_scoped3A, %mul3A_84] : memref<1x22528xf32, #tpu.memory_space<hbm>> -> memref<1x2048xf32, #tpu.memory_space<hbm>>
          %dma_wait3A_89 = tpu.memref_squeeze %dma_wait3A : memref<1x2048xf32, #tpu.memory_space<hbm>> -> memref<2048xf32, #tpu.memory_space<hbm>>
          %dma_wait3A_90 = tpu.memref_slice %arg2[%run_scoped3A, %mul3A_84] : memref<1x22528xf32, #tpu.memory_space<hbm>> -> memref<1x2048xf32, #tpu.memory_space<hbm>>
          %dma_wait3A_91 = tpu.memref_squeeze %dma_wait3A_90 : memref<1x2048xf32, #tpu.memory_space<hbm>> -> memref<2048xf32, #tpu.memory_space<hbm>>
          tpu.wait_dma2 semaphore(%run_scoped3A_85 : memref<!tpu.dma_semaphore, #tpu.memory_space<semaphore_mem>>) src(%dma_wait3A_91 : memref<2048xf32, #tpu.memory_space<hbm>>) dst(%arg8 : memref<2048xf32, #tpu.memory_space<vmem>>)
          tpu.yield
        }) : () -> ()
      } else {
      }
      %ge3A = arith.constant 11 : i32
      %ge3A_6 = arith.cmpi sge, %arg1, %ge3A : i32
      %convert_element_type3A_7 = arith.extui %ge3A_6 : i1 to i32
      %cond3A_8 = arith.constant 0 : i32
      %cond3A_9 = arith.cmpi ne, %convert_element_type3A_7, %cond3A_8 : i32
      scf.if %cond3A_9 {
        %sub3A = arith.constant 11 : i32
        %sub3A_83 = arith.subi %arg1, %sub3A : i32
        %mul3A_84 = arith.constant 2048 : i32
        %mul3A_85 = arith.muli %sub3A_83, %mul3A_84 : i32
        "tpu.region"() ({
          %run_scoped3A = tpu.sem_alloc : memref<!tpu.dma_semaphore, #tpu.memory_space<semaphore_mem>>
          %dma_start3A = tpu.memref_slice %arg3[%mul3A_85] : memref<10240xf32, #tpu.memory_space<hbm>> -> memref<2048xf32, #tpu.memory_space<hbm>>
          %dma_start3A_86 = tpu.memref_slice %arg3[%mul3A_85] : memref<10240xf32, #tpu.memory_space<hbm>> -> memref<2048xf32, #tpu.memory_space<hbm>>
          tpu.enqueue_dma source(%dma_start3A_86 : memref<2048xf32, #tpu.memory_space<hbm>>) target(%arg8 : memref<2048xf32, #tpu.memory_space<vmem>>) target_semaphore(%run_scoped3A : memref<!tpu.dma_semaphore, #tpu.memory_space<semaphore_mem>>)
          %dma_wait3A = tpu.memref_slice %arg3[%mul3A_85] : memref<10240xf32, #tpu.memory_space<hbm>> -> memref<2048xf32, #tpu.memory_space<hbm>>
          %dma_wait3A_87 = tpu.memref_slice %arg3[%mul3A_85] : memref<10240xf32, #tpu.memory_space<hbm>> -> memref<2048xf32, #tpu.memory_space<hbm>>
          tpu.wait_dma2 semaphore(%run_scoped3A : memref<!tpu.dma_semaphore, #tpu.memory_space<semaphore_mem>>) src(%dma_wait3A_87 : memref<2048xf32, #tpu.memory_space<hbm>>) dst(%arg8 : memref<2048xf32, #tpu.memory_space<vmem>>)
          tpu.yield
        }) : () -> ()
      } else {
      }
      "tpu.region"() ({
        %run_scoped3A = tpu.sem_alloc : memref<!tpu.dma_semaphore, #tpu.memory_space<semaphore_mem>>
        tpu.enqueue_dma source(%arg4 : memref<224xf32, #tpu.memory_space<hbm>>) target(%arg9 : memref<224xf32, #tpu.memory_space<vmem>>) target_semaphore(%run_scoped3A : memref<!tpu.dma_semaphore, #tpu.memory_space<semaphore_mem>>)
        tpu.wait_dma2 semaphore(%run_scoped3A : memref<!tpu.dma_semaphore, #tpu.memory_space<semaphore_mem>>) src(%arg4 : memref<224xf32, #tpu.memory_space<hbm>>) dst(%arg9 : memref<224xf32, #tpu.memory_space<vmem>>)
        tpu.yield
      }) : () -> ()
      %broadcast_in_dim3A = arith.constant -3.000000e+38 : f32
      %broadcast_in_dim3A_10 = vector.broadcast %broadcast_in_dim3A : f32 to vector<16xf32>
      %broadcast_in_dim3A_11 = arith.constant 3.000000e+38 : f32
      %broadcast_in_dim3A_12 = vector.broadcast %broadcast_in_dim3A_11 : f32 to vector<16xf32>
      %scan3A = arith.constant 0 : i32
      %scan3A_13 = arith.constant 128 : i32
      %scan3A_14 = arith.addi %scan3A, %scan3A_13 : i32
      %scan3A_15 = arith.constant 1 : i32
      %scan3A_16:14 = scf.for %scan3A_83 = %scan3A to %scan3A_14 step %scan3A_15 iter_args(%scan3A_84 = %broadcast_in_dim3A_10, %scan3A_85 = %broadcast_in_dim3A_10, %scan3A_86 = %broadcast_in_dim3A_10, %scan3A_87 = %broadcast_in_dim3A_10, %scan3A_88 = %broadcast_in_dim3A_10, %scan3A_89 = %broadcast_in_dim3A_10, %scan3A_90 = %broadcast_in_dim3A_10, %scan3A_91 = %broadcast_in_dim3A_12, %scan3A_92 = %broadcast_in_dim3A_12, %scan3A_93 = %broadcast_in_dim3A_12, %scan3A_94 = %broadcast_in_dim3A_12, %scan3A_95 = %broadcast_in_dim3A_12, %scan3A_96 = %broadcast_in_dim3A_12, %scan3A_97 = %broadcast_in_dim3A_12) -> (vector<16xf32>, vector<16xf32>, vector<16xf32>, vector<16xf32>, vector<16xf32>, vector<16xf32>, vector<16xf32>, vector<16xf32>, vector<16xf32>, vector<16xf32>, vector<16xf32>, vector<16xf32>, vector<16xf32>, vector<16xf32>)  : i32 {
        %mul3A_98 = arith.constant 16 : i32
        %mul3A_99 = arith.muli %scan3A_83, %mul3A_98 : i32
        %get3A_100 = arith.index_cast %mul3A_99 : i32 to index
        %get3A_101 = tpu.vector_load %arg8[%get3A_100] {strides = array<i32>} : memref<2048xf32, #tpu.memory_space<vmem>>, vector<16xf32>,
        %masked_sort3A = arith.constant dense<true> : vector<16xi1>
        %masked_sort3A_102, %masked_sort3A_103, %masked_sort3A_104 = tpu.sort %get3A_101, %get3A_101 masked %masked_sort3A {descending = true} : (vector<16xf32>, vector<16xf32>, vector<16xi1>) -> (vector<16xi1>, vector<16xf32>, vector<16xf32>)
        %rev3A = arith.constant 15 : i32
        %rev3A_105 = vector.broadcast %rev3A : i32 to vector<16xi32>
        %rev3A_106 = tpu.iota {dimensions = array<i32: 0>} : vector<16xi32>
        %rev3A_107 = arith.subi %rev3A_105, %rev3A_106 : vector<16xi32>
        %rev3A_108 = tpu.dynamic_gather %masked_sort3A_103[%rev3A_107] in [0] : vector<16xf32>, vector<16xi32> -> vector<16xf32>
        %max3A = arith.maximumf %scan3A_84, %rev3A_108 : vector<16xf32>
        %min3A = arith.minimumf %scan3A_84, %rev3A_108 : vector<16xf32>
        %masked_sort3A_109 = arith.constant dense<true> : vector<16xi1>
        %masked_sort3A_110, %masked_sort3A_111, %masked_sort3A_112 = tpu.sort %max3A, %max3A masked %masked_sort3A_109 {descending = true} : (vector<16xf32>, vector<16xf32>, vector<16xi1>) -> (vector<16xi1>, vector<16xf32>, vector<16xf32>)
        %masked_sort3A_113 = arith.constant dense<true> : vector<16xi1>
        %masked_sort3A_114, %masked_sort3A_115, %masked_sort3A_116 = tpu.sort %min3A, %min3A masked %masked_sort3A_113 {descending = true} : (vector<16xf32>, vector<16xf32>, vector<16xi1>) -> (vector<16xi1>, vector<16xf32>, vector<16xf32>)
        %rev3A_117 = arith.constant 15 : i32
        %rev3A_118 = vector.broadcast %rev3A_117 : i32 to vector<16xi32>
        %rev3A_119 = tpu.iota {dimensions = array<i32: 0>} : vector<16xi32>
        %rev3A_120 = arith.subi %rev3A_118, %rev3A_119 : vector<16xi32>
        %rev3A_121 = tpu.dynamic_gather %masked_sort3A_115[%rev3A_120] in [0] : vector<16xf32>, vector<16xi32> -> vector<16xf32>
        %max3A_122 = arith.maximumf %scan3A_85, %rev3A_121 : vector<16xf32>
        %min3A_123 = arith.minimumf %scan3A_85, %rev3A_121 : vector<16xf32>
        %masked_sort3A_124 = arith.constant dense<true> : vector<16xi1>
        %masked_sort3A_125, %masked_sort3A_126, %masked_sort3A_127 = tpu.sort %max3A_122, %max3A_122 masked %masked_sort3A_124 {descending = true} : (vector<16xf32>, vector<16xf32>, vector<16xi1>) -> (vector<16xi1>, vector<16xf32>, vector<16xf32>)
        %masked_sort3A_128 = arith.constant dense<true> : vector<16xi1>
        %masked_sort3A_129, %masked_sort3A_130, %masked_sort3A_131 = tpu.sort %min3A_123, %min3A_123 masked %masked_sort3A_128 {descending = true} : (vector<16xf32>, vector<16xf32>, vector<16xi1>) -> (vector<16xi1>, vector<16xf32>, vector<16xf32>)
        %rev3A_132 = arith.constant 15 : i32
        %rev3A_133 = vector.broadcast %rev3A_132 : i32 to vector<16xi32>
        %rev3A_134 = tpu.iota {dimensions = array<i32: 0>} : vector<16xi32>
        %rev3A_135 = arith.subi %rev3A_133, %rev3A_134 : vector<16xi32>
        %rev3A_136 = tpu.dynamic_gather %masked_sort3A_130[%rev3A_135] in [0] : vector<16xf32>, vector<16xi32> -> vector<16xf32>
        %max3A_137 = arith.maximumf %scan3A_86, %rev3A_136 : vector<16xf32>
        %min3A_138 = arith.minimumf %scan3A_86, %rev3A_136 : vector<16xf32>
        %masked_sort3A_139 = arith.constant dense<true> : vector<16xi1>
        %masked_sort3A_140, %masked_sort3A_141, %masked_sort3A_142 = tpu.sort %max3A_137, %max3A_137 masked %masked_sort3A_139 {descending = true} : (vector<16xf32>, vector<16xf32>, vector<16xi1>) -> (vector<16xi1>, vector<16xf32>, vector<16xf32>)
        %masked_sort3A_143 = arith.constant dense<true> : vector<16xi1>
        %masked_sort3A_144, %masked_sort3A_145, %masked_sort3A_146 = tpu.sort %min3A_138, %min3A_138 masked %masked_sort3A_143 {descending = true} : (vector<16xf32>, vector<16xf32>, vector<16xi1>) -> (vector<16xi1>, vector<16xf32>, vector<16xf32>)
        %rev3A_147 = arith.constant 15 : i32
        %rev3A_148 = vector.broadcast %rev3A_147 : i32 to vector<16xi32>
        %rev3A_149 = tpu.iota {dimensions = array<i32: 0>} : vector<16xi32>
        %rev3A_150 = arith.subi %rev3A_148, %rev3A_149 : vector<16xi32>
        %rev3A_151 = tpu.dynamic_gather %masked_sort3A_145[%rev3A_150] in [0] : vector<16xf32>, vector<16xi32> -> vector<16xf32>
        %max3A_152 = arith.maximumf %scan3A_87, %rev3A_151 : vector<16xf32>
        %min3A_153 = arith.minimumf %scan3A_87, %rev3A_151 : vector<16xf32>
        %masked_sort3A_154 = arith.constant dense<true> : vector<16xi1>
        %masked_sort3A_155, %masked_sort3A_156, %masked_sort3A_157 = tpu.sort %max3A_152, %max3A_152 masked %masked_sort3A_154 {descending = true} : (vector<16xf32>, vector<16xf32>, vector<16xi1>) -> (vector<16xi1>, vector<16xf32>, vector<16xf32>)
        %masked_sort3A_158 = arith.constant dense<true> : vector<16xi1>
        %masked_sort3A_159, %masked_sort3A_160, %masked_sort3A_161 = tpu.sort %min3A_153, %min3A_153 masked %masked_sort3A_158 {descending = true} : (vector<16xf32>, vector<16xf32>, vector<16xi1>) -> (vector<16xi1>, vector<16xf32>, vector<16xf32>)
        %rev3A_162 = arith.constant 15 : i32
        %rev3A_163 = vector.broadcast %rev3A_162 : i32 to vector<16xi32>
        %rev3A_164 = tpu.iota {dimensions = array<i32: 0>} : vector<16xi32>
        %rev3A_165 = arith.subi %rev3A_163, %rev3A_164 : vector<16xi32>
        %rev3A_166 = tpu.dynamic_gather %masked_sort3A_160[%rev3A_165] in [0] : vector<16xf32>, vector<16xi32> -> vector<16xf32>
        %max3A_167 = arith.maximumf %scan3A_88, %rev3A_166 : vector<16xf32>
        %min3A_168 = arith.minimumf %scan3A_88, %rev3A_166 : vector<16xf32>
        %masked_sort3A_169 = arith.constant dense<true> : vector<16xi1>
        %masked_sort3A_170, %masked_sort3A_171, %masked_sort3A_172 = tpu.sort %max3A_167, %max3A_167 masked %masked_sort3A_169 {descending = true} : (vector<16xf32>, vector<16xf32>, vector<16xi1>) -> (vector<16xi1>, vector<16xf32>, vector<16xf32>)
        %masked_sort3A_173 = arith.constant dense<true> : vector<16xi1>
        %masked_sort3A_174, %masked_sort3A_175, %masked_sort3A_176 = tpu.sort %min3A_168, %min3A_168 masked %masked_sort3A_173 {descending = true} : (vector<16xf32>, vector<16xf32>, vector<16xi1>) -> (vector<16xi1>, vector<16xf32>, vector<16xf32>)
        %rev3A_177 = arith.constant 15 : i32
        %rev3A_178 = vector.broadcast %rev3A_177 : i32 to vector<16xi32>
        %rev3A_179 = tpu.iota {dimensions = array<i32: 0>} : vector<16xi32>
        %rev3A_180 = arith.subi %rev3A_178, %rev3A_179 : vector<16xi32>
        %rev3A_181 = tpu.dynamic_gather %masked_sort3A_175[%rev3A_180] in [0] : vector<16xf32>, vector<16xi32> -> vector<16xf32>
        %max3A_182 = arith.maximumf %scan3A_89, %rev3A_181 : vector<16xf32>
        %min3A_183 = arith.minimumf %scan3A_89, %rev3A_181 : vector<16xf32>
        %masked_sort3A_184 = arith.constant dense<true> : vector<16xi1>
        %masked_sort3A_185, %masked_sort3A_186, %masked_sort3A_187 = tpu.sort %max3A_182, %max3A_182 masked %masked_sort3A_184 {descending = true} : (vector<16xf32>, vector<16xf32>, vector<16xi1>) -> (vector<16xi1>, vector<16xf32>, vector<16xf32>)
        %masked_sort3A_188 = arith.constant dense<true> : vector<16xi1>
        %masked_sort3A_189, %masked_sort3A_190, %masked_sort3A_191 = tpu.sort %min3A_183, %min3A_183 masked %masked_sort3A_188 {descending = true} : (vector<16xf32>, vector<16xf32>, vector<16xi1>) -> (vector<16xi1>, vector<16xf32>, vector<16xf32>)
        %rev3A_192 = arith.constant 15 : i32
        %rev3A_193 = vector.broadcast %rev3A_192 : i32 to vector<16xi32>
        %rev3A_194 = tpu.iota {dimensions = array<i32: 0>} : vector<16xi32>
        %rev3A_195 = arith.subi %rev3A_193, %rev3A_194 : vector<16xi32>
        %rev3A_196 = tpu.dynamic_gather %masked_sort3A_190[%rev3A_195] in [0] : vector<16xf32>, vector<16xi32> -> vector<16xf32>
        %max3A_197 = arith.maximumf %scan3A_90, %rev3A_196 : vector<16xf32>
        %min3A_198 = arith.minimumf %scan3A_90, %rev3A_196 : vector<16xf32>
        %masked_sort3A_199 = arith.constant dense<true> : vector<16xi1>
        %masked_sort3A_200, %masked_sort3A_201, %masked_sort3A_202 = tpu.sort %max3A_197, %max3A_197 masked %masked_sort3A_199 {descending = true} : (vector<16xf32>, vector<16xf32>, vector<16xi1>) -> (vector<16xi1>, vector<16xf32>, vector<16xf32>)
        %masked_sort3A_203 = arith.constant dense<true> : vector<16xi1>
        %masked_sort3A_204, %masked_sort3A_205, %masked_sort3A_206 = tpu.sort %min3A_198, %min3A_198 masked %masked_sort3A_203 {descending = true} : (vector<16xf32>, vector<16xf32>, vector<16xi1>) -> (vector<16xi1>, vector<16xf32>, vector<16xf32>)
        %masked_sort3A_207 = arith.constant dense<true> : vector<16xi1>
        %masked_sort3A_208, %masked_sort3A_209, %masked_sort3A_210 = tpu.sort %get3A_101, %get3A_101 masked %masked_sort3A_207 : (vector<16xf32>, vector<16xf32>, vector<16xi1>) -> (vector<16xi1>, vector<16xf32>, vector<16xf32>)
        %rev3A_211 = arith.constant 15 : i32
        %rev3A_212 = vector.broadcast %rev3A_211 : i32 to vector<16xi32>
        %rev3A_213 = tpu.iota {dimensions = array<i32: 0>} : vector<16xi32>
        %rev3A_214 = arith.subi %rev3A_212, %rev3A_213 : vector<16xi32>
        %rev3A_215 = tpu.dynamic_gather %masked_sort3A_209[%rev3A_214] in [0] : vector<16xf32>, vector<16xi32> -> vector<16xf32>
        %min3A_216 = arith.minimumf %scan3A_91, %rev3A_215 : vector<16xf32>
        %max3A_217 = arith.maximumf %scan3A_91, %rev3A_215 : vector<16xf32>
        %masked_sort3A_218 = arith.constant dense<true> : vector<16xi1>
        %masked_sort3A_219, %masked_sort3A_220, %masked_sort3A_221 = tpu.sort %min3A_216, %min3A_216 masked %masked_sort3A_218 : (vector<16xf32>, vector<16xf32>, vector<16xi1>) -> (vector<16xi1>, vector<16xf32>, vector<16xf32>)
        %masked_sort3A_222 = arith.constant dense<true> : vector<16xi1>
        %masked_sort3A_223, %masked_sort3A_224, %masked_sort3A_225 = tpu.sort %max3A_217, %max3A_217 masked %masked_sort3A_222 : (vector<16xf32>, vector<16xf32>, vector<16xi1>) -> (vector<16xi1>, vector<16xf32>, vector<16xf32>)
        %rev3A_226 = arith.constant 15 : i32
        %rev3A_227 = vector.broadcast %rev3A_226 : i32 to vector<16xi32>
        %rev3A_228 = tpu.iota {dimensions = array<i32: 0>} : vector<16xi32>
        %rev3A_229 = arith.subi %rev3A_227, %rev3A_228 : vector<16xi32>
        %rev3A_230 = tpu.dynamic_gather %masked_sort3A_224[%rev3A_229] in [0] : vector<16xf32>, vector<16xi32> -> vector<16xf32>
        %min3A_231 = arith.minimumf %scan3A_92, %rev3A_230 : vector<16xf32>
        %max3A_232 = arith.maximumf %scan3A_92, %rev3A_230 : vector<16xf32>
        %masked_sort3A_233 = arith.constant dense<true> : vector<16xi1>
        %masked_sort3A_234, %masked_sort3A_235, %masked_sort3A_236 = tpu.sort %min3A_231, %min3A_231 masked %masked_sort3A_233 : (vector<16xf32>, vector<16xf32>, vector<16xi1>) -> (vector<16xi1>, vector<16xf32>, vector<16xf32>)
        %masked_sort3A_237 = arith.constant dense<true> : vector<16xi1>
        %masked_sort3A_238, %masked_sort3A_239, %masked_sort3A_240 = tpu.sort %max3A_232, %max3A_232 masked %masked_sort3A_237 : (vector<16xf32>, vector<16xf32>, vector<16xi1>) -> (vector<16xi1>, vector<16xf32>, vector<16xf32>)
        %rev3A_241 = arith.constant 15 : i32
        %rev3A_242 = vector.broadcast %rev3A_241 : i32 to vector<16xi32>
        %rev3A_243 = tpu.iota {dimensions = array<i32: 0>} : vector<16xi32>
        %rev3A_244 = arith.subi %rev3A_242, %rev3A_243 : vector<16xi32>
        %rev3A_245 = tpu.dynamic_gather %masked_sort3A_239[%rev3A_244] in [0] : vector<16xf32>, vector<16xi32> -> vector<16xf32>
        %min3A_246 = arith.minimumf %scan3A_93, %rev3A_245 : vector<16xf32>
        %max3A_247 = arith.maximumf %scan3A_93, %rev3A_245 : vector<16xf32>
        %masked_sort3A_248 = arith.constant dense<true> : vector<16xi1>
        %masked_sort3A_249, %masked_sort3A_250, %masked_sort3A_251 = tpu.sort %min3A_246, %min3A_246 masked %masked_sort3A_248 : (vector<16xf32>, vector<16xf32>, vector<16xi1>) -> (vector<16xi1>, vector<16xf32>, vector<16xf32>)
        %masked_sort3A_252 = arith.constant dense<true> : vector<16xi1>
        %masked_sort3A_253, %masked_sort3A_254, %masked_sort3A_255 = tpu.sort %max3A_247, %max3A_247 masked %masked_sort3A_252 : (vector<16xf32>, vector<16xf32>, vector<16xi1>) -> (vector<16xi1>, vector<16xf32>, vector<16xf32>)
        %rev3A_256 = arith.constant 15 : i32
        %rev3A_257 = vector.broadcast %rev3A_256 : i32 to vector<16xi32>
        %rev3A_258 = tpu.iota {dimensions = array<i32: 0>} : vector<16xi32>
        %rev3A_259 = arith.subi %rev3A_257, %rev3A_258 : vector<16xi32>
        %rev3A_260 = tpu.dynamic_gather %masked_sort3A_254[%rev3A_259] in [0] : vector<16xf32>, vector<16xi32> -> vector<16xf32>
        %min3A_261 = arith.minimumf %scan3A_94, %rev3A_260 : vector<16xf32>
        %max3A_262 = arith.maximumf %scan3A_94, %rev3A_260 : vector<16xf32>
        %masked_sort3A_263 = arith.constant dense<true> : vector<16xi1>
        %masked_sort3A_264, %masked_sort3A_265, %masked_sort3A_266 = tpu.sort %min3A_261, %min3A_261 masked %masked_sort3A_263 : (vector<16xf32>, vector<16xf32>, vector<16xi1>) -> (vector<16xi1>, vector<16xf32>, vector<16xf32>)
        %masked_sort3A_267 = arith.constant dense<true> : vector<16xi1>
        %masked_sort3A_268, %masked_sort3A_269, %masked_sort3A_270 = tpu.sort %max3A_262, %max3A_262 masked %masked_sort3A_267 : (vector<16xf32>, vector<16xf32>, vector<16xi1>) -> (vector<16xi1>, vector<16xf32>, vector<16xf32>)
        %rev3A_271 = arith.constant 15 : i32
        %rev3A_272 = vector.broadcast %rev3A_271 : i32 to vector<16xi32>
        %rev3A_273 = tpu.iota {dimensions = array<i32: 0>} : vector<16xi32>
        %rev3A_274 = arith.subi %rev3A_272, %rev3A_273 : vector<16xi32>
        %rev3A_275 = tpu.dynamic_gather %masked_sort3A_269[%rev3A_274] in [0] : vector<16xf32>, vector<16xi32> -> vector<16xf32>
        %min3A_276 = arith.minimumf %scan3A_95, %rev3A_275 : vector<16xf32>
        %max3A_277 = arith.maximumf %scan3A_95, %rev3A_275 : vector<16xf32>
        %masked_sort3A_278 = arith.constant dense<true> : vector<16xi1>
        %masked_sort3A_279, %masked_sort3A_280, %masked_sort3A_281 = tpu.sort %min3A_276, %min3A_276 masked %masked_sort3A_278 : (vector<16xf32>, vector<16xf32>, vector<16xi1>) -> (vector<16xi1>, vector<16xf32>, vector<16xf32>)
        %masked_sort3A_282 = arith.constant dense<true> : vector<16xi1>
        %masked_sort3A_283, %masked_sort3A_284, %masked_sort3A_285 = tpu.sort %max3A_277, %max3A_277 masked %masked_sort3A_282 : (vector<16xf32>, vector<16xf32>, vector<16xi1>) -> (vector<16xi1>, vector<16xf32>, vector<16xf32>)
        %rev3A_286 = arith.constant 15 : i32
        %rev3A_287 = vector.broadcast %rev3A_286 : i32 to vector<16xi32>
        %rev3A_288 = tpu.iota {dimensions = array<i32: 0>} : vector<16xi32>
        %rev3A_289 = arith.subi %rev3A_287, %rev3A_288 : vector<16xi32>
        %rev3A_290 = tpu.dynamic_gather %masked_sort3A_284[%rev3A_289] in [0] : vector<16xf32>, vector<16xi32> -> vector<16xf32>
        %min3A_291 = arith.minimumf %scan3A_96, %rev3A_290 : vector<16xf32>
        %max3A_292 = arith.maximumf %scan3A_96, %rev3A_290 : vector<16xf32>
        %masked_sort3A_293 = arith.constant dense<true> : vector<16xi1>
        %masked_sort3A_294, %masked_sort3A_295, %masked_sort3A_296 = tpu.sort %min3A_291, %min3A_291 masked %masked_sort3A_293 : (vector<16xf32>, vector<16xf32>, vector<16xi1>) -> (vector<16xi1>, vector<16xf32>, vector<16xf32>)
        %masked_sort3A_297 = arith.constant dense<true> : vector<16xi1>
        %masked_sort3A_298, %masked_sort3A_299, %masked_sort3A_300 = tpu.sort %max3A_292, %max3A_292 masked %masked_sort3A_297 : (vector<16xf32>, vector<16xf32>, vector<16xi1>) -> (vector<16xi1>, vector<16xf32>, vector<16xf32>)
        %rev3A_301 = arith.constant 15 : i32
        %rev3A_302 = vector.broadcast %rev3A_301 : i32 to vector<16xi32>
        %rev3A_303 = tpu.iota {dimensions = array<i32: 0>} : vector<16xi32>
        %rev3A_304 = arith.subi %rev3A_302, %rev3A_303 : vector<16xi32>
        %rev3A_305 = tpu.dynamic_gather %masked_sort3A_299[%rev3A_304] in [0] : vector<16xf32>, vector<16xi32> -> vector<16xf32>
        %min3A_306 = arith.minimumf %scan3A_97, %rev3A_305 : vector<16xf32>
        %max3A_307 = arith.maximumf %scan3A_97, %rev3A_305 : vector<16xf32>
        %masked_sort3A_308 = arith.constant dense<true> : vector<16xi1>
        %masked_sort3A_309, %masked_sort3A_310, %masked_sort3A_311 = tpu.sort %min3A_306, %min3A_306 masked %masked_sort3A_308 : (vector<16xf32>, vector<16xf32>, vector<16xi1>) -> (vector<16xi1>, vector<16xf32>, vector<16xf32>)
        %masked_sort3A_312 = arith.constant dense<true> : vector<16xi1>
        %masked_sort3A_313, %masked_sort3A_314, %masked_sort3A_315 = tpu.sort %max3A_307, %max3A_307 masked %masked_sort3A_312 : (vector<16xf32>, vector<16xf32>, vector<16xi1>) -> (vector<16xi1>, vector<16xf32>, vector<16xf32>)
        scf.yield %masked_sort3A_111, %masked_sort3A_126, %masked_sort3A_141, %masked_sort3A_156, %masked_sort3A_171, %masked_sort3A_186, %masked_sort3A_201, %masked_sort3A_220, %masked_sort3A_235, %masked_sort3A_250, %masked_sort3A_265, %masked_sort3A_280, %masked_sort3A_295, %masked_sort3A_310 : vector<16xf32>, vector<16xf32>, vector<16xf32>, vector<16xf32>, vector<16xf32>, vector<16xf32>, vector<16xf32>, vector<16xf32>, vector<16xf32>, vector<16xf32>, vector<16xf32>, vector<16xf32>, vector<16xf32>, vector<16xf32>
      }
      %scan3A_17 = arith.constant 128 : i32
      %broadcast_in_dim3A_18 = arith.constant 0.000000e+00 : f32
      %broadcast_in_dim3A_19 = vector.broadcast %broadcast_in_dim3A_18 : f32 to vector<16xf32>
      %get3A = arith.constant 0 : index
      %get3A_20 = tpu.vector_load %arg9[%get3A] {strides = array<i32>} : memref<224xf32, #tpu.memory_space<vmem>>, vector<16xf32>,
      %mul3A = arith.mulf %scan3A_16#0, %get3A_20 : vector<16xf32>
      %add3A = arith.addf %broadcast_in_dim3A_19, %mul3A : vector<16xf32>
      %get3A_21 = arith.constant 16 : index
      %get3A_22 = tpu.vector_load %arg9[%get3A_21] {strides = array<i32>} : memref<224xf32, #tpu.memory_space<vmem>>, vector<16xf32>,
      %mul3A_23 = arith.mulf %scan3A_16#1, %get3A_22 : vector<16xf32>
      %add3A_24 = arith.addf %add3A, %mul3A_23 : vector<16xf32>
      %get3A_25 = arith.constant 32 : index
      %get3A_26 = tpu.vector_load %arg9[%get3A_25] {strides = array<i32>} : memref<224xf32, #tpu.memory_space<vmem>>, vector<16xf32>,
      %mul3A_27 = arith.mulf %scan3A_16#2, %get3A_26 : vector<16xf32>
      %add3A_28 = arith.addf %add3A_24, %mul3A_27 : vector<16xf32>
      %get3A_29 = arith.constant 48 : index
      %get3A_30 = tpu.vector_load %arg9[%get3A_29] {strides = array<i32>} : memref<224xf32, #tpu.memory_space<vmem>>, vector<16xf32>,
      %mul3A_31 = arith.mulf %scan3A_16#3, %get3A_30 : vector<16xf32>
      %add3A_32 = arith.addf %add3A_28, %mul3A_31 : vector<16xf32>
      %get3A_33 = arith.constant 64 : index
      %get3A_34 = tpu.vector_load %arg9[%get3A_33] {strides = array<i32>} : memref<224xf32, #tpu.memory_space<vmem>>, vector<16xf32>,
      %mul3A_35 = arith.mulf %scan3A_16#4, %get3A_34 : vector<16xf32>
      %add3A_36 = arith.addf %add3A_32, %mul3A_35 : vector<16xf32>
      %get3A_37 = arith.constant 80 : index
      %get3A_38 = tpu.vector_load %arg9[%get3A_37] {strides = array<i32>} : memref<224xf32, #tpu.memory_space<vmem>>, vector<16xf32>,
      %mul3A_39 = arith.mulf %scan3A_16#5, %get3A_38 : vector<16xf32>
      %add3A_40 = arith.addf %add3A_36, %mul3A_39 : vector<16xf32>
      %get3A_41 = arith.constant 96 : index
      %get3A_42 = tpu.vector_load %arg9[%get3A_41] {strides = array<i32>} : memref<224xf32, #tpu.memory_space<vmem>>, vector<16xf32>,
      %mul3A_43 = arith.mulf %scan3A_16#6, %get3A_42 : vector<16xf32>
      %add3A_44 = arith.addf %add3A_40, %mul3A_43 : vector<16xf32>
      %get3A_45 = arith.constant 112 : index
      %get3A_46 = tpu.vector_load %arg9[%get3A_45] {strides = array<i32>} : memref<224xf32, #tpu.memory_space<vmem>>, vector<16xf32>,
      %mul3A_47 = arith.mulf %scan3A_16#7, %get3A_46 : vector<16xf32>
      %add3A_48 = arith.addf %add3A_44, %mul3A_47 : vector<16xf32>
      %get3A_49 = arith.constant 128 : index
      %get3A_50 = tpu.vector_load %arg9[%get3A_49] {strides = array<i32>} : memref<224xf32, #tpu.memory_space<vmem>>, vector<16xf32>,
      %mul3A_51 = arith.mulf %scan3A_16#8, %get3A_50 : vector<16xf32>
      %add3A_52 = arith.addf %add3A_48, %mul3A_51 : vector<16xf32>
      %get3A_53 = arith.constant 144 : index
      %get3A_54 = tpu.vector_load %arg9[%get3A_53] {strides = array<i32>} : memref<224xf32, #tpu.memory_space<vmem>>, vector<16xf32>,
      %mul3A_55 = arith.mulf %scan3A_16#9, %get3A_54 : vector<16xf32>
      %add3A_56 = arith.addf %add3A_52, %mul3A_55 : vector<16xf32>
      %get3A_57 = arith.constant 160 : index
      %get3A_58 = tpu.vector_load %arg9[%get3A_57] {strides = array<i32>} : memref<224xf32, #tpu.memory_space<vmem>>, vector<16xf32>,
      %mul3A_59 = arith.mulf %scan3A_16#10, %get3A_58 : vector<16xf32>
      %add3A_60 = arith.addf %add3A_56, %mul3A_59 : vector<16xf32>
      %get3A_61 = arith.constant 176 : index
      %get3A_62 = tpu.vector_load %arg9[%get3A_61] {strides = array<i32>} : memref<224xf32, #tpu.memory_space<vmem>>, vector<16xf32>,
      %mul3A_63 = arith.mulf %scan3A_16#11, %get3A_62 : vector<16xf32>
      %add3A_64 = arith.addf %add3A_60, %mul3A_63 : vector<16xf32>
      %get3A_65 = arith.constant 192 : index
      %get3A_66 = tpu.vector_load %arg9[%get3A_65] {strides = array<i32>} : memref<224xf32, #tpu.memory_space<vmem>>, vector<16xf32>,
      %mul3A_67 = arith.mulf %scan3A_16#12, %get3A_66 : vector<16xf32>
      %add3A_68 = arith.addf %add3A_64, %mul3A_67 : vector<16xf32>
      %get3A_69 = arith.constant 208 : index
      %get3A_70 = tpu.vector_load %arg9[%get3A_69] {strides = array<i32>} : memref<224xf32, #tpu.memory_space<vmem>>, vector<16xf32>,
      %mul3A_71 = arith.mulf %scan3A_16#13, %get3A_70 : vector<16xf32>
      %add3A_72 = arith.addf %add3A_68, %mul3A_71 : vector<16xf32>
      %reduce_sum3A = arith.constant true
      %reduce_sum3A_73 = vector.broadcast %reduce_sum3A : i1 to vector<16xi1>
      %reduce_sum3A_74 = tpu.scan <sum>, %add3A_72 masked %reduce_sum3A_73 : vector<16xf32>, vector<16xi1> -> vector<16xf32>
      %reduce_sum3A_75 = vector.extract %reduce_sum3A_74[15] : f32 from vector<16xf32>
      %broadcast_in_dim3A_76 = vector.broadcast %reduce_sum3A_75 : f32 to vector<16xf32>
      %swap3A = arith.constant 0 : index
      %swap3A_77 = tpu.vector_load %arg11[%swap3A] {strides = array<i32>} : memref<16xf32, #tpu.memory_space<vmem>>, vector<16xf32>,
      tpu.vector_store %arg11[%swap3A], %broadcast_in_dim3A_76 {strides = array<i32>} : memref<16xf32, #tpu.memory_space<vmem>>, vector<16xf32>,
      "tpu.region"() ({
        %run_scoped3A = tpu.sem_alloc : memref<!tpu.dma_semaphore, #tpu.memory_space<semaphore_mem>>
        %dma_start3A = arith.constant 0 : i32
        %dma_start3A_83 = tpu.memref_slice %arg13[%arg1, %dma_start3A] : memref<16x16xf32, #tpu.memory_space<vmem_shared>> -> memref<1x16xf32, #tpu.memory_space<vmem_shared>>
        %dma_start3A_84 = tpu.memref_squeeze %dma_start3A_83 : memref<1x16xf32, #tpu.memory_space<vmem_shared>> -> memref<16xf32, #tpu.memory_space<vmem_shared>>
        %dma_start3A_85 = arith.constant 0 : i32
        %dma_start3A_86 = tpu.memref_slice %arg13[%arg1, %dma_start3A_85] : memref<16x16xf32, #tpu.memory_space<vmem_shared>> -> memref<1x16xf32, #tpu.memory_space<vmem_shared>>
        %dma_start3A_87 = tpu.memref_squeeze %dma_start3A_86 : memref<1x16xf32, #tpu.memory_space<vmem_shared>> -> memref<16xf32, #tpu.memory_space<vmem_shared>>
        tpu.enqueue_dma source(%arg11 : memref<16xf32, #tpu.memory_space<vmem>>) target(%dma_start3A_87 : memref<16xf32, #tpu.memory_space<vmem_shared>>) target_semaphore(%run_scoped3A : memref<!tpu.dma_semaphore, #tpu.memory_space<semaphore_mem>>)
        %dma_wait3A = arith.constant 0 : i32
        %dma_wait3A_88 = tpu.memref_slice %arg13[%arg1, %dma_wait3A] : memref<16x16xf32, #tpu.memory_space<vmem_shared>> -> memref<1x16xf32, #tpu.memory_space<vmem_shared>>
        %dma_wait3A_89 = tpu.memref_squeeze %dma_wait3A_88 : memref<1x16xf32, #tpu.memory_space<vmem_shared>> -> memref<16xf32, #tpu.memory_space<vmem_shared>>
        %dma_wait3A_90 = arith.constant 0 : i32
        %dma_wait3A_91 = tpu.memref_slice %arg13[%arg1, %dma_wait3A_90] : memref<16x16xf32, #tpu.memory_space<vmem_shared>> -> memref<1x16xf32, #tpu.memory_space<vmem_shared>>
        %dma_wait3A_92 = tpu.memref_squeeze %dma_wait3A_91 : memref<1x16xf32, #tpu.memory_space<vmem_shared>> -> memref<16xf32, #tpu.memory_space<vmem_shared>>
        tpu.wait_dma2 semaphore(%run_scoped3A : memref<!tpu.dma_semaphore, #tpu.memory_space<semaphore_mem>>) src(%arg11 : memref<16xf32, #tpu.memory_space<vmem>>) dst(%dma_wait3A_92 : memref<16xf32, #tpu.memory_space<vmem_shared>>)
        tpu.yield
      }) : () -> ()
      %barrier3A = arith.constant 0 : index
      tpu.barrier barrier_id(%barrier3A)
      %eq3A_78 = arith.constant 0 : i32
      %eq3A_79 = arith.cmpi eq, %arg1, %eq3A_78 : i32
      %convert_element_type3A_80 = arith.extui %eq3A_79 : i1 to i32
      %cond3A_81 = arith.constant 0 : i32
      %cond3A_82 = arith.cmpi ne, %convert_element_type3A_80, %cond3A_81 : i32
      scf.if %cond3A_82 {
        "tpu.region"() ({
          %run_scoped3A = tpu.sem_alloc : memref<!tpu.dma_semaphore, #tpu.memory_space<semaphore_mem>>
          tpu.enqueue_dma source(%arg5 : memref<16xf32, #tpu.memory_space<hbm>>) target(%arg10 : memref<16xf32, #tpu.memory_space<vmem>>) target_semaphore(%run_scoped3A : memref<!tpu.dma_semaphore, #tpu.memory_space<semaphore_mem>>)
          tpu.wait_dma2 semaphore(%run_scoped3A : memref<!tpu.dma_semaphore, #tpu.memory_space<semaphore_mem>>) src(%arg5 : memref<16xf32, #tpu.memory_space<hbm>>) dst(%arg10 : memref<16xf32, #tpu.memory_space<vmem>>)
          tpu.yield
        }) : () -> ()
        "tpu.region"() ({
          %run_scoped3A = tpu.sem_alloc : memref<!tpu.dma_semaphore, #tpu.memory_space<semaphore_mem>>
          tpu.enqueue_dma source(%arg13 : memref<16x16xf32, #tpu.memory_space<vmem_shared>>) target(%arg12 : memref<16x16xf32, #tpu.memory_space<vmem>>) target_semaphore(%run_scoped3A : memref<!tpu.dma_semaphore, #tpu.memory_space<semaphore_mem>>)
          tpu.wait_dma2 semaphore(%run_scoped3A : memref<!tpu.dma_semaphore, #tpu.memory_space<semaphore_mem>>) src(%arg13 : memref<16x16xf32, #tpu.memory_space<vmem_shared>>) dst(%arg12 : memref<16x16xf32, #tpu.memory_space<vmem>>)
          tpu.yield
        }) : () -> ()
        %iota3A = tpu.iota {dimensions = array<i32: 0>} : vector<16xi32>
        %gather3A = tpu.vector_load_idx %arg12[%iota3A, %iota3A] : memref<16x16xf32, #tpu.memory_space<vmem>>[vector<16xi32>, vector<16xi32>], vector<16xf32>,
        %get3A_83 = arith.constant 0 : index
        %get3A_84 = tpu.vector_load %arg10[%get3A_83] {strides = array<i32>} : memref<16xf32, #tpu.memory_space<vmem>>, vector<16xf32>,
        %add3A_85 = arith.addf %gather3A, %get3A_84 : vector<16xf32>
        %neg3A = arith.constant 0.000000e+00 : f32
        %neg3A_86 = vector.broadcast %neg3A : f32 to vector<16xf32>
        %neg3A_87 = arith.subf %neg3A_86, %add3A_85 : vector<16xf32>
        %exp3A = math.exp %neg3A_87 : vector<16xf32>
        %add3A_88 = arith.constant 1.000000e+00 : f32
        %add3A_89 = vector.broadcast %add3A_88 : f32 to vector<16xf32>
        %add3A_90 = arith.addf %add3A_89, %exp3A : vector<16xf32>
        %div3A = arith.constant 1.000000e+00 : f32
        %div3A_91 = vector.broadcast %div3A : f32 to vector<16xf32>
        %div3A_92 = arith.divf %div3A_91, %add3A_90 : vector<16xf32>
        %swap3A_93 = arith.constant 0 : index
        %swap3A_94 = tpu.vector_load %arg11[%swap3A_93] {strides = array<i32>} : memref<16xf32, #tpu.memory_space<vmem>>, vector<16xf32>,
        tpu.vector_store %arg11[%swap3A_93], %div3A_92 {strides = array<i32>} : memref<16xf32, #tpu.memory_space<vmem>>, vector<16xf32>,
        "tpu.region"() ({
          %run_scoped3A = tpu.sem_alloc : memref<!tpu.dma_semaphore, #tpu.memory_space<semaphore_mem>>
          tpu.enqueue_dma source(%arg11 : memref<16xf32, #tpu.memory_space<vmem>>) target(%arg6 : memref<16xf32, #tpu.memory_space<hbm>>) target_semaphore(%run_scoped3A : memref<!tpu.dma_semaphore, #tpu.memory_space<semaphore_mem>>)
          tpu.wait_dma2 semaphore(%run_scoped3A : memref<!tpu.dma_semaphore, #tpu.memory_space<semaphore_mem>>) src(%arg11 : memref<16xf32, #tpu.memory_space<vmem>>) dst(%arg6 : memref<16xf32, #tpu.memory_space<hbm>>)
          tpu.yield
        }) : () -> ()
        %ge3A_95 = arith.constant 5.000000e-01 : f32
        %ge3A_96 = vector.broadcast %ge3A_95 : f32 to vector<16xf32>
        %ge3A_97 = arith.cmpf oge, %div3A_92, %ge3A_96 : vector<16xf32>
        %jit3A = arith.constant 1.000000e+00 : f32
        %jit3A_98 = arith.constant 0.000000e+00 : f32
        %broadcast_in_dim3A_99 = vector.broadcast %jit3A : f32 to vector<16xf32>
        %broadcast_in_dim3A_100 = vector.broadcast %jit3A_98 : f32 to vector<16xf32>
        %select_n3A = arith.select %ge3A_97, %broadcast_in_dim3A_99, %broadcast_in_dim3A_100 : vector<16xi1>, vector<16xf32>
        %swap3A_101 = arith.constant 0 : index
        %swap3A_102 = tpu.vector_load %arg11[%swap3A_101] {strides = array<i32>} : memref<16xf32, #tpu.memory_space<vmem>>, vector<16xf32>,
        tpu.vector_store %arg11[%swap3A_101], %select_n3A {strides = array<i32>} : memref<16xf32, #tpu.memory_space<vmem>>, vector<16xf32>,
        "tpu.region"() ({
          %run_scoped3A = tpu.sem_alloc : memref<!tpu.dma_semaphore, #tpu.memory_space<semaphore_mem>>
          tpu.enqueue_dma source(%arg11 : memref<16xf32, #tpu.memory_space<vmem>>) target(%arg7 : memref<16xf32, #tpu.memory_space<hbm>>) target_semaphore(%run_scoped3A : memref<!tpu.dma_semaphore, #tpu.memory_space<semaphore_mem>>)
          tpu.wait_dma2 semaphore(%run_scoped3A : memref<!tpu.dma_semaphore, #tpu.memory_space<semaphore_mem>>) src(%arg11 : memref<16xf32, #tpu.memory_space<vmem>>) dst(%arg7 : memref<16xf32, #tpu.memory_space<hbm>>)
          tpu.yield
        }) : () -> ()
      } else {
      }
    } else {
    }
    return
  }
}

module attributes {stable_mosaic.version = 14 : i64} {
  func.func @_gemv_body(%arg0: i32, %arg1: memref<1024x1024xf32, #tpu.memory_space<vmem>>, %arg2: memref<1024x1024xf32, #tpu.memory_space<vmem>>, %arg3: memref<1x1024xf32, #tpu.memory_space<vmem>>, %arg4: memref<1x1024xf32, #tpu.memory_space<vmem>>, %arg5: memref<1xf32, #tpu.memory_space<smem>>, %arg6: memref<1x1024xf32, #tpu.memory_space<vmem>>) attributes {dimension_semantics = [#tpu.dimension_semantics<arbitrary>], iteration_bounds = array<i64: 22>, scalar_prefetch = 0 : i64, scratch_operands = 0 : i64, tpu.core_type = #tpu.core_type<tc>, window_params = [{transform_indices = @transform_0, window_bounds = array<i64: 1024, 1024>}, {transform_indices = @transform_1, window_bounds = array<i64: 1024, 1024>}, {transform_indices = @transform_2, window_bounds = array<i64: 1, 1024>}, {transform_indices = @transform_3, window_bounds = array<i64: 1, 1024>}, {transform_indices = @transform_4, window_bounds = array<i64: 1>}, {transform_indices = @transform_5, window_bounds = array<i64: 1, 1024>}]} {
    %get3A = arith.constant 0 : index
    %get3A_0 = arith.constant 0 : index
    %get3A_1 = vector.load %arg3[%get3A, %get3A_0] : memref<1x1024xf32, #tpu.memory_space<vmem>>, vector<1x1024xf32>
    %get3A_2 = arith.constant 0 : index
    %get3A_3 = arith.constant 0 : index
    %get3A_4 = vector.load %arg1[%get3A_2, %get3A_3] : memref<1024x1024xf32, #tpu.memory_space<vmem>>, vector<1024x1024xf32>
    %dot_general3A = arith.constant dense<0.000000e+00> : vector<1x1024xf32>
    %dot_general3A_5 = tpu.matmul %get3A_1, %get3A_4, %dot_general3A {dimension_numbers = #tpu.dot_dimension_numbers<[1], [1], [0], [0], [0, 0, 1, 0], [], []>, transpose_lhs_hint = false} : vector<1x1024xf32>, vector<1024x1024xf32>, vector<1x1024xf32> -> vector<1x1024xf32>
    %get3A_6 = arith.constant 0 : index
    %get3A_7 = arith.constant 0 : index
    %get3A_8 = vector.load %arg4[%get3A_6, %get3A_7] : memref<1x1024xf32, #tpu.memory_space<vmem>>, vector<1x1024xf32>
    %get3A_9 = arith.constant 0 : index
    %get3A_10 = arith.constant 0 : index
    %get3A_11 = vector.load %arg2[%get3A_9, %get3A_10] : memref<1024x1024xf32, #tpu.memory_space<vmem>>, vector<1024x1024xf32>
    %dot_general3A_12 = arith.constant dense<0.000000e+00> : vector<1x1024xf32>
    %dot_general3A_13 = tpu.matmul %get3A_8, %get3A_11, %dot_general3A_12 {dimension_numbers = #tpu.dot_dimension_numbers<[1], [1], [0], [0], [0, 0, 1, 0], [], []>, transpose_lhs_hint = false} : vector<1x1024xf32>, vector<1024x1024xf32>, vector<1x1024xf32> -> vector<1x1024xf32>
    %add3A = arith.addf %dot_general3A_5, %dot_general3A_13 : vector<1x1024xf32>
    %get3A_14 = arith.constant 0 : index
    %get3A_15 = memref.load %arg5[%get3A_14] : memref<1xf32, #tpu.memory_space<smem>>
    %add3A_16 = vector.broadcast %get3A_15 : f32 to vector<1x1024xf32>
    %add3A_17 = arith.addf %add3A, %add3A_16 : vector<1x1024xf32>
    %swap3A = arith.constant 0 : index
    %swap3A_18 = arith.constant 0 : index
    %swap3A_19 = vector.load %arg6[%swap3A, %swap3A_18] : memref<1x1024xf32, #tpu.memory_space<vmem>>, vector<1x1024xf32>
    tpu.vector_store %arg6[%swap3A, %swap3A_18], %add3A_17 {strides = array<i32>} : memref<1x1024xf32, #tpu.memory_space<vmem>>, vector<1x1024xf32>,
    return
  }
  func.func @transform_0(%arg0: i32) -> (i32, i32) {
    %c0_i32 = arith.constant 0 : i32
    %c0_i32_0 = arith.constant 0 : i32
    return %arg0, %c0_i32 : i32, i32
  }
  func.func @transform_1(%arg0: i32) -> (i32, i32) {
    %c1_i32 = arith.constant 1 : i32
    %c0_i32 = arith.constant 0 : i32
    return %arg0, %c1_i32 : i32, i32
  }
  func.func @transform_2(%arg0: i32) -> (i32, i32) {
    %c0_i32 = arith.constant 0 : i32
    %c0_i32_0 = arith.constant 0 : i32
    %c0_i32_1 = arith.constant 0 : i32
    return %c0_i32, %c0_i32_0 : i32, i32
  }
  func.func @transform_3(%arg0: i32) -> (i32, i32) {
    %c0_i32 = arith.constant 0 : i32
    %c1_i32 = arith.constant 1 : i32
    %c0_i32_0 = arith.constant 0 : i32
    return %c0_i32, %c1_i32 : i32, i32
  }
  func.func @transform_4(%arg0: i32) -> i32 {
    %c0_i32 = arith.constant 0 : i32
    %c0_i32_0 = arith.constant 0 : i32
    return %c0_i32 : i32
  }
  func.func @transform_5(%arg0: i32) -> (i32, i32) {
    %c0_i32 = arith.constant 0 : i32
    %c0_i32_0 = arith.constant 0 : i32
    return %c0_i32, %arg0 : i32, i32
  }
}

</mosaic_0001>

<sc_bundles>
// kernel: kernel.5.cloned.1.call-start
scs
__scs_entry_jumppad:
0x0: {  	(pc) =	sbr.rel $0x88, $3  }
0x1: {  	(tag) =	ssettag $0x0;
	lr =	simm.s32 $0x1  }
0x2: {  	[smem:$0x3F9C] =	sst lr;
	_ =	strace $0xD0000000  }
0x3: {  	_ = 	snop  }
0x4: {  	_ = 	snop  }
0x5: {  	_ = 	snop  }
0x6: {  	_ = 	snop  }
0x7: {  	_ = 	snop  }
__scs_overlays_trampoline_lowered:
0x8: {  	[smem:$0x3FAB] =	sst s0  }
0x9: {  	[smem:$0x3FAC] =	sst s1  }
0xa: {  	[smem:$0x3FAD] =	sst s2  }
0xb: {  	[smem:$0x3FAE] =	sst s3  }
0xc: {  	[smem:$0x3FAF] =	sst s4  }
0xd: {  	[smem:$0x3FB0] =	sst s5  }
0xe: {  	[smem:$0x3FB1] =	sst s6  }
0xf: {  	[smem:$0x3FB2] =	sst s7  }
0x10: {  	[smem:$0x3FB3] =	sst s8  }
0x11: {  	[smem:$0x3FB4] =	sst s9;
	s0 =	simm.s32 @!p0 $0x0  }
0x12: {  	s1 =	sld [smem:$0x3F9A];
	s0 =	simm.s32 @p0 $0x1  }
0x13: {  	[smem:$0x3FB5] =	sst s0;
	s0 =	simm.s32 @!p1 $0x0  }
0x14: {  	s2 =	sld [smem:$0x3F99];
	s0 =	simm.s32 @p1 $0x1  }
0x15: {  	[smem:$0x3FB6] =	sst s0;
	s0 =	simm.s32 @!p2 $0x0  }
0x16: {  	s3 =	sld [smem:$0x3FDB];
	s0 =	simm.s32 @p2 $0x1  }
0x17: {  	s4 =	simm.s32 $0x1BF5;
	[smem:$0x3FB8] =	sst s0  }
0x18: {  	s0 =	sld [smem:$0x3F9B];
	_ =	swait.ge [sflag:s4], $0x0  }
0x19: {  	s7 =	sld [smem:$0x3F9C]  }
0x1a: {  	s8 =	sadd.s32 $0xFFFFE003, lr  }
0x1b: {  	s9 =	sadd.s32 $0xFFFFFEF7, lr;
	s5 =	simm.s32 $0xFFFFFFFF;
	p2 =	slt.u32 s8, $0xFFFFF086  }
0x1c: {  	p1 =	slt.u32 s9, $0xF7A;
	s5 =	simm.s32 @!p2 $0x0  }
0x1d: {  	s5 =	simm.s32 @p1 $0x1;
	p0 =	seq.s32 s7, s2  }
0x1e: {  	s7 =	smul.u32 @!p0 $0xF7A, s2;
	p2 =	seq.s32 @!p0 s5, $0x0  }
0x1f: {  	s9 =	smul.u32 $0xF7A, s1;
	s8 =	simm.s32 @!p0 $0x1BF5;
	p2 =	por !p2, p0  }
0x20: {  	[sflag:s8] =	ssyncset.s32 @!p0 $0xFFFFF086;
	s6 =	sadd.s32 @!p0 s3, s7;
	s7 =	simm.s32 @!p0 $0x108  }
0x21: {  	s3 =	sadd.s32 s3, s9;
	s6 =	sadd.s32 @!p0 $0x88, s6;
	s7 =	simm.s32 @p2 $0x1082  }
0x22: {  	[simem:s7], [sflag:s8] =	dma.local @!p0 [hbm:s6], $0xF7A  }
0x23: {  	s9 =	sor.u32 $0xD0000000, s2;
	s6 =	simm.s32 $0x108;
	_ =	swait.ge @!p0 [sflag:s8], $0x0  }
0x24: {  	s3 =	sadd.s32 $0x88, s3;
	s6 =	simm.s32 @!p1 $0x1082;
	[sflag:s4] =	ssyncset.s32 $0xFFFFF086  }
0x25: {  	[simem:s6], [sflag:s4] =	dma.local [hbm:s3], $0xF7A  }
0x26: {  	[smem:$0x3F9C] =	sst s1;
	(tag) =	ssettag s2;
	_ =	strace s9  }
0x27: {  	s1 =	sld [smem:$0x3FAC]  }
0x28: {  	s2 =	sld [smem:$0x3FAD]  }
0x29: {  	s4 =	sld [smem:$0x3FAF]  }
0x2a: {  	p0 =	seq.s32 s5, $0x0;
	s5 =	sld [smem:$0x3FB0]  }
0x2b: {  	s6 =	sld [smem:$0x3FB1]  }
0x2c: {  	s7 =	sld [smem:$0x3FB2]  }
0x2d: {  	s3 =	simm.s32 $0x108;
	s8 =	sld [smem:$0x3FB3]  }
0x2e: {  	s3 =	simm.s32 @!p0 $0x1082;
	s9 =	sld [smem:$0x3FB4]  }
0x2f: {  	lr =	sadd.s32 s0, s3;
	s0 =	sld [smem:$0x3FAB]  }
0x30: {  	s3 =	sld [smem:$0x3FAE]  }
0x31: {  	[smem:$0x3FB7] =	sst s10  }
0x32: {  	s10 =	sld [smem:$0x3FB5];
	_ =	sdelay $0x3  }
0x33: {  	p0 =	seq.s32 s10, $0x1;
	s10 =	sld [smem:$0x3FB7];
	_ =	sdelay $0x3  }
0x34: {  	[smem:$0x3FB7] =	sst s10  }
0x35: {  	s10 =	sld [smem:$0x3FB6];
	_ =	sdelay $0x3  }
0x36: {  	p1 =	seq.s32 s10, $0x1;
	s10 =	sld [smem:$0x3FB7];
	_ =	sdelay $0x3  }
0x37: {  	[smem:$0x3FB7] =	sst s10  }
0x38: {  	s10 =	sld [smem:$0x3FB8]  }
0x39: {  	_ = 	snop;
	(pc) =	sbr.ind lr, $3  }
0x3a: {  	_ = 	snop  }
0x3b: {  	_ = 	snop  }
0x3c: {  	p2 =	seq.s32 s10, $0x1;
	s10 =	sld [smem:$0x3FB7]  }
0x3d: {  	_ =	shalt  }
0x3e: {  	_ =	shalt  }
0x3f: {  	_ =	shalt  }
0x40: {  	_ =	shalt  }
0x41: {  	_ =	shalt  }
0x42: {  	_ =	shalt  }
0x43: {  	_ =	shalt  }
0x44: {  	_ =	shalt  }
0x45: {  	_ =	shalt  }
0x46: {  	_ =	shalt  }
0x47: {  	_ =	shalt  }
0x48: {  	_ =	shalt  }
0x49: {  	_ =	shalt  }
0x4a: {  	_ =	shalt  }
0x4b: {  	_ =	shalt  }
0x4c: {  	_ =	shalt  }
0x4d: {  	_ =	shalt  }
0x4e: {  	_ =	shalt  }
0x4f: {  	_ =	shalt  }
0x50: {  	_ =	shalt  }
0x51: {  	_ =	shalt  }
0x52: {  	_ =	shalt  }
0x53: {  	_ =	shalt  }
0x54: {  	_ =	shalt  }
0x55: {  	_ =	shalt  }
0x56: {  	_ =	shalt  }
0x57: {  	_ =	shalt  }
0x58: {  	_ =	shalt  }
0x59: {  	_ =	shalt  }
0x5a: {  	_ =	shalt  }
0x5b: {  	_ =	shalt  }
0x5c: {  	_ =	shalt  }
0x5d: {  	_ =	shalt  }
0x5e: {  	_ =	shalt  }
0x5f: {  	_ =	shalt  }
0x60: {  	_ =	shalt  }
0x61: {  	_ =	shalt  }
0x62: {  	_ =	shalt  }
0x63: {  	_ =	shalt  }
0x64: {  	_ =	shalt  }
0x65: {  	_ =	shalt  }
0x66: {  	_ =	shalt  }
0x67: {  	_ =	shalt  }
0x68: {  	_ =	shalt  }
0x69: {  	_ =	shalt  }
0x6a: {  	_ =	shalt  }
0x6b: {  	_ =	shalt  }
0x6c: {  	_ =	shalt  }
0x6d: {  	_ =	shalt  }
0x6e: {  	_ =	shalt  }
0x6f: {  	_ =	shalt  }
0x70: {  	_ =	shalt  }
0x71: {  	_ =	shalt  }
0x72: {  	_ =	shalt  }
0x73: {  	_ =	shalt  }
0x74: {  	_ =	shalt  }
0x75: {  	_ =	shalt  }
0x76: {  	_ =	shalt  }
0x77: {  	_ =	shalt  }
0x78: {  	_ =	shalt  }
0x79: {  	_ =	shalt  }
0x7a: {  	_ =	shalt  }
0x7b: {  	_ =	shalt  }
0x7c: {  	_ =	shalt  }
0x7d: {  	_ =	shalt  }
0x7e: {  	_ =	shalt  }
0x7f: {  	_ =	shalt  }
0x80: {  	_ =	shalt  }
0x81: {  	_ =	shalt  }
0x82: {  	_ =	shalt  }
0x83: {  	_ =	shalt  }
0x84: {  	_ =	shalt  }
0x85: {  	_ =	shalt  }
0x86: {  	_ =	shalt  }
0x87: {  	_ =	shalt  }
.Lfunc_end0:
.L_simem_size_0:
called_computation_lowered:
.L_overlay_start_0:
0x88: {  	s2 =	sld [smem:$0x3FD9]  }
0x89: {  	s3 =	sld [smem:$0x3FFE];
	_ =	sdelay $0x1  }
0x8a: {  	s1 =	srdreg.scid  }
0x8b: {  	s0 =	sand.u32 $0x1, s1  }
0x8c: {  	s14 =	sshll.u32 s0, $0xA;
	s2 =	sadd.s32 s3, s2  }
0x8d: {  	s2 =	sadd.s32 s2, s14  }
0x8e: {  	[smem:$0x3FC3] =	sst s2  }
0x8f: {  	_ = 	snop  }
0x90: {  	s2 =	sld [smem:$0x3FD0];
	_ =	sdelay $0x1  }
0x91: {  	s15 =	sld [smem:$0x3FC9]  }
0x92: {  	s5 =	simm.s32 $0xA;
	s6 =	simm.s32 $0x10;
	s4 =	sld [smem:$0x3FC8]  }
0x93: {  	[smem:s6], [sflag:s5] =	dma.local [hbm:s2], $0x1  }
0x94: {  	_ =	swait.eq [sflag:s5], $0x1  }
0x95: {  	[sflag:s5] =	ssyncset.done $0x0  }
0x96: {  	[sflag:s5] =	ssyncadd.s32 $0xFFFFFFFF  }
0x97: {  	s16 =	sld [smem:$0x10];
	(tm) =	ssettm $0x1  }
0x98: {  	s17 =	sld [smem:$0x3FFB];
	_ =	sdelay $0x3  }
0x99: {  	_ =	strace s17  }
0x9a: {  	s5 =	sld [smem:$0x3FFC];
	_ =	sdelay $0x3  }
0x9b: {  	_ =	strace s5  }
0x9c: {  	s5 =	sld [smem:$0x3FFD];
	_ =	sdelay $0x3  }
0x9d: {  	_ =	strace s5  }
0x9e: {  	_ =	strace $0x8FFFFFFF  }
0x9f: {  	s18 =	sld [smem:$0x3FDB];
	_ =	sdelay $0x1  }
0xa0: {  	s19 =	simm.s32 $_scs_section_size  }
0xa1: {  	s7 =	simm.s32 $_size__tile_overlayer_lowered;
	s8 =	simm.s32 $_tile_overlayer_lowered  }
0xa2: {  	s22 =	simm.s32 $0x1BFF;
	s21 =	sshll.u32 s8, $0x1;
	s5 =	sadd.s32 s19, s18  }
0xa3: {  	s9 =	simm.s32 $0x0;
	s20 =	sshll.u32 s7, $0x1;
	s7 =	sadd.s32 s21, s5  }
0xa4: {  	[timem:s9], [sflag:s22] =	dma.local [hbm:s7], s20  }
0xa5: {  	_ =	swait.ge [sflag:s22], s20  }
0xa6: {  	s6 =	ssub.s32 $0x0, s20;
	[sflag:s22] =	ssyncset.done $0x0  }
0xa7: {  	[sflag:s22] =	ssyncadd.s32 s6;
	_ =	sdelay $0x1  }
0xa8: {  	s23 =	simm.s32 $0x1B8B  }
0xa9: {  	_ =	swait.ge [sflag:s23], $0x1  }
0xaa: {  	[sflag:s23] =	ssyncset.done $0x0  }
0xab: {  	s25 =	simm.s32 $0x1B8E;
	s24 =	sld [smem:$0x3FFE];
	[sflag:s23] =	ssyncadd.s32 $0xFFFFFFFF  }
0xac: {  	s26 =	simm.s32 $execute0_lowered;
	[smem:$0x3FD2] =	sst s25  }
0xad: {  	s7 =	sshll.u32 s26, $0x1;
	_ =	strace $0x80000046;
	[dreg:$0x1] =	wrdreg $0xFFFFFFFF  }
0xae: {  	s28 =	simm.s32 $_size_execute0_lowered;
	s5 =	sadd.s32 s5, s7;
	[dreg:$0x0] =	wrdreg $0x0  }
0xaf: {  	s7 =	sshll.u32 s28, $0x1;
	[dreg:$0x2] =	wrdreg s5  }
0xb0: {  	[dreg:$0x3] =	wrdreg s7  }
0xb1: {  	[dreg:$0x4] =	wrdreg $0xC0  }
0xb2: {  	_ =	task [dreg:s9], $0x5FFFF  }
0xb3: {  	[dreg:$0x1] =	wrdreg $0xFFFFFFFF  }
0xb4: {  	[dreg:$0x0] =	wrdreg $0x60  }
0xb5: {  	[dreg:$0x2] =	wrdreg s15  }
0xb6: {  	[dreg:$0x3] =	wrdreg s4  }
0xb7: {  	[dreg:$0x4] =	wrdreg s16  }
0xb8: {  	[dreg:$0x5] =	wrdreg s24  }
0xb9: {  	[dreg:$0x6] =	wrdreg $0x9  }
0xba: {  	_ =	task.clear_ibuf [dreg:s9], $0x7FFFF;
	_ =	strace $0x90000046  }
0xbb: {  	s29 =	simm.s32 $0x9;
	_ =	strace $0x80000048  }
0xbc: {  	_ =	swait.ge [sflag:s29], $0x1  }
0xbd: {  	[sflag:s29] =	ssyncadd.s32 $0xFFFFFFFF  }
0xbe: {  	_ =	strace $0x90000048  }
0xbf: {  	_ =	sfence  }
0xc0: {  	s30 =	sld [smem:$0x0];
	_ =	sdelay $0x2  }
0xc1: {  	s31 =	sshll.u32 s1, $0xD;
	s1 =	sshrl.u32 s1, $0x2  }
0xc2: {  	s3 =	sand.u32 $0x4000, s31;
	s1 =	sadd.s32 s1, s30  }
0xc3: {  	s0 =	sor.u32 s3, s0;
	s1 =	sshll.u32 s1, $0x11  }
0xc4: {  	s0 =	sor.u32 s1, s0  }
0xc5: {  	s0 =	sadd.s32 $0x8F2B, s0  }
0xc6: {  	[sflag:s0] =	ssyncadd.remote.s32 $0x1  }
0xc7: {  	_ =	sfence.sel $0xFFFF  }
0xc8: {  	[dreg:$0x0] =	wrdreg $0xFFFFFFFF;
	(pc) =	sbr.abs _section_cstart, $3  }
0xc9: {  	[dreg:$0x1] =	wrdreg $0xFFFFFFFF  }
0xca: {  	_ =	task.clear_ibuf [dreg:s9], $0x2FFFF;
	_ =	strace $0x9FFFFFFF  }
0xcb: {  	(tm) =	ssettm $0x7FFFFFFF  }
tec
execute0_lowered:
.L_overlay_start_1:
0x0: {  	(tag) =	ssettag $0x1  }
0x1: {  	s1 =	srdreg.scid;
	s2 =	stileid.u32  }
0x2: {  	s0 =	rddreg [dreg:$0x0];
	s1 =	sand.u32 $0x1, s1;
	s2 =	sshll.u32 s2, $0x1  }
0x3: {  	s3 =	rddreg [dreg:$0x3];
	s26 =	simm.s32 $0x0;
	s2 =	sor.u32 s1, s2  }
0x4: {  	s15 =	simm.s32 $0x1;
	s16 =	simm.s32 $0x2;
	s5 =	smul.u32 $0x28, s2  }
0x5: {  	[smem:$0x7FF] =	sst s26;
	s1 =	ssub.s32 $0x2, s1;
	s6 =	smul.u32 $0xA0000, s2  }
0x6: {  	_ =	strace $0x80000047;
	s2 =	smul.u32 $0x14000, s2;
	s29 =	sshrl.u32 s1, $0x1  }
0x7: {  	s1 =	ssub.s32 s1, s29;
	s3 =	sadd.s32 s5, s3;
	s28 =	sshrl.u32 s6, $0x3  }
.Ltmp0:
0x8: {  	vm0 =	vmmov $0x1;
	vm1 =	vmmov $0x3;
	vm2 =	vmmov $0x7;
	s2 =	sadd.s32 s0, s2;
	s31 =	smax.u32 s1, $0x1;
	(pc) =	sbr.rel .LBB2_1-.Ltmp0, $4  }
0x9: {  	vm3 =	vmmov $0xf;
	vm4 =	vmmov $0x1f;
	vm5 =	vmmov $0x3f;
	s1 =	simm.s32 $0x0;
	s4 =	sadd.s32 $0x580000, s2;
	[dreg:$0x8] =	wrdreg s31  }
0xa: {  	vm6 =	vmmov $0x7f;
	vm7 =	vmmov $0xff;
	vm8 =	vmmov $0x1ff;
	s0 =	sadd.s32 s0, s28;
	s30 =	sadd.s32 $0x1400, s3;
	[dreg:$0x5] =	wrdreg s4  }
0xb: {  	vm9 =	vmmov $0x3ff;
	vm10 =	vmmov $0x7ff;
	vm11 =	vmmov $0xfff;
	s7 =	sadd.s32 $0x582000, s2;
	s0 =	sadd.s32 $0x581000, s0;
	[dreg:$0x7] =	wrdreg s30  }
0xc: {  	vm12 =	vmmov $0x1fff;
	vm13 =	vmmov $0x3fff;
	vm14 =	vmmov $0x7fff;
	s8 =	sadd.s32 $0x583000, s2;
	s2 =	simm.s32 $0x3;
	[dreg:$0x6] =	wrdreg s0  }
.LBB2_32:
0xd: {  	s0 =	rddreg [dreg:$0x7];
	s1 =	simm.s32 $0x10880;
	s2 =	simm.s32 $0x3  }
0xe: {  	[hbm4b:s0+s26] =	stream.linear.scatter [tilespmem:s1], [sflag:$0x3], $0x140, $0x38;
	[tilespmem:$0x10A00] =	vst v63  }
0xf: {  	_ =	swait.ge [sflag:s2], $0x140  }
0x10: {  	s30 =	rddreg [dreg:$0x9]  }
0x11: {  	s31 =	rddreg [dreg:$0x8];
	s1 =	sadd.s32 $0x1, s30  }
0x12: {  	p0 =	sne.s32 s1, s31  }
.Ltmp1:
0x13: {  	_ = 	snop;
	(pc) =	sbr.rel @!p0 .LBB2_33-.Ltmp1, $3  }
0x14: {  	_ =	sdelay $0x1  }
0x15: {  	[sflag:s2] =	ssyncset.done $0x0  }
0x16: {  	[sflag:s2] =	ssyncadd.s32 $0xFFFFFEC0  }
.LBB2_1:
0x17: {  	[dreg:$0x9] =	wrdreg s1  }
0x18: {  	s0 =	rddreg [dreg:$0x1];
	s24 =	simm.s32 $0x10000  }
0x19: {  	[tilespmem:s24], [sflag:$0x3] =	stream.linear.gather [hbm4b:s0+s26], $0x800, $0x38;
	[tilespmem:$0x10A00] =	vst v63  }
0x1a: {  	_ =	swait.ge [sflag:s2], $0x800  }
0x1b: {  	[sflag:s2] =	ssyncset.done $0x0  }
0x1c: {  	[sflag:s2] =	ssyncadd.s32 $0xFFFFF800  }
0x1d: {  	s28 =	simm.s32 $0x10800;
	s25 =	rddreg [dreg:$0x2]  }
0x1e: {  	[tilespmem:s28], [sflag:$0x3] =	stream.linear.gather [hbm4b:s25+s26], $0x80, $0x38;
	[tilespmem:$0x10A00] =	vst v63  }
0x1f: {  	_ =	swait.ge [sflag:s2], $0x80  }
0x20: {  	[sflag:s2] =	ssyncset.done $0x0  }
0x21: {  	s29 =	rddreg [dreg:$0x5];
	[sflag:s2] =	ssyncadd.s32 $0xFFFFFF80  }
0x22: {  	[tilespmem:s26], [sflag:$0x1] =	stream.linear.gather [hbm4b:s29+s26], $0x8000, $0x38;
	[tilespmem:$0x10A00] =	vst v63  }
0x23: {  	s31 =	simm.s32 $0x8000;
	s19 =	simm.s32 $0x0;
	s30 =	rddreg [dreg:$0x6]  }
0x24: {  	[tilespmem:s31], [sflag:$0x2] =	stream.linear.gather [hbm4b:s30+s26], $0x8000, $0x38;
	[tilespmem:$0x10A00] =	vst v63  }
.LBB2_2:
0x25: {  	s20 =	simm.s32 $0x0  }
0x26: {  	_ =	swait.ge [sflag:s15], $0x8000;
	s0 =	sand.u32 $0x40, s20;
	s1 =	sand.u32 $0x780, s20  }
0x27: {  	[sflag:s15] =	ssyncset.done $0x0;
	s1 =	sor.u32 $0x10000, s1;
	s2 =	sor.u32 $0x30, s0  }
0x28: {  	s3 =	sand.u32 $0x3C00, s20;
	[sflag:s15] =	ssyncadd.s32 $0xFFFF8000;
	s11 =	sor.u32 s2, s1  }
0x29: {  	s21 =	sor.u32 $0x10, s0;
	s2 =	sor.u32 s2, s3;
	v4 =	vld [tilespmem:s11+$0x0]  }
0x2a: {  	s26 =	sor.u32 s21, s1;
	v0 =	vld [tilespmem:s2+$0x180]  }
0x2b: {  	s21 =	sor.u32 s21, s3;
	v3 =	vld [tilespmem:s26+$0x0]  }
0x2c: {  	v1 =	vld [tilespmem:s21+$0x0]  }
0x2d: {  	v2 =	vld [tilespmem:s21+$0x80]  }
0x2e: {  	s28 =	sor.u32 $0x20, s0;
	v5 =	vld [tilespmem:s21+$0x100]  }
0x2f: {  	s1 =	sor.u32 s28, s1;
	v6 =	vld [tilespmem:s21+$0x180]  }
0x30: {  	v9 =	vld [tilespmem:s1+$0x0]  }
0x31: {  	v13 =	vld [tilespmem:s2+$0x0]  }
0x32: {  	s11 =	sor.u32 s28, s3;
	v14 =	vld [tilespmem:s2+$0x80]  }
0x33: {  	v7 =	vld [tilespmem:s11+$0x0]  }
0x34: {  	v16 =	vimm.f32 $0.0e+00;
	v8 =	vld [tilespmem:s11+$0x80]  }
0x35: {  	v17 =	vimm.f32 $0.0e+00;
	v11 =	vld [tilespmem:s11+$0x100];
	v0 =	vmul.f32 v0, v4;
	v1 =	vmul.f32 v1, v3  }
0x36: {  	v18 =	vimm.f32 $0.0e+00;
	v12 =	vld [tilespmem:s11+$0x180];
	v2 =	vmul.f32 v2, v3;
	v5 =	vmul.f32 v5, v3  }
0x37: {  	v15 =	vimm.f32 $0.0e+00;
	s29 =	sor.u32 s0, s3;
	v6 =	vmul.f32 v6, v3;
	v24 =	vmul.f32 v13, v4  }
0x38: {  	v20 =	vld [tilespmem:s29+$0x0];
	v25 =	vmul.f32 v14, v4;
	v13 =	vimm.f32 $0.0e+00;
	v14 =	vimm.f32 $0.0e+00  }
0x39: {  	s21 =	simm.s32 $0x10000;
	v21 =	vld [tilespmem:s2+$0x100];
	v7 =	vmul.f32 v7, v9;
	v0 =	vadd.f32 v0, v16;
	v1 =	vadd.f32 v1, v16  }
0x3a: {  	s30 =	simm.s32 $0x40;
	v10 =	vld [tilespmem:s21+$0x0];
	v11 =	vmul.f32 v11, v9;
	v2 =	vadd.f32 v2, v16;
	v3 =	vadd.f32 v5, v16  }
0x3b: {  	s31 =	sand.u32 $0x780, s30;
	v19 =	vld [tilespmem:s29+$0x80];
	v5 =	vmul.f32 v8, v9;
	v8 =	vadd.f32 v6, v16;
	v9 =	vmul.f32 v12, v9  }
0x3c: {  	s0 =	simm.s32 $0x10040;
	s22 =	sor.u32 $0x10000, s31;
	v22 =	vld [tilespmem:s29+$0x100];
	s3 =	sand.u32 $0x40, s30;
	v12 =	vimm.f32 $0.0e+00;
	v7 =	vadd.f32 v7, v16;
	v6 =	vadd.f32 v11, v16  }
0x3d: {  	v23 =	vld [tilespmem:s29+$0x180];
	s1 =	simm.s32 $0x200;
	s2 =	simm.s32 $0x80;
	s23 =	sor.u32 $0x30, s3;
	v11 =	vimm.f32 $0.0e+00;
	v5 =	vadd.f32 v5, v16;
	v9 =	vadd.f32 v9, v16  }
.LBB2_3:
0x3e: {  	p0 =	sne.s32 s2, $0x7C0;
	v26 =	vld [tilespmem:s0+$0x0];
	s24 =	sand.u32 $0x3C00, s1;
	s11 =	sor.u32 s23, s22;
	v17 =	vadd.f32 v24, v17;
	v21 =	vmul.f32 v21, v4  }
0x3f: {  	s25 =	sor.u32 $0x10, s3;
	s26 =	sor.u32 $0x20, s3;
	v4 =	vld [tilespmem:s11+$0x0];
	s23 =	sor.u32 s23, s24;
	v20 =	vmul.f32 v20, v10;
	v18 =	vadd.f32 v25, v18  }
0x40: {  	s28 =	sor.u32 s25, s22;
	s25 =	sor.u32 s25, s24;
	s22 =	sor.u32 s26, s22;
	v24 =	vld [tilespmem:s23+$0x180];
	v19 =	vmul.f32 v19, v10;
	v12 =	vadd.f32 v21, v12  }
0x41: {  	s11 =	sor.u32 s3, s24;
	s3 =	sor.u32 s26, s24;
	v21 =	vld [tilespmem:s28+$0x0];
	v13 =	vadd.f32 v20, v13;
	v20 =	vmul.f32 v22, v10  }
0x42: {  	v22 =	vld [tilespmem:s25+$0x0];
	v14 =	vadd.f32 v19, v14;
	v19 =	vmul.f32 v23, v10  }
0x43: {  	v23 =	vld [tilespmem:s25+$0x80];
	v15 =	vadd.f32 v20, v15;
	v10 =	vmov v26  }
0x44: {  	v20 =	vld [tilespmem:s25+$0x100];
	v11 =	vadd.f32 v19, v11  }
0x45: {  	v19 =	vld [tilespmem:s25+$0x180];
	v24 =	vmul.f32 v24, v4  }
0x46: {  	v25 =	vld [tilespmem:s22+$0x0]  }
0x47: {  	v22 =	vmul.f32 v22, v21;
	v26 =	vld [tilespmem:s3+$0x0];
	v0 =	vadd.f32 v24, v0  }
0x48: {  	v23 =	vmul.f32 v23, v21;
	v24 =	vld [tilespmem:s3+$0x80]  }
0x49: {  	v1 =	vadd.f32 v22, v1;
	v20 =	vmul.f32 v20, v21;
	v22 =	vld [tilespmem:s3+$0x100]  }
0x4a: {  	v2 =	vadd.f32 v23, v2;
	v19 =	vmul.f32 v19, v21;
	v23 =	vld [tilespmem:s3+$0x180]  }
0x4b: {  	v3 =	vadd.f32 v20, v3;
	v27 =	vld [tilespmem:s23+$0x0]  }
0x4c: {  	v8 =	vadd.f32 v19, v8;
	v19 =	vmul.f32 v26, v25;
	v26 =	vld [tilespmem:s23+$0x80]  }
.Ltmp2:
0x4d: {  	v24 =	vmul.f32 v24, v25;
	v21 =	vld [tilespmem:s23+$0x100];
	(pc) =	sbr.rel @p0 .LBB2_3-.Ltmp2, $4  }
0x4e: {  	v20 =	vld [tilespmem:s11+$0x0];
	v7 =	vadd.f32 v19, v7;
	v28 =	vmul.f32 v22, v25  }
0x4f: {  	s0 =	sadd.s32 $0x40, s0;
	v19 =	vld [tilespmem:s11+$0x80];
	v5 =	vadd.f32 v24, v5;
	v25 =	vmul.f32 v23, v25  }
0x50: {  	s1 =	sadd.s32 $0x200, s1;
	s22 =	sand.u32 $0x780, s2;
	s3 =	sand.u32 $0x40, s2;
	v22 =	vld [tilespmem:s11+$0x100];
	v6 =	vadd.f32 v28, v6;
	v24 =	vmul.f32 v27, v4  }
0x51: {  	s22 =	sor.u32 $0x10000, s22;
	s2 =	sadd.s32 $0x40, s2;
	s23 =	sor.u32 $0x30, s3;
	v23 =	vld [tilespmem:s11+$0x180];
	v9 =	vadd.f32 v25, v9;
	v25 =	vmul.f32 v26, v4  }
0x52: {  	v26 =	vld [tilespmem:s0+$0x0];
	s30 =	sor.u32 s23, s22  }
0x53: {  	s29 =	sand.u32 $0x3C00, s1;
	v27 =	vld [tilespmem:s30+$0x0]  }
0x54: {  	s2 =	sor.u32 $0x10, s3;
	v24 =	vadd.f32 v24, v17;
	s31 =	sor.u32 s23, s29;
	v17 =	vmul.f32 v20, v10;
	v20 =	vld [tilespmem:s21+$0x0]  }
0x55: {  	s11 =	sor.u32 s2, s22;
	v28 =	vld [tilespmem:s31+$0x180]  }
0x56: {  	s2 =	sor.u32 s2, s29;
	v29 =	vld [tilespmem:s11+$0x0]  }
0x57: {  	v30 =	vld [tilespmem:s2+$0x0]  }
0x58: {  	v31 =	vld [tilespmem:s2+$0x80]  }
0x59: {  	s4 =	sor.u32 $0x20, s3;
	v32 =	vld [tilespmem:s2+$0x100]  }
0x5a: {  	s5 =	sor.u32 s4, s22;
	v33 =	vld [tilespmem:s2+$0x180]  }
0x5b: {  	s6 =	sor.u32 s4, s29;
	v34 =	vld [tilespmem:s5+$0x0]  }
0x5c: {  	v35 =	vld [tilespmem:s6+$0x0]  }
0x5d: {  	v25 =	vadd.f32 v25, v18;
	v36 =	vld [tilespmem:s6+$0x80];
	v18 =	vmul.f32 v19, v10;
	v19 =	vmul.f32 v22, v10  }
0x5e: {  	v37 =	vld [tilespmem:s6+$0x100]  }
0x5f: {  	v38 =	vld [tilespmem:s6+$0x180];
	v44 =	vadd.f32 v19, v15;
	v15 =	vmul.f32 v28, v27  }
0x60: {  	v39 =	vld [tilespmem:s31+$0x0];
	v10 =	vmul.f32 v23, v10  }
0x61: {  	v40 =	vld [tilespmem:s31+$0x80];
	v0 =	vadd.f32 v15, v0  }
0x62: {  	p0 =	por $0x0, $0x0;
	s1 =	simm.s32 $0x1;
	s0 =	sor.u32 s3, s29;
	v41 =	vld [tilespmem:s31+$0x100];
	v28 =	vadd.f32 v10, v11;
	v10 =	vmul.f32 v30, v29  }
0x63: {  	s1 =	simm.s32 @!p0 $0x0;
	v42 =	vld [tilespmem:s0+$0x0];
	[tilespmem:$0x1FF50] =	vst v0;
	v0 =	vmul.f32 v32, v29  }
0x64: {  	v4 =	vmul.f32 v21, v4;
	v21 =	vld [tilespmem:s0+$0x80];
	s1 =	sshll.u32 s1, $0x6;
	v1 =	vadd.f32 v10, v1  }
0x65: {  	v43 =	vld [tilespmem:s0+$0x100];
	s9 =	sadd.s32 $0x0, s1;
	v0 =	vadd.f32 v0, v3  }
0x66: {  	s22 =	sand.u32 $0x7C0, s20;
	v4 =	vadd.f32 v4, v12;
	v12 =	vadd.f32 v17, v13;
	v13 =	vld [tilespmem:s0+$0x180];
	s10 =	sadd.s32 $0x10, s9;
	[tilespmem:$0x1FF60] =	vst v1;
	v1 =	vmul.f32 v35, v34  }
0x67: {  	v23 =	vld [tilespmem:s22+$0x10030];
	s12 =	sor.u32 $0x200, s10;
	[tilespmem:$0x1FF70] =	vst v0;
	v0 =	vmul.f32 v36, v34  }
0x68: {  	s13 =	sor.u32 $0x280, s10;
	v17 =	vld [tilespmem:s12+$0x0];
	v1 =	vadd.f32 v1, v7  }
0x69: {  	v14 =	vadd.f32 v18, v14;
	s14 =	sor.u32 $0x300, s10;
	v18 =	vld [tilespmem:s13+$0x0];
	v3 =	vmul.f32 v40, v27;
	v0 =	vadd.f32 v0, v5  }
0x6a: {  	s1 =	sadd.s32 $0x30, s9;
	s2 =	sor.u32 $0x380, s10;
	v19 =	vld [tilespmem:s14+$0x0];
	v11 =	vmul.f32 v31, v29;
	[tilespmem:$0x1FF80] =	vst v1;
	v1 =	vmul.f32 v37, v34  }
0x6b: {  	s11 =	sor.u32 $0x380, s1;
	v22 =	vld [tilespmem:s2+$0x0];
	v15 =	vmul.f32 v33, v29;
	v3 =	vadd.f32 v3, v25;
	[tilespmem:$0x1FF90] =	vst v0;
	v0 =	vmul.f32 v39, v27  }
0x6c: {  	s18 =	sadd.s32 $0x20, s9;
	s23 =	sor.u32 $0x280, s1;
	v11 =	vadd.f32 v11, v2;
	v2 =	vmul.f32 v38, v34;
	v29 =	vld [tilespmem:s11+$0x0];
	v1 =	vadd.f32 v1, v6  }
0x6d: {  	s26 =	sor.u32 $0x300, s18;
	[tilespmem:$0x1FFD0] =	vst v3;
	v3 =	vld [tilespmem:s23+$0x0];
	v0 =	vadd.f32 v0, v24  }
0x6e: {  	s17 =	sor.u32 $0x200, s1;
	v30 =	vimm.f32 $0.0e+00;
	v31 =	vimm.f32 $0.0e+00;
	v25 =	vld [tilespmem:s26+$0x0];
	[tilespmem:$0x1FFA0] =	vst v1;
	v1 =	vadd.f32 v2, v9  }
0x6f: {  	s28 =	sor.u32 $0x200, s9;
	v38 =	vimm.f32 $0.0e+00;
	v33 =	vimm.f32 $0.0e+00;
	v2 =	vld [tilespmem:s17+$0x0];
	[tilespmem:$0x1FFC0] =	vst v0;
	v0 =	vmul.f32 v42, v26  }
0x70: {  	s24 =	sor.u32 $0x200, s18;
	v15 =	vadd.f32 v15, v8;
	v35 =	vimm.f32 $0.0e+00;
	v6 =	vld [tilespmem:s28+$0x0];
	[tilespmem:$0x1FFB0] =	vst v1;
	v1 =	vmul.f32 v41, v27  }
0x71: {  	s29 =	sor.u32 $0x280, s9;
	v32 =	vimm.f32 $0.0e+00;
	v5 =	vmul.f32 v21, v26;
	v24 =	vld [tilespmem:s24+$0x0];
	v0 =	vadd.f32 v0, v12  }
0x72: {  	s1 =	sor.u32 $0x300, s1;
	v36 =	vimm.f32 $0.0e+00;
	v7 =	vmul.f32 v3, v23;
	v3 =	vld [tilespmem:s29+$0x0];
	v1 =	vadd.f32 v1, v4  }
0x73: {  	s30 =	sor.u32 $0x300, s9;
	v4 =	vmul.f32 v29, v23;
	[tilespmem:$0x1FFF0] =	vst v0;
	v0 =	vmul.f32 v13, v26;
	v13 =	vadd.f32 v5, v14;
	v5 =	vld [tilespmem:s1+$0x0]  }
0x74: {  	s31 =	sor.u32 $0x380, s9;
	v37 =	vimm.f32 $0.0e+00;
	v34 =	vimm.f32 $0.0e+00;
	v8 =	vmul.f32 v2, v23;
	v2 =	vld [tilespmem:s30+$0x0]  }
0x75: {  	s2 =	sor.u32 $0x380, s18;
	v39 =	vimm.f32 $0.0e+00;
	[tilespmem:$0x1FFE0] =	vst v1;
	v1 =	vmul.f32 v43, v26;
	v21 =	vadd.f32 v4, v16;
	v4 =	vld [tilespmem:s31+$0x0]  }
0x76: {  	p0 =	por !p0, !p0;
	s25 =	sor.u32 $0x280, s18;
	v27 =	vimm.f32 $0.0e+00;
	v29 =	vimm.f32 $0.0e+00;
	v14 =	vadd.f32 v0, v28;
	v0 =	vld [tilespmem:s2+$0x0];
	s2 =	simm.s32 $0x1  }
0x77: {  	s0 =	simm.s32 $0x400;
	v26 =	vld [tilespmem:s25+$0x0];
	v12 =	vadd.f32 v1, v44;
	s1 =	simm.s32 $0x200;
	v1 =	vimm.f32 $0.0e+00;
	v28 =	vimm.f32 $0.0e+00;
	s2 =	simm.s32 @!p0 $0x0  }
.LBB2_5:
0x78: {  	p1 =	sne.s32 s0, $0x3E00;
	s2 =	sshll.u32 s2, $0x6;
	v40 =	vld [tilespmem:s22+$0x10010];
	v16 =	vadd.f32 v8, v16;
	v5 =	vmul.f32 v5, v23  }
0x79: {  	s20 =	sadd.s32 $0x40, s20;
	s21 =	sadd.s32 $0x40, s21;
	s1 =	sadd.s32 s2, s1;
	v6 =	vmul.f32 v6, v20;
	v8 =	vld [tilespmem:s22+$0x10020];
	v39 =	vadd.f32 v7, v39  }
0x7a: {  	s22 =	sand.u32 $0x7C0, s20;
	v7 =	vld [tilespmem:s21+$0x0];
	s2 =	sadd.s32 $0x10, s1;
	s3 =	sadd.s32 $0x30, s1;
	v3 =	vmul.f32 v3, v20;
	v38 =	vadd.f32 v5, v38  }
0x7b: {  	s23 =	sadd.s32 $0x20, s1;
	s11 =	sor.u32 $0x200, s2;
	v23 =	vld [tilespmem:s22+$0x10030];
	s24 =	sor.u32 $0x380, s3;
	v36 =	vadd.f32 v6, v36;
	v2 =	vmul.f32 v2, v20  }
0x7c: {  	s25 =	sor.u32 $0x280, s2;
	s26 =	sor.u32 $0x300, s2;
	s2 =	sor.u32 $0x380, s2;
	v5 =	vld [tilespmem:s24+$0x0];
	v37 =	vadd.f32 v3, v37;
	v3 =	vmul.f32 v4, v20  }
0x7d: {  	s28 =	sor.u32 $0x280, s23;
	s29 =	sor.u32 $0x300, s23;
	s24 =	sor.u32 $0x200, s23;
	v34 =	vadd.f32 v2, v34;
	v2 =	vmul.f32 v17, v40;
	v17 =	vld [tilespmem:s11+$0x0];
	v4 =	vmul.f32 v18, v40  }
0x7e: {  	s11 =	sor.u32 $0x380, s23;
	s23 =	sor.u32 $0x200, s3;
	v6 =	vmul.f32 v22, v40;
	v18 =	vld [tilespmem:s25+$0x0];
	s25 =	sor.u32 $0x280, s3;
	v35 =	vadd.f32 v3, v35;
	v3 =	vmul.f32 v19, v40  }
0x7f: {  	s30 =	sor.u32 $0x200, s1;
	s31 =	sor.u32 $0x280, s1;
	s3 =	sor.u32 $0x300, s3;
	v40 =	vmul.f32 v26, v8;
	v19 =	vld [tilespmem:s26+$0x0];
	v33 =	vadd.f32 v2, v33;
	v2 =	vmul.f32 v24, v8;
	v20 =	vmovc v7  }
0x80: {  	s13 =	sor.u32 $0x380, s1;
	s26 =	sor.u32 $0x300, s1;
	v30 =	vadd.f32 v4, v30;
	v4 =	vmul.f32 v25, v8;
	v7 =	vmul.f32 v0, v8;
	s1 =	smov.u32 s0;
	v22 =	vld [tilespmem:s2+$0x0]  }
0x81: {  	v28 =	vadd.f32 v6, v28;
	v31 =	vadd.f32 v3, v31;
	v24 =	vld [tilespmem:s24+$0x0];
	v0 =	vmul.f32 v5, v23  }
0x82: {  	v32 =	vadd.f32 v40, v32;
	v29 =	vadd.f32 v2, v29;
	v26 =	vld [tilespmem:s28+$0x0]  }
0x83: {  	v1 =	vadd.f32 v4, v1;
	v25 =	vld [tilespmem:s29+$0x0];
	v21 =	vadd.f32 v0, v21  }
0x84: {  	v27 =	vadd.f32 v7, v27;
	v0 =	vld [tilespmem:s11+$0x0]  }
0x85: {  	v4 =	vld [tilespmem:s23+$0x0]  }
0x86: {  	v7 =	vld [tilespmem:s25+$0x0]  }
.Ltmp3:
0x87: {  	v5 =	vld [tilespmem:s3+$0x0];
	(pc) =	sbr.rel @p1 .LBB2_5-.Ltmp3, $4  }
0x88: {  	v6 =	vld [tilespmem:s30+$0x0]  }
0x89: {  	v3 =	vld [tilespmem:s31+$0x0]  }
0x8a: {  	p0 =	por !p0, !p0;
	s2 =	simm.s32 $0x1;
	v2 =	vld [tilespmem:s26+$0x0];
	v8 =	vmul.f32 v4, v23  }
0x8b: {  	s0 =	sadd.s32 $0x200, s0;
	s2 =	simm.s32 @!p0 $0x0;
	v4 =	vld [tilespmem:s13+$0x0];
	v7 =	vmul.f32 v7, v23  }
0x8c: {  	v40 =	vld [tilespmem:s22+$0x10010]  }
0x8d: {  	s0 =	sshll.u32 s2, $0x6;
	v41 =	vld [tilespmem:s22+$0x10020];
	s6 =	sadd.s32 $0x40, s20;
	s9 =	sadd.s32 $0x40, s21  }
0x8e: {  	s1 =	sadd.s32 s0, s1;
	v42 =	vld [tilespmem:s9+$0x0];
	s0 =	sand.u32 $0x7C0, s6  }
0x8f: {  	v43 =	vld [tilespmem:s0+$0x10030];
	s22 =	sor.u32 $0x200, s1  }
0x90: {  	v8 =	vadd.f32 v8, v16;
	v5 =	vmul.f32 v5, v23;
	s23 =	sor.u32 $0x280, s1;
	v56 =	vld [tilespmem:s22+$0x0]  }
0x91: {  	v49 =	vimm.f32 $0.0e+00;
	v6 =	vmul.f32 v6, v20;
	v7 =	vadd.f32 v7, v39;
	s10 =	sadd.s32 $0x30, s1;
	s24 =	sor.u32 $0x300, s1;
	v57 =	vld [tilespmem:s23+$0x0]  }
0x92: {  	v39 =	vimm.f32 $0.0e+00;
	s3 =	sadd.s32 $0x10, s1;
	v3 =	vmul.f32 v3, v20;
	v5 =	vadd.f32 v5, v38;
	s11 =	sor.u32 $0x380, s10;
	v58 =	vld [tilespmem:s24+$0x0]  }
0x93: {  	v38 =	vimm.f32 $0.0e+00;
	s13 =	sor.u32 $0x200, s3;
	v2 =	vmul.f32 v2, v20;
	v6 =	vadd.f32 v6, v36;
	v44 =	vld [tilespmem:s11+$0x0]  }
0x94: {  	s12 =	sor.u32 $0x280, s3;
	v36 =	vimm.f32 $0.0e+00;
	v45 =	vld [tilespmem:s13+$0x0];
	v4 =	vmul.f32 v4, v20;
	v16 =	vmul.f32 v17, v40  }
0x95: {  	s14 =	sor.u32 $0x300, s3;
	v46 =	vld [tilespmem:s12+$0x0];
	v3 =	vadd.f32 v3, v37;
	v18 =	vmul.f32 v18, v40;
	v19 =	vmul.f32 v19, v40  }
0x96: {  	s20 =	sor.u32 $0x200, s10;
	v47 =	vld [tilespmem:s14+$0x0];
	v2 =	vadd.f32 v2, v34;
	v22 =	vmul.f32 v22, v40;
	v0 =	vmul.f32 v0, v41  }
0x97: {  	s21 =	sor.u32 $0x280, s10;
	v20 =	vld [tilespmem:s20+$0x0];
	v34 =	vimm.f32 $0.0e+00;
	v40 =	vimm.f32 $0.0e+00;
	v4 =	vadd.f32 v4, v35  }
0x98: {  	s17 =	sadd.s32 $0x20, s1;
	s2 =	sor.u32 $0x300, s10;
	v17 =	vld [tilespmem:s21+$0x0];
	v35 =	vimm.f32 $0.0e+00;
	v33 =	vadd.f32 v16, v33;
	v16 =	vmul.f32 v24, v41  }
0x99: {  	s25 =	sor.u32 $0x280, s17;
	v23 =	vld [tilespmem:s2+$0x0];
	v24 =	vmul.f32 v26, v41;
	v26 =	vadd.f32 v18, v30;
	v18 =	vmul.f32 v25, v41  }
0x9a: {  	s1 =	sor.u32 $0x380, s1;
	v61 =	vld [tilespmem:s25+$0x0];
	v31 =	vadd.f32 v19, v31;
	v59 =	vadd.f32 v22, v28;
	v25 =	vmul.f32 v44, v43  }
0x9b: {  	v22 =	vld [tilespmem:s1+$0x0];
	v0 =	vadd.f32 v0, v27;
	v41 =	vimm.f32 $0.0e+00;
	v29 =	vadd.f32 v16, v29  }
0x9c: {  	v60 =	vadd.f32 v24, v32;
	v19 =	vmul.f32 v20, v43;
	v16 =	vadd.f32 v25, v21;
	v25 =	vld [tilespmem:s0+$0x10010]  }
0x9d: {  	s30 =	sor.u32 $0x380, s17;
	v27 =	vld [tilespmem:s0+$0x10020];
	v1 =	vadd.f32 v18, v1;
	v44 =	vimm.f32 $0.0e+00;
	v17 =	vmul.f32 v17, v43  }
0x9e: {  	s3 =	sor.u32 $0x380, s3;
	v63 =	vld [tilespmem:s30+$0x0];
	v18 =	vadd.f32 v19, v8;
	v8 =	vmul.f32 v23, v43;
	v21 =	vmul.f32 v56, v42  }
0x9f: {  	s18 =	sor.u32 $0x200, s17;
	v48 =	vld [tilespmem:s3+$0x0];
	v43 =	vimm.f32 $0.0e+00;
	v19 =	vadd.f32 v17, v7;
	v17 =	vmul.f32 v58, v42  }
0xa0: {  	v55 =	vld [tilespmem:s18+$0x0];
	v7 =	vmul.f32 v57, v42;
	v9 =	vadd.f32 v8, v5;
	v23 =	vadd.f32 v21, v6  }
0xa1: {  	s26 =	sor.u32 $0x300, s17;
	v5 =	vmul.f32 v22, v42;
	v10 =	vadd.f32 v17, v2;
	v2 =	vmul.f32 v45, v25  }
0xa2: {  	v62 =	vld [tilespmem:s26+$0x0];
	v6 =	vmul.f32 v61, v27;
	v42 =	vimm.f32 $0.0e+00;
	v20 =	vadd.f32 v7, v3  }
0xa3: {  	v7 =	vmul.f32 v63, v27;
	v17 =	vimm.f32 $0.0e+00;
	v2 =	vadd.f32 v2, v33  }
0xa4: {  	s31 =	simm.s32 $0x0;
	p1 =	por $0x1, $0x1;
	v21 =	vadd.f32 v5, v4;
	v3 =	vmul.f32 v46, v25;
	v4 =	vmul.f32 v47, v25  }
.Ltmp4:
0xa5: {  	p0 =	por $0x0, $0x0;
	s28 =	simm.s32 $0x10000;
	v5 =	vmul.f32 v48, v25;
	v45 =	vimm.f32 $0.0e+00;
	[tilespmem:$0x1FF30] =	vst v2;
	v2 =	vmul.f32 v55, v27;
	(pc) =	sbr.rel @!p1 .LBB2_10-.Ltmp4, $4  }
0xa6: {  	p2 =	por $0x0, $0x0;
	s23 =	sand.u32 $0x40, s31;
	s24 =	sand.u32 $0x3C00, s31;
	v46 =	vimm.f32 $0.0e+00;
	v48 =	vimm.f32 $0.0e+00;
	v22 =	vadd.f32 v3, v26  }
0xa7: {  	s20 =	sor.u32 $0x30, s23;
	s25 =	simm.s32 $0x40;
	s0 =	sand.u32 $0x780, s31;
	v3 =	vmul.f32 v62, v27;
	v32 =	vadd.f32 v2, v29;
	v2 =	vadd.f32 v6, v60  }
0xa8: {  	s3 =	smov.u32 s24;
	s21 =	simm.s32 $0x10000;
	s22 =	sor.u32 $0x10000, s0;
	v47 =	vimm.f32 $0.0e+00;
	v25 =	vadd.f32 v4, v31;
	v24 =	vadd.f32 v5, v59  }
0xa9: {  	s26 =	smov.u32 s20;
	s0 =	smov.u32 s23;
	s29 =	smov.u32 s22;
	v26 =	vadd.f32 v7, v0;
	v33 =	vimm.f32 $0.0e+00;
	v27 =	vadd.f32 v3, v1;
	[tilespmem:$0x1FF40] =	vst v2  }
0xaa: {  	s0 =	sor.u32 $0x4180, s24;
	s1 =	sor.u32 s20, s22;
	v1 =	vld [tilespmem:s21+$0x0]  }
0xab: {  	s2 =	sor.u32 $0x4000, s24;
	v37 =	vld [tilespmem:s1+$0x0];
	s14 =	sor.u32 s20, s0  }
0xac: {  	s11 =	sor.u32 $0x4100, s24;
	s3 =	sor.u32 s23, s2;
	v0 =	vld [tilespmem:s14+$0x0]  }
0xad: {  	s17 =	sor.u32 s23, s11;
	v2 =	vld [tilespmem:s3+$0x0]  }
0xae: {  	s1 =	sor.u32 $0x4080, s24;
	s26 =	sor.u32 s23, s0;
	v4 =	vld [tilespmem:s17+$0x0]  }
0xaf: {  	s18 =	sor.u32 $0x10, s23;
	s13 =	sor.u32 s23, s1;
	v5 =	vld [tilespmem:s26+$0x0]  }
0xb0: {  	s31 =	sor.u32 s18, s22;
	v3 =	vld [tilespmem:s13+$0x0]  }
0xb1: {  	s4 =	sor.u32 s18, s2;
	v6 =	vld [tilespmem:s31+$0x0]  }
0xb2: {  	s6 =	sor.u32 s18, s11;
	v7 =	vld [tilespmem:s4+$0x0]  }
0xb3: {  	v38 =	vld [tilespmem:s6+$0x0];
	s13 =	sor.u32 s18, s0  }
0xb4: {  	s9 =	sor.u32 $0x20, s23;
	v41 =	vimm.f32 $0.0e+00;
	s5 =	sor.u32 s18, s1;
	v40 =	vld [tilespmem:s13+$0x0];
	v2 =	vmul.f32 v2, v1  }
0xb5: {  	v45 =	vimm.f32 $0.0e+00;
	s10 =	sor.u32 s9, s22;
	v8 =	vld [tilespmem:s5+$0x0];
	v33 =	vmul.f32 v0, v37;
	v3 =	vmul.f32 v3, v1  }
0xb6: {  	s12 =	sor.u32 s9, s2;
	v0 =	vld [tilespmem:s10+$0x0];
	v34 =	vadd.f32 v2, v17;
	v2 =	vmul.f32 v4, v1;
	v1 =	vmul.f32 v5, v1  }
0xb7: {  	p3 =	por $0x1, $0x1;
	v44 =	vimm.f32 $0.0e+00;
	s14 =	sor.u32 s9, s1;
	v4 =	vld [tilespmem:s12+$0x0];
	v35 =	vadd.f32 v3, v17;
	v3 =	vmul.f32 v7, v6  }
.Ltmp5:
0xb8: {  	s30 =	simm.s32 $0x200;
	v46 =	vimm.f32 $0.0e+00;
	s17 =	sor.u32 s9, s11;
	v7 =	vmul.f32 v38, v6;
	v39 =	vadd.f32 v1, v17;
	v1 =	vld [tilespmem:s14+$0x0];
	(pc) =	sbr.rel @!p3 .LBB2_8-.Ltmp5, $4  }
0xb9: {  	s28 =	simm.s32 $0x10040;
	p2 =	por $0x1, $0x1;
	s0 =	sor.u32 s9, s0;
	v36 =	vadd.f32 v2, v17;
	v2 =	vld [tilespmem:s17+$0x0];
	v38 =	vadd.f32 v3, v17;
	v3 =	vmul.f32 v40, v6  }
0xba: {  	v49 =	vimm.f32 $0.0e+00;
	v48 =	vimm.f32 $0.0e+00;
	s2 =	sor.u32 s20, s2;
	s31 =	sand.u32 $0x780, s25;
	s3 =	sand.u32 $0x3C00, s30;
	v50 =	vld [tilespmem:s0+$0x0];
	v5 =	vmul.f32 v8, v6  }
0xbb: {  	v47 =	vimm.f32 $0.0e+00;
	s18 =	sor.u32 s20, s1;
	s1 =	sor.u32 s20, s11;
	s0 =	sand.u32 $0x40, s25;
	v33 =	vadd.f32 v33, v17;
	v43 =	vadd.f32 v3, v17;
	v3 =	vld [tilespmem:s2+$0x0]  }
0xbc: {  	s29 =	sor.u32 $0x10000, s31;
	s26 =	sor.u32 $0x30, s0;
	v40 =	vadd.f32 v5, v17;
	v42 =	vadd.f32 v7, v17;
	v5 =	vmul.f32 v4, v0;
	s2 =	simm.s32 $0x80;
	v4 =	vld [tilespmem:s18+$0x0]  }
.LBB2_9:
0xbd: {  	p3 =	sne.s32 s2, $0x7C0;
	s11 =	sor.u32 $0x4180, s3;
	s13 =	sor.u32 s26, s29;
	v1 =	vmul.f32 v1, v0;
	v6 =	vld [tilespmem:s1+$0x0]  }
0xbe: {  	s1 =	sor.u32 $0x4000, s3;
	s31 =	sor.u32 $0x4080, s3;
	v7 =	vld [tilespmem:s13+$0x0];
	s13 =	sor.u32 s26, s11;
	v41 =	vadd.f32 v5, v41;
	v2 =	vmul.f32 v2, v0  }
0xbf: {  	s3 =	sor.u32 $0x4100, s3;
	s17 =	sor.u32 $0x10, s0;
	s5 =	sor.u32 $0x20, s0;
	v5 =	vld [tilespmem:s13+$0x0];
	v45 =	vadd.f32 v1, v45;
	v0 =	vmul.f32 v50, v0  }
0xc0: {  	s6 =	sor.u32 s0, s31;
	s9 =	sor.u32 s0, s3;
	s13 =	sor.u32 s0, s1;
	v1 =	vld [tilespmem:s28+$0x0];
	v44 =	vadd.f32 v2, v44;
	v2 =	vmul.f32 v3, v37  }
0xc1: {  	s10 =	sor.u32 s17, s1;
	s0 =	sor.u32 s0, s11;
	v3 =	vld [tilespmem:s13+$0x0];
	s13 =	sor.u32 s17, s29;
	v46 =	vadd.f32 v0, v46;
	v0 =	vmul.f32 v4, v37  }
0xc2: {  	s12 =	sor.u32 s17, s3;
	v4 =	vld [tilespmem:s6+$0x0];
	s6 =	sor.u32 s17, s31;
	s17 =	sor.u32 s17, s11;
	v49 =	vadd.f32 v2, v49;
	v2 =	vmul.f32 v6, v37  }
0xc3: {  	s18 =	sor.u32 s5, s31;
	v6 =	vld [tilespmem:s9+$0x0];
	s9 =	sor.u32 s5, s29;
	s29 =	sor.u32 s5, s1;
	v48 =	vadd.f32 v0, v48;
	v37 =	vmov v7  }
0xc4: {  	v0 =	vld [tilespmem:s0+$0x0];
	s0 =	sor.u32 s5, s3;
	s5 =	sor.u32 s5, s11;
	s11 =	sor.u32 s26, s1;
	v5 =	vmul.f32 v5, v37;
	v47 =	vadd.f32 v2, v47  }
0xc5: {  	s1 =	sor.u32 s26, s3;
	v7 =	vld [tilespmem:s13+$0x0];
	s13 =	sor.u32 s26, s31  }
0xc6: {  	v2 =	vmul.f32 v3, v1;
	v3 =	vld [tilespmem:s10+$0x0];
	v33 =	vadd.f32 v5, v33  }
0xc7: {  	v4 =	vmul.f32 v4, v1;
	v5 =	vld [tilespmem:s6+$0x0]  }
0xc8: {  	v34 =	vadd.f32 v2, v34;
	v2 =	vmul.f32 v6, v1;
	v6 =	vld [tilespmem:s12+$0x0]  }
0xc9: {  	v35 =	vadd.f32 v4, v35;
	v1 =	vmul.f32 v0, v1;
	v4 =	vld [tilespmem:s17+$0x0]  }
0xca: {  	v36 =	vadd.f32 v2, v36;
	v0 =	vld [tilespmem:s9+$0x0]  }
0xcb: {  	v39 =	vadd.f32 v1, v39;
	v2 =	vmul.f32 v3, v7;
	v8 =	vld [tilespmem:s29+$0x0]  }
.Ltmp6:
0xcc: {  	v3 =	vmul.f32 v5, v7;
	v1 =	vld [tilespmem:s18+$0x0];
	(pc) =	sbr.rel @p3 .LBB2_9-.Ltmp6, $4  }
0xcd: {  	v38 =	vadd.f32 v2, v38;
	v5 =	vmul.f32 v6, v7;
	v2 =	vld [tilespmem:s0+$0x0]  }
0xce: {  	s30 =	sadd.s32 $0x200, s30;
	s28 =	sadd.s32 $0x40, s28;
	v40 =	vadd.f32 v3, v40;
	v4 =	vmul.f32 v4, v7;
	v50 =	vld [tilespmem:s5+$0x0]  }
0xcf: {  	s3 =	sand.u32 $0x3C00, s30;
	s0 =	sand.u32 $0x40, s2;
	s5 =	sand.u32 $0x780, s2;
	v42 =	vadd.f32 v5, v42;
	v3 =	vld [tilespmem:s11+$0x0]  }
0xd0: {  	s26 =	sor.u32 $0x30, s0;
	s2 =	sadd.s32 $0x40, s2;
	s29 =	sor.u32 $0x10000, s5;
	v43 =	vadd.f32 v4, v43;
	v5 =	vmul.f32 v8, v0;
	v4 =	vld [tilespmem:s13+$0x0]  }
.LBB2_10:
0xd1: {  	v6 =	vld @p2 [tilespmem:s1+$0x0]  }
0xd2: {  	s2 =	sor.u32 $0x4180, s3;
	s5 =	sor.u32 s26, s29;
	v51 =	vld [tilespmem:s28+$0x0]  }
0xd3: {  	s1 =	sor.u32 $0x4080, s3;
	v7 =	vld [tilespmem:s5+$0x0];
	s17 =	sor.u32 s26, s2  }
0xd4: {  	s9 =	sor.u32 s0, s1;
	v8 =	vld [tilespmem:s17+$0x0]  }
0xd5: {  	s28 =	sor.u32 $0x10, s0;
	s10 =	sor.u32 s0, s2;
	v53 =	vld [tilespmem:s9+$0x0]  }
0xd6: {  	s30 =	sor.u32 s28, s29;
	v55 =	vld [tilespmem:s10+$0x0]  }
0xd7: {  	v1 =	vmul.f32 @p2 v1, v0;
	s5 =	sor.u32 $0x4000, s3;
	s4 =	sor.u32 s28, s1;
	v56 =	vld [tilespmem:s30+$0x0]  }
0xd8: {  	s3 =	sor.u32 $0x4100, s3;
	v2 =	vmul.f32 @p2 v2, v0;
	s6 =	sor.u32 s0, s5;
	v0 =	vmul.f32 @p2 v50, v0;
	v50 =	vld [tilespmem:s4+$0x0]  }
0xd9: {  	s12 =	sor.u32 $0x20, s0;
	s18 =	sor.u32 s0, s3;
	v52 =	vld [tilespmem:s6+$0x0]  }
0xda: {  	s14 =	sor.u32 s12, s29;
	v54 =	vld [tilespmem:s18+$0x0]  }
0xdb: {  	s31 =	sor.u32 s28, s5;
	v1 =	vadd.f32 @p2 v1, v45;
	v45 =	vld [tilespmem:s14+$0x0];
	v8 =	vmul.f32 v8, v7  }
0xdc: {  	v5 =	vadd.f32 @p2 v5, v41;
	s11 =	sor.u32 s28, s3;
	v57 =	vld [tilespmem:s31+$0x0]  }
0xdd: {  	s13 =	sor.u32 s28, s2;
	v3 =	vmul.f32 @p2 v3, v37;
	v41 =	vld [tilespmem:s11+$0x0];
	v2 =	vadd.f32 @p2 v2, v44;
	v8 =	vadd.f32 v8, v33  }
0xde: {  	s17 =	sor.u32 s12, s5;
	v44 =	vld [tilespmem:s13+$0x0];
	v5 =	vpsel p2, v5, v17;
	v0 =	vadd.f32 @p2 v0, v46;
	v58 =	vmul.f32 v52, v51  }
0xdf: {  	s28 =	sor.u32 s12, s3;
	v60 =	vld [tilespmem:s17+$0x0];
	v4 =	vmul.f32 @p2 v4, v37;
	v1 =	vpsel p2, v1, v17;
	[tilespmem:$0x1FED0] =	vst v8;
	v8 =	vmul.f32 v54, v51  }
0xe0: {  	s18 =	sor.u32 s12, s1;
	v63 =	vld [tilespmem:s28+$0x0];
	v3 =	vadd.f32 @p2 v3, v49;
	v6 =	vmul.f32 @p2 v6, v37;
	v28 =	vadd.f32 v58, v34  }
0xe1: {  	s0 =	sor.u32 s12, s2;
	v61 =	vld [tilespmem:s18+$0x0];
	v2 =	vpsel p2, v2, v17;
	v59 =	vmul.f32 v53, v51;
	v8 =	vadd.f32 v8, v36  }
0xe2: {  	s29 =	sor.u32 s26, s5;
	v4 =	vadd.f32 @p2 v4, v48;
	v0 =	vpsel p2, v0, v17;
	v6 =	vadd.f32 @p2 v6, v47;
	v33 =	vld [tilespmem:s0+$0x0];
	[tilespmem:$0x1FEE0] =	vst v28  }
0xe3: {  	s31 =	sor.u32 s26, s3;
	v62 =	vmul.f32 v55, v51;
	v28 =	vadd.f32 v59, v35;
	v35 =	vld [tilespmem:s29+$0x0];
	[tilespmem:$0x1FF00] =	vst v8;
	v8 =	vmul.f32 v57, v56  }
0xe4: {  	v31 =	vmovc v20;
	s30 =	sor.u32 s26, s1;
	v50 =	vmul.f32 v50, v56;
	v3 =	vpsel p2, v3, v17;
	v44 =	vmul.f32 v44, v56;
	v57 =	vld [tilespmem:s31+$0x0]  }
0xe5: {  	v30 =	vmovc v10;
	v4 =	vpsel p2, v4, v17;
	v34 =	vmul.f32 v41, v56;
	v41 =	vadd.f32 v8, v38;
	v8 =	vld [tilespmem:s30+$0x0]  }
0xe6: {  	v40 =	vadd.f32 v50, v40;
	v59 =	vmul.f32 v63, v45;
	[tilespmem:$0x1FEF0] =	vst v28;
	v28 =	vadd.f32 v62, v39  }
0xe7: {  	v29 =	vmovc v9;
	v6 =	vpsel p2, v6, v17;
	v58 =	vmul.f32 v61, v45;
	v39 =	vadd.f32 v34, v42  }
.Ltmp7:
0xe8: {  	v42 =	vadd.f32 v59, v2;
	v56 =	vmul.f32 v60, v45;
	[tilespmem:$0x1FF10] =	vst v28;
	v28 =	vadd.f32 v44, v43;
	(pc) =	sbr.rel @!p1 .LBB2_11-.Ltmp7, $4  }
0xe9: {  	v37 =	vmovc v26;
	v60 =	vmul.f32 v33, v45;
	v44 =	vadd.f32 v58, v1;
	v61 =	vmul.f32 v35, v7  }
0xea: {  	v36 =	vmovc v25;
	v46 =	vadd.f32 v56, v5;
	v63 =	vmul.f32 v57, v7;
	v62 =	vmul.f32 v8, v7  }
0xeb: {  	v34 =	vmovc v22;
	v33 =	vmovc v21;
	v43 =	vadd.f32 v60, v0;
	v38 =	vmov v27;
	v48 =	vadd.f32 v61, v3  }
0xec: {  	v35 =	vmovc v24;
	[tilespmem:$0x1FF20] =	vst v28;
	v28 =	vmov v23;
	v45 =	vadd.f32 v63, v6;
	v47 =	vadd.f32 v62, v4  }
0xed: {  	s0 =	sor.u32 $0x4380, s24;
	s1 =	sor.u32 s20, s22;
	v1 =	vld [tilespmem:s21+$0x0]  }
0xee: {  	s2 =	sor.u32 $0x4200, s24;
	v49 =	vld [tilespmem:s1+$0x0];
	s10 =	sor.u32 s20, s0  }
0xef: {  	s11 =	sor.u32 $0x4280, s24;
	s3 =	sor.u32 s23, s2;
	v0 =	vld [tilespmem:s10+$0x0]  }
0xf0: {  	s5 =	sor.u32 $0x4300, s24;
	s6 =	sor.u32 s23, s11;
	v2 =	vld [tilespmem:s3+$0x0]  }
0xf1: {  	s12 =	sor.u32 s23, s5;
	v3 =	vld [tilespmem:s6+$0x0]  }
0xf2: {  	s13 =	sor.u32 $0x10, s23;
	s9 =	sor.u32 s23, s0;
	v4 =	vld [tilespmem:s12+$0x0]  }
0xf3: {  	s14 =	sor.u32 s13, s22;
	v5 =	vld [tilespmem:s9+$0x0]  }
0xf4: {  	s17 =	sor.u32 s13, s2;
	v6 =	vld [tilespmem:s14+$0x0]  }
0xf5: {  	s18 =	sor.u32 s13, s11;
	v7 =	vld [tilespmem:s17+$0x0]  }
0xf6: {  	s24 =	sor.u32 $0x20, s23;
	s21 =	sor.u32 s13, s5;
	v8 =	vld [tilespmem:s18+$0x0]  }
0xf7: {  	s28 =	sor.u32 s24, s2;
	v54 =	vld [tilespmem:s21+$0x0]  }
0xf8: {  	v62 =	vimm.f32 $0.0e+00;
	s6 =	sor.u32 s13, s0;
	v59 =	vld [tilespmem:s28+$0x0];
	v0 =	vmul.f32 v0, v49  }
0xf9: {  	v60 =	vimm.f32 $0.0e+00;
	v63 =	vimm.f32 $0.0e+00;
	s26 =	sor.u32 s24, s22;
	v56 =	vld [tilespmem:s6+$0x0];
	v50 =	vmul.f32 v2, v1  }
0xfa: {  	v61 =	vimm.f32 $0.0e+00;
	v3 =	vmul.f32 v3, v1;
	v2 =	vld [tilespmem:s26+$0x0];
	v51 =	vadd.f32 v0, v17  }
0xfb: {  	p1 =	por $0x1, $0x1;
	s29 =	sor.u32 s24, s11;
	v50 =	vadd.f32 v50, v17;
	v0 =	vmul.f32 v4, v1;
	v4 =	vmul.f32 v7, v6  }
.Ltmp8:
0xfc: {  	s31 =	sand.u32 $0x780, s25;
	s30 =	sor.u32 s24, s5;
	v52 =	vadd.f32 v3, v17;
	v1 =	vmul.f32 v5, v1;
	v5 =	vmul.f32 v54, v6;
	v3 =	vld [tilespmem:s29+$0x0];
	(pc) =	sbr.rel @!p1 .LBB2_13-.Ltmp8, $4  }
0xfd: {  	p0 =	por $0x1, $0x1;
	s2 =	sor.u32 s20, s2;
	s3 =	sor.u32 s24, s0;
	v53 =	vadd.f32 v0, v17;
	v0 =	vmul.f32 v8, v6;
	v54 =	vadd.f32 v4, v17;
	v4 =	vld [tilespmem:s30+$0x0]  }
0xfe: {  	s1 =	sor.u32 s20, s11;
	s23 =	sand.u32 $0x40, s25;
	s22 =	sor.u32 $0x10000, s31;
	v55 =	vadd.f32 v1, v17;
	v1 =	vmul.f32 v56, v6;
	v57 =	vadd.f32 v5, v17;
	v5 =	vld [tilespmem:s3+$0x0]  }
0xff: {  	s0 =	sor.u32 s20, s5;
	s21 =	simm.s32 $0x10040;
	s26 =	simm.s32 $0x200;
	v6 =	vld [tilespmem:s2+$0x0];
	v8 =	vmul.f32 v59, v2;
	v59 =	vimm.f32 $0.0e+00;
	v56 =	vadd.f32 v0, v17  }
0x100: {  	s20 =	sor.u32 $0x30, s23;
	s24 =	sand.u32 $0x3C00, s26;
	v7 =	vld [tilespmem:s1+$0x0];
	s2 =	simm.s32 $0x80;
	v58 =	vadd.f32 v1, v17;
	v1 =	vimm.f32 $0.0e+00;
	v0 =	vimm.f32 $0.0e+00  }
.LBB2_14:
0x101: {  	p1 =	sne.s32 s2, $0x7C0;
	s1 =	sor.u32 $0x4380, s24;
	s3 =	sor.u32 s20, s22;
	v3 =	vmul.f32 v3, v2;
	v9 =	vld [tilespmem:s0+$0x0]  }
0x102: {  	s0 =	sor.u32 $0x4200, s24;
	s5 =	sor.u32 $0x4280, s24;
	v10 =	vld [tilespmem:s3+$0x0];
	s3 =	sor.u32 s20, s1;
	v59 =	vadd.f32 v8, v59;
	v4 =	vmul.f32 v4, v2  }
0x103: {  	s6 =	sor.u32 $0x4300, s24;
	s9 =	sor.u32 $0x10, s23;
	s10 =	sor.u32 $0x20, s23;
	v8 =	vld [tilespmem:s3+$0x0];
	v62 =	vadd.f32 v3, v62;
	v2 =	vmul.f32 v5, v2  }
0x104: {  	s11 =	sor.u32 s23, s5;
	s12 =	sor.u32 s23, s6;
	s3 =	sor.u32 s23, s0;
	v3 =	vld [tilespmem:s21+$0x0];
	v60 =	vadd.f32 v4, v60;
	v4 =	vmul.f32 v6, v49  }
0x105: {  	s13 =	sor.u32 s9, s22;
	s17 =	sor.u32 s9, s0;
	v5 =	vld [tilespmem:s3+$0x0];
	s3 =	sor.u32 s23, s1;
	v63 =	vadd.f32 v2, v63;
	v2 =	vmul.f32 v7, v49  }
0x106: {  	s18 =	sor.u32 s9, s6;
	v6 =	vld [tilespmem:s11+$0x0];
	s11 =	sor.u32 s9, s5;
	s9 =	sor.u32 s9, s1;
	v1 =	vadd.f32 v4, v1;
	v4 =	vmul.f32 v9, v49  }
0x107: {  	s23 =	sor.u32 s10, s5;
	v7 =	vld [tilespmem:s12+$0x0];
	s12 =	sor.u32 s10, s22;
	s22 =	sor.u32 s10, s0;
	v0 =	vadd.f32 v2, v0;
	v49 =	vmov v10  }
0x108: {  	s1 =	sor.u32 s10, s1;
	v2 =	vld [tilespmem:s3+$0x0];
	s3 =	sor.u32 s10, s6;
	s10 =	sor.u32 s20, s0;
	v8 =	vmul.f32 v8, v49;
	v61 =	vadd.f32 v4, v61  }
0x109: {  	s5 =	sor.u32 s20, s5;
	s0 =	sor.u32 s20, s6;
	v9 =	vld [tilespmem:s13+$0x0]  }
0x10a: {  	v4 =	vmul.f32 v5, v3;
	v5 =	vld [tilespmem:s17+$0x0];
	v51 =	vadd.f32 v8, v51  }
0x10b: {  	v6 =	vmul.f32 v6, v3;
	v8 =	vld [tilespmem:s11+$0x0]  }
0x10c: {  	v50 =	vadd.f32 v4, v50;
	v4 =	vmul.f32 v7, v3;
	v7 =	vld [tilespmem:s18+$0x0]  }
0x10d: {  	v52 =	vadd.f32 v6, v52;
	v3 =	vmul.f32 v2, v3;
	v6 =	vld [tilespmem:s9+$0x0]  }
0x10e: {  	v53 =	vadd.f32 v4, v53;
	v2 =	vld [tilespmem:s12+$0x0]  }
0x10f: {  	v55 =	vadd.f32 v3, v55;
	v4 =	vmul.f32 v5, v9;
	v10 =	vld [tilespmem:s22+$0x0]  }
.Ltmp9:
0x110: {  	v5 =	vmul.f32 v8, v9;
	v3 =	vld [tilespmem:s23+$0x0];
	(pc) =	sbr.rel @p1 .LBB2_14-.Ltmp9, $4  }
0x111: {  	v54 =	vadd.f32 v4, v54;
	v7 =	vmul.f32 v7, v9;
	v4 =	vld [tilespmem:s3+$0x0]  }
0x112: {  	s26 =	sadd.s32 $0x200, s26;
	s21 =	sadd.s32 $0x40, s21;
	v56 =	vadd.f32 v5, v56;
	v8 =	vmul.f32 v6, v9;
	v5 =	vld [tilespmem:s1+$0x0]  }
0x113: {  	s24 =	sand.u32 $0x3C00, s26;
	s23 =	sand.u32 $0x40, s2;
	s1 =	sand.u32 $0x780, s2;
	v57 =	vadd.f32 v7, v57;
	v6 =	vld [tilespmem:s10+$0x0]  }
0x114: {  	s20 =	sor.u32 $0x30, s23;
	s2 =	sadd.s32 $0x40, s2;
	s22 =	sor.u32 $0x10000, s1;
	v58 =	vadd.f32 v8, v58;
	v8 =	vmul.f32 v10, v2;
	v7 =	vld [tilespmem:s5+$0x0]  }
0x115: {  	v27 =	vmov v19;
	v25 =	vmov v18;
	v26 =	vmov v16  }
0x116: {  	v24 =	vmovc v14;
	v23 =	vmovc v13;
	v22 =	vmov v12;
	v21 =	vmov v15;
	v20 =	vmov v11  }
.LBB2_16:
0x117: {  	v9 =	vld @p0 [tilespmem:s0+$0x0]  }
0x118: {  	s2 =	sor.u32 $0x4380, s24;
	s1 =	sor.u32 s20, s22;
	v12 =	vld [tilespmem:s21+$0x0]  }
0x119: {  	s17 =	sor.u32 $0x4200, s24;
	s14 =	sor.u32 s20, s2;
	v10 =	vld [tilespmem:s1+$0x0]  }
0x11a: {  	s3 =	sor.u32 $0x4280, s24;
	s18 =	sor.u32 s23, s17;
	v11 =	vld [tilespmem:s14+$0x0]  }
0x11b: {  	s5 =	sor.u32 $0x4300, s24;
	s6 =	sor.u32 s23, s3;
	v13 =	vld [tilespmem:s18+$0x0]  }
0x11c: {  	s21 =	sor.u32 s23, s5;
	v14 =	vld [tilespmem:s6+$0x0]  }
0x11d: {  	s9 =	sor.u32 s23, s2;
	v15 =	vld [tilespmem:s21+$0x0]  }
0x11e: {  	v16 =	vld [tilespmem:s9+$0x0]  }
0x11f: {  	v6 =	vmul.f32 @p0 v6, v49  }
0x120: {  	v3 =	vmul.f32 @p0 v3, v2;
	s30 =	sor.u32 $0x20, s23;
	v7 =	vmul.f32 @p0 v7, v49  }
0x121: {  	s31 =	sor.u32 s30, s22;
	v1 =	vadd.f32 @p0 v6, v1;
	v6 =	vmul.f32 @p0 v9, v49;
	v9 =	vmul.f32 v11, v10  }
0x122: {  	s11 =	sor.u32 s30, s5;
	v0 =	vadd.f32 @p0 v7, v0;
	v11 =	vld [tilespmem:s31+$0x0];
	v7 =	vmul.f32 v13, v12;
	v13 =	vmul.f32 v14, v12  }
0x123: {  	s24 =	sor.u32 $0x10, s23;
	s4 =	sor.u32 s30, s17;
	v15 =	vmul.f32 v15, v12;
	v12 =	vmul.f32 v16, v12;
	v16 =	vld [tilespmem:s11+$0x0]  }
0x124: {  	s28 =	sor.u32 s24, s3;
	s10 =	sor.u32 s30, s3;
	s3 =	sor.u32 s20, s3;
	v14 =	vld [tilespmem:s4+$0x0]  }
0x125: {  	v4 =	vmul.f32 @p0 v4, v2;
	s1 =	sor.u32 s20, s17;
	v3 =	vadd.f32 @p0 v3, v62;
	v62 =	vld [tilespmem:s3+$0x0]  }
0x126: {  	v7 =	vadd.f32 v7, v50;
	v50 =	vld [tilespmem:s1+$0x0]  }
0x127: {  	s25 =	sor.u32 s24, s22;
	v4 =	vadd.f32 @p0 v4, v60  }
0x128: {  	v8 =	vadd.f32 @p0 v8, v59;
	s26 =	sor.u32 s24, s17;
	v18 =	vld [tilespmem:s25+$0x0];
	v16 =	vmul.f32 v16, v11  }
0x129: {  	v2 =	vmul.f32 @p0 v5, v2;
	v19 =	vld [tilespmem:s26+$0x0];
	v4 =	vpsel p0, v4, v17;
	v14 =	vmul.f32 v14, v11  }
0x12a: {  	s29 =	sor.u32 s24, s5;
	v5 =	vld [tilespmem:s28+$0x0];
	v8 =	vpsel p0, v8, v17;
	v4 =	vadd.f32 v16, v4;
	v16 =	vmul.f32 v62, v10  }
0x12b: {  	v59 =	vld [tilespmem:s29+$0x0];
	v0 =	vpsel p0, v0, v17;
	v8 =	vadd.f32 v14, v8;
	v14 =	vmul.f32 v50, v10  }
0x12c: {  	v1 =	vpsel p0, v1, v17;
	v0 =	vadd.f32 v16, v0;
	v16 =	vld [tilespmem:$0x1FF90]  }
0x12d: {  	s12 =	sor.u32 s20, s5;
	v1 =	vadd.f32 v14, v1;
	v14 =	vadd.f32 v20, v23;
	v20 =	vld [tilespmem:$0x1FFD0]  }
0x12e: {  	s6 =	sor.u32 s24, s2;
	v2 =	vadd.f32 @p0 v2, v63;
	v63 =	vld [tilespmem:s12+$0x0]  }
0x12f: {  	v60 =	vld [tilespmem:s6+$0x0];
	v19 =	vmul.f32 v19, v18  }
0x130: {  	v49 =	vld [tilespmem:s10+$0x0]  }
0x131: {  	v19 =	vadd.f32 v19, v54;
	v54 =	vld [tilespmem:$0x1FF60]  }
0x132: {  	v5 =	vmul.f32 v5, v18;
	v16 =	vadd.f32 v20, v16;
	v20 =	vld [tilespmem:$0x1FF70]  }
0x133: {  	v6 =	vadd.f32 @p0 v6, v61;
	v61 =	vmul.f32 v59, v18;
	v12 =	vadd.f32 v12, v55;
	v55 =	vld [tilespmem:$0x1FFF0]  }
0x134: {  	v5 =	vadd.f32 v5, v56;
	v56 =	vld [tilespmem:$0x1FF80]  }
0x135: {  	v18 =	vmul.f32 v60, v18;
	v9 =	vadd.f32 v9, v51;
	v51 =	vadd.f32 v61, v57;
	v57 =	vld [tilespmem:$0x1FFC0]  }
0x136: {  	v59 =	vld [tilespmem:$0x1FFE0]  }
0x137: {  	v18 =	vadd.f32 v18, v58;
	v49 =	vmul.f32 v49, v11;
	v58 =	vadd.f32 v20, v22;
	v20 =	vld [tilespmem:$0x1FFA0]  }
0x138: {  	v3 =	vpsel p0, v3, v17  }
0x139: {  	v3 =	vadd.f32 v49, v3;
	v10 =	vmul.f32 v63, v10  }
0x13a: {  	v6 =	vpsel p0, v6, v17;
	v49 =	vadd.f32 v54, v55;
	v50 =	vadd.f32 v57, v56  }
0x13b: {  	v61 =	vld [tilespmem:$0x1FF50];
	v6 =	vadd.f32 v10, v6  }
0x13c: {  	v10 =	vadd.f32 v50, v49;
	v50 =	vadd.f32 v59, v20;
	v20 =	vld [tilespmem:$0x1FFB0];
	_ =	sdelay $0x4  }
0x13d: {  	v15 =	vadd.f32 v15, v53;
	v53 =	vadd.f32 v61, v20;
	v20 =	vld [tilespmem:$0x1FF30];
	_ =	sdelay $0x4  }
0x13e: {  	v60 =	vadd.f32 v21, v24;
	v24 =	vadd.f32 v20, v28;
	v20 =	vld [tilespmem:$0x1FF40];
	_ =	sdelay $0x1  }
0x13f: {  	v26 =	vadd.f32 v26, v37  }
0x140: {  	v62 =	vadd.f32 v25, v32;
	v14 =	vadd.f32 v16, v14  }
0x141: {  	(xrf2) =	vadd.scan.msk.f32 $0xffff, v10;
	v22 =	vadd.f32 v34, v31;
	v16 =	vadd.f32 v50, v58  }
0x142: {  	(xrf2) =	vadd.scan.msk.f32 $0xffff, v14;
	v63 =	vadd.f32 v53, v60;
	v25 =	vadd.f32 v27, v20  }
0x143: {  	v23 =	vadd.f32 v35, v33;
	(xrf2) =	vadd.scan.msk.f32 $0xffff, v16;
	v24 =	vadd.f32 v62, v24  }
0x144: {  	(xrf2) =	vadd.scan.msk.f32 $0xffff, v63;
	v14 =	vadd.f32 v25, v22  }
0x145: {  	v16 =	vadd.f32 v26, v23;
	v26 =	vld [tilespmem:$0x1FF20];
	(xrf2) =	vadd.scan.msk.f32 $0xffff, v24  }
0x146: {  	(xrf2) =	vadd.scan.msk.f32 $0xffff, v14;
	v14 =	vld [tilespmem:$0x1FF10]  }
0x147: {  	v21 =	vadd.f32 v36, v30;
	v10 =	vld [tilespmem:$0x1FEE0];
	v20 =	vadd.f32 v29, v38  }
0x148: {  	v23 =	vld [tilespmem:$0x1FF00]  }
0x149: {  	v13 =	vadd.f32 v13, v52;
	v20 =	vadd.f32 v20, v21;
	v21 =	vld [tilespmem:$0x1FEF0]  }
0x14a: {  	v7 =	vadd.f32 v19, v7  }
0x14b: {  	v5 =	vadd.f32 v5, v13;
	v14 =	vadd.f32 v26, v14;
	v26 =	vld [tilespmem:$0x1FED0]  }
0x14c: {  	s0 =	sor.u32 s30, s2;
	v1 =	vadd.f32 v1, v8;
	v10 =	vadd.f32 v41, v10  }
0x14d: {  	v23 =	vadd.f32 v39, v23;
	v27 =	vadd.f32 v48, v46;
	v25 =	vld [tilespmem:s0+$0x0]  }
0x14e: {  	v22 =	vadd.f32 v47, v44;
	v21 =	vadd.f32 v40, v21  }
0x14f: {  	v24 =	vadd.f32 v45, v42;
	v10 =	vadd.f32 v27, v10;
	(xrf2) =	vadd.scan.msk.f32 $0xffff, v20  }
0x150: {  	(xrf2) =	vadd.scan.msk.f32 $0xffff, v16;
	v8 =	vadd.f32 v22, v21;
	v26 =	vadd.f32 v26, v43  }
0x151: {  	v0 =	vadd.f32 v0, v3;
	v16 =	vadd.f32 v24, v23;
	(xrf2) =	vadd.scan.msk.f32 $0xffff, v10  }
0x152: {  	v1 =	vadd.f32 v1, v7;
	v7 =	vmul.f32 v25, v11;
	(xrf2) =	vadd.scan.msk.f32 $0xffff, v8;
	v10 =	vadd.f32 v26, v14  }
0x153: {  	v2 =	vpsel p0, v2, v17;
	v4 =	vadd.f32 v6, v4;
	v3, _, _ =	vpop (xrf2);
	v8 =	vadd.f32 v51, v15;
	(xrf2) =	vadd.scan.msk.f32 $0xffff, v16  }
0x154: {  	v0 =	vadd.f32 v0, v5;
	v6, _, _ =	vpop (xrf2);
	v2 =	vadd.f32 v7, v2;
	(xrf2) =	vadd.scan.msk.f32 $0xffff, v10  }
0x155: {  	v3 =	vbroadcast v3, $0xF;
	v5 =	vbroadcast v6, $0xF;
	v6, _, _ =	vpop (xrf2);
	(xrf2) =	vadd.scan.msk.f32 $0xffff, v1;
	v1 =	vadd.f32 v4, v8  }
0x156: {  	v2 =	vadd.f32 v9, v2;
	v4 =	vbroadcast v6, $0xF;
	v6, _, _ =	vpop (xrf2)  }
0x157: {  	v3 =	vsel vm0, v3, v5;
	(xrf2) =	vadd.scan.msk.f32 $0xffff, v0;
	v0 =	vadd.f32 v18, v12;
	v5 =	vbroadcast v6, $0xF;
	v6, _, _ =	vpop (xrf2)  }
0x158: {  	v3 =	vsel vm1, v3, v4;
	v4 =	vbroadcast v6, $0xF  }
0x159: {  	(xrf2) =	vadd.scan.msk.f32 $0xffff, v1;
	v0 =	vadd.f32 v2, v0;
	v1, _, _ =	vpop (xrf2)  }
0x15a: {  	v2, _, _ =	vpop (xrf2)  }
0x15b: {  	v3 =	vsel vm2, v3, v5;
	v1 =	vbroadcast v1, $0xF;
	v2 =	vbroadcast v2, $0xF  }
0x15c: {  	v3 =	vsel vm3, v3, v4;
	v4, _, _ =	vpop (xrf2)  }
0x15d: {  	(xrf2) =	vadd.scan.msk.f32 $0xffff, v0;
	v0, _, _ =	vpop (xrf2);
	v1 =	vsel vm4, v3, v1;
	v3 =	vbroadcast v4, $0xF  }
0x15e: {  	v4, _, _ =	vpop (xrf2);
	v1 =	vsel vm5, v1, v2;
	v0 =	vbroadcast v0, $0xF  }
0x15f: {  	v1 =	vsel vm6, v1, v3;
	v3 =	vbroadcast v4, $0xF;
	v2, _, _ =	vpop (xrf2)  }
0x160: {  	v0 =	vsel vm7, v1, v0;
	v4, _, _ =	vpop (xrf2);
	v1 =	vbroadcast v2, $0xF  }
0x161: {  	v0 =	vsel vm8, v0, v3;
	v2, _, _ =	vpop (xrf2);
	v3 =	vbroadcast v4, $0xF  }
0x162: {  	v4, _, _ =	vpop (xrf2);
	v0 =	vsel vm9, v0, v1;
	v1 =	vbroadcast v2, $0xF  }
0x163: {  	v2, _, _ =	vpop (xrf2);
	v0 =	vsel vm10, v0, v3  }
0x164: {  	v0 =	vsel vm11, v0, v1;
	v1 =	vbroadcast v2, $0xF  }
0x165: {  	v3 =	vbroadcast v4, $0xF;
	v4 =	vld [tilespmem:$0x10800];
	_ =	sdelay $0x1  }
0x166: {  	v0 =	vsel vm12, v0, v3  }
0x167: {  	v0 =	vsel vm13, v0, v1;
	v1, _, _ =	vpop (xrf2)  }
0x168: {  	v0 =	vsel vm14, v0, v1  }
0x169: {  	s13 =	sshll.u32 s19, $0x5;
	v0 =	vadd.f32 v4, v0  }
0x16a: {  	s20 =	sshll.u32 s19, $0xD;
	s21 =	sand.u32 $0x3FFFFFE0, s13;
	p0 =	seq.s32 s19, $0x9  }
0x16b: {  	s22 =	simm.s32 $0x0;
	s1 =	simm.s32 @!p0 $0x0;
	s0 =	sadd.s32 @!p0 s20, s7;
	[tilespmem:s21+$0x10880] =	vst v0  }
0x16c: {  	[tilespmem:s1], [sflag:$0x1] =	stream.linear.gather @!p0 [hbm4b:s0+s1], $0x8000, $0x38;
	[tilespmem:$0x10A00] =	vst v63  }
0x16d: {  	s23 =	simm.s32 $0x10000;
	s14 =	sand.u32 $0x40, s22;
	_ =	swait.ge [sflag:s16], $0x8000  }
0x16e: {  	s17 =	sand.u32 $0x780, s22;
	s18 =	sand.u32 $0x3C00, s22;
	[sflag:s16] =	ssyncset.done $0x0  }
0x16f: {  	s24 =	sor.u32 $0x30, s14;
	s1 =	sor.u32 $0x10000, s17;
	[sflag:s16] =	ssyncadd.s32 $0xFFFF8000  }
0x170: {  	s2 =	sor.u32 $0x8000, s18;
	s25 =	sor.u32 s24, s1;
	v2 =	vld [tilespmem:s23+$0x0]  }
0x171: {  	s3 =	sor.u32 s24, s2;
	v0 =	vld [tilespmem:s25+$0x0]  }
0x172: {  	s26 =	sor.u32 s14, s2;
	v1 =	vld [tilespmem:s3+$0x180]  }
0x173: {  	v3 =	vld [tilespmem:s26+$0x0]  }
0x174: {  	v4 =	vld [tilespmem:s26+$0x80]  }
0x175: {  	s28 =	sor.u32 $0x10, s14;
	v5 =	vld [tilespmem:s26+$0x100]  }
0x176: {  	s29 =	sor.u32 s28, s1;
	v6 =	vld [tilespmem:s26+$0x180]  }
0x177: {  	s30 =	sor.u32 s28, s2;
	v7 =	vld [tilespmem:s29+$0x0]  }
0x178: {  	v8 =	vld [tilespmem:s30+$0x0]  }
0x179: {  	s0 =	sor.u32 $0x20, s14;
	v9 =	vld [tilespmem:s30+$0x80]  }
0x17a: {  	s1 =	sor.u32 s0, s1;
	v10 =	vld [tilespmem:s30+$0x100]  }
0x17b: {  	s0 =	sor.u32 s0, s2;
	v18 =	vld [tilespmem:s1+$0x0]  }
0x17c: {  	v17 =	vimm.f32 $0.0e+00;
	v13 =	vld [tilespmem:s0+$0x0]  }
0x17d: {  	v15 =	vimm.f32 $0.0e+00;
	v16 =	vimm.f32 $0.0e+00;
	v11 =	vld [tilespmem:s30+$0x180];
	v1 =	vmul.f32 v1, v0  }
0x17e: {  	v14 =	vimm.f32 $0.0e+00;
	v3 =	vmul.f32 v3, v2;
	v12 =	vmul.f32 v4, v2  }
0x17f: {  	v5 =	vmul.f32 v5, v2;
	v6 =	vmul.f32 v6, v2;
	v4 =	vadd.f32 v1, v16  }
0x180: {  	v9 =	vmul.f32 v9, v7;
	v1 =	vadd.f32 v3, v16;
	v3 =	vadd.f32 v12, v16;
	v12 =	vld [tilespmem:s0+$0x80]  }
0x181: {  	v21 =	vld [tilespmem:s0+$0x100];
	v25 =	vmul.f32 v13, v18;
	v2 =	vadd.f32 v5, v16;
	v5 =	vmul.f32 v8, v7  }
0x182: {  	s31 =	simm.s32 $0x40;
	v20 =	vld [tilespmem:s0+$0x180];
	v8 =	vadd.f32 v6, v16;
	v6 =	vmul.f32 v10, v7;
	v10 =	vmul.f32 v11, v7  }
0x183: {  	s11 =	sand.u32 $0x40, s31;
	s2 =	simm.s32 $0x200;
	v19 =	vld [tilespmem:s3+$0x0];
	v13 =	vimm.f32 $0.0e+00;
	v7 =	vadd.f32 v5, v16;
	v5 =	vadd.f32 v9, v16  }
0x184: {  	s25 =	sand.u32 $0x3C00, s2;
	s1 =	sand.u32 $0x780, s31;
	v22 =	vld [tilespmem:s3+$0x80];
	s26 =	sor.u32 $0x30, s11;
	v11 =	vimm.f32 $0.0e+00;
	v6 =	vadd.f32 v6, v16;
	v9 =	vadd.f32 v10, v16  }
0x185: {  	v23 =	vld [tilespmem:s3+$0x100];
	s24 =	sor.u32 $0x10000, s1;
	s1 =	simm.s32 $0x80;
	s0 =	simm.s32 $0x10040;
	v10 =	vimm.f32 $0.0e+00;
	v24 =	vmul.f32 v12, v18;
	v12 =	vimm.f32 $0.0e+00  }
.LBB2_17:
0x186: {  	p1 =	sne.s32 s1, $0x7C0;
	v26 =	vld [tilespmem:s0+$0x0];
	s5 =	sor.u32 $0x8000, s25;
	s3 =	sor.u32 s26, s24;
	v15 =	vadd.f32 v25, v15;
	v21 =	vmul.f32 v21, v18  }
0x187: {  	s6 =	sor.u32 $0x10, s11;
	s9 =	sor.u32 $0x20, s11;
	v25 =	vld [tilespmem:s3+$0x0];
	s3 =	sor.u32 s26, s5;
	v17 =	vadd.f32 v24, v17;
	v18 =	vmul.f32 v20, v18  }
0x188: {  	s10 =	sor.u32 s11, s5;
	s11 =	sor.u32 s6, s24;
	s6 =	sor.u32 s6, s5;
	v20 =	vld [tilespmem:s3+$0x180];
	v11 =	vadd.f32 v21, v11;
	v19 =	vmul.f32 v19, v0  }
0x189: {  	s12 =	sor.u32 s9, s24;
	s5 =	sor.u32 s9, s5;
	v21 =	vld [tilespmem:s10+$0x0];
	v12 =	vadd.f32 v18, v12;
	v18 =	vmul.f32 v22, v0  }
0x18a: {  	v22 =	vld [tilespmem:s10+$0x80];
	v13 =	vadd.f32 v19, v13;
	v23 =	vmul.f32 v23, v0  }
0x18b: {  	v19 =	vld [tilespmem:s10+$0x100];
	v14 =	vadd.f32 v18, v14  }
0x18c: {  	v18 =	vld [tilespmem:s10+$0x180];
	v10 =	vadd.f32 v23, v10;
	v0 =	vmov v25  }
0x18d: {  	v23 =	vld [tilespmem:s11+$0x0];
	v20 =	vmul.f32 v20, v0  }
0x18e: {  	v21 =	vmul.f32 v21, v26;
	v24 =	vld [tilespmem:s6+$0x0]  }
0x18f: {  	v22 =	vmul.f32 v22, v26;
	v25 =	vld [tilespmem:s6+$0x80];
	v4 =	vadd.f32 v20, v4  }
0x190: {  	v1 =	vadd.f32 v21, v1;
	v19 =	vmul.f32 v19, v26;
	v20 =	vld [tilespmem:s6+$0x100]  }
0x191: {  	v3 =	vadd.f32 v22, v3;
	v21 =	vmul.f32 v18, v26;
	v22 =	vld [tilespmem:s6+$0x180]  }
0x192: {  	v2 =	vadd.f32 v19, v2;
	v18 =	vld [tilespmem:s12+$0x0]  }
0x193: {  	v8 =	vadd.f32 v21, v8;
	v19 =	vmul.f32 v24, v23;
	v24 =	vld [tilespmem:s5+$0x0]  }
0x194: {  	v25 =	vmul.f32 v25, v23;
	v26 =	vld [tilespmem:s5+$0x80]  }
.Ltmp10:
0x195: {  	v7 =	vadd.f32 v19, v7;
	v19 =	vmul.f32 v20, v23;
	v21 =	vld [tilespmem:s5+$0x100];
	(pc) =	sbr.rel @p1 .LBB2_17-.Ltmp10, $4  }
0x196: {  	v5 =	vadd.f32 v25, v5;
	v22 =	vmul.f32 v22, v23;
	v20 =	vld [tilespmem:s5+$0x180]  }
0x197: {  	s2 =	sadd.s32 $0x200, s2;
	s0 =	sadd.s32 $0x40, s0;
	v6 =	vadd.f32 v19, v6;
	v19 =	vld [tilespmem:s3+$0x0]  }
0x198: {  	s25 =	sand.u32 $0x3C00, s2;
	s11 =	sand.u32 $0x40, s1;
	s5 =	sand.u32 $0x780, s1;
	v9 =	vadd.f32 v22, v9;
	v25 =	vmul.f32 v24, v18;
	v22 =	vld [tilespmem:s3+$0x80]  }
0x199: {  	s26 =	sor.u32 $0x30, s11;
	s1 =	sadd.s32 $0x40, s1;
	s24 =	sor.u32 $0x10000, s5;
	v24 =	vmul.f32 v26, v18;
	v23 =	vld [tilespmem:s3+$0x100]  }
0x19a: {  	v26 =	vld [tilespmem:s0+$0x0];
	s1 =	sor.u32 s26, s24  }
0x19b: {  	s25 =	sor.u32 $0x8000, s25;
	v27 =	vld [tilespmem:s1+$0x0]  }
0x19c: {  	v21 =	vmul.f32 v21, v18;
	s28 =	sor.u32 s26, s25;
	v18 =	vmul.f32 v20, v18;
	v20 =	vld [tilespmem:s23+$0x0]  }
0x19d: {  	s2 =	sor.u32 s11, s25;
	v28 =	vld [tilespmem:s28+$0x180]  }
0x19e: {  	v29 =	vld [tilespmem:s2+$0x0]  }
0x19f: {  	v30 =	vld [tilespmem:s2+$0x80]  }
0x1a0: {  	s3 =	sor.u32 $0x10, s11;
	v31 =	vld [tilespmem:s2+$0x100]  }
0x1a1: {  	s5 =	sor.u32 s3, s24;
	v32 =	vld [tilespmem:s2+$0x180]  }
0x1a2: {  	s29 =	sor.u32 s3, s25;
	v33 =	vld [tilespmem:s5+$0x0]  }
0x1a3: {  	v24 =	vadd.f32 v24, v17;
	v34 =	vld [tilespmem:s29+$0x0];
	v17 =	vmul.f32 v19, v0  }
0x1a4: {  	v35 =	vld [tilespmem:s29+$0x80];
	v19 =	vmul.f32 v22, v0;
	v0 =	vmul.f32 v23, v0  }
0x1a5: {  	s30 =	sor.u32 $0x20, s11;
	v36 =	vld [tilespmem:s29+$0x100]  }
0x1a6: {  	s0 =	sor.u32 s30, s25;
	v37 =	vld [tilespmem:s29+$0x180];
	v0 =	vadd.f32 v0, v10;
	v10 =	vmul.f32 v29, v26  }
0x1a7: {  	v39 =	vld [tilespmem:s0+$0x0];
	v11 =	vadd.f32 v21, v11;
	v21 =	vadd.f32 v18, v12;
	v12 =	vmul.f32 v28, v27  }
0x1a8: {  	v40 =	vld [tilespmem:s0+$0x80];
	v13 =	vadd.f32 v17, v13;
	v17 =	vmul.f32 v30, v26;
	v1 =	vadd.f32 v10, v1  }
0x1a9: {  	v41 =	vld [tilespmem:s0+$0x100];
	v4 =	vadd.f32 v12, v4  }
0x1aa: {  	p1 =	por $0x0, $0x0;
	s31 =	sor.u32 s30, s24;
	v42 =	vld [tilespmem:s0+$0x180];
	s0 =	simm.s32 $0x1;
	[tilespmem:$0x1FE30] =	vst v1;
	v1 =	vadd.f32 v17, v3  }
0x1ab: {  	v38 =	vld [tilespmem:s31+$0x0];
	s0 =	simm.s32 @!p1 $0x0;
	[tilespmem:$0x1FE20] =	vst v4;
	v4 =	vmul.f32 v31, v26  }
0x1ac: {  	v15 =	vadd.f32 v25, v15;
	v25 =	vld [tilespmem:s28+$0x0];
	s0 =	sshll.u32 s0, $0x6;
	[tilespmem:$0x1FE40] =	vst v1;
	v1 =	vmul.f32 v34, v33  }
0x1ad: {  	v43 =	vld [tilespmem:s28+$0x80];
	s0 =	sadd.s32 $0x0, s0;
	v2 =	vadd.f32 v4, v2  }
0x1ae: {  	s24 =	sand.u32 $0x7C0, s22;
	v44 =	vld [tilespmem:s28+$0x100];
	s4 =	sadd.s32 $0x30, s0;
	v1 =	vadd.f32 v1, v7  }
0x1af: {  	v23 =	vld [tilespmem:s24+$0x10030];
	s6 =	sadd.s32 $0x10, s0;
	s9 =	sor.u32 $0x380, s4;
	[tilespmem:$0x1FE50] =	vst v2;
	v2 =	vmul.f32 v35, v33  }
0x1b0: {  	s11 =	sor.u32 $0x280, s6;
	v12 =	vmul.f32 v32, v26;
	v26 =	vld [tilespmem:s9+$0x8000];
	[tilespmem:$0x1FE60] =	vst v1;
	v1 =	vmul.f32 v36, v33  }
0x1b1: {  	s12 =	sor.u32 $0x300, s6;
	v18 =	vld [tilespmem:s11+$0x8000];
	v2 =	vadd.f32 v2, v5  }
0x1b2: {  	v14 =	vadd.f32 v19, v14;
	s2 =	sor.u32 $0x380, s6;
	v19 =	vld [tilespmem:s12+$0x8000];
	v3 =	vmul.f32 v37, v33;
	v1 =	vadd.f32 v1, v6  }
0x1b3: {  	s14 =	sadd.s32 $0x20, s0;
	s10 =	sor.u32 $0x200, s6;
	v22 =	vld [tilespmem:s2+$0x8000];
	[tilespmem:$0x1FE70] =	vst v2;
	v2 =	vmul.f32 v39, v38  }
0x1b4: {  	s25 =	sor.u32 $0x280, s14;
	v17 =	vld [tilespmem:s10+$0x8000];
	[tilespmem:$0x1FE80] =	vst v1;
	v1 =	vadd.f32 v3, v9  }
0x1b5: {  	s13 =	sor.u32 $0x200, s4;
	v4 =	vmul.f32 v40, v38;
	v6 =	vmul.f32 v26, v23;
	v26 =	vld [tilespmem:s25+$0x8000];
	v2 =	vadd.f32 v2, v15  }
0x1b6: {  	s17 =	sor.u32 $0x280, s4;
	v30 =	vimm.f32 $0.0e+00;
	v28 =	vimm.f32 $0.0e+00;
	v3 =	vld [tilespmem:s13+$0x8000];
	[tilespmem:$0x1FE90] =	vst v1  }
0x1b7: {  	s18 =	sor.u32 $0x200, s14;
	v15 =	vadd.f32 v4, v24;
	v4 =	vld [tilespmem:s17+$0x8000];
	v1 =	vmul.f32 v41, v38;
	[tilespmem:$0x1FEA0] =	vst v2;
	v2 =	vmul.f32 v42, v38  }
0x1b8: {  	s26 =	sor.u32 $0x300, s14;
	v29 =	vimm.f32 $0.0e+00;
	v32 =	vimm.f32 $0.0e+00;
	v5 =	vmul.f32 v43, v27;
	v24 =	vld [tilespmem:s18+$0x8000]  }
0x1b9: {  	s28 =	sor.u32 $0x200, s0;
	v11 =	vadd.f32 v1, v11;
	v1 =	vmul.f32 v25, v27;
	v2 =	vadd.f32 v2, v21;
	v25 =	vld [tilespmem:s26+$0x8000]  }
0x1ba: {  	s1 =	sor.u32 $0x300, s4;
	v12 =	vadd.f32 v12, v8;
	v37 =	vimm.f32 $0.0e+00;
	v21 =	vadd.f32 v6, v16;
	v6 =	vld [tilespmem:s28+$0x8000]  }
0x1bb: {  	s29 =	sor.u32 $0x280, s0;
	[tilespmem:$0x1FEB0] =	vst v2;
	v2 =	vmul.f32 v44, v27;
	v1 =	vadd.f32 v1, v13;
	v13 =	vadd.f32 v5, v14;
	v5 =	vld [tilespmem:s1+$0x8000]  }
0x1bc: {  	s2 =	sor.u32 $0x380, s14;
	v31 =	vimm.f32 $0.0e+00;
	v34 =	vimm.f32 $0.0e+00;
	v8 =	vmul.f32 v3, v23;
	v3 =	vld [tilespmem:s29+$0x8000]  }
0x1bd: {  	s30 =	sor.u32 $0x300, s0;
	v35 =	vimm.f32 $0.0e+00;
	v36 =	vimm.f32 $0.0e+00;
	v14 =	vadd.f32 v2, v0;
	v0 =	vld [tilespmem:s2+$0x8000]  }
0x1be: {  	p1 =	por !p1, !p1;
	s31 =	sor.u32 $0x380, s0;
	v33 =	vimm.f32 $0.0e+00;
	v39 =	vimm.f32 $0.0e+00;
	v38 =	vimm.f32 $0.0e+00;
	v2 =	vld [tilespmem:s30+$0x8000];
	s2 =	simm.s32 $0x1  }
0x1bf: {  	s0 =	simm.s32 $0x400;
	v7 =	vmul.f32 v4, v23;
	v4 =	vld [tilespmem:s31+$0x8000];
	s1 =	simm.s32 $0x200;
	v27 =	vimm.f32 $0.0e+00;
	[tilespmem:$0x1FEC0] =	vst v1;
	v1 =	vimm.f32 $0.0e+00;
	s2 =	simm.s32 @!p1 $0x0  }
.LBB2_19:
0x1c0: {  	p2 =	sne.s32 s0, $0x3E00;
	s2 =	sshll.u32 s2, $0x6;
	v40 =	vld [tilespmem:s24+$0x10010];
	v16 =	vadd.f32 v8, v16;
	v5 =	vmul.f32 v5, v23  }
0x1c1: {  	s22 =	sadd.s32 $0x40, s22;
	s23 =	sadd.s32 $0x40, s23;
	s1 =	sadd.s32 s2, s1;
	v6 =	vmul.f32 v6, v20;
	v8 =	vld [tilespmem:s24+$0x10020];
	v39 =	vadd.f32 v7, v39  }
0x1c2: {  	s24 =	sand.u32 $0x7C0, s22;
	v7 =	vld [tilespmem:s23+$0x0];
	s2 =	sadd.s32 $0x10, s1;
	s3 =	sadd.s32 $0x30, s1;
	v3 =	vmul.f32 v3, v20;
	v38 =	vadd.f32 v5, v38  }
0x1c3: {  	s6 =	sadd.s32 $0x20, s1;
	s5 =	sor.u32 $0x200, s2;
	v23 =	vld [tilespmem:s24+$0x10030];
	s9 =	sor.u32 $0x380, s3;
	v36 =	vadd.f32 v6, v36;
	v2 =	vmul.f32 v2, v20  }
0x1c4: {  	s10 =	sor.u32 $0x280, s2;
	s11 =	sor.u32 $0x300, s2;
	s2 =	sor.u32 $0x380, s2;
	v5 =	vld [tilespmem:s9+$0x8000];
	v37 =	vadd.f32 v3, v37;
	v3 =	vmul.f32 v4, v20  }
0x1c5: {  	s12 =	sor.u32 $0x280, s6;
	s13 =	sor.u32 $0x300, s6;
	s9 =	sor.u32 $0x200, s6;
	v34 =	vadd.f32 v2, v34;
	v2 =	vmul.f32 v17, v40;
	v17 =	vld [tilespmem:s5+$0x8000];
	v4 =	vmul.f32 v18, v40  }
0x1c6: {  	s5 =	sor.u32 $0x380, s6;
	s6 =	sor.u32 $0x200, s3;
	v6 =	vmul.f32 v22, v40;
	v18 =	vld [tilespmem:s10+$0x8000];
	s10 =	sor.u32 $0x280, s3;
	v35 =	vadd.f32 v3, v35;
	v3 =	vmul.f32 v19, v40  }
0x1c7: {  	s17 =	sor.u32 $0x200, s1;
	s18 =	sor.u32 $0x280, s1;
	s3 =	sor.u32 $0x300, s3;
	v40 =	vmul.f32 v26, v8;
	v19 =	vld [tilespmem:s11+$0x8000];
	v33 =	vadd.f32 v2, v33;
	v2 =	vmul.f32 v24, v8;
	v20 =	vmovc v7  }
0x1c8: {  	s25 =	sor.u32 $0x380, s1;
	s11 =	sor.u32 $0x300, s1;
	v30 =	vadd.f32 v4, v30;
	v4 =	vmul.f32 v25, v8;
	v7 =	vmul.f32 v0, v8;
	s1 =	smov.u32 s0;
	v22 =	vld [tilespmem:s2+$0x8000]  }
0x1c9: {  	v28 =	vadd.f32 v6, v28;
	v31 =	vadd.f32 v3, v31;
	v24 =	vld [tilespmem:s9+$0x8000];
	v0 =	vmul.f32 v5, v23  }
0x1ca: {  	v32 =	vadd.f32 v40, v32;
	v29 =	vadd.f32 v2, v29;
	v26 =	vld [tilespmem:s12+$0x8000]  }
0x1cb: {  	v1 =	vadd.f32 v4, v1;
	v25 =	vld [tilespmem:s13+$0x8000];
	v21 =	vadd.f32 v0, v21  }
0x1cc: {  	v27 =	vadd.f32 v7, v27;
	v0 =	vld [tilespmem:s5+$0x8000]  }
0x1cd: {  	v4 =	vld [tilespmem:s6+$0x8000]  }
0x1ce: {  	v7 =	vld [tilespmem:s10+$0x8000]  }
.Ltmp11:
0x1cf: {  	v5 =	vld [tilespmem:s3+$0x8000];
	(pc) =	sbr.rel @p2 .LBB2_19-.Ltmp11, $4  }
0x1d0: {  	v6 =	vld [tilespmem:s17+$0x8000]  }
0x1d1: {  	v3 =	vld [tilespmem:s18+$0x8000]  }
0x1d2: {  	p1 =	por !p1, !p1;
	s2 =	simm.s32 $0x1;
	v2 =	vld [tilespmem:s11+$0x8000];
	v8 =	vmul.f32 v4, v23  }
0x1d3: {  	s0 =	sadd.s32 $0x200, s0;
	s2 =	simm.s32 @!p1 $0x0;
	v4 =	vld [tilespmem:s25+$0x8000];
	v7 =	vmul.f32 v7, v23  }
0x1d4: {  	v40 =	vld [tilespmem:s24+$0x10010]  }
0x1d5: {  	s0 =	sshll.u32 s2, $0x6;
	v41 =	vld [tilespmem:s24+$0x10020];
	s26 =	sadd.s32 $0x40, s22;
	s3 =	sadd.s32 $0x40, s23  }
0x1d6: {  	s1 =	sadd.s32 s0, s1;
	v42 =	vld [tilespmem:s3+$0x0];
	s0 =	sand.u32 $0x7C0, s26  }
0x1d7: {  	v43 =	vld [tilespmem:s0+$0x10030];
	s17 =	sor.u32 $0x200, s1  }
0x1d8: {  	v8 =	vadd.f32 v8, v16;
	v5 =	vmul.f32 v5, v23;
	s18 =	sor.u32 $0x280, s1;
	v56 =	vld [tilespmem:s17+$0x8000]  }
0x1d9: {  	v49 =	vimm.f32 $0.0e+00;
	v6 =	vmul.f32 v6, v20;
	v7 =	vadd.f32 v7, v39;
	s4 =	sadd.s32 $0x30, s1;
	s22 =	sor.u32 $0x300, s1;
	v57 =	vld [tilespmem:s18+$0x8000]  }
0x1da: {  	v39 =	vimm.f32 $0.0e+00;
	s3 =	sadd.s32 $0x10, s1;
	v3 =	vmul.f32 v3, v20;
	v5 =	vadd.f32 v5, v38;
	s5 =	sor.u32 $0x380, s4;
	v58 =	vld [tilespmem:s22+$0x8000]  }
0x1db: {  	v38 =	vimm.f32 $0.0e+00;
	s6 =	sor.u32 $0x200, s3;
	v2 =	vmul.f32 v2, v20;
	v6 =	vadd.f32 v6, v36;
	v44 =	vld [tilespmem:s5+$0x8000]  }
0x1dc: {  	s9 =	sor.u32 $0x280, s3;
	v36 =	vimm.f32 $0.0e+00;
	v45 =	vld [tilespmem:s6+$0x8000];
	v4 =	vmul.f32 v4, v20;
	v16 =	vmul.f32 v17, v40  }
0x1dd: {  	s10 =	sor.u32 $0x300, s3;
	v46 =	vld [tilespmem:s9+$0x8000];
	v3 =	vadd.f32 v3, v37;
	v18 =	vmul.f32 v18, v40;
	v19 =	vmul.f32 v19, v40  }
0x1de: {  	s13 =	sor.u32 $0x200, s4;
	v47 =	vld [tilespmem:s10+$0x8000];
	v2 =	vadd.f32 v2, v34;
	v22 =	vmul.f32 v22, v40;
	v0 =	vmul.f32 v0, v41  }
0x1df: {  	s14 =	sor.u32 $0x280, s4;
	v20 =	vld [tilespmem:s13+$0x8000];
	v34 =	vimm.f32 $0.0e+00;
	v40 =	vimm.f32 $0.0e+00;
	v4 =	vadd.f32 v4, v35  }
0x1e0: {  	s11 =	sadd.s32 $0x20, s1;
	s2 =	sor.u32 $0x300, s4;
	v17 =	vld [tilespmem:s14+$0x8000];
	v35 =	vimm.f32 $0.0e+00;
	v33 =	vadd.f32 v16, v33;
	v16 =	vmul.f32 v24, v41  }
0x1e1: {  	s23 =	sor.u32 $0x280, s11;
	v23 =	vld [tilespmem:s2+$0x8000];
	v24 =	vmul.f32 v26, v41;
	v26 =	vadd.f32 v18, v30;
	v18 =	vmul.f32 v25, v41  }
0x1e2: {  	s1 =	sor.u32 $0x380, s1;
	v61 =	vld [tilespmem:s23+$0x8000];
	v31 =	vadd.f32 v19, v31;
	v59 =	vadd.f32 v22, v28;
	v25 =	vmul.f32 v44, v43  }
0x1e3: {  	v22 =	vld [tilespmem:s1+$0x8000];
	v0 =	vadd.f32 v0, v27;
	v41 =	vimm.f32 $0.0e+00;
	v29 =	vadd.f32 v16, v29  }
0x1e4: {  	v60 =	vadd.f32 v24, v32;
	v19 =	vmul.f32 v20, v43;
	v16 =	vadd.f32 v25, v21;
	v25 =	vld [tilespmem:s0+$0x10010]  }
0x1e5: {  	s25 =	sor.u32 $0x380, s11;
	v27 =	vld [tilespmem:s0+$0x10020];
	v1 =	vadd.f32 v18, v1;
	v44 =	vimm.f32 $0.0e+00;
	v17 =	vmul.f32 v17, v43  }
0x1e6: {  	s3 =	sor.u32 $0x380, s3;
	v63 =	vld [tilespmem:s25+$0x8000];
	v18 =	vadd.f32 v19, v8;
	v8 =	vmul.f32 v23, v43;
	v21 =	vmul.f32 v56, v42  }
0x1e7: {  	s12 =	sor.u32 $0x200, s11;
	v48 =	vld [tilespmem:s3+$0x8000];
	v43 =	vimm.f32 $0.0e+00;
	v19 =	vadd.f32 v17, v7;
	v17 =	vmul.f32 v58, v42  }
0x1e8: {  	v55 =	vld [tilespmem:s12+$0x8000];
	v7 =	vmul.f32 v57, v42;
	v9 =	vadd.f32 v8, v5;
	v23 =	vadd.f32 v21, v6  }
0x1e9: {  	s24 =	sor.u32 $0x300, s11;
	v5 =	vmul.f32 v22, v42;
	v10 =	vadd.f32 v17, v2;
	v2 =	vmul.f32 v45, v25  }
0x1ea: {  	v62 =	vld [tilespmem:s24+$0x8000];
	v6 =	vmul.f32 v61, v27;
	v42 =	vimm.f32 $0.0e+00;
	v20 =	vadd.f32 v7, v3  }
0x1eb: {  	v7 =	vmul.f32 v63, v27;
	v17 =	vimm.f32 $0.0e+00;
	v2 =	vadd.f32 v2, v33  }
0x1ec: {  	p2 =	por $0x1, $0x1;
	s28 =	simm.s32 $0x40;
	v21 =	vadd.f32 v5, v4;
	v3 =	vmul.f32 v46, v25;
	v4 =	vmul.f32 v47, v25  }
.Ltmp12:
0x1ed: {  	p1 =	por $0x0, $0x0;
	s26 =	simm.s32 $0x0;
	v5 =	vmul.f32 v48, v25;
	v45 =	vimm.f32 $0.0e+00;
	[tilespmem:$0x1FE00] =	vst v2;
	v2 =	vmul.f32 v55, v27;
	(pc) =	sbr.rel @!p2 .LBB2_24-.Ltmp12, $4  }
0x1ee: {  	s30 =	simm.s32 $0x10000;
	p3 =	por $0x0, $0x0;
	s11 =	sand.u32 $0x3C00, s26;
	v46 =	vimm.f32 $0.0e+00;
	v48 =	vimm.f32 $0.0e+00;
	v22 =	vadd.f32 v3, v26  }
0x1ef: {  	s23 =	simm.s32 $0x10000;
	s1 =	sand.u32 $0x40, s26;
	s0 =	sand.u32 $0x780, s26;
	v3 =	vmul.f32 v62, v27;
	v32 =	vadd.f32 v2, v29;
	v2 =	vadd.f32 v6, v60  }
0x1f0: {  	s22 =	sor.u32 $0x30, s1;
	s25 =	smov.u32 s1;
	s24 =	sor.u32 $0x10000, s0;
	v47 =	vimm.f32 $0.0e+00;
	v25 =	vadd.f32 v4, v31;
	v24 =	vadd.f32 v5, v59  }
0x1f1: {  	s29 =	smov.u32 s22;
	s26 =	smov.u32 s11;
	s31 =	smov.u32 s24;
	v26 =	vadd.f32 v7, v0;
	v33 =	vimm.f32 $0.0e+00;
	v27 =	vadd.f32 v3, v1;
	[tilespmem:$0x1FE10] =	vst v2  }
0x1f2: {  	s0 =	sor.u32 $0xC180, s11;
	s2 =	sor.u32 s22, s24;
	v1 =	vld [tilespmem:s23+$0x0]  }
0x1f3: {  	s3 =	sor.u32 $0xC000, s11;
	v37 =	vld [tilespmem:s2+$0x0];
	s26 =	sor.u32 s22, s0  }
0x1f4: {  	s6 =	sor.u32 $0xC100, s11;
	s5 =	sor.u32 s1, s3;
	v0 =	vld [tilespmem:s26+$0x0]  }
0x1f5: {  	s4 =	sor.u32 s1, s6;
	v2 =	vld [tilespmem:s5+$0x0]  }
0x1f6: {  	s2 =	sor.u32 $0xC080, s11;
	s10 =	sor.u32 s1, s0;
	v4 =	vld [tilespmem:s4+$0x0]  }
0x1f7: {  	s12 =	sor.u32 $0x10, s1;
	s9 =	sor.u32 s1, s2;
	v5 =	vld [tilespmem:s10+$0x0]  }
0x1f8: {  	s13 =	sor.u32 s12, s24;
	v3 =	vld [tilespmem:s9+$0x0]  }
0x1f9: {  	s14 =	sor.u32 s12, s3;
	v6 =	vld [tilespmem:s13+$0x0]  }
0x1fa: {  	s18 =	sor.u32 s12, s6;
	v7 =	vld [tilespmem:s14+$0x0]  }
0x1fb: {  	v38 =	vld [tilespmem:s18+$0x0];
	s9 =	sor.u32 s12, s0  }
0x1fc: {  	s25 =	sor.u32 $0x20, s1;
	v41 =	vimm.f32 $0.0e+00;
	s17 =	sor.u32 s12, s2;
	v40 =	vld [tilespmem:s9+$0x0];
	v2 =	vmul.f32 v2, v1  }
0x1fd: {  	v45 =	vimm.f32 $0.0e+00;
	s26 =	sor.u32 s25, s24;
	v8 =	vld [tilespmem:s17+$0x0];
	v33 =	vmul.f32 v0, v37;
	v3 =	vmul.f32 v3, v1  }
0x1fe: {  	s4 =	sor.u32 s25, s3;
	v0 =	vld [tilespmem:s26+$0x0];
	v34 =	vadd.f32 v2, v17;
	v2 =	vmul.f32 v4, v1;
	v1 =	vmul.f32 v5, v1  }
0x1ff: {  	p4 =	por $0x1, $0x1;
	v44 =	vimm.f32 $0.0e+00;
	s12 =	sor.u32 s25, s2;
	v4 =	vld [tilespmem:s4+$0x0];
	v35 =	vadd.f32 v3, v17;
	v3 =	vmul.f32 v7, v6  }
.Ltmp13:
0x200: {  	s30 =	simm.s32 $0x10040;
	v46 =	vimm.f32 $0.0e+00;
	s13 =	sor.u32 s25, s6;
	v7 =	vmul.f32 v38, v6;
	v39 =	vadd.f32 v1, v17;
	v1 =	vld [tilespmem:s12+$0x0];
	(pc) =	sbr.rel @!p4 .LBB2_22-.Ltmp13, $4  }
0x201: {  	p3 =	por $0x1, $0x1;
	s14 =	sor.u32 s22, s3;
	s0 =	sor.u32 s25, s0;
	v36 =	vadd.f32 v2, v17;
	v2 =	vld [tilespmem:s13+$0x0];
	v38 =	vadd.f32 v3, v17;
	v3 =	vmul.f32 v40, v6  }
0x202: {  	v49 =	vimm.f32 $0.0e+00;
	v48 =	vimm.f32 $0.0e+00;
	s3 =	sor.u32 s22, s6;
	s18 =	sand.u32 $0x780, s28;
	s17 =	sor.u32 s22, s2;
	v50 =	vld [tilespmem:s0+$0x0];
	v5 =	vmul.f32 v8, v6  }
0x203: {  	v47 =	vimm.f32 $0.0e+00;
	s2 =	simm.s32 $0x200;
	s25 =	sand.u32 $0x40, s28;
	s31 =	sor.u32 $0x10000, s18;
	v33 =	vadd.f32 v33, v17;
	v43 =	vadd.f32 v3, v17;
	v3 =	vld [tilespmem:s14+$0x0]  }
0x204: {  	s29 =	sor.u32 $0x30, s25;
	s0 =	simm.s32 $0x80;
	s26 =	sand.u32 $0x3C00, s2;
	v40 =	vadd.f32 v5, v17;
	v42 =	vadd.f32 v7, v17;
	v5 =	vmul.f32 v4, v0;
	v4 =	vld [tilespmem:s17+$0x0]  }
.LBB2_23:
0x205: {  	p4 =	sne.s32 s0, $0x7C0;
	s5 =	sor.u32 $0xC180, s26;
	s6 =	sor.u32 s29, s31;
	v1 =	vmul.f32 v1, v0;
	v6 =	vld [tilespmem:s3+$0x0]  }
0x206: {  	s3 =	sor.u32 $0xC000, s26;
	s9 =	sor.u32 $0xC080, s26;
	v7 =	vld [tilespmem:s6+$0x0];
	s6 =	sor.u32 s29, s5;
	v41 =	vadd.f32 v5, v41;
	v2 =	vmul.f32 v2, v0  }
0x207: {  	s10 =	sor.u32 $0xC100, s26;
	s12 =	sor.u32 $0x10, s25;
	s13 =	sor.u32 $0x20, s25;
	v5 =	vld [tilespmem:s6+$0x0];
	v45 =	vadd.f32 v1, v45;
	v0 =	vmul.f32 v50, v0  }
0x208: {  	s17 =	sor.u32 s25, s9;
	s18 =	sor.u32 s25, s10;
	s6 =	sor.u32 s25, s3;
	v1 =	vld [tilespmem:s30+$0x0];
	v44 =	vadd.f32 v2, v44;
	v2 =	vmul.f32 v3, v37  }
0x209: {  	s26 =	sor.u32 s12, s3;
	v3 =	vld [tilespmem:s6+$0x0];
	s6 =	sor.u32 s25, s5;
	s25 =	sor.u32 s12, s31;
	v46 =	vadd.f32 v0, v46;
	v0 =	vmul.f32 v4, v37  }
0x20a: {  	s14 =	sor.u32 s12, s10;
	v4 =	vld [tilespmem:s17+$0x0];
	s17 =	sor.u32 s12, s9;
	s12 =	sor.u32 s12, s5;
	v49 =	vadd.f32 v2, v49;
	v2 =	vmul.f32 v6, v37  }
0x20b: {  	s4 =	sor.u32 s13, s9;
	v6 =	vld [tilespmem:s18+$0x0];
	s18 =	sor.u32 s13, s31;
	s31 =	sor.u32 s13, s3;
	v48 =	vadd.f32 v0, v48;
	v37 =	vmov v7  }
0x20c: {  	s5 =	sor.u32 s13, s5;
	v0 =	vld [tilespmem:s6+$0x0];
	s6 =	sor.u32 s13, s10;
	s13 =	sor.u32 s29, s3;
	v5 =	vmul.f32 v5, v37;
	v47 =	vadd.f32 v2, v47  }
0x20d: {  	s9 =	sor.u32 s29, s9;
	s3 =	sor.u32 s29, s10;
	v7 =	vld [tilespmem:s25+$0x0]  }
0x20e: {  	v2 =	vmul.f32 v3, v1;
	v3 =	vld [tilespmem:s26+$0x0];
	v33 =	vadd.f32 v5, v33  }
0x20f: {  	v4 =	vmul.f32 v4, v1;
	v5 =	vld [tilespmem:s17+$0x0]  }
0x210: {  	v34 =	vadd.f32 v2, v34;
	v2 =	vmul.f32 v6, v1;
	v6 =	vld [tilespmem:s14+$0x0]  }
0x211: {  	v35 =	vadd.f32 v4, v35;
	v1 =	vmul.f32 v0, v1;
	v4 =	vld [tilespmem:s12+$0x0]  }
0x212: {  	v36 =	vadd.f32 v2, v36;
	v0 =	vld [tilespmem:s18+$0x0]  }
0x213: {  	v39 =	vadd.f32 v1, v39;
	v2 =	vmul.f32 v3, v7;
	v8 =	vld [tilespmem:s31+$0x0]  }
.Ltmp14:
0x214: {  	v3 =	vmul.f32 v5, v7;
	v1 =	vld [tilespmem:s4+$0x0];
	(pc) =	sbr.rel @p4 .LBB2_23-.Ltmp14, $4  }
0x215: {  	v38 =	vadd.f32 v2, v38;
	v5 =	vmul.f32 v6, v7;
	v2 =	vld [tilespmem:s6+$0x0]  }
0x216: {  	s2 =	sadd.s32 $0x200, s2;
	s30 =	sadd.s32 $0x40, s30;
	v40 =	vadd.f32 v3, v40;
	v4 =	vmul.f32 v4, v7;
	v50 =	vld [tilespmem:s5+$0x0]  }
0x217: {  	s25 =	sand.u32 $0x40, s0;
	s26 =	sand.u32 $0x3C00, s2;
	s4 =	sand.u32 $0x780, s0;
	v42 =	vadd.f32 v5, v42;
	v3 =	vld [tilespmem:s13+$0x0]  }
0x218: {  	s29 =	sor.u32 $0x30, s25;
	s0 =	sadd.s32 $0x40, s0;
	s31 =	sor.u32 $0x10000, s4;
	v43 =	vadd.f32 v4, v43;
	v5 =	vmul.f32 v8, v0;
	v4 =	vld [tilespmem:s9+$0x0]  }
.LBB2_24:
0x219: {  	v6 =	vld @p3 [tilespmem:s3+$0x0]  }
0x21a: {  	s0 =	sor.u32 $0xC180, s26;
	s2 =	sor.u32 s29, s31;
	v51 =	vld [tilespmem:s30+$0x0]  }
0x21b: {  	s3 =	sor.u32 $0xC000, s26;
	v7 =	vld [tilespmem:s2+$0x0];
	s17 =	sor.u32 s29, s0  }
0x21c: {  	s5 =	sor.u32 $0xC100, s26;
	s4 =	sor.u32 s25, s3;
	v8 =	vld [tilespmem:s17+$0x0]  }
0x21d: {  	s18 =	sor.u32 s25, s5;
	v52 =	vld [tilespmem:s4+$0x0]  }
0x21e: {  	s2 =	sor.u32 $0xC080, s26;
	s9 =	sor.u32 s25, s0;
	v54 =	vld [tilespmem:s18+$0x0]  }
0x21f: {  	s26 =	sor.u32 $0x10, s25;
	s6 =	sor.u32 s25, s2;
	v55 =	vld [tilespmem:s9+$0x0]  }
0x220: {  	s30 =	sor.u32 s26, s31;
	v53 =	vld [tilespmem:s6+$0x0]  }
0x221: {  	s10 =	sor.u32 s26, s3;
	v56 =	vld [tilespmem:s30+$0x0]  }
0x222: {  	v1 =	vmul.f32 @p3 v1, v0;
	v2 =	vmul.f32 @p3 v2, v0;
	s12 =	sor.u32 s26, s2;
	v57 =	vld [tilespmem:s10+$0x0]  }
0x223: {  	s14 =	sor.u32 $0x20, s25;
	v0 =	vmul.f32 @p3 v50, v0;
	s13 =	sor.u32 s26, s5;
	v50 =	vld [tilespmem:s12+$0x0];
	v8 =	vmul.f32 v8, v7  }
0x224: {  	v5 =	vadd.f32 @p3 v5, v41;
	v1 =	vadd.f32 @p3 v1, v45;
	s17 =	sor.u32 s14, s31;
	v41 =	vld [tilespmem:s13+$0x0]  }
0x225: {  	s18 =	sor.u32 s14, s3;
	v3 =	vmul.f32 @p3 v3, v37;
	v2 =	vadd.f32 @p3 v2, v44;
	v45 =	vld [tilespmem:s17+$0x0];
	v8 =	vadd.f32 v8, v33  }
0x226: {  	s25 =	sor.u32 s14, s2;
	v60 =	vld [tilespmem:s18+$0x0];
	v5 =	vpsel p3, v5, v17;
	v0 =	vadd.f32 @p3 v0, v46;
	v58 =	vmul.f32 v52, v51  }
0x227: {  	s6 =	sor.u32 s26, s0;
	v61 =	vld [tilespmem:s25+$0x0];
	v4 =	vmul.f32 @p3 v4, v37;
	v1 =	vpsel p3, v1, v17;
	[tilespmem:$0x1FDA0] =	vst v8;
	v8 =	vmul.f32 v54, v51  }
0x228: {  	s26 =	sor.u32 s14, s5;
	v44 =	vld [tilespmem:s6+$0x0];
	v3 =	vadd.f32 @p3 v3, v49;
	v6 =	vmul.f32 @p3 v6, v37;
	v28 =	vadd.f32 v58, v34  }
0x229: {  	s0 =	sor.u32 s14, s0;
	v63 =	vld [tilespmem:s26+$0x0];
	v2 =	vpsel p3, v2, v17;
	v59 =	vmul.f32 v53, v51;
	v8 =	vadd.f32 v8, v36  }
0x22a: {  	s3 =	sor.u32 s29, s3;
	v4 =	vadd.f32 @p3 v4, v48;
	v0 =	vpsel p3, v0, v17;
	v6 =	vadd.f32 @p3 v6, v47;
	v33 =	vld [tilespmem:s0+$0x0];
	[tilespmem:$0x1FDB0] =	vst v28  }
0x22b: {  	s31 =	sor.u32 s29, s5;
	v62 =	vmul.f32 v55, v51;
	v28 =	vadd.f32 v59, v35;
	v35 =	vld [tilespmem:s3+$0x0];
	[tilespmem:$0x1FDD0] =	vst v8;
	v8 =	vmul.f32 v57, v56  }
0x22c: {  	v31 =	vmovc v20;
	s30 =	sor.u32 s29, s2;
	v3 =	vpsel p3, v3, v17;
	v50 =	vmul.f32 v50, v56;
	v4 =	vpsel p3, v4, v17;
	v57 =	vld [tilespmem:s31+$0x0]  }
0x22d: {  	v30 =	vmovc v10;
	v34 =	vmul.f32 v41, v56;
	v44 =	vmul.f32 v44, v56;
	v41 =	vadd.f32 v8, v38;
	v8 =	vld [tilespmem:s30+$0x0]  }
0x22e: {  	v58 =	vmul.f32 v61, v45;
	v59 =	vmul.f32 v63, v45;
	[tilespmem:$0x1FDC0] =	vst v28;
	v28 =	vadd.f32 v62, v39  }
0x22f: {  	v29 =	vmovc v9;
	v6 =	vpsel p3, v6, v17;
	v40 =	vadd.f32 v50, v40;
	v39 =	vadd.f32 v34, v42  }
.Ltmp15:
0x230: {  	v42 =	vadd.f32 v59, v2;
	[tilespmem:$0x1FDE0] =	vst v28;
	v28 =	vadd.f32 v44, v43;
	v56 =	vmul.f32 v60, v45;
	(pc) =	sbr.rel @!p2 .LBB2_25-.Ltmp15, $4  }
0x231: {  	v37 =	vmovc v26;
	v44 =	vadd.f32 v58, v1;
	v60 =	vmul.f32 v33, v45;
	v61 =	vmul.f32 v35, v7  }
0x232: {  	v36 =	vmovc v25;
	v46 =	vadd.f32 v56, v5;
	v63 =	vmul.f32 v57, v7;
	v62 =	vmul.f32 v8, v7  }
0x233: {  	v34 =	vmovc v22;
	v33 =	vmovc v21;
	v35 =	vmov v24;
	v43 =	vadd.f32 v60, v0;
	v48 =	vadd.f32 v61, v3  }
0x234: {  	[tilespmem:$0x1FDF0] =	vst v28;
	v38 =	vmovc v27;
	v28 =	vmov v23;
	v45 =	vadd.f32 v63, v6;
	v47 =	vadd.f32 v62, v4  }
0x235: {  	s0 =	sor.u32 $0xC380, s11;
	s2 =	sor.u32 s22, s24;
	v1 =	vld [tilespmem:s23+$0x0]  }
0x236: {  	s3 =	sor.u32 $0xC200, s11;
	v49 =	vld [tilespmem:s2+$0x0];
	s29 =	sor.u32 s22, s0  }
0x237: {  	s30 =	sor.u32 $0xC280, s11;
	s4 =	sor.u32 s1, s3;
	v0 =	vld [tilespmem:s29+$0x0]  }
0x238: {  	s5 =	sor.u32 $0xC300, s11;
	s6 =	sor.u32 s1, s30;
	v2 =	vld [tilespmem:s4+$0x0]  }
0x239: {  	s31 =	sor.u32 s1, s5;
	v3 =	vld [tilespmem:s6+$0x0]  }
0x23a: {  	s10 =	sor.u32 $0x10, s1;
	s9 =	sor.u32 s1, s0;
	v4 =	vld [tilespmem:s31+$0x0]  }
0x23b: {  	s11 =	sor.u32 s10, s24;
	v5 =	vld [tilespmem:s9+$0x0]  }
0x23c: {  	s12 =	sor.u32 s10, s3;
	v6 =	vld [tilespmem:s11+$0x0]  }
0x23d: {  	s13 =	sor.u32 s10, s30;
	v7 =	vld [tilespmem:s12+$0x0]  }
0x23e: {  	s14 =	sor.u32 s10, s5;
	v8 =	vld [tilespmem:s13+$0x0]  }
0x23f: {  	s17 =	sor.u32 $0x20, s1;
	s18 =	sor.u32 s10, s0;
	v54 =	vld [tilespmem:s14+$0x0]  }
0x240: {  	v62 =	vimm.f32 $0.0e+00;
	s23 =	sor.u32 s17, s24;
	s24 =	sor.u32 s17, s3;
	v56 =	vld [tilespmem:s18+$0x0];
	v0 =	vmul.f32 v0, v49  }
0x241: {  	v60 =	vimm.f32 $0.0e+00;
	v63 =	vimm.f32 $0.0e+00;
	v59 =	vld [tilespmem:s24+$0x0];
	v50 =	vmul.f32 v2, v1  }
0x242: {  	v61 =	vimm.f32 $0.0e+00;
	v3 =	vmul.f32 v3, v1;
	v2 =	vld [tilespmem:s23+$0x0];
	v51 =	vadd.f32 v0, v17  }
0x243: {  	p2 =	por $0x1, $0x1;
	p1 =	por $0x1, $0x1;
	s25 =	sor.u32 s17, s30;
	v50 =	vadd.f32 v50, v17;
	v0 =	vmul.f32 v4, v1;
	v4 =	vmul.f32 v7, v6  }
.Ltmp16:
0x244: {  	s26 =	sor.u32 s17, s5;
	s0 =	sor.u32 s17, s0;
	v52 =	vadd.f32 v3, v17;
	v1 =	vmul.f32 v5, v1;
	v5 =	vmul.f32 v54, v6;
	v3 =	vld [tilespmem:s25+$0x0];
	(pc) =	sbr.rel @!p2 .LBB2_27-.Ltmp16, $4  }
0x245: {  	s30 =	sor.u32 s22, s30;
	s2 =	simm.s32 $0x200;
	s1 =	sand.u32 $0x40, s28;
	v53 =	vadd.f32 v0, v17;
	v0 =	vmul.f32 v8, v6;
	v54 =	vadd.f32 v4, v17;
	v4 =	vld [tilespmem:s26+$0x0]  }
0x246: {  	s29 =	sor.u32 s22, s3;
	s3 =	sor.u32 s22, s5;
	s31 =	sand.u32 $0x780, s28;
	v55 =	vadd.f32 v1, v17;
	v1 =	vmul.f32 v56, v6;
	v57 =	vadd.f32 v5, v17;
	v5 =	vld [tilespmem:s0+$0x0]  }
0x247: {  	s11 =	sand.u32 $0x3C00, s2;
	s22 =	sor.u32 $0x30, s1;
	s24 =	sor.u32 $0x10000, s31;
	v6 =	vld [tilespmem:s29+$0x0];
	v8 =	vmul.f32 v59, v2;
	v59 =	vimm.f32 $0.0e+00;
	v56 =	vadd.f32 v0, v17  }
0x248: {  	s23 =	simm.s32 $0x10040;
	v7 =	vld [tilespmem:s30+$0x0];
	s0 =	simm.s32 $0x80;
	s26 =	simm.s32 $0x0;
	v58 =	vadd.f32 v1, v17;
	v1 =	vimm.f32 $0.0e+00;
	v0 =	vimm.f32 $0.0e+00  }
.LBB2_28:
0x249: {  	p2 =	sne.s32 s0, $0x7C0;
	s4 =	sor.u32 $0xC380, s11;
	s5 =	sor.u32 s22, s24;
	v3 =	vmul.f32 v3, v2;
	v9 =	vld [tilespmem:s3+$0x0]  }
0x24a: {  	s3 =	sor.u32 $0xC200, s11;
	s6 =	sor.u32 $0xC280, s11;
	v10 =	vld [tilespmem:s5+$0x0];
	s5 =	sor.u32 s22, s4;
	v59 =	vadd.f32 v8, v59;
	v4 =	vmul.f32 v4, v2  }
0x24b: {  	s9 =	sor.u32 $0xC300, s11;
	s10 =	sor.u32 $0x10, s1;
	s11 =	sor.u32 $0x20, s1;
	v8 =	vld [tilespmem:s5+$0x0];
	v62 =	vadd.f32 v3, v62;
	v2 =	vmul.f32 v5, v2  }
0x24c: {  	s12 =	sor.u32 s1, s6;
	s13 =	sor.u32 s1, s9;
	s5 =	sor.u32 s1, s3;
	v3 =	vld [tilespmem:s23+$0x0];
	v60 =	vadd.f32 v4, v60;
	v4 =	vmul.f32 v6, v49  }
0x24d: {  	s14 =	sor.u32 s10, s3;
	s1 =	sor.u32 s1, s4;
	v5 =	vld [tilespmem:s5+$0x0];
	s5 =	sor.u32 s10, s24;
	v63 =	vadd.f32 v2, v63;
	v2 =	vmul.f32 v7, v49  }
0x24e: {  	s17 =	sor.u32 s10, s9;
	v6 =	vld [tilespmem:s12+$0x0];
	s12 =	sor.u32 s10, s6;
	s10 =	sor.u32 s10, s4;
	v1 =	vadd.f32 v4, v1;
	v4 =	vmul.f32 v9, v49  }
0x24f: {  	s18 =	sor.u32 s11, s3;
	v7 =	vld [tilespmem:s13+$0x0];
	s13 =	sor.u32 s11, s24;
	s24 =	sor.u32 s11, s6;
	v0 =	vadd.f32 v2, v0;
	v49 =	vmov v10  }
0x250: {  	s25 =	sor.u32 s22, s3;
	s4 =	sor.u32 s11, s4;
	v2 =	vld [tilespmem:s1+$0x0];
	s1 =	sor.u32 s11, s9;
	v8 =	vmul.f32 v8, v49;
	v61 =	vadd.f32 v4, v61  }
0x251: {  	s3 =	sor.u32 s22, s9;
	v9 =	vld [tilespmem:s5+$0x0];
	s5 =	sor.u32 s22, s6  }
0x252: {  	v4 =	vmul.f32 v5, v3;
	v5 =	vld [tilespmem:s14+$0x0];
	v51 =	vadd.f32 v8, v51  }
0x253: {  	v6 =	vmul.f32 v6, v3;
	v8 =	vld [tilespmem:s12+$0x0]  }
0x254: {  	v50 =	vadd.f32 v4, v50;
	v4 =	vmul.f32 v7, v3;
	v7 =	vld [tilespmem:s17+$0x0]  }
0x255: {  	v52 =	vadd.f32 v6, v52;
	v3 =	vmul.f32 v2, v3;
	v6 =	vld [tilespmem:s10+$0x0]  }
0x256: {  	v53 =	vadd.f32 v4, v53;
	v2 =	vld [tilespmem:s13+$0x0]  }
0x257: {  	v55 =	vadd.f32 v3, v55;
	v4 =	vmul.f32 v5, v9;
	v10 =	vld [tilespmem:s18+$0x0]  }
.Ltmp17:
0x258: {  	v5 =	vmul.f32 v8, v9;
	v3 =	vld [tilespmem:s24+$0x0];
	(pc) =	sbr.rel @p2 .LBB2_28-.Ltmp17, $4  }
0x259: {  	v54 =	vadd.f32 v4, v54;
	v7 =	vmul.f32 v7, v9;
	v4 =	vld [tilespmem:s1+$0x0]  }
0x25a: {  	s2 =	sadd.s32 $0x200, s2;
	s23 =	sadd.s32 $0x40, s23;
	v56 =	vadd.f32 v5, v56;
	v8 =	vmul.f32 v6, v9;
	v5 =	vld [tilespmem:s4+$0x0]  }
0x25b: {  	s11 =	sand.u32 $0x3C00, s2;
	s1 =	sand.u32 $0x40, s0;
	s4 =	sand.u32 $0x780, s0;
	v57 =	vadd.f32 v7, v57;
	v6 =	vld [tilespmem:s25+$0x0]  }
0x25c: {  	s22 =	sor.u32 $0x30, s1;
	s0 =	sadd.s32 $0x40, s0;
	s24 =	sor.u32 $0x10000, s4;
	v58 =	vadd.f32 v8, v58;
	v8 =	vmul.f32 v10, v2;
	v7 =	vld [tilespmem:s5+$0x0]  }
0x25d: {  	v27 =	vmov v19;
	v25 =	vmov v18;
	v26 =	vmov v16  }
0x25e: {  	v24 =	vmovc v14;
	v23 =	vmovc v13;
	v22 =	vmov v11;
	v21 =	vmov v15;
	v20 =	vmov v12  }
.LBB2_30:
0x25f: {  	v9 =	vld @p1 [tilespmem:s3+$0x0]  }
0x260: {  	s2 =	sor.u32 $0xC380, s11;
	s0 =	sor.u32 s22, s24;
	v12 =	vld [tilespmem:s23+$0x0]  }
0x261: {  	s4 =	sor.u32 $0xC200, s11;
	s30 =	sor.u32 s22, s2;
	v10 =	vld [tilespmem:s0+$0x0]  }
0x262: {  	s31 =	sor.u32 $0xC280, s11;
	s9 =	sor.u32 s1, s4;
	v11 =	vld [tilespmem:s30+$0x0]  }
0x263: {  	s5 =	sor.u32 $0xC300, s11;
	s11 =	sor.u32 $0x10, s1;
	s6 =	sor.u32 s1, s31;
	v13 =	vld [tilespmem:s9+$0x0]  }
0x264: {  	s12 =	sor.u32 s11, s24;
	v14 =	vld [tilespmem:s6+$0x0]  }
0x265: {  	s13 =	sor.u32 s11, s4;
	v18 =	vld [tilespmem:s12+$0x0]  }
0x266: {  	v3 =	vmul.f32 @p1 v3, v2;
	s14 =	sor.u32 s11, s31;
	v19 =	vld [tilespmem:s13+$0x0]  }
0x267: {  	v4 =	vmul.f32 @p1 v4, v2;
	v2 =	vmul.f32 @p1 v5, v2;
	s17 =	sor.u32 s11, s5;
	v5 =	vld [tilespmem:s14+$0x0]  }
0x268: {  	v8 =	vadd.f32 @p1 v8, v59;
	s23 =	sor.u32 s11, s2;
	v59 =	vld [tilespmem:s17+$0x0]  }
0x269: {  	s10 =	sor.u32 s1, s5;
	v6 =	vmul.f32 @p1 v6, v49;
	v4 =	vadd.f32 @p1 v4, v60;
	v60 =	vld [tilespmem:s23+$0x0]  }
0x26a: {  	s18 =	sor.u32 $0x20, s1;
	s9 =	sor.u32 s1, s2;
	v15 =	vld [tilespmem:s10+$0x0]  }
0x26b: {  	s24 =	sor.u32 s18, s24;
	v7 =	vmul.f32 @p1 v7, v49;
	v16 =	vld [tilespmem:s9+$0x0];
	v1 =	vadd.f32 @p1 v6, v1;
	v6 =	vmul.f32 @p1 v9, v49  }
0x26c: {  	s25 =	sor.u32 s18, s4;
	v2 =	vadd.f32 @p1 v2, v63;
	v49 =	vmul.f32 v11, v10;
	v11 =	vld [tilespmem:s24+$0x0];
	v63 =	vmul.f32 v14, v12  }
0x26d: {  	s30 =	sor.u32 s22, s31;
	v14 =	vld [tilespmem:s25+$0x0];
	v19 =	vmul.f32 v19, v18;
	v5 =	vmul.f32 v5, v18  }
0x26e: {  	s28 =	sor.u32 s18, s31;
	s31 =	sor.u32 s22, s5;
	v59 =	vmul.f32 v59, v18;
	v18 =	vmul.f32 v60, v18;
	v60 =	vld [tilespmem:s30+$0x0]  }
0x26f: {  	v3 =	vadd.f32 @p1 v3, v62;
	v62 =	vmul.f32 v13, v12;
	v6 =	vadd.f32 @p1 v6, v61;
	v61 =	vld [tilespmem:s31+$0x0]  }
0x270: {  	s29 =	sor.u32 s18, s5;
	v9 =	vadd.f32 v49, v51;
	v49 =	vld [tilespmem:s28+$0x0]  }
0x271: {  	s4 =	sor.u32 s22, s4;
	v0 =	vadd.f32 @p1 v7, v0;
	v7 =	vadd.f32 v62, v50;
	v62 =	vld [tilespmem:s29+$0x0]  }
0x272: {  	v13 =	vadd.f32 v63, v52;
	v63 =	vld [tilespmem:s4+$0x0]  }
0x273: {  	v34 =	vadd.f32 v34, v31;
	v5 =	vadd.f32 v5, v56;
	v56 =	vld [tilespmem:$0x1FE60]  }
0x274: {  	v26 =	vadd.f32 v26, v37;
	v51 =	vadd.f32 v59, v57;
	v57 =	vld [tilespmem:$0x1FEA0]  }
0x275: {  	v15 =	vmul.f32 v15, v12;
	v12 =	vmul.f32 v16, v12;
	v18 =	vadd.f32 v18, v58;
	v58 =	vld [tilespmem:$0x1FEC0]  }
0x276: {  	v8 =	vpsel p1, v8, v17;
	v3 =	vpsel p1, v3, v17;
	v1 =	vpsel p1, v1, v17;
	v59 =	vld [tilespmem:$0x1FE40]  }
0x277: {  	v19 =	vadd.f32 v19, v54;
	v12 =	vadd.f32 v12, v55;
	v55 =	vld [tilespmem:$0x1FE30];
	v16 =	vmul.f32 v62, v11  }
0x278: {  	v15 =	vadd.f32 v15, v53;
	v62 =	vmul.f32 v63, v10;
	v63 =	vmul.f32 v60, v10;
	v60 =	vld [tilespmem:$0x1FE70]  }
0x279: {  	v54 =	vadd.f32 v35, v33;
	v7 =	vadd.f32 v19, v7;
	v10 =	vmul.f32 v61, v10;
	v61 =	vld [tilespmem:$0x1FE50]  }
0x27a: {  	v14 =	vmul.f32 v14, v11;
	v49 =	vmul.f32 v49, v11;
	v50 =	vadd.f32 v58, v57;
	v57 =	vld [tilespmem:$0x1FE20]  }
0x27b: {  	v4 =	vpsel p1, v4, v17;
	v5 =	vadd.f32 v5, v13;
	v1 =	vadd.f32 v62, v1;
	v62 =	vld [tilespmem:$0x1FE80]  }
0x27c: {  	v0 =	vpsel p1, v0, v17;
	v8 =	vadd.f32 v14, v8;
	v58 =	vld [tilespmem:$0x1FEB0];
	v3 =	vadd.f32 v49, v3  }
0x27d: {  	v6 =	vpsel p1, v6, v17;
	v4 =	vadd.f32 v16, v4;
	v49 =	vadd.f32 v56, v55;
	v56 =	vld [tilespmem:$0x1FE90]  }
0x27e: {  	v0 =	vadd.f32 v63, v0;
	v6 =	vadd.f32 v10, v6  }
0x27f: {  	v63 =	vadd.f32 v24, v22;
	v10 =	vadd.f32 v50, v49  }
0x280: {  	v14 =	vadd.f32 v60, v59;
	v59 =	vld [tilespmem:$0x1FE00];
	v49 =	vadd.f32 v62, v61  }
0x281: {  	v16 =	vadd.f32 v23, v21;
	v55 =	vld [tilespmem:$0x1FDB0];
	v53 =	vadd.f32 v57, v58  }
0x282: {  	v52 =	vadd.f32 v56, v20;
	v62 =	vadd.f32 v63, v49;
	v49 =	vld [tilespmem:$0x1FE10]  }
0x283: {  	v61 =	vadd.f32 v25, v32;
	v14 =	vadd.f32 v16, v14  }
0x284: {  	v63 =	vadd.f32 v53, v52;
	v53 =	vadd.f32 v29, v38;
	v29 =	vld [tilespmem:$0x1FDF0]  }
0x285: {  	v52 =	vadd.f32 v36, v30;
	v30 =	vld [tilespmem:$0x1FDA0];
	v60 =	vadd.f32 v59, v28  }
0x286: {  	(xrf2) =	vadd.scan.msk.f32 $0xffff, v10;
	v10 =	vadd.f32 v41, v55;
	v56 =	vadd.f32 v48, v46;
	v59 =	vld [tilespmem:$0x1FDC0]  }
0x287: {  	(xrf2) =	vadd.scan.msk.f32 $0xffff, v14;
	v24 =	vadd.f32 v61, v60;
	v61 =	vld [tilespmem:$0x1FDD0];
	v50 =	vadd.f32 v27, v49  }
0x288: {  	v35 =	vadd.f32 v51, v15;
	v58 =	vadd.f32 v26, v54;
	v28 =	vld [tilespmem:$0x1FDE0];
	(xrf2) =	vadd.scan.msk.f32 $0xffff, v62  }
0x289: {  	s0 =	sor.u32 s18, s2;
	v10 =	vadd.f32 v56, v10;
	(xrf2) =	vadd.scan.msk.f32 $0xffff, v63;
	v57 =	vadd.f32 v50, v34  }
0x28a: {  	v20 =	vadd.f32 v53, v52;
	v62 =	vadd.f32 v45, v42;
	v63 =	vld [tilespmem:s0+$0x0];
	(xrf2) =	vadd.scan.msk.f32 $0xffff, v24  }
0x28b: {  	v60 =	vadd.f32 v47, v44;
	v21 =	vadd.f32 v40, v59;
	(xrf2) =	vadd.scan.msk.f32 $0xffff, v57  }
0x28c: {  	v26 =	vadd.f32 v30, v43;
	v23 =	vadd.f32 v39, v61;
	(xrf2) =	vadd.scan.msk.f32 $0xffff, v20  }
0x28d: {  	v14 =	vadd.f32 v29, v28;
	v31 =	vadd.f32 v60, v21;
	(xrf2) =	vadd.scan.msk.f32 $0xffff, v58  }
0x28e: {  	v1 =	vadd.f32 v1, v8;
	v32 =	vadd.f32 v62, v23;
	(xrf2) =	vadd.scan.msk.f32 $0xffff, v10  }
0x28f: {  	v0 =	vadd.f32 v0, v3;
	v33 =	vadd.f32 v26, v14;
	v34 =	vmul.f32 v63, v11;
	(xrf2) =	vadd.scan.msk.f32 $0xffff, v31  }
0x290: {  	v2 =	vpsel p1, v2, v17;
	v4 =	vadd.f32 v6, v4;
	v1 =	vadd.f32 v1, v7;
	v36, _, _ =	vpop (xrf2);
	(xrf2) =	vadd.scan.msk.f32 $0xffff, v32  }
0x291: {  	v0 =	vadd.f32 v0, v5;
	v2 =	vadd.f32 v34, v2;
	v37, _, _ =	vpop (xrf2);
	(xrf2) =	vadd.scan.msk.f32 $0xffff, v33  }
0x292: {  	v3 =	vadd.f32 v4, v35;
	v38 =	vbroadcast v36, $0xF;
	v5 =	vbroadcast v37, $0xF;
	v39, _, _ =	vpop (xrf2);
	(xrf2) =	vadd.scan.msk.f32 $0xffff, v1  }
0x293: {  	v40 =	vadd.f32 v18, v12;
	v2 =	vadd.f32 v9, v2;
	v4 =	vbroadcast v39, $0xF;
	v41, _, _ =	vpop (xrf2);
	(xrf2) =	vadd.scan.msk.f32 $0xffff, v0  }
0x294: {  	v43 =	vbroadcast v41, $0xF;
	v42, _, _ =	vpop (xrf2);
	v1 =	vsel vm0, v38, v5;
	(xrf2) =	vadd.scan.msk.f32 $0xffff, v3  }
0x295: {  	v1 =	vsel vm1, v1, v4;
	v0 =	vadd.f32 v2, v40;
	v3 =	vbroadcast v42, $0xF;
	v44, _, _ =	vpop (xrf2)  }
0x296: {  	v1 =	vsel vm2, v1, v43;
	v45, _, _ =	vpop (xrf2);
	v2 =	vbroadcast v44, $0xF  }
0x297: {  	(xrf2) =	vadd.scan.msk.f32 $0xffff, v0;
	v1 =	vsel vm3, v1, v3;
	v46 =	vbroadcast v45, $0xF;
	v47, _, _ =	vpop (xrf2)  }
0x298: {  	v48, _, _ =	vpop (xrf2);
	v1 =	vsel vm4, v1, v2;
	v49 =	vbroadcast v47, $0xF  }
0x299: {  	v50, _, _ =	vpop (xrf2);
	v1 =	vsel vm5, v1, v46;
	v0 =	vbroadcast v48, $0xF  }
0x29a: {  	v51, _, _ =	vpop (xrf2);
	v1 =	vsel vm6, v1, v49;
	v52 =	vbroadcast v50, $0xF  }
0x29b: {  	v53, _, _ =	vpop (xrf2);
	v0 =	vsel vm7, v1, v0;
	v54 =	vbroadcast v51, $0xF  }
0x29c: {  	v55, _, _ =	vpop (xrf2);
	v0 =	vsel vm8, v0, v52;
	v56 =	vbroadcast v53, $0xF  }
0x29d: {  	v57, _, _ =	vpop (xrf2);
	v0 =	vsel vm9, v0, v54;
	v58 =	vbroadcast v55, $0xF  }
0x29e: {  	v61 =	vld [tilespmem:$0x10800];
	v59, _, _ =	vpop (xrf2);
	v0 =	vsel vm10, v0, v56;
	v60 =	vbroadcast v57, $0xF  }
0x29f: {  	v0 =	vsel vm11, v0, v58;
	v62 =	vbroadcast v59, $0xF  }
0x2a0: {  	v0 =	vsel vm12, v0, v60  }
.Ltmp18:
0x2a1: {  	v63, _, _ =	vpop (xrf2);
	v0 =	vsel vm13, v0, v62;
	(pc) =	sbr.rel @p0 .LBB2_32-.Ltmp18, $3  }
0x2a2: {  	v0 =	vsel vm14, v0, v63  }
0x2a3: {  	v0 =	vadd.f32 v61, v0;
	_ =	sdelay $0x1  }
0x2a4: {  	[tilespmem:s21+$0x10890] =	vst v0  }
.Ltmp19:
0x2a5: {  	(pc) =	sbr.rel .LBB2_2-.Ltmp19, $3  }
0x2a6: {  	_ =	sdelay $0x1  }
0x2a7: {  	s0 =	sadd.s32 s20, s8;
	s1 =	simm.s32 $0x8000;
	s19 =	sadd.s32 $0x1, s19  }
0x2a8: {  	[tilespmem:s1], [sflag:$0x2] =	stream.linear.gather [hbm4b:s0+s26], $0x8000, $0x38;
	[tilespmem:$0x10A00] =	vst v63  }
.LBB2_11:
0x2a9: {  	v59 =	vimm.f32 $0.0e+00  }
.Ltmp20:
0x2aa: {  	v62 =	vimm.f32 $0.0e+00;
	v60 =	vimm.f32 $0.0e+00;
	v63 =	vimm.f32 $0.0e+00;
	(pc) =	sbr.rel .LBB2_16-.Ltmp20, $4  }
0x2ab: {  	v27 =	vmovc v19;
	v25 =	vmovc v18;
	v1 =	vimm.f32 $0.0e+00;
	v0 =	vimm.f32 $0.0e+00;
	v61 =	vimm.f32 $0.0e+00  }
0x2ac: {  	v26 =	vmovc v16;
	v24 =	vmovc v14;
	v51 =	vimm.f32 $0.0e+00;
	v50 =	vimm.f32 $0.0e+00;
	v52 =	vimm.f32 $0.0e+00  }
0x2ad: {  	v23 =	vmovc v13;
	v22 =	vmovc v12;
	v53 =	vimm.f32 $0.0e+00;
	v55 =	vimm.f32 $0.0e+00;
	v54 =	vimm.f32 $0.0e+00  }
0x2ae: {  	v21 =	vmovc v15;
	v20 =	vmovc v11;
	v56 =	vimm.f32 $0.0e+00;
	v57 =	vimm.f32 $0.0e+00;
	v58 =	vimm.f32 $0.0e+00  }
.LBB2_25:
0x2af: {  	v59 =	vimm.f32 $0.0e+00  }
.Ltmp21:
0x2b0: {  	v62 =	vimm.f32 $0.0e+00;
	v60 =	vimm.f32 $0.0e+00;
	v63 =	vimm.f32 $0.0e+00;
	(pc) =	sbr.rel .LBB2_30-.Ltmp21, $4  }
0x2b1: {  	v27 =	vmovc v19;
	v25 =	vmovc v18;
	v1 =	vimm.f32 $0.0e+00;
	v0 =	vimm.f32 $0.0e+00;
	v61 =	vimm.f32 $0.0e+00  }
0x2b2: {  	v26 =	vmovc v16;
	v24 =	vmovc v14;
	v51 =	vimm.f32 $0.0e+00;
	v50 =	vimm.f32 $0.0e+00;
	v52 =	vimm.f32 $0.0e+00  }
0x2b3: {  	v23 =	vmovc v13;
	v22 =	vmovc v11;
	v53 =	vimm.f32 $0.0e+00;
	v55 =	vimm.f32 $0.0e+00;
	v54 =	vimm.f32 $0.0e+00  }
0x2b4: {  	v21 =	vmovc v15;
	v20 =	vmovc v12;
	v56 =	vimm.f32 $0.0e+00;
	v57 =	vimm.f32 $0.0e+00;
	v58 =	vimm.f32 $0.0e+00;
	s26 =	simm.s32 $0x0  }
.LBB2_8:
.Ltmp22:
0x2b5: {  	(pc) =	sbr.rel .LBB2_10-.Ltmp22, $4  }
0x2b6: {  	_ = 	snop  }
0x2b7: {  	v41 =	vimm.f32 $0.0e+00  }
0x2b8: {  	v45 =	vimm.f32 $0.0e+00;
	v44 =	vimm.f32 $0.0e+00;
	v46 =	vimm.f32 $0.0e+00  }
0x2b9: {  	v49 =	vimm.f32 $0.0e+00;
	v48 =	vimm.f32 $0.0e+00;
	v47 =	vimm.f32 $0.0e+00  }
.LBB2_13:
.Ltmp23:
0x2ba: {  	(pc) =	sbr.rel .LBB2_16-.Ltmp23, $4  }
0x2bb: {  	_ = 	snop  }
0x2bc: {  	v27 =	vmovc v19;
	v25 =	vmovc v18;
	v26 =	vmov v16;
	v24 =	vmov v14;
	v59 =	vimm.f32 $0.0e+00  }
0x2bd: {  	v23 =	vmovc v13;
	v22 =	vmovc v12;
	v62 =	vimm.f32 $0.0e+00;
	v60 =	vimm.f32 $0.0e+00;
	v63 =	vimm.f32 $0.0e+00  }
0x2be: {  	v21 =	vmovc v15;
	v20 =	vmovc v11;
	v1 =	vimm.f32 $0.0e+00;
	v0 =	vimm.f32 $0.0e+00;
	v61 =	vimm.f32 $0.0e+00  }
.LBB2_22:
.Ltmp24:
0x2bf: {  	(pc) =	sbr.rel .LBB2_24-.Ltmp24, $4  }
0x2c0: {  	_ = 	snop  }
0x2c1: {  	v41 =	vimm.f32 $0.0e+00  }
0x2c2: {  	v45 =	vimm.f32 $0.0e+00;
	v44 =	vimm.f32 $0.0e+00;
	v46 =	vimm.f32 $0.0e+00  }
0x2c3: {  	v49 =	vimm.f32 $0.0e+00;
	v48 =	vimm.f32 $0.0e+00;
	v47 =	vimm.f32 $0.0e+00  }
.LBB2_27:
.Ltmp25:
0x2c4: {  	(pc) =	sbr.rel .LBB2_30-.Ltmp25, $4  }
0x2c5: {  	_ = 	snop  }
0x2c6: {  	v27 =	vmovc v19;
	v25 =	vmovc v18;
	v26 =	vmov v16;
	v24 =	vmov v14;
	v59 =	vimm.f32 $0.0e+00  }
0x2c7: {  	v23 =	vmovc v13;
	v22 =	vmovc v11;
	v62 =	vimm.f32 $0.0e+00;
	v60 =	vimm.f32 $0.0e+00;
	v63 =	vimm.f32 $0.0e+00  }
0x2c8: {  	v21 =	vmovc v15;
	v20 =	vmovc v12;
	v1 =	vimm.f32 $0.0e+00;
	v0 =	vimm.f32 $0.0e+00;
	v61 =	vimm.f32 $0.0e+00  }
.LBB2_33:
0x2c9: {  	_ =	sfence.sel $0x180000  }
0x2ca: {  	[bflag:$0x0] =	sbarrier.arrive $0xFFFF  }
0x2cb: {  	_ =	strace $0x90000047  }
0x2cc: {  	s0 =	stileid.u32;
	[bflag:$0x2] =	sbarrier.arrive $0xFFFF  }
0x2cd: {  	p0 =	sne.s32 s0, $0x0;
	s0 =	rddreg [dreg:$0x4]  }
0x2ce: {  	s0 =	sadd.s32 @!p0 $0x100000, s0  }
0x2cf: {  	[sflag:s0] =	ssyncadd.tile.s32 @!p0 $0x1;
	_ =	shalt  }
.Lfunc_end2:
_tile_overlayer_lowered:
.L_overlay_start_2:
0x2d0: {  	(tag) =	ssettag $0x2  }
0x2d1: {  	s0 =	rddreg [dreg:$0x0];
	s2 =	stileid.u32  }
0x2d2: {  	s1 =	rddreg [dreg:$0x1];
	p0 =	sne.s32 s2, $0x0  }
0x2d3: {  	s3 =	rddreg [dreg:$0x2];
	[bflag:$0x3] =	sbarrier.arrive $0xFFFF;
	s2 =	simm.s32 @!p0 $0x1C03  }
0x2d4: {  	[timem:s3], [sflag:s2] =	dma.local @!p0 [hbm:s0], s1  }
0x2d5: {  	s0 =	simm.s32 @!p0 $0x3  }
0x2d6: {  	_ =	swait.ge @!p0 [sflag:s0], s1  }
0x2d7: {  	s1 =	ssub.s32 @!p0 $0x0, s1;
	[sflag:s0] =	ssyncset.done @!p0 $0x0  }
0x2d8: {  	[sflag:s0] =	ssyncadd.s32 @!p0 s1  }
0x2d9: {  	[bflag:$0x3] =	sbarrier.arrive $0xFFFF  }
0x2da: {  	_ =	shalt  }

// kernel: kernel.8.cloned.1.call-start
scs
__scs_entry_jumppad:
0x0: {  	(pc) =	sbr.rel $0x88, $3  }
0x1: {  	(tag) =	ssettag $0x0;
	lr =	simm.s32 $0x1  }
0x2: {  	[smem:$0x3F9C] =	sst lr;
	_ =	strace $0xD0000000  }
0x3: {  	_ = 	snop  }
0x4: {  	_ = 	snop  }
0x5: {  	_ = 	snop  }
0x6: {  	_ = 	snop  }
0x7: {  	_ = 	snop  }
__scs_overlays_trampoline_lowered:
0x8: {  	[smem:$0x3FAB] =	sst s0  }
0x9: {  	[smem:$0x3FAC] =	sst s1  }
0xa: {  	[smem:$0x3FAD] =	sst s2  }
0xb: {  	[smem:$0x3FAE] =	sst s3  }
0xc: {  	[smem:$0x3FAF] =	sst s4  }
0xd: {  	[smem:$0x3FB0] =	sst s5  }
0xe: {  	[smem:$0x3FB1] =	sst s6  }
0xf: {  	[smem:$0x3FB2] =	sst s7  }
0x10: {  	[smem:$0x3FB3] =	sst s8  }
0x11: {  	[smem:$0x3FB4] =	sst s9;
	s0 =	simm.s32 @!p0 $0x0  }
0x12: {  	s1 =	sld [smem:$0x3F9A];
	s0 =	simm.s32 @p0 $0x1  }
0x13: {  	[smem:$0x3FB5] =	sst s0;
	s0 =	simm.s32 @!p1 $0x0  }
0x14: {  	s2 =	sld [smem:$0x3F99];
	s0 =	simm.s32 @p1 $0x1  }
0x15: {  	[smem:$0x3FB6] =	sst s0;
	s0 =	simm.s32 @!p2 $0x0  }
0x16: {  	s3 =	sld [smem:$0x3FDB];
	s0 =	simm.s32 @p2 $0x1  }
0x17: {  	s4 =	simm.s32 $0x1BF5;
	[smem:$0x3FB8] =	sst s0  }
0x18: {  	s0 =	sld [smem:$0x3F9B];
	_ =	swait.ge [sflag:s4], $0x0  }
0x19: {  	s7 =	sld [smem:$0x3F9C]  }
0x1a: {  	s8 =	sadd.s32 $0xFFFFE003, lr  }
0x1b: {  	s9 =	sadd.s32 $0xFFFFFEF7, lr;
	s5 =	simm.s32 $0xFFFFFFFF;
	p2 =	slt.u32 s8, $0xFFFFF086  }
0x1c: {  	p1 =	slt.u32 s9, $0xF7A;
	s5 =	simm.s32 @!p2 $0x0  }
0x1d: {  	s5 =	simm.s32 @p1 $0x1;
	p0 =	seq.s32 s7, s2  }
0x1e: {  	s7 =	smul.u32 @!p0 $0xF7A, s2;
	p2 =	seq.s32 @!p0 s5, $0x0  }
0x1f: {  	s9 =	smul.u32 $0xF7A, s1;
	s8 =	simm.s32 @!p0 $0x1BF5;
	p2 =	por !p2, p0  }
0x20: {  	[sflag:s8] =	ssyncset.s32 @!p0 $0xFFFFF086;
	s6 =	sadd.s32 @!p0 s3, s7;
	s7 =	simm.s32 @!p0 $0x108  }
0x21: {  	s3 =	sadd.s32 s3, s9;
	s6 =	sadd.s32 @!p0 $0x88, s6;
	s7 =	simm.s32 @p2 $0x1082  }
0x22: {  	[simem:s7], [sflag:s8] =	dma.local @!p0 [hbm:s6], $0xF7A  }
0x23: {  	s9 =	sor.u32 $0xD0000000, s2;
	s6 =	simm.s32 $0x108;
	_ =	swait.ge @!p0 [sflag:s8], $0x0  }
0x24: {  	s3 =	sadd.s32 $0x88, s3;
	s6 =	simm.s32 @!p1 $0x1082;
	[sflag:s4] =	ssyncset.s32 $0xFFFFF086  }
0x25: {  	[simem:s6], [sflag:s4] =	dma.local [hbm:s3], $0xF7A  }
0x26: {  	[smem:$0x3F9C] =	sst s1;
	(tag) =	ssettag s2;
	_ =	strace s9  }
0x27: {  	s1 =	sld [smem:$0x3FAC]  }
0x28: {  	s2 =	sld [smem:$0x3FAD]  }
0x29: {  	s4 =	sld [smem:$0x3FAF]  }
0x2a: {  	p0 =	seq.s32 s5, $0x0;
	s5 =	sld [smem:$0x3FB0]  }
0x2b: {  	s6 =	sld [smem:$0x3FB1]  }
0x2c: {  	s7 =	sld [smem:$0x3FB2]  }
0x2d: {  	s3 =	simm.s32 $0x108;
	s8 =	sld [smem:$0x3FB3]  }
0x2e: {  	s3 =	simm.s32 @!p0 $0x1082;
	s9 =	sld [smem:$0x3FB4]  }
0x2f: {  	lr =	sadd.s32 s0, s3;
	s0 =	sld [smem:$0x3FAB]  }
0x30: {  	s3 =	sld [smem:$0x3FAE]  }
0x31: {  	[smem:$0x3FB7] =	sst s10  }
0x32: {  	s10 =	sld [smem:$0x3FB5];
	_ =	sdelay $0x3  }
0x33: {  	p0 =	seq.s32 s10, $0x1;
	s10 =	sld [smem:$0x3FB7];
	_ =	sdelay $0x3  }
0x34: {  	[smem:$0x3FB7] =	sst s10  }
0x35: {  	s10 =	sld [smem:$0x3FB6];
	_ =	sdelay $0x3  }
0x36: {  	p1 =	seq.s32 s10, $0x1;
	s10 =	sld [smem:$0x3FB7];
	_ =	sdelay $0x3  }
0x37: {  	[smem:$0x3FB7] =	sst s10  }
0x38: {  	s10 =	sld [smem:$0x3FB8]  }
0x39: {  	_ = 	snop;
	(pc) =	sbr.ind lr, $3  }
0x3a: {  	_ = 	snop  }
0x3b: {  	_ = 	snop  }
0x3c: {  	p2 =	seq.s32 s10, $0x1;
	s10 =	sld [smem:$0x3FB7]  }
0x3d: {  	_ =	shalt  }
0x3e: {  	_ =	shalt  }
0x3f: {  	_ =	shalt  }
0x40: {  	_ =	shalt  }
0x41: {  	_ =	shalt  }
0x42: {  	_ =	shalt  }
0x43: {  	_ =	shalt  }
0x44: {  	_ =	shalt  }
0x45: {  	_ =	shalt  }
0x46: {  	_ =	shalt  }
0x47: {  	_ =	shalt  }
0x48: {  	_ =	shalt  }
0x49: {  	_ =	shalt  }
0x4a: {  	_ =	shalt  }
0x4b: {  	_ =	shalt  }
0x4c: {  	_ =	shalt  }
0x4d: {  	_ =	shalt  }
0x4e: {  	_ =	shalt  }
0x4f: {  	_ =	shalt  }
0x50: {  	_ =	shalt  }
0x51: {  	_ =	shalt  }
0x52: {  	_ =	shalt  }
0x53: {  	_ =	shalt  }
0x54: {  	_ =	shalt  }
0x55: {  	_ =	shalt  }
0x56: {  	_ =	shalt  }
0x57: {  	_ =	shalt  }
0x58: {  	_ =	shalt  }
0x59: {  	_ =	shalt  }
0x5a: {  	_ =	shalt  }
0x5b: {  	_ =	shalt  }
0x5c: {  	_ =	shalt  }
0x5d: {  	_ =	shalt  }
0x5e: {  	_ =	shalt  }
0x5f: {  	_ =	shalt  }
0x60: {  	_ =	shalt  }
0x61: {  	_ =	shalt  }
0x62: {  	_ =	shalt  }
0x63: {  	_ =	shalt  }
0x64: {  	_ =	shalt  }
0x65: {  	_ =	shalt  }
0x66: {  	_ =	shalt  }
0x67: {  	_ =	shalt  }
0x68: {  	_ =	shalt  }
0x69: {  	_ =	shalt  }
0x6a: {  	_ =	shalt  }
0x6b: {  	_ =	shalt  }
0x6c: {  	_ =	shalt  }
0x6d: {  	_ =	shalt  }
0x6e: {  	_ =	shalt  }
0x6f: {  	_ =	shalt  }
0x70: {  	_ =	shalt  }
0x71: {  	_ =	shalt  }
0x72: {  	_ =	shalt  }
0x73: {  	_ =	shalt  }
0x74: {  	_ =	shalt  }
0x75: {  	_ =	shalt  }
0x76: {  	_ =	shalt  }
0x77: {  	_ =	shalt  }
0x78: {  	_ =	shalt  }
0x79: {  	_ =	shalt  }
0x7a: {  	_ =	shalt  }
0x7b: {  	_ =	shalt  }
0x7c: {  	_ =	shalt  }
0x7d: {  	_ =	shalt  }
0x7e: {  	_ =	shalt  }
0x7f: {  	_ =	shalt  }
0x80: {  	_ =	shalt  }
0x81: {  	_ =	shalt  }
0x82: {  	_ =	shalt  }
0x83: {  	_ =	shalt  }
0x84: {  	_ =	shalt  }
0x85: {  	_ =	shalt  }
0x86: {  	_ =	shalt  }
0x87: {  	_ =	shalt  }
.Lfunc_end0:
.L_simem_size_0:
called_computation.1_lowered:
.L_overlay_start_0:
0x88: {  	s2 =	sld [smem:$0x3FD9]  }
0x89: {  	s3 =	sld [smem:$0x3FFE];
	_ =	sdelay $0x1  }
0x8a: {  	s1 =	srdreg.scid  }
0x8b: {  	s0 =	sand.u32 $0x1, s1  }
0x8c: {  	s14 =	sshll.u32 s0, $0xA;
	s2 =	sadd.s32 s3, s2  }
0x8d: {  	s2 =	sadd.s32 s2, s14  }
0x8e: {  	[smem:$0x3FC3] =	sst s2  }
0x8f: {  	_ = 	snop  }
0x90: {  	s2 =	sld [smem:$0x3FD0];
	_ =	sdelay $0x2  }
0x91: {  	s15 =	simm.s32 $0xA;
	s4 =	simm.s32 $0x10  }
0x92: {  	[smem:s4], [sflag:s15] =	dma.local [hbm:s2], $0x1  }
0x93: {  	_ =	swait.eq [sflag:s15], $0x1  }
0x94: {  	[sflag:s15] =	ssyncset.done $0x0  }
0x95: {  	s16 =	sld [smem:$0x10];
	[sflag:s15] =	ssyncadd.s32 $0xFFFFFFFF  }
0x96: {  	s17 =	sld [smem:$0x11];
	(tm) =	ssettm $0x1  }
0x97: {  	s18 =	sld [smem:$0x3FFB];
	_ =	sdelay $0x3  }
0x98: {  	_ =	strace s18  }
0x99: {  	s4 =	sld [smem:$0x3FFC];
	_ =	sdelay $0x3  }
0x9a: {  	_ =	strace s4  }
0x9b: {  	s4 =	sld [smem:$0x3FFD];
	_ =	sdelay $0x3  }
0x9c: {  	_ =	strace s4  }
0x9d: {  	_ =	strace $0x8FFFFFFF  }
0x9e: {  	s19 =	sld [smem:$0x3FDB];
	_ =	sdelay $0x1  }
0x9f: {  	s5 =	simm.s32 $_scs_section_size  }
0xa0: {  	s6 =	simm.s32 $_size__tile_overlayer_lowered;
	s7 =	simm.s32 $_tile_overlayer_lowered  }
0xa1: {  	s22 =	simm.s32 $0x1BFF;
	s21 =	sshll.u32 s7, $0x1;
	s4 =	sadd.s32 s5, s19  }
0xa2: {  	s8 =	simm.s32 $0x0;
	s20 =	sshll.u32 s6, $0x1;
	s6 =	sadd.s32 s21, s4  }
0xa3: {  	[timem:s8], [sflag:s22] =	dma.local [hbm:s6], s20  }
0xa4: {  	_ =	swait.ge [sflag:s22], s20  }
0xa5: {  	s5 =	ssub.s32 $0x0, s20;
	[sflag:s22] =	ssyncset.done $0x0  }
0xa6: {  	[sflag:s22] =	ssyncadd.s32 s5;
	_ =	sdelay $0x1  }
0xa7: {  	s23 =	simm.s32 $0x1B8B  }
0xa8: {  	_ =	swait.ge [sflag:s23], $0x1  }
0xa9: {  	[sflag:s23] =	ssyncset.done $0x0  }
0xaa: {  	s25 =	simm.s32 $0x1B8E;
	s24 =	sld [smem:$0x3FFE];
	[sflag:s23] =	ssyncadd.s32 $0xFFFFFFFF  }
0xab: {  	s26 =	simm.s32 $execute0_lowered;
	[smem:$0x3FD2] =	sst s25  }
0xac: {  	s6 =	sshll.u32 s26, $0x1;
	_ =	strace $0x80000049;
	[dreg:$0x1] =	wrdreg $0xFFFFFFFF  }
0xad: {  	s28 =	simm.s32 $_size_execute0_lowered;
	s4 =	sadd.s32 s4, s6;
	[dreg:$0x0] =	wrdreg $0x0  }
0xae: {  	s6 =	sshll.u32 s28, $0x1;
	[dreg:$0x2] =	wrdreg s4  }
0xaf: {  	[dreg:$0x3] =	wrdreg s6  }
0xb0: {  	[dreg:$0x4] =	wrdreg $0xC0  }
0xb1: {  	_ =	task [dreg:s8], $0x5FFFF  }
0xb2: {  	[dreg:$0x1] =	wrdreg $0xFFFFFFFF  }
0xb3: {  	[dreg:$0x0] =	wrdreg $0x60  }
0xb4: {  	[dreg:$0x2] =	wrdreg s24  }
0xb5: {  	[dreg:$0x3] =	wrdreg s16  }
0xb6: {  	[dreg:$0x4] =	wrdreg s17  }
0xb7: {  	[dreg:$0x5] =	wrdreg $0x12000  }
0xb8: {  	[dreg:$0x6] =	wrdreg $0x9  }
0xb9: {  	_ =	task.clear_ibuf [dreg:s8], $0x7FFFF;
	_ =	strace $0x90000049  }
0xba: {  	s29 =	simm.s32 $0x9;
	_ =	strace $0x8000004B  }
0xbb: {  	_ =	swait.ge [sflag:s29], $0x1  }
0xbc: {  	[sflag:s29] =	ssyncadd.s32 $0xFFFFFFFF  }
0xbd: {  	_ =	strace $0x9000004B  }
0xbe: {  	_ =	sfence  }
0xbf: {  	s30 =	sld [smem:$0x0];
	_ =	sdelay $0x2  }
0xc0: {  	s31 =	sshll.u32 s1, $0xD;
	s1 =	sshrl.u32 s1, $0x2  }
0xc1: {  	s3 =	sand.u32 $0x4000, s31;
	s1 =	sadd.s32 s1, s30  }
0xc2: {  	s0 =	sor.u32 s3, s0;
	s1 =	sshll.u32 s1, $0x11  }
0xc3: {  	s0 =	sor.u32 s1, s0  }
0xc4: {  	s0 =	sadd.s32 $0x8F2B, s0  }
0xc5: {  	[sflag:s0] =	ssyncadd.remote.s32 $0x1  }
0xc6: {  	_ =	sfence.sel $0xFFFF  }
0xc7: {  	[dreg:$0x0] =	wrdreg $0xFFFFFFFF;
	(pc) =	sbr.abs _section_cstart, $3  }
0xc8: {  	[dreg:$0x1] =	wrdreg $0xFFFFFFFF  }
0xc9: {  	_ =	task.clear_ibuf [dreg:s8], $0x2FFFF;
	_ =	strace $0x9FFFFFFF  }
0xca: {  	(tm) =	ssettm $0x7FFFFFFF  }
0xcb: {  	_ =	shalt  }
tec
execute0_lowered:
.L_overlay_start_1:
0x0: {  	(tag) =	ssettag $0x1  }
0x1: {  	s2 =	srdreg.scid  }
0x2: {  	s2 =	sand.u32 $0x1, s2  }
0x3: {  	s5 =	rddreg [dreg:$0x0];
	p0 =	seq.s32 s2, $0x1  }
.Ltmp0:
0x4: {  	s3 =	rddreg [dreg:$0x1];
	(pc) =	sbr.rel @p0 .LBB2_4-.Ltmp0, $4  }
0x5: {  	s1 =	rddreg [dreg:$0x2]  }
0x6: {  	s4 =	rddreg [dreg:$0x3];
	s6 =	simm.s32 $0x0  }
0x7: {  	[smem:$0x7FF] =	sst s6  }
0x8: {  	s0 =	rddreg [dreg:$0x4];
	_ =	strace $0x8000004A;
	s2 =	stileid.u32  }
0x9: {  	s7 =	sshll.u32 s2, $0xB  }
0xa: {  	s8 =	sadd.s32 $0x1A00, s5;
	s7 =	sadd.s32 $0xFFFFA800, s7  }
0xb: {  	s9 =	sadd.s32 $0x1400, s5;
	s10 =	sshll.u32 s2, $0x8;
	s7 =	sshrl.u32 s7, $0x3  }
0xc: {  	p0 =	slt.u32 s2, $0xB;
	s8 =	sadd.s32 s8, s10;
	s7 =	sadd.s32 s9, s7  }
0xd: {  	s22 =	simm.s32 $0x1;
	s7 =	smov.u32 @p0 s8  }
0xe: {  	[tilespmem:s6], [sflag:$0x1] =	stream.linear.gather [hbm4b:s7+s6], $0x800, $0x38;
	[tilespmem:$0x1210] =	vst v63  }
0xf: {  	_ =	swait.ge [sflag:s22], $0x800  }
0x10: {  	[sflag:s22] =	ssyncset.done $0x0  }
0x11: {  	s23 =	sadd.s32 $0x2600, s5;
	s24 =	simm.s32 $0x800;
	[sflag:s22] =	ssyncadd.s32 $0xFFFFF800  }
0x12: {  	[tilespmem:s24], [sflag:$0x1] =	stream.linear.gather [hbm4b:s23+s6], $0x100, $0x38;
	[tilespmem:$0x1210] =	vst v63  }
0x13: {  	_ =	swait.ge [sflag:s22], $0x100  }
0x14: {  	[sflag:s22] =	ssyncset.done $0x0  }
0x15: {  	s25 =	simm.s32 $0x0;
	[sflag:s22] =	ssyncadd.s32 $0xFFFFFF00  }
0x16: {  	v0 =	vld [tilespmem:s25+$0x0];
	_ =	sdelay $0x4  }
0x17: {  	(xrf1) =	vsort.dscd.msk.f32 $0xffff, v0, v0  }
0x18: {  	(xrf1) =	vsort.ascd.msk.f32 $0xffff, v0, v0;
	_ =	sdelay $0x9  }
0x19: {  	v0 =	vlaneseq.u32  }
0x1a: {  	v0 =	vmul.u32 $0xFFFFFFFF, v0;
	_ =	sdelay $0x1  }
0x1b: {  	v0 =	vadd.s32 $0xF, v0;
	v1, _, _ =	vpop (xrf1)  }
0x1c: {  	v3 =	vperm.xlane v1, v0;
	v1, _, _ =	vpop (xrf1)  }
0x1d: {  	v2 =	vimm.f32 $-3.000000010e+38;
	v4 =	vperm.xlane v1, v0  }
0x1e: {  	v1 =	vimm.f32 $3.000000010e+38;
	v5 =	vmin.f32 v2, v3  }
0x1f: {  	v6 =	vmax.f32 v1, v4;
	(xrf1) =	vsort.dscd.msk.f32 $0xffff, v5, v5  }
0x20: {  	(xrf1) =	vsort.ascd.msk.f32 $0xffff, v6, v6;
	_ =	sdelay $0x2  }
0x21: {  	s26 =	simm.s32 $0x10  }
0x22: {  	v5 =	vld [tilespmem:s26+$0x0];
	_ =	sdelay $0x1  }
0x23: {  	v3 =	vmax.f32 v2, v3  }
0x24: {  	v4 =	vmin.f32 v1, v4;
	(xrf1) =	vsort.dscd.msk.f32 $0xffff, v3, v3  }
0x25: {  	(xrf1) =	vsort.ascd.msk.f32 $0xffff, v4, v4  }
0x26: {  	(xrf1) =	vsort.dscd.msk.f32 $0xffff, v5, v5  }
0x27: {  	(xrf1) =	vsort.ascd.msk.f32 $0xffff, v5, v5;
	_ =	sdelay $0x2  }
0x28: {  	v3, _, _ =	vpop (xrf1)  }
0x29: {  	v3 =	vperm.xlane v3, v0;
	v4, _, _ =	vpop (xrf1)  }
0x2a: {  	v4 =	vperm.xlane v4, v0  }
0x2b: {  	v5 =	vmin.f32 v2, v3  }
0x2c: {  	v6 =	vmax.f32 v1, v4;
	(xrf1) =	vsort.dscd.msk.f32 $0xffff, v5, v5  }
0x2d: {  	(xrf1) =	vsort.ascd.msk.f32 $0xffff, v6, v6;
	_ =	sdelay $0x2  }
0x2e: {  	v5, _, _ =	vpop (xrf1)  }
0x2f: {  	v6, _, _ =	vpop (xrf1)  }
0x30: {  	v7, _, _ =	vpop (xrf1)  }
0x31: {  	v4 =	vmin.f32 v1, v4;
	v7 =	vperm.xlane v7, v0;
	v8, _, _ =	vpop (xrf1)  }
0x32: {  	v3 =	vmax.f32 v2, v3;
	(xrf1) =	vsort.ascd.msk.f32 $0xffff, v4, v4;
	v4 =	vperm.xlane v8, v0  }
0x33: {  	(xrf1) =	vsort.dscd.msk.f32 $0xffff, v3, v3;
	v3 =	vmin.f32 v5, v7  }
0x34: {  	v8 =	vmax.f32 v6, v4;
	(xrf1) =	vsort.dscd.msk.f32 $0xffff, v3, v3  }
0x35: {  	(xrf1) =	vsort.ascd.msk.f32 $0xffff, v8, v8;
	_ =	sdelay $0x2  }
0x36: {  	s28 =	simm.s32 $0x20;
	v3, _, _ =	vpop (xrf1)  }
0x37: {  	v5 =	vmax.f32 v5, v7;
	v7 =	vld [tilespmem:s28+$0x0];
	v3 =	vperm.xlane v3, v0;
	v8, _, _ =	vpop (xrf1)  }
0x38: {  	v4 =	vmin.f32 v6, v4;
	(xrf1) =	vsort.dscd.msk.f32 $0xffff, v5, v5;
	v5 =	vperm.xlane v8, v0  }
0x39: {  	(xrf1) =	vsort.ascd.msk.f32 $0xffff, v4, v4;
	v4 =	vmin.f32 v2, v3  }
0x3a: {  	v6 =	vmax.f32 v1, v5;
	(xrf1) =	vsort.dscd.msk.f32 $0xffff, v4, v4  }
0x3b: {  	(xrf1) =	vsort.ascd.msk.f32 $0xffff, v6, v6  }
0x3c: {  	(xrf1) =	vsort.dscd.msk.f32 $0xffff, v7, v7  }
0x3d: {  	(xrf1) =	vsort.ascd.msk.f32 $0xffff, v7, v7  }
0x3e: {  	v4, _, _ =	vpop (xrf1)  }
0x3f: {  	v6, _, _ =	vpop (xrf1)  }
0x40: {  	v7, _, _ =	vpop (xrf1)  }
0x41: {  	v3 =	vmax.f32 v2, v3;
	v7 =	vperm.xlane v7, v0;
	v8, _, _ =	vpop (xrf1)  }
0x42: {  	v5 =	vmin.f32 v1, v5;
	(xrf1) =	vsort.dscd.msk.f32 $0xffff, v3, v3;
	v3 =	vperm.xlane v8, v0  }
0x43: {  	(xrf1) =	vsort.ascd.msk.f32 $0xffff, v5, v5;
	v5 =	vmin.f32 v6, v7  }
0x44: {  	v8 =	vmax.f32 v4, v3;
	(xrf1) =	vsort.dscd.msk.f32 $0xffff, v5, v5  }
0x45: {  	(xrf1) =	vsort.ascd.msk.f32 $0xffff, v8, v8  }
0x46: {  	v5, _, _ =	vpop (xrf1)  }
0x47: {  	v3 =	vmin.f32 v4, v3;
	v8, _, _ =	vpop (xrf1)  }
0x48: {  	v6 =	vmax.f32 v6, v7;
	v9, _, _ =	vpop (xrf1)  }
0x49: {  	v4 =	vperm.xlane v9, v0;
	v9, _, _ =	vpop (xrf1)  }
0x4a: {  	(xrf1) =	vsort.ascd.msk.f32 $0xffff, v3, v3;
	v3, _, _ =	vpop (xrf1);
	v7 =	vperm.xlane v9, v0  }
0x4b: {  	(xrf1) =	vsort.dscd.msk.f32 $0xffff, v6, v6;
	v3 =	vperm.xlane v3, v0;
	v6, _, _ =	vpop (xrf1);
	v9 =	vmin.f32 v2, v4  }
0x4c: {  	v6 =	vperm.xlane v6, v0;
	v10 =	vmax.f32 v1, v7;
	(xrf1) =	vsort.dscd.msk.f32 $0xffff, v9, v9  }
0x4d: {  	v9 =	vmin.f32 v5, v3;
	(xrf1) =	vsort.ascd.msk.f32 $0xffff, v10, v10  }
0x4e: {  	v10 =	vmax.f32 v8, v6;
	(xrf1) =	vsort.dscd.msk.f32 $0xffff, v9, v9  }
0x4f: {  	v3 =	vmax.f32 v5, v3;
	(xrf1) =	vsort.ascd.msk.f32 $0xffff, v10, v10  }
0x50: {  	v9, _, _ =	vpop (xrf1)  }
0x51: {  	v10, _, _ =	vpop (xrf1)  }
0x52: {  	v5 =	vmin.f32 v8, v6;
	(xrf1) =	vsort.dscd.msk.f32 $0xffff, v3, v3;
	v3, _, _ =	vpop (xrf1)  }
0x53: {  	s29 =	simm.s32 $0x30;
	v4 =	vmax.f32 v2, v4;
	(xrf1) =	vsort.ascd.msk.f32 $0xffff, v5, v5;
	v3 =	vperm.xlane v3, v0;
	v6, _, _ =	vpop (xrf1)  }
0x54: {  	v5 =	vld [tilespmem:s29+$0x0];
	(xrf1) =	vsort.dscd.msk.f32 $0xffff, v4, v4;
	v4 =	vperm.xlane v6, v0  }
0x55: {  	v7 =	vmin.f32 v1, v7;
	v6 =	vmin.f32 v9, v3  }
0x56: {  	(xrf1) =	vsort.ascd.msk.f32 $0xffff, v7, v7;
	v7 =	vmax.f32 v10, v4  }
0x57: {  	(xrf1) =	vsort.dscd.msk.f32 $0xffff, v6, v6  }
0x58: {  	(xrf1) =	vsort.ascd.msk.f32 $0xffff, v7, v7;
	v6, _, _ =	vpop (xrf1)  }
0x59: {  	v3 =	vmax.f32 v9, v3;
	(xrf1) =	vsort.dscd.msk.f32 $0xffff, v5, v5;
	v7, _, _ =	vpop (xrf1)  }
0x5a: {  	v4 =	vmin.f32 v10, v4;
	(xrf1) =	vsort.ascd.msk.f32 $0xffff, v5, v5;
	v5, _, _ =	vpop (xrf1)  }
0x5b: {  	v8, _, _ =	vpop (xrf1)  }
0x5c: {  	(xrf1) =	vsort.dscd.msk.f32 $0xffff, v3, v3;
	v5 =	vperm.xlane v5, v0;
	v3, _, _ =	vpop (xrf1);
	v8 =	vperm.xlane v8, v0  }
0x5d: {  	(xrf1) =	vsort.ascd.msk.f32 $0xffff, v4, v4;
	v3 =	vperm.xlane v3, v0;
	v4, _, _ =	vpop (xrf1)  }
0x5e: {  	v9 =	vmin.f32 v2, v5;
	v4 =	vperm.xlane v4, v0;
	v10 =	vmax.f32 v1, v8  }
0x5f: {  	(xrf1) =	vsort.dscd.msk.f32 $0xffff, v9, v9;
	v9 =	vmin.f32 v7, v3  }
0x60: {  	v11 =	vmax.f32 v6, v4  }
0x61: {  	(xrf1) =	vsort.ascd.msk.f32 $0xffff, v10, v10;
	v10, _, _ =	vpop (xrf1)  }
0x62: {  	(xrf1) =	vsort.dscd.msk.f32 $0xffff, v9, v9;
	v4 =	vmin.f32 v6, v4;
	v9, _, _ =	vpop (xrf1)  }
0x63: {  	(xrf1) =	vsort.ascd.msk.f32 $0xffff, v11, v11;
	v11, _, _ =	vpop (xrf1)  }
0x64: {  	v3 =	vmax.f32 v7, v3;
	(xrf1) =	vsort.ascd.msk.f32 $0xffff, v4, v4;
	v6, _, _ =	vpop (xrf1)  }
0x65: {  	v4, _, _ =	vpop (xrf1);
	(xrf1) =	vsort.dscd.msk.f32 $0xffff, v3, v3;
	v3 =	vmax.f32 v2, v5;
	_ =	sdelay $0x1  }
0x66: {  	v7 =	vmin.f32 v1, v8;
	v5, _, _ =	vpop (xrf1)  }
0x67: {  	v4 =	vperm.xlane v4, v0;
	(xrf1) =	vsort.dscd.msk.f32 $0xffff, v3, v3;
	v5 =	vperm.xlane v5, v0;
	v3, _, _ =	vpop (xrf1)  }
0x68: {  	v3 =	vperm.xlane v3, v0  }
0x69: {  	(xrf1) =	vsort.ascd.msk.f32 $0xffff, v7, v7;
	v8 =	vmin.f32 v11, v4;
	v7, _, _ =	vpop (xrf1);
	v12 =	vmax.f32 v6, v5  }
0x6a: {  	(xrf1) =	vsort.dscd.msk.f32 $0xffff, v8, v8;
	v7 =	vperm.xlane v7, v0;
	v8 =	vmin.f32 v10, v3  }
0x6b: {  	(xrf1) =	vsort.ascd.msk.f32 $0xffff, v12, v12;
	v3 =	vmax.f32 v10, v3  }
0x6c: {  	v59, _, _ =	vpop (xrf1);
	v13 =	vmax.f32 v9, v7;
	(xrf1) =	vsort.dscd.msk.f32 $0xffff, v8, v8;
	v7 =	vmin.f32 v9, v7  }
0x6d: {  	(xrf1) =	vsort.ascd.msk.f32 $0xffff, v13, v13;
	v8, _, _ =	vpop (xrf1)  }
0x6e: {  	(xrf1) =	vsort.dscd.msk.f32 $0xffff, v3, v3;
	v3, _, _ =	vpop (xrf1)  }
0x6f: {  	v4 =	vmax.f32 v11, v4;
	(xrf1) =	vsort.ascd.msk.f32 $0xffff, v7, v7;
	v3 =	vperm.xlane v3, v0;
	v7, _, _ =	vpop (xrf1)  }
0x70: {  	s30 =	simm.s32 $0x40;
	v5 =	vmin.f32 v6, v5;
	(xrf1) =	vsort.dscd.msk.f32 $0xffff, v4, v4;
	v6, _, _ =	vpop (xrf1);
	v4 =	vperm.xlane v7, v0  }
0x71: {  	v7 =	vld [tilespmem:s30+$0x0];
	(xrf1) =	vsort.ascd.msk.f32 $0xffff, v5, v5;
	v6 =	vperm.xlane v6, v0;
	v9, _, _ =	vpop (xrf1);
	v5 =	vmin.f32 v2, v3  }
0x72: {  	v9 =	vperm.xlane v9, v0;
	v10 =	vmax.f32 v1, v4;
	(xrf1) =	vsort.dscd.msk.f32 $0xffff, v5, v5  }
0x73: {  	v5 =	vmin.f32 v59, v6;
	(xrf1) =	vsort.ascd.msk.f32 $0xffff, v10, v10  }
0x74: {  	v11 =	vmax.f32 v8, v9;
	(xrf1) =	vsort.dscd.msk.f32 $0xffff, v5, v5  }
0x75: {  	v10, _, _ =	vpop (xrf1);
	(xrf1) =	vsort.ascd.msk.f32 $0xffff, v11, v11  }
0x76: {  	v6 =	vmax.f32 v59, v6;
	v5, _, _ =	vpop (xrf1);
	(xrf1) =	vsort.dscd.msk.f32 $0xffff, v7, v7  }
0x77: {  	v11, _, _ =	vpop (xrf1);
	(xrf1) =	vsort.ascd.msk.f32 $0xffff, v7, v7;
	v7 =	vmin.f32 v8, v9  }
0x78: {  	v60, _, _ =	vpop (xrf1)  }
0x79: {  	(xrf1) =	vsort.dscd.msk.f32 $0xffff, v6, v6;
	v6, _, _ =	vpop (xrf1)  }
0x7a: {  	(xrf1) =	vsort.ascd.msk.f32 $0xffff, v7, v7;
	v7, _, _ =	vpop (xrf1)  }
0x7b: {  	v3 =	vmax.f32 v2, v3;
	v6 =	vperm.xlane v6, v0;
	v8, _, _ =	vpop (xrf1)  }
0x7c: {  	v4 =	vmin.f32 v1, v4;
	(xrf1) =	vsort.dscd.msk.f32 $0xffff, v3, v3;
	v3 =	vperm.xlane v8, v0  }
0x7d: {  	v7 =	vperm.xlane v7, v0;
	v8, _, _ =	vpop (xrf1);
	v9 =	vmin.f32 v11, v6;
	(xrf1) =	vsort.ascd.msk.f32 $0xffff, v4, v4  }
0x7e: {  	v4 =	vperm.xlane v8, v0;
	(xrf1) =	vsort.dscd.msk.f32 $0xffff, v9, v9;
	v9 =	vmin.f32 v5, v3  }
0x7f: {  	v8, _, _ =	vpop (xrf1);
	v61 =	vmax.f32 v60, v7  }
0x80: {  	v14, _, _ =	vpop (xrf1);
	(xrf1) =	vsort.ascd.msk.f32 $0xffff, v61, v61;
	v62 =	vmax.f32 v10, v4;
	v4 =	vmin.f32 v10, v4  }
0x81: {  	(xrf1) =	vsort.dscd.msk.f32 $0xffff, v9, v9;
	v9, _, _ =	vpop (xrf1)  }
0x82: {  	(xrf1) =	vsort.ascd.msk.f32 $0xffff, v62, v62;
	v10, _, _ =	vpop (xrf1)  }
0x83: {  	(xrf1) =	vsort.ascd.msk.f32 $0xffff, v4, v4;
	v4, _, _ =	vpop (xrf1)  }
0x84: {  	v3 =	vmax.f32 v5, v3;
	v4 =	vperm.xlane v4, v0  }
0x85: {  	(xrf1) =	vsort.dscd.msk.f32 $0xffff, v3, v3;
	v3 =	vmax.f32 v11, v6;
	v5, _, _ =	vpop (xrf1)  }
0x86: {  	v7 =	vmin.f32 v60, v7;
	(xrf1) =	vsort.dscd.msk.f32 $0xffff, v3, v3;
	v6, _, _ =	vpop (xrf1);
	v3 =	vperm.xlane v5, v0  }
0x87: {  	v5 =	vperm.xlane v6, v0;
	v6, _, _ =	vpop (xrf1);
	(xrf1) =	vsort.ascd.msk.f32 $0xffff, v7, v7  }
0x88: {  	v2 =	vmax.f32 v2, v4;
	v6 =	vperm.xlane v6, v0;
	v1 =	vmin.f32 v1, v3;
	v4, _, _ =	vpop (xrf1)  }
0x89: {  	(xrf1) =	vsort.dscd.msk.f32 $0xffff, v2, v2;
	v2 =	vperm.xlane v4, v0;
	v4 =	vmin.f32 v9, v5  }
0x8a: {  	(xrf1) =	vsort.ascd.msk.f32 $0xffff, v1, v1;
	v3, _, _ =	vpop (xrf1);
	v1 =	vmax.f32 v10, v6  }
0x8b: {  	v7 =	vperm.xlane v3, v0;
	v3, _, _ =	vpop (xrf1);
	(xrf1) =	vsort.dscd.msk.f32 $0xffff, v4, v4  }
0x8c: {  	v11 =	vmin.f32 v8, v2;
	(xrf1) =	vsort.ascd.msk.f32 $0xffff, v1, v1;
	v8 =	vmax.f32 v8, v2;
	v4, _, _ =	vpop (xrf1)  }
0x8d: {  	v63 =	vmax.f32 v14, v7;
	(xrf1) =	vsort.dscd.msk.f32 $0xffff, v11, v11;
	v1, _, _ =	vpop (xrf1)  }
0x8e: {  	(xrf1) =	vsort.ascd.msk.f32 $0xffff, v63, v63;
	v2, _, _ =	vpop (xrf1)  }
0x8f: {  	s31 =	sshll.u32 s2, $0x7;
	v6 =	vmin.f32 v10, v6;
	v7 =	vmin.f32 v14, v7;
	(xrf1) =	vsort.dscd.msk.f32 $0xffff, v8, v8;
	v8, _, _ =	vpop (xrf1)  }
0x90: {  	s5 =	sadd.s32 $0x2800, s5;
	s7 =	simm.s32 $0x140;
	s6 =	sadd.s32 s31, s4;
	(xrf1) =	vsort.ascd.msk.f32 $0xffff, v7, v7;
	v7 =	vmax.f32 v9, v5;
	v5 =	vperm.xlane v8, v0;
	v8, _, _ =	vpop (xrf1)  }
.LBB2_2:
0x91: {  	s8 =	sshra.s32 s7, $0x2;
	p0 =	sne.s32 s7, $0x1FC0;
	s7 =	sadd.s32 $0x40, s7;
	v9, _, _ =	vpop (xrf1);
	(xrf1) =	vsort.dscd.msk.f32 $0xffff, v7, v7;
	v7 =	vperm.xlane v8, v0  }
0x92: {  	v8 =	vld [tilespmem:s8+$0x0];
	v9 =	vperm.xlane v9, v0;
	v10, _, _ =	vpop (xrf1);
	(xrf1) =	vsort.ascd.msk.f32 $0xffff, v6, v6;
	v6 =	vmin.f32 v1, v5  }
0x93: {  	v10 =	vperm.xlane v10, v0;
	v11, _, _ =	vpop (xrf1);
	v12 =	vmax.f32 v2, v7;
	(xrf1) =	vsort.dscd.msk.f32 $0xffff, v6, v6  }
0x94: {  	v14 =	vmin.f32 v3, v9;
	v13, _, _ =	vpop (xrf1);
	(xrf1) =	vsort.ascd.msk.f32 $0xffff, v12, v12  }
0x95: {  	v15 =	vmax.f32 v4, v10;
	(xrf1) =	vsort.dscd.msk.f32 $0xffff, v14, v14;
	v6, _, _ =	vpop (xrf1)  }
0x96: {  	(xrf1) =	vsort.ascd.msk.f32 $0xffff, v15, v15;
	v12, _, _ =	vpop (xrf1)  }
0x97: {  	(xrf1) =	vsort.dscd.msk.f32 $0xffff, v8, v8;
	v14, _, _ =	vpop (xrf1)  }
0x98: {  	v9 =	vmax.f32 v3, v9;
	(xrf1) =	vsort.ascd.msk.f32 $0xffff, v8, v8;
	v8, _, _ =	vpop (xrf1)  }
0x99: {  	v10 =	vmin.f32 v4, v10;
	(xrf1) =	vsort.dscd.msk.f32 $0xffff, v9, v9;
	v3, _, _ =	vpop (xrf1)  }
0x9a: {  	v1 =	vmax.f32 v1, v5;
	(xrf1) =	vsort.ascd.msk.f32 $0xffff, v10, v10;
	v3 =	vperm.xlane v3, v0;
	v4, _, _ =	vpop (xrf1)  }
0x9b: {  	v2 =	vmin.f32 v2, v7;
	v5, _, _ =	vpop (xrf1);
	v4 =	vperm.xlane v4, v0;
	(xrf1) =	vsort.dscd.msk.f32 $0xffff, v1, v1  }
0x9c: {  	v1 =	vperm.xlane v5, v0;
	v5, _, _ =	vpop (xrf1);
	v7 =	vmin.f32 v6, v3;
	(xrf1) =	vsort.ascd.msk.f32 $0xffff, v2, v2  }
0x9d: {  	v2 =	vperm.xlane v5, v0;
	v5, _, _ =	vpop (xrf1);
	v9 =	vmax.f32 v12, v4;
	(xrf1) =	vsort.dscd.msk.f32 $0xffff, v7, v7  }
0x9e: {  	v15 =	vmin.f32 v13, v1;
	v10, _, _ =	vpop (xrf1);
	(xrf1) =	vsort.ascd.msk.f32 $0xffff, v9, v9  }
0x9f: {  	v16 =	vmax.f32 v11, v2;
	(xrf1) =	vsort.dscd.msk.f32 $0xffff, v15, v15;
	v7, _, _ =	vpop (xrf1)  }
0xa0: {  	v11 =	vmin.f32 v11, v2;
	(xrf1) =	vsort.ascd.msk.f32 $0xffff, v16, v16;
	v9, _, _ =	vpop (xrf1)  }
0xa1: {  	v1 =	vmax.f32 v13, v1;
	(xrf1) =	vsort.ascd.msk.f32 $0xffff, v11, v11;
	v2, _, _ =	vpop (xrf1)  }
0xa2: {  	(xrf1) =	vsort.dscd.msk.f32 $0xffff, v1, v1;
	v1 =	vmax.f32 v6, v3;
	v2 =	vperm.xlane v2, v0;
	v3, _, _ =	vpop (xrf1)  }
0xa3: {  	v12 =	vmin.f32 v12, v4;
	v6, _, _ =	vpop (xrf1);
	(xrf1) =	vsort.dscd.msk.f32 $0xffff, v1, v1;
	v1 =	vperm.xlane v3, v0  }
0xa4: {  	v11 =	vperm.xlane v6, v0;
	v3, _, _ =	vpop (xrf1);
	(xrf1) =	vsort.ascd.msk.f32 $0xffff, v12, v12;
	v2 =	vmax.f32 v14, v2  }
0xa5: {  	v4, _, _ =	vpop (xrf1);
	v6 =	vperm.xlane v3, v0;
	v1 =	vmin.f32 v8, v1;
	(xrf1) =	vsort.dscd.msk.f32 $0xffff, v2, v2  }
0xa6: {  	v2 =	vperm.xlane v4, v0;
	v3, _, _ =	vpop (xrf1);
	v13 =	vmin.f32 v7, v11;
	(xrf1) =	vsort.ascd.msk.f32 $0xffff, v1, v1  }
0xa7: {  	v8 =	vperm.xlane v3, v0;
	v14 =	vmax.f32 v9, v6;
	v3, _, _ =	vpop (xrf1);
	(xrf1) =	vsort.dscd.msk.f32 $0xffff, v13, v13  }
.Ltmp1:
0xa8: {  	v6 =	vmin.f32 v9, v6;
	v12 =	vmin.f32 v5, v2;
	v4, _, _ =	vpop (xrf1);
	(xrf1) =	vsort.ascd.msk.f32 $0xffff, v14, v14;
	(pc) =	sbr.rel @p0 .LBB2_2-.Ltmp1, $4  }
0xa9: {  	v9 =	vmax.f32 v10, v8;
	(xrf1) =	vsort.dscd.msk.f32 $0xffff, v12, v12;
	v1, _, _ =	vpop (xrf1)  }
0xaa: {  	v12 =	vmax.f32 v5, v2;
	(xrf1) =	vsort.ascd.msk.f32 $0xffff, v9, v9;
	v2, _, _ =	vpop (xrf1)  }
0xab: {  	v9 =	vmin.f32 v10, v8;
	(xrf1) =	vsort.dscd.msk.f32 $0xffff, v12, v12;
	v5, _, _ =	vpop (xrf1)  }
0xac: {  	v7 =	vmax.f32 v7, v11;
	(xrf1) =	vsort.ascd.msk.f32 $0xffff, v9, v9;
	v5 =	vperm.xlane v5, v0;
	v8, _, _ =	vpop (xrf1)  }
0xad: {  	v9, _, _ =	vpop (xrf1)  }
0xae: {  	v10, _, _ =	vpop (xrf1)  }
0xaf: {  	(xrf1) =	vsort.dscd.msk.f32 $0xffff, v7, v7;
	v29 =	vperm.xlane v8, v0;
	v30, _, _ =	vpop (xrf1)  }
0xb0: {  	v9 =	vperm.xlane v9, v0;
	v31 =	vmin.f32 v1, v5;
	(xrf1) =	vsort.ascd.msk.f32 $0xffff, v6, v6;
	v11, _, _ =	vpop (xrf1)  }
0xb1: {  	v10 =	vperm.xlane v10, v0;
	v12 =	vmax.f32 v2, v29;
	(xrf1) =	vsort.dscd.msk.f32 $0xffff, v31, v31;
	v32, _, _ =	vpop (xrf1)  }
0xb2: {  	v13 =	vmin.f32 v3, v9;
	(xrf1) =	vsort.ascd.msk.f32 $0xffff, v12, v12;
	v33, _, _ =	vpop (xrf1)  }
0xb3: {  	v14 =	vmax.f32 v4, v10;
	(xrf1) =	vsort.dscd.msk.f32 $0xffff, v13, v13;
	v34, _, _ =	vpop (xrf1)  }
0xb4: {  	v35 =	vmax.f32 v3, v9;
	(xrf1) =	vsort.ascd.msk.f32 $0xffff, v14, v14;
	v36, _, _ =	vpop (xrf1)  }
0xb5: {  	v37 =	vmin.f32 v4, v10;
	(xrf1) =	vsort.dscd.msk.f32 $0xffff, v35, v35;
	v38, _, _ =	vpop (xrf1)  }
0xb6: {  	v40 =	vmax.f32 v1, v5;
	(xrf1) =	vsort.ascd.msk.f32 $0xffff, v37, v37;
	v3 =	vperm.xlane v38, v0;
	v39, _, _ =	vpop (xrf1)  }
0xb7: {  	v42 =	vmin.f32 v2, v29;
	(xrf1) =	vsort.dscd.msk.f32 $0xffff, v40, v40;
	v41, _, _ =	vpop (xrf1);
	v4 =	vperm.xlane v39, v0  }
0xb8: {  	(xrf1) =	vsort.ascd.msk.f32 $0xffff, v42, v42;
	v5 =	vperm.xlane v41, v0;
	v43 =	vmin.f32 v32, v3  }
0xb9: {  	v44 =	vmax.f32 v33, v4;
	(xrf1) =	vsort.dscd.msk.f32 $0xffff, v43, v43  }
0xba: {  	v45, _, _ =	vpop (xrf1);
	v46 =	vmin.f32 v11, v5;
	(xrf1) =	vsort.ascd.msk.f32 $0xffff, v44, v44  }
0xbb: {  	v2, _, _ =	vpop (xrf1);
	(xrf1) =	vsort.dscd.msk.f32 $0xffff, v46, v46  }
0xbc: {  	v1, _, _ =	vpop (xrf1)  }
0xbd: {  	v7 =	vperm.xlane v45, v0;
	v47, _, _ =	vpop (xrf1)  }
0xbe: {  	v48, _, _ =	vpop (xrf1)  }
0xbf: {  	v15 =	vmax.f32 v30, v7;
	v16, _, _ =	vpop (xrf1)  }
0xc0: {  	v7 =	vmin.f32 v30, v7;
	(xrf1) =	vsort.ascd.msk.f32 $0xffff, v15, v15;
	v49, _, _ =	vpop (xrf1)  }
0xc1: {  	v5 =	vmax.f32 v11, v5;
	(xrf1) =	vsort.ascd.msk.f32 $0xffff, v7, v7;
	v50, _, _ =	vpop (xrf1)  }
0xc2: {  	v3 =	vmax.f32 v32, v3;
	v51 =	vperm.xlane v16, v0;
	(xrf1) =	vsort.dscd.msk.f32 $0xffff, v5, v5;
	v52, _, _ =	vpop (xrf1)  }
0xc3: {  	v4 =	vmin.f32 v33, v4;
	v53 =	vperm.xlane v49, v0;
	(xrf1) =	vsort.dscd.msk.f32 $0xffff, v3, v3;
	v54, _, _ =	vpop (xrf1)  }
0xc4: {  	v7 =	vperm.xlane v50, v0;
	v55 =	vmax.f32 v34, v51;
	(xrf1) =	vsort.ascd.msk.f32 $0xffff, v4, v4;
	v56, _, _ =	vpop (xrf1)  }
0xc5: {  	v6 =	vperm.xlane v52, v0;
	v3 =	vmin.f32 v36, v53;
	(xrf1) =	vsort.dscd.msk.f32 $0xffff, v55, v55;
	v57, _, _ =	vpop (xrf1)  }
0xc6: {  	v58 =	vmin.f32 v47, v7;
	(xrf1) =	vsort.ascd.msk.f32 $0xffff, v3, v3;
	v59, _, _ =	vpop (xrf1)  }
0xc7: {  	v60 =	vmax.f32 v48, v6;
	(xrf1) =	vsort.dscd.msk.f32 $0xffff, v58, v58;
	v61, _, _ =	vpop (xrf1)  }
0xc8: {  	v62 =	vmax.f32 v47, v7;
	(xrf1) =	vsort.ascd.msk.f32 $0xffff, v60, v60;
	v63 =	vperm.xlane v61, v0;
	v17, _, _ =	vpop (xrf1)  }
0xc9: {  	v6 =	vmin.f32 v48, v6;
	(xrf1) =	vsort.dscd.msk.f32 $0xffff, v62, v62;
	v18, _, _ =	vpop (xrf1);
	v9 =	vperm.xlane v17, v0  }
0xca: {  	(xrf1) =	vsort.ascd.msk.f32 $0xffff, v6, v6;
	v10 =	vperm.xlane v18, v0;
	v19 =	vmin.f32 v57, v63  }
0xcb: {  	v20 =	vmax.f32 v59, v9;
	(xrf1) =	vsort.dscd.msk.f32 $0xffff, v19, v19  }
0xcc: {  	v21 =	vmin.f32 v54, v10;
	(xrf1) =	vsort.ascd.msk.f32 $0xffff, v20, v20  }
0xcd: {  	(xrf1) =	vsort.dscd.msk.f32 $0xffff, v21, v21  }
0xce: {  	v22, _, _ =	vpop (xrf1)  }
0xcf: {  	v3, _, _ =	vpop (xrf1)  }
0xd0: {  	v12, _, _ =	vpop (xrf1)  }
0xd1: {  	v6 =	vperm.xlane v22, v0;
	v23, _, _ =	vpop (xrf1)  }
0xd2: {  	v24, _, _ =	vpop (xrf1)  }
0xd3: {  	v25 =	vmax.f32 v56, v6;
	v26, _, _ =	vpop (xrf1)  }
0xd4: {  	v8 =	vmax.f32 v54, v10;
	(xrf1) =	vsort.ascd.msk.f32 $0xffff, v25, v25;
	v27, _, _ =	vpop (xrf1)  }
0xd5: {  	v5 =	vmin.f32 v56, v6;
	(xrf1) =	vsort.dscd.msk.f32 $0xffff, v8, v8;
	v28, _, _ =	vpop (xrf1)  }
0xd6: {  	v4 =	vmax.f32 v57, v63;
	(xrf1) =	vsort.ascd.msk.f32 $0xffff, v5, v5;
	v29 =	vperm.xlane v28, v0;
	v30, _, _ =	vpop (xrf1)  }
0xd7: {  	v31 =	vmin.f32 v59, v9;
	(xrf1) =	vsort.dscd.msk.f32 $0xffff, v4, v4;
	v6 =	vperm.xlane v30, v0;
	v32, _, _ =	vpop (xrf1)  }
0xd8: {  	(xrf1) =	vsort.ascd.msk.f32 $0xffff, v31, v31;
	v33 =	vmin.f32 v23, v29;
	v34, _, _ =	vpop (xrf1)  }
0xd9: {  	v35 =	vmax.f32 v24, v6;
	(xrf1) =	vsort.dscd.msk.f32 $0xffff, v33, v33;
	v36, _, _ =	vpop (xrf1)  }
0xda: {  	v5 =	vmax.f32 v23, v29;
	(xrf1) =	vsort.ascd.msk.f32 $0xffff, v35, v35;
	v8 =	vperm.xlane v36, v0;
	v37, _, _ =	vpop (xrf1)  }
0xdb: {  	v6 =	vmin.f32 v24, v6;
	(xrf1) =	vsort.dscd.msk.f32 $0xffff, v5, v5;
	v38, _, _ =	vpop (xrf1);
	v39 =	vperm.xlane v37, v0  }
0xdc: {  	(xrf1) =	vsort.ascd.msk.f32 $0xffff, v6, v6;
	v40 =	vperm.xlane v38, v0;
	v41 =	vmax.f32 v26, v8  }
0xdd: {  	v5 =	vmin.f32 v27, v39;
	(xrf1) =	vsort.dscd.msk.f32 $0xffff, v41, v41  }
0xde: {  	v42 =	vmin.f32 v32, v40;
	(xrf1) =	vsort.ascd.msk.f32 $0xffff, v5, v5  }
0xdf: {  	(xrf1) =	vsort.dscd.msk.f32 $0xffff, v42, v42;
	_ =	sdelay $0x2  }
0xe0: {  	v43, _, _ =	vpop (xrf1)  }
0xe1: {  	v44, _, _ =	vpop (xrf1)  }
0xe2: {  	v8, _, _ =	vpop (xrf1)  }
0xe3: {  	v45, _, _ =	vpop (xrf1)  }
0xe4: {  	v46, _, _ =	vpop (xrf1)  }
0xe5: {  	v5 =	vperm.xlane v43, v0;
	v47, _, _ =	vpop (xrf1)  }
0xe6: {  	v48, _, _ =	vpop (xrf1)  }
0xe7: {  	v49 =	vmax.f32 v34, v5;
	v50, _, _ =	vpop (xrf1)  }
0xe8: {  	v4 =	vmax.f32 v32, v40;
	(xrf1) =	vsort.ascd.msk.f32 $0xffff, v49, v49;
	v51 =	vperm.xlane v47, v0;
	v52, _, _ =	vpop (xrf1)  }
0xe9: {  	v5 =	vmin.f32 v34, v5;
	(xrf1) =	vsort.dscd.msk.f32 $0xffff, v4, v4;
	v53 =	vperm.xlane v48, v0;
	v54, _, _ =	vpop (xrf1)  }
0xea: {  	(xrf1) =	vsort.ascd.msk.f32 $0xffff, v5, v5;
	v55 =	vmin.f32 v45, v51;
	v56, _, _ =	vpop (xrf1)  }
0xeb: {  	v57 =	vmax.f32 v46, v53;
	(xrf1) =	vsort.dscd.msk.f32 $0xffff, v55, v55;
	v58, _, _ =	vpop (xrf1)  }
0xec: {  	v9 =	vmax.f32 v45, v51;
	(xrf1) =	vsort.ascd.msk.f32 $0xffff, v57, v57;
	v5 =	vperm.xlane v58, v0  }
0xed: {  	v4 =	vmin.f32 v46, v53;
	(xrf1) =	vsort.dscd.msk.f32 $0xffff, v9, v9  }
0xee: {  	(xrf1) =	vsort.ascd.msk.f32 $0xffff, v4, v4;
	v59 =	vmin.f32 v50, v5  }
0xef: {  	(xrf1) =	vsort.dscd.msk.f32 $0xffff, v59, v59;
	_ =	sdelay $0x6  }
0xf0: {  	v60, _, _ =	vpop (xrf1)  }
0xf1: {  	v61, _, _ =	vpop (xrf1)  }
0xf2: {  	v62, _, _ =	vpop (xrf1)  }
0xf3: {  	v4 =	vperm.xlane v60, v0;
	v63, _, _ =	vpop (xrf1)  }
0xf4: {  	v15, _, _ =	vpop (xrf1)  }
0xf5: {  	v17 =	vmax.f32 v52, v4;
	v18, _, _ =	vpop (xrf1)  }
0xf6: {  	v5 =	vmax.f32 v50, v5;
	(xrf1) =	vsort.ascd.msk.f32 $0xffff, v17, v17;
	v11 =	vperm.xlane v63, v0;
	v20, _, _ =	vpop (xrf1)  }
0xf7: {  	v4 =	vmin.f32 v52, v4;
	(xrf1) =	vsort.dscd.msk.f32 $0xffff, v5, v5;
	v21 =	vperm.xlane v15, v0;
	v22, _, _ =	vpop (xrf1)  }
0xf8: {  	(xrf1) =	vsort.ascd.msk.f32 $0xffff, v4, v4;
	v23 =	vmax.f32 v54, v11;
	v24 =	vperm.xlane v22, v0  }
0xf9: {  	v5 =	vmin.f32 v56, v21;
	(xrf1) =	vsort.dscd.msk.f32 $0xffff, v23, v23  }
0xfa: {  	(xrf1) =	vsort.ascd.msk.f32 $0xffff, v5, v5;
	v25 =	vmin.f32 v18, v24  }
0xfb: {  	(xrf1) =	vsort.dscd.msk.f32 $0xffff, v25, v25;
	_ =	sdelay $0x8  }
0xfc: {  	v26, _, _ =	vpop (xrf1)  }
0xfd: {  	v27, _, _ =	vpop (xrf1)  }
0xfe: {  	v4 =	vperm.xlane v26, v0;
	v28, _, _ =	vpop (xrf1)  }
0xff: {  	v29, _, _ =	vpop (xrf1)  }
0x100: {  	v30 =	vmax.f32 v20, v4;
	v31, _, _ =	vpop (xrf1)  }
0x101: {  	(xrf1) =	vsort.ascd.msk.f32 $0xffff, v30, v30;
	v32, _, _ =	vpop (xrf1)  }
0x102: {  	v7 =	vmax.f32 v18, v24;
	v14 =	vperm.xlane v32, v0  }
0x103: {  	v33 =	vld [tilespmem:$0x800];
	v4 =	vmin.f32 v20, v4;
	(xrf1) =	vsort.dscd.msk.f32 $0xffff, v7, v7  }
0x104: {  	(xrf1) =	vsort.ascd.msk.f32 $0xffff, v4, v4;
	v34 =	vmax.f32 v29, v14  }
0x105: {  	v35 =	vld [tilespmem:$0x810];
	(xrf1) =	vsort.dscd.msk.f32 $0xffff, v34, v34;
	_ =	sdelay $0x1  }
0x106: {  	v36 =	vld [tilespmem:$0x820]  }
0x107: {  	v2 =	vmul.f32 v33, v2  }
0x108: {  	v37 =	vld [tilespmem:$0x830]  }
0x109: {  	v2 =	vadd.f32 $0.0e+00, v2;
	v4 =	vmul.f32 v35, v12  }
0x10a: {  	v38 =	vld [tilespmem:$0x840]  }
0x10b: {  	v39 =	vmul.f32 v36, v44;
	v2 =	vadd.f32 v4, v2  }
0x10c: {  	v40 =	vld [tilespmem:$0x850]  }
0x10d: {  	v41 =	vmul.f32 v37, v61;
	v2 =	vadd.f32 v39, v2  }
0x10e: {  	v43 =	vld [tilespmem:$0x860];
	v42, _, _ =	vpop (xrf1)  }
0x10f: {  	v45 =	vmul.f32 v38, v27;
	v2 =	vadd.f32 v41, v2;
	v44 =	vperm.xlane v42, v0  }
0x110: {  	v47 =	vld [tilespmem:$0x870];
	v46, _, _ =	vpop (xrf1)  }
0x111: {  	v2 =	vadd.f32 v45, v2;
	v48, _, _ =	vpop (xrf1);
	v49 =	vmul.f32 v40, v46;
	v0 =	vmin.f32 v31, v44  }
0x112: {  	v51 =	vld [tilespmem:$0x880];
	(xrf1) =	vsort.ascd.msk.f32 $0xffff, v0, v0;
	v50, _, _ =	vpop (xrf1)  }
0x113: {  	v2 =	vadd.f32 v49, v2;
	v0 =	vmul.f32 v43, v50  }
0x114: {  	v52 =	vld [tilespmem:$0x890]  }
0x115: {  	v1 =	vmul.f32 v47, v1;
	v0 =	vadd.f32 v0, v2  }
0x116: {  	v53 =	vld [tilespmem:$0x8A0]  }
0x117: {  	v54 =	vmul.f32 v51, v3;
	v0 =	vadd.f32 v1, v0  }
0x118: {  	v55 =	vld [tilespmem:$0x8B0]  }
0x119: {  	v56 =	vmul.f32 v52, v8;
	v0 =	vadd.f32 v54, v0  }
0x11a: {  	v57 =	vld [tilespmem:$0x8C0]  }
0x11b: {  	v58 =	vmul.f32 v53, v62;
	v0 =	vadd.f32 v56, v0  }
0x11c: {  	v59 =	vld [tilespmem:$0x8D0]  }
0x11d: {  	v60 =	vmul.f32 v55, v28;
	v0 =	vadd.f32 v58, v0;
	_ =	sdelay $0x1  }
0x11e: {  	v61 =	vmul.f32 v57, v48;
	v0 =	vadd.f32 v60, v0  }
0x11f: {  	v62, _, _ =	vpop (xrf1)  }
0x120: {  	v63 =	vmul.f32 v59, v62;
	v0 =	vadd.f32 v61, v0;
	_ =	sdelay $0x1  }
0x121: {  	v0 =	vadd.f32 v63, v0;
	_ =	sdelay $0x1  }
0x122: {  	(xrf2) =	vadd.scan.msk.f32 $0xffff, v0;
	_ =	sdelay $0x9  }
0x123: {  	v0, _, _ =	vpop (xrf2)  }
0x124: {  	v0 =	vbroadcast v0, $0xF;
	_ =	sdelay $0x1  }
0x125: {  	s7 =	simm.s32 $0x980;
	s31 =	simm.s32 $0x1;
	[tilespmem:$0x980] =	vst v0  }
0x126: {  	[spmem:s6] =	stream.linear.scatter [tilespmem:s7], [sflag:$0x1], $0x80, $0x38;
	[tilespmem:$0x1210] =	vst v63  }
0x127: {  	_ =	swait.ge [sflag:s31], $0x80  }
0x128: {  	[sflag:s31] =	ssyncset.done $0x0  }
0x129: {  	p0 =	sne.s32 s2, $0x0;
	[sflag:s31] =	ssyncadd.s32 $0xFFFFFF80  }
0x12a: {  	s6 =	simm.s32 @!p0 $0x0;
	s7 =	simm.s32 @!p0 $0x900;
	[bflag:$0x0] =	sbarrier.arrive $0xFFFF  }
0x12b: {  	[tilespmem:s7], [sflag:$0x1] =	stream.linear.gather @!p0 [hbm4b:s5+s6], $0x80, $0x38;
	[tilespmem:$0x1210] =	vst v63  }
0x12c: {  	s5 =	simm.s32 @!p0 $0x1  }
0x12d: {  	v0 =	vlaneseq.u32 @!p0;
	_ =	swait.ge @!p0 [sflag:s5], $0x80  }
0x12e: {  	v0 =	vmul.u32 @!p0 $0x81, v0;
	[sflag:s5] =	ssyncset.done @!p0 $0x0  }
0x12f: {  	s7 =	simm.s32 @!p0 $0xA00;
	[sflag:s5] =	ssyncadd.s32 @!p0 $0xFFFFFF80  }
0x130: {  	[tilespmem:s7], [sflag:$0x1] =	stream.linear.gather @!p0 [spmem:s4], $0x800, $0x38;
	[tilespmem:$0x1210] =	vst v63  }
0x131: {  	_ =	swait.ge @!p0 [sflag:s5], $0x800  }
0x132: {  	[sflag:s5] =	ssyncset.done @!p0 $0x0  }
0x133: {  	[sflag:s5] =	ssyncadd.s32 @!p0 $0xFFFFF800  }
0x134: {  	v0 =	vld.idx.msk @!p0 [tilespmem:v0+s7+$0x0], $0xffff  }
0x135: {  	v1 =	vld @!p0 [tilespmem:$0x900];
	_ =	sdelay $0x4  }
0x136: {  	v0 =	vadd.f32 @!p0 v1, v0;
	_ =	sdelay $0x1  }
0x137: {  	v0 =	vsub.f32 @!p0 $0.0e+00, v0;
	_ =	sdelay $0x1  }
0x138: {  	v0 =	vmul.f32 @!p0 $1.442695020e+00, v0;
	_ =	sdelay $0x1  }
0x139: {  	(erf) = vpow2.f32 @!p0 v0;
	_ =	sdelay $0x8  }
0x13a: {  	v0 =	vpop @!p0 (erf)  }
0x13b: {  	v0 =	vadd.f32 @!p0 $1.000000000e+00, v0;
	_ =	sdelay $0x1  }
0x13c: {  	(erf) = vrcp.f32 @!p0 v0;
	_ =	sdelay $0x8  }
0x13d: {  	v0 =	vpop @!p0 (erf)  }
0x13e: {  	s4 =	simm.s32 @!p0 $0x980;
	[tilespmem:$0x980] =	vst @!p0 v0  }
0x13f: {  	[hbm4b:s3+s6] =	stream.linear.scatter @!p0 [tilespmem:s4], [sflag:$0x1], $0x80, $0x38;
	[tilespmem:$0x1210] =	vst v63  }
0x140: {  	_ =	swait.ge @!p0 [sflag:s5], $0x80  }
0x141: {  	v1 =	vimm.f32 @!p0 $0.0e+00;
	vm0 =	vge.f32 @!p0 v0, $5.000000000e-01;
	[sflag:s5] =	ssyncset.done @!p0 $0x0  }
0x142: {  	v0 =	vsel @!p0 vm0, $0x3F800000, v1;
	[sflag:s5] =	ssyncadd.s32 @!p0 $0xFFFFFF80  }
0x143: {  	[tilespmem:$0x980] =	vst @!p0 v0  }
0x144: {  	[hbm4b:s1+s6] =	stream.linear.scatter @!p0 [tilespmem:s4], [sflag:$0x1], $0x80, $0x38;
	[tilespmem:$0x1210] =	vst v63  }
0x145: {  	_ =	swait.ge @!p0 [sflag:s5], $0x80  }
0x146: {  	[sflag:s5] =	ssyncset.done @!p0 $0x0  }
0x147: {  	[sflag:s5] =	ssyncadd.s32 @!p0 $0xFFFFFF80  }
.LBB2_4:
0x148: {  	_ =	sfence.sel $0x180000  }
0x149: {  	[bflag:$0x0] =	sbarrier.arrive $0xFFFF  }
0x14a: {  	p0 =	sne.s32 s2, $0x0;
	_ =	strace $0x9000004A  }
0x14b: {  	s0 =	sadd.s32 @!p0 $0x100000, s0;
	[bflag:$0x2] =	sbarrier.arrive $0xFFFF  }
0x14c: {  	[sflag:s0] =	ssyncadd.tile.s32 @!p0 $0x1;
	_ =	shalt  }
.Lfunc_end2:
_tile_overlayer_lowered:
.L_overlay_start_2:
0x14d: {  	(tag) =	ssettag $0x2  }
0x14e: {  	s0 =	rddreg [dreg:$0x0];
	s2 =	stileid.u32  }
0x14f: {  	s1 =	rddreg [dreg:$0x1];
	p0 =	sne.s32 s2, $0x0  }
0x150: {  	s3 =	rddreg [dreg:$0x2];
	[bflag:$0x3] =	sbarrier.arrive $0xFFFF;
	s2 =	simm.s32 @!p0 $0x1C01  }
0x151: {  	[timem:s3], [sflag:s2] =	dma.local @!p0 [hbm:s0], s1  }
0x152: {  	s0 =	simm.s32 @!p0 $0x1  }
0x153: {  	_ =	swait.ge @!p0 [sflag:s0], s1  }
0x154: {  	s1 =	ssub.s32 @!p0 $0x0, s1;
	[sflag:s0] =	ssyncset.done @!p0 $0x0  }
0x155: {  	[sflag:s0] =	ssyncadd.s32 @!p0 s1  }
0x156: {  	[bflag:$0x3] =	sbarrier.arrive $0xFFFF  }
0x157: {  	_ =	shalt  }

</sc_bundles>
